<compile_context>
chip_gen: v7x
topology: tpu7x:2x2x1
jax: 0.10.2.dev20260603
libtpu: 0.0.44.dev20260713+nightly
codegen_flags: <defaults>
</compile_context>

<pallas_src>
import jax
import jax.numpy as jnp
from jax import lax
from jax.experimental import pallas as pl
from jax.experimental.pallas import tpu as pltpu
from jax.experimental.pallas import tpu_sc as plsc

F32 = jnp.float32
I32 = jnp.int32

D = 128
L16 = 16
NC = 2
NS = 16
NW = NC * NS
CH = 128

N_NODES = 10000
NP = 10240
RPS = NP // NS
N_DUMMY = NP - N_NODES

N_EDGES = 320000
CHUNKS_E = 80
EPT_E = CHUNKS_E * CH
E_PAD = EPT_E * NW

N_EMB = N_NODES * 8
CHUNKS_G = 20
EPT_G = CHUNKS_G * CH
G_PAD = EPT_G * NW

QG = 8
NG = CHUNKS_E // QG


def _worker_id():
    c = lax.axis_index("c")
    s = lax.axis_index("s")
    return c, s, c * NS + s


def _zero_rows(rows_v):
    def body(i, carry):
        for k in range(D // L16):
            rows_v[i, pl.ds(k * L16, L16)] = jnp.zeros((L16,), F32)
        return carry
    lax.fori_loop(0, CH, body, 0)


def _zero_stripe_2d(zsrc_v, acc_s, s, sem):
    for j in range(RPS // CH):
        pltpu.async_copy(zsrc_v, acc_s.at[pl.ds(s * RPS + j * CH, CH)], sem)


def _zero_drain_2d(zsrc_v, acc_s, sem):
    for j in range(RPS // CH):
        pltpu.make_async_copy(zsrc_v, acc_s.at[pl.ds(0, CH)], sem).wait()


def _zero_stripe_1d(zsrc_row, acc_s, s, sem):
    for j in range(RPS // CH):
        pltpu.async_copy(zsrc_row, acc_s.at[pl.ds(s * RPS + j * CH, CH)], sem)


def _zero_drain_1d(zsrc_row, acc_s, sem):
    for j in range(RPS // CH):
        pltpu.make_async_copy(zsrc_row, acc_s.at[pl.ds(0, CH)], sem).wait()


def _pass1_body(gidx_hbm, nidx_hbm, esrc_hbm, edst_hbm, table_hbm,
                h0_out, dego_out, degi_out,
                gidx_v, nidx_v, srcA, srcB, dstA, dstB, rows0_v, rows1_v,
                ones_v,
                acc_s, dego_s, degi_s, sem0, sem1, dsem, isemA, isemB, isem):
    c, s, w = _worker_id()
    ebase = w * CHUNKS_E

    def ld_deg(gi, S, Dx, isem_):
        nb = ebase + gi * QG
        pltpu.async_copy(esrc_hbm.at[pl.ds(nb, QG)], S, isem_)
        pltpu.async_copy(edst_hbm.at[pl.ds(nb, QG)], Dx, isem_)

    cps = [pltpu.async_copy(gidx_hbm.at[pl.ds(w * CHUNKS_G, CHUNKS_G)], gidx_v, isem),
           pltpu.async_copy(nidx_hbm.at[pl.ds(w * CHUNKS_G, CHUNKS_G)], nidx_v, isem)]
    ld_deg(0, srcA, dstA, isemA)
    ld_deg(1, srcB, dstB, isemB)
    for k in range(CH // L16):
        ones_v[pl.ds(k * L16, L16)] = jnp.ones((L16,), F32)
    _zero_rows(rows0_v)
    _zero_stripe_2d(rows0_v, acc_s, s, sem0)
    _zero_stripe_1d(rows0_v.at[0], dego_s, s, sem0)
    _zero_stripe_1d(rows0_v.at[0], degi_s, s, sem0)
    for cp in cps:
        cp.wait()
    _zero_drain_2d(rows0_v, acc_s, sem0)
    _zero_drain_1d(rows0_v.at[0], dego_s, sem0)
    _zero_drain_1d(rows0_v.at[0], degi_s, sem0)
    plsc.subcore_barrier()

    rows = [rows0_v, rows1_v]
    sems = [sem0, sem1]

    def g_start(i, b):
        pltpu.async_copy(table_hbm.at[gidx_v.at[i, 0]], rows[b], sems[b])

    def g_wait(b):
        pltpu.make_async_copy(table_hbm.at[pl.ds(0, CH)], rows[b], sems[b]).wait()

    def scat(i, b):
        pltpu.sync_copy(rows[b], acc_s.at[nidx_v.at[i, 0]], add=True)

    def deg_group(gi, S, Dx, isemP, isemQ):
        pltpu.make_async_copy(esrc_hbm.at[pl.ds(0, QG)], S, isemP).wait()
        pltpu.make_async_copy(esrc_hbm.at[pl.ds(0, QG)], Dx, isemP).wait()
        for j in range(QG):
            pltpu.async_copy(ones_v, dego_s.at[S.at[j, 0]], dsem, add=True)
            pltpu.async_copy(ones_v, degi_s.at[Dx.at[j, 0]], dsem, add=True)

    def deg_drain_reload(gi, S, Dx, isemP):
        def dr(i, carry):
            pltpu.make_async_copy(ones_v, dego_s.at[S.at[0, 0]], dsem).wait()
            pltpu.make_async_copy(ones_v, degi_s.at[Dx.at[0, 0]], dsem).wait()
            return carry
        lax.fori_loop(0, QG, dr, 0)

        @pl.when(gi + 2 < NG)
        def _():
            ld_deg(gi + 2, S, Dx, isemP)

    g_start(0, 0)

    def pair(g, carry):
        i0 = 2 * g
        g_start(i0 + 1, 1)
        degA = (g % 2) == 0

        @pl.when(degA)
        def _():
            deg_group(g, srcA, dstA, isemA, isemB)

        @pl.when(jnp.logical_not(degA))
        def _():
            deg_group(g, srcB, dstB, isemB, isemA)
        g_wait(0)
        scat(i0, 0)

        @pl.when(i0 + 2 < CHUNKS_G)
        def _():
            g_start(i0 + 2, 0)

        @pl.when(degA)
        def _():
            deg_drain_reload(g, srcA, dstA, isemA)

        @pl.when(jnp.logical_not(degA))
        def _():
            deg_drain_reload(g, srcB, dstB, isemB)
        g_wait(1)
        scat(i0 + 1, 1)
        return carry
    lax.fori_loop(0, CHUNKS_G // 2, pair, 0)

    plsc.subcore_barrier()
    row0 = c * NP + s * RPS
    hrow = c * (NP // 2) + s * (RPS // 2)
    pltpu.sync_copy(acc_s.at[pl.ds(hrow, RPS // 2)], h0_out.at[pl.ds(hrow, RPS // 2)])
    pltpu.sync_copy(dego_s.at[pl.ds(s * RPS, RPS)], dego_out.at[pl.ds(row0, RPS)])
    pltpu.sync_copy(degi_s.at[pl.ds(s * RPS, RPS)], degi_out.at[pl.ds(row0, RPS)])


def _mp_pipeline(esrc_hbm, edst_hbm, p_hbm, acc_s,
                 srcA, srcB, dstA, dstB, rows, gsems, isems,
                 w, rin_s=None, cacc_s=None, rvs=None, vsems=None):
    base = w * CHUNKS_E
    with_c = rin_s is not None

    def ld_group(gi, S, Dx, isem):
        nb = base + gi * QG
        pltpu.async_copy(esrc_hbm.at[pl.ds(nb, QG)], S, isem)
        pltpu.async_copy(edst_hbm.at[pl.ds(nb, QG)], Dx, isem)

    def ld_wait(isem):
        pltpu.make_async_copy(esrc_hbm.at[pl.ds(0, QG)], srcA, isem).wait()
        pltpu.make_async_copy(esrc_hbm.at[pl.ds(0, QG)], dstA, isem).wait()

    def g_start(S, Dx, j, b):
        pltpu.async_copy(p_hbm.at[S.at[j, 0]], rows[b], gsems[b])
        if with_c:
            pltpu.async_copy(rin_s.at[Dx.at[j, 0]], rvs[b], vsems[b])

    def g_wait(b):
        pltpu.make_async_copy(p_hbm.at[pl.ds(0, CH)], rows[b], gsems[b]).wait()
        if with_c:
            pltpu.make_async_copy(rin_s.at[pl.ds(0, CH)], rvs[b], vsems[b]).wait()

    def scat(S, Dx, j, b):
        pltpu.sync_copy(rows[b], acc_s.at[Dx.at[j, 0]], add=True)
        if with_c:
            pltpu.sync_copy(rvs[b], cacc_s.at[S.at[j, 0]], add=True)

    def group(gi, S, Dx, isemP, So, Do, isemQ):
        for j in range(QG):
            b = j % 2
            if j + 1 < QG:
                g_start(S, Dx, j + 1, 1 - b)
            else:
                @pl.when(gi + 1 < NG)
                def _():
                    ld_wait(isemQ)
                    g_start(So, Do, 0, 1 - b)
            g_wait(b)
            scat(S, Dx, j, b)

        @pl.when(gi + 2 < NG)
        def _():
            ld_group(gi + 2, S, Dx, isemP)

    def pair(g, carry):
        group(2 * g, srcA, dstA, isems[0], srcB, dstB, isems[1])
        group(2 * g + 1, srcB, dstB, isems[1], srcA, dstA, isems[0])
        return carry

    ld_group(0, srcA, dstA, isems[0])
    ld_group(1, srcB, dstB, isems[1])
    return pair


def _pass2_body(esrc_hbm, edst_hbm, p0_hbm, rin_hbm,
                agg_out, cacc_out,
                srcA, srcB, dstA, dstB, rows0_v, rows1_v, rv0_v, rv1_v, zb_v,
                acc_s, cacc_s, rin_s,
                gsem0, gsem1, vsem0, vsem1, isemA, isemB):
    c, s, w = _worker_id()
    pair = _mp_pipeline(esrc_hbm, edst_hbm, p0_hbm, acc_s,
                        srcA, srcB, dstA, dstB,
                        [rows0_v, rows1_v], [gsem0, gsem1], [isemA, isemB],
                        w, rin_s=rin_s, cacc_s=cacc_s,
                        rvs=[rv0_v, rv1_v], vsems=[vsem0, vsem1])
    for k in range(CH // L16):
        zb_v[pl.ds(k * L16, L16)] = jnp.zeros((L16,), F32)
    _zero_rows(rows0_v)
    _zero_stripe_2d(rows0_v, acc_s, s, gsem0)
    _zero_stripe_1d(zb_v, cacc_s, s, gsem0)
    pltpu.async_copy(rin_hbm.at[pl.ds(s * RPS, RPS)], rin_s.at[pl.ds(s * RPS, RPS)], gsem1)
    pltpu.make_async_copy(esrc_hbm.at[pl.ds(0, QG)], srcA, isemA).wait()
    pltpu.make_async_copy(esrc_hbm.at[pl.ds(0, QG)], dstA, isemA).wait()
    _zero_drain_2d(rows0_v, acc_s, gsem0)
    _zero_drain_1d(zb_v, cacc_s, gsem0)
    pltpu.make_async_copy(rin_hbm.at[pl.ds(0, RPS)], rin_s.at[pl.ds(0, RPS)], gsem1).wait()
    pltpu.async_copy(p0_hbm.at[srcA.at[0, 0]], rows0_v, gsem0)
    plsc.subcore_barrier()
    pltpu.async_copy(rin_s.at[dstA.at[0, 0]], rv0_v, vsem0)
    lax.fori_loop(0, NG // 2, pair, 0)
    plsc.subcore_barrier()
    row0 = c * NP + s * RPS
    pltpu.sync_copy(acc_s.at[pl.ds(s * RPS, RPS)], agg_out.at[pl.ds(row0, RPS)])
    pltpu.sync_copy(cacc_s.at[pl.ds(s * RPS, RPS)], cacc_out.at[pl.ds(row0, RPS)])


def _pass3_body(esrc_hbm, edst_hbm, p1_hbm,
                agg_out,
                srcA, srcB, dstA, dstB, rows0_v, rows1_v,
                acc_s,
                gsem0, gsem1, isemA, isemB):
    c, s, w = _worker_id()
    pair = _mp_pipeline(esrc_hbm, edst_hbm, p1_hbm, acc_s,
                        srcA, srcB, dstA, dstB,
                        [rows0_v, rows1_v], [gsem0, gsem1], [isemA, isemB], w)
    _zero_rows(rows0_v)
    _zero_stripe_2d(rows0_v, acc_s, s, gsem0)
    pltpu.make_async_copy(esrc_hbm.at[pl.ds(0, QG)], srcA, isemA).wait()
    pltpu.make_async_copy(esrc_hbm.at[pl.ds(0, QG)], dstA, isemA).wait()
    _zero_drain_2d(rows0_v, acc_s, gsem0)
    pltpu.async_copy(p1_hbm.at[srcA.at[0, 0]], rows0_v, gsem0)
    plsc.subcore_barrier()
    lax.fori_loop(0, NG // 2, pair, 0)
    plsc.subcore_barrier()
    row0 = c * NP + s * RPS
    pltpu.sync_copy(acc_s.at[pl.ds(s * RPS, RPS)], agg_out.at[pl.ds(row0, RPS)])


def _sc_mesh():
    return plsc.VectorSubcoreMesh(core_axis_name="c", subcore_axis_name="s",
                                  num_cores=NC, num_subcores=NS)


def _tc_a_body(h0p, degop, degip, p0_ref, rin_ref, rout_ref):
    dego = degop[...][:NP] + degop[...][NP:]
    degi = degip[...][:NP] + degip[...][NP:]
    rout = lax.rsqrt(jnp.maximum(dego, 1.0))
    rin = lax.rsqrt(jnp.maximum(degi, 1.0))
    rin_ref[...] = rin
    rout_ref[...] = rout
    p0_ref[...] = h0p[...] * rout[:, None]


def _tc_b_body(aggp, rin, rout, p1_ref):
    agg = aggp[...][:NP] + aggp[...][NP:]
    h1 = jnp.maximum(agg * rin[...][:, None], 0.0)
    p1_ref[...] = h1 * rout[...][:, None]


def _tc_c_body(aggp, rin, rout, caccp, w1, w2, out_ref):
    agg = aggp[...][:NP] + aggp[...][NP:]
    a1 = agg * rin[...][:, None]
    h2 = jnp.maximum(jnp.dot(a1, w1[...], preferred_element_type=F32), 0.0)
    cc = (caccp[...][:NP] + caccp[...][NP:]) * rout[...]
    rid = lax.broadcasted_iota(I32, (NP,), 0)
    wvec = jnp.where(rid < N_NODES, cc, 0.0)
    s = jnp.sum(h2 * wvec[:, None], axis=0, keepdims=True)
    out_ref[...] = jnp.dot(s, w2[...], preferred_element_type=F32)


def kernel(feature, edge_index, table, W1, W2):
    n = feature.shape[0]
    nf = feature.shape[1]
    src = edge_index[0].astype(I32)
    dst = edge_index[1].astype(I32)

    e_pad = E_PAD - src.shape[0]
    pad_rows = N_NODES + (jnp.arange(e_pad, dtype=I32) % N_DUMMY)
    srcp = jnp.concatenate([src, pad_rows]).reshape(NW * CHUNKS_E, 1, CH)
    dstp = jnp.concatenate([dst, pad_rows]).reshape(NW * CHUNKS_E, 1, CH)

    gidx = feature.reshape(-1).astype(I32)
    nidx = jnp.repeat(jnp.arange(n, dtype=I32), nf)
    g_pad = G_PAD - gidx.shape[0]
    gpad_rows = jnp.arange(g_pad, dtype=I32) % jnp.int32(table.shape[0])
    npad_rows = N_NODES + (jnp.arange(g_pad, dtype=I32) % N_DUMMY)
    gidxp = jnp.concatenate([gidx, gpad_rows]).reshape(NW * CHUNKS_G, 1, CH)
    nidxp = jnp.concatenate([nidx, npad_rows]).reshape(NW * CHUNKS_G, 1, CH)

    mesh = _sc_mesh()

    pass1 = pl.kernel(
        _pass1_body, mesh=mesh,
        out_type=[jax.ShapeDtypeStruct((NP, D), F32),
                  jax.ShapeDtypeStruct((2 * NP,), F32),
                  jax.ShapeDtypeStruct((2 * NP,), F32)],
        scratch_types=[
            pltpu.VMEM((CHUNKS_G, 1, CH), I32),
            pltpu.VMEM((CHUNKS_G, 1, CH), I32),
            pltpu.VMEM((QG, 1, CH), I32),
            pltpu.VMEM((QG, 1, CH), I32),
            pltpu.VMEM((QG, 1, CH), I32),
            pltpu.VMEM((QG, 1, CH), I32),
            pltpu.VMEM((CH, D), F32),
            pltpu.VMEM((CH, D), F32),
            pltpu.VMEM((CH,), F32),
            pltpu.VMEM_SHARED((NP, D), F32),
            pltpu.VMEM_SHARED((NP,), F32),
            pltpu.VMEM_SHARED((NP,), F32),
            pltpu.SemaphoreType.DMA,
            pltpu.SemaphoreType.DMA,
            pltpu.SemaphoreType.DMA,
            pltpu.SemaphoreType.DMA,
            pltpu.SemaphoreType.DMA,
            pltpu.SemaphoreType.DMA,
        ])
    h0p, degop, degip = pass1(gidxp, nidxp, srcp, dstp, table)

    tc_a = pl.pallas_call(
        _tc_a_body,
        out_shape=[jax.ShapeDtypeStruct((NP, D), F32),
                   jax.ShapeDtypeStruct((NP,), F32),
                   jax.ShapeDtypeStruct((NP,), F32)])
    p0, rin, rout = tc_a(h0p, degop, degip)

    pass2 = pl.kernel(
        _pass2_body, mesh=mesh,
        out_type=[jax.ShapeDtypeStruct((2 * NP, D), F32),
                  jax.ShapeDtypeStruct((2 * NP,), F32)],
        scratch_types=[
            pltpu.VMEM((QG, 1, CH), I32),
            pltpu.VMEM((QG, 1, CH), I32),
            pltpu.VMEM((QG, 1, CH), I32),
            pltpu.VMEM((QG, 1, CH), I32),
            pltpu.VMEM((CH, D), F32),
            pltpu.VMEM((CH, D), F32),
            pltpu.VMEM((CH,), F32),
            pltpu.VMEM((CH,), F32),
            pltpu.VMEM((CH,), F32),
            pltpu.VMEM_SHARED((NP, D), F32),
            pltpu.VMEM_SHARED((NP,), F32),
            pltpu.VMEM_SHARED((NP,), F32),
            pltpu.SemaphoreType.DMA,
            pltpu.SemaphoreType.DMA,
            pltpu.SemaphoreType.DMA,
            pltpu.SemaphoreType.DMA,
            pltpu.SemaphoreType.DMA,
            pltpu.SemaphoreType.DMA,
        ])
    agg0p, caccp = pass2(srcp, dstp, p0, rin)

    tc_b = pl.pallas_call(
        _tc_b_body,
        out_shape=jax.ShapeDtypeStruct((NP, D), F32))
    p1 = tc_b(agg0p, rin, rout)

    pass3 = pl.kernel(
        _pass3_body, mesh=mesh,
        out_type=jax.ShapeDtypeStruct((2 * NP, D), F32),
        scratch_types=[
            pltpu.VMEM((QG, 1, CH), I32),
            pltpu.VMEM((QG, 1, CH), I32),
            pltpu.VMEM((QG, 1, CH), I32),
            pltpu.VMEM((QG, 1, CH), I32),
            pltpu.VMEM((CH, D), F32),
            pltpu.VMEM((CH, D), F32),
            pltpu.VMEM_SHARED((NP, D), F32),
            pltpu.SemaphoreType.DMA,
            pltpu.SemaphoreType.DMA,
            pltpu.SemaphoreType.DMA,
            pltpu.SemaphoreType.DMA,
        ])
    agg1p = pass3(srcp, dstp, p1)

    tc_c = pl.pallas_call(
        _tc_c_body,
        out_shape=jax.ShapeDtypeStruct((1, D), F32))
    out = tc_c(agg1p, rin, rout, caccp, W1, W2)
    return out.reshape(D)

# --- scband reference (transcript-rebuilt; emitter-appended) ---
"""Pipeline reference for scband-gnn-91036126806213 (READ-ONLY COPY).

The authoritative reference and input builder live on the scoring server;
editing this copy changes nothing except your own understanding.
"""

import jax, jax.numpy as jnp
import numpy as np

N_NODES = 10000
N_VALUES = 100000
EMB_DIM = 128
N_LAYER = 3
N_EDGES = 320000
FEAT_FIELDS = 8


def _gcn_layer(h, src, dst, n, W):
    # DGL GraphConv with norm='both', no bias.
    # weight applied before aggregation (in_feats == out_feats path).
    if W is not None:
        h = h @ W
    deg_out = jnp.clip(jnp.bincount(src, length=n), 1).astype(h.dtype)
    deg_in = jnp.clip(jnp.bincount(dst, length=n), 1).astype(h.dtype)
    h = h * (deg_out ** -0.5)[:, None]
    agg = jnp.zeros((n, h.shape[1]), dtype=h.dtype).at[dst].add(h[src])
    return agg * (deg_in ** -0.5)[:, None]


def setup_inputs(seed: int = 0) -> dict:
    key = jax.random.key(seed)
    k1, k2, k3, k4, k5 = jax.random.split(key, 5)
    feature = jax.random.randint(k1, (N_NODES, FEAT_FIELDS), 0, N_VALUES, dtype=jnp.int64 if jax.config.jax_enable_x64 else jnp.int32)
    edge_index = jax.random.randint(k2, (2, N_EDGES), 0, N_NODES, dtype=jnp.int64 if jax.config.jax_enable_x64 else jnp.int32)
    table = jax.random.normal(k3, (N_VALUES, EMB_DIM), dtype=jnp.float32) * 0.02
    W1 = jax.random.normal(k4, (EMB_DIM, EMB_DIM), dtype=jnp.float32) * 0.05
    W2 = jax.random.normal(k5, (EMB_DIM, EMB_DIM), dtype=jnp.float32) * 0.05
    return {"feature": feature, "edge_index": edge_index, "table": table, "W1": W1, "W2": W2}


def reference(feature, edge_index, table, W1, W2):
    n = feature.shape[0]
    src = edge_index[0]
    dst = edge_index[1]
    # embed_layer(feature) then sum over field dim
    h = jnp.take(table, feature, axis=0)  # [N, F, D]
    h = jnp.sum(h, axis=1)  # [N, D]
    # layer 0: GraphConv(weight=False, bias=False) + relu
    h = _gcn_layer(h, src, dst, n, None)
    h = jax.nn.relu(h)
    # layer 1: GraphConv(weight=True, bias=False) + relu
    h = _gcn_layer(h, src, dst, n, W1)
    h = jax.nn.relu(h)
    # layer 2 (last): GraphConv(weight=True, bias=False), no relu
    h = _gcn_layer(h, src, dst, n, W2)
    # SumPooling over the (single) graph
    graph_embedding = jnp.sum(h, axis=0)  # [D]
    return graph_embedding

if __name__ == "__main__":
    import jax
    _d = setup_inputs()
    print(jax.jit(kernel)(*tuple(_d.values())))

</pallas_src>

<mosaic_0001>
#map = affine_map<(d0, d1) -> (0, 0, 0)>
#map1 = affine_map<(d0, d1) -> (0, 0)>
#map2 = affine_map<(d0, d1) -> (0)>
module attributes {stable_mosaic.version = 14 : i64} {
  func.func @_pass2_body(%arg0: i32, %arg1: i32, %arg2: memref<2560x1x128xi32, #tpu.memory_space<hbm>>, %arg3: memref<2560x1x128xi32, #tpu.memory_space<hbm>>, %arg4: memref<10240x128xf32, #tpu.memory_space<hbm>>, %arg5: memref<10240xf32, #tpu.memory_space<hbm>>, %arg6: memref<20480x128xf32, #tpu.memory_space<hbm>>, %arg7: memref<20480xf32, #tpu.memory_space<hbm>>, %arg8: memref<8x1x128xi32, #tpu.memory_space<vmem>>, %arg9: memref<8x1x128xi32, #tpu.memory_space<vmem>>, %arg10: memref<8x1x128xi32, #tpu.memory_space<vmem>>, %arg11: memref<8x1x128xi32, #tpu.memory_space<vmem>>, %arg12: memref<128x128xf32, #tpu.memory_space<vmem>>, %arg13: memref<128x128xf32, #tpu.memory_space<vmem>>, %arg14: memref<128xf32, #tpu.memory_space<vmem>>, %arg15: memref<128xf32, #tpu.memory_space<vmem>>, %arg16: memref<128xf32, #tpu.memory_space<vmem>>, %arg17: memref<10240x128xf32, #tpu.memory_space<vmem_shared>>, %arg18: memref<10240xf32, #tpu.memory_space<vmem_shared>>, %arg19: memref<10240xf32, #tpu.memory_space<vmem_shared>>, %arg20: memref<!tpu.dma_semaphore, #tpu.memory_space<semaphore_mem>>, %arg21: memref<!tpu.dma_semaphore, #tpu.memory_space<semaphore_mem>>, %arg22: memref<!tpu.dma_semaphore, #tpu.memory_space<semaphore_mem>>, %arg23: memref<!tpu.dma_semaphore, #tpu.memory_space<semaphore_mem>>, %arg24: memref<!tpu.dma_semaphore, #tpu.memory_space<semaphore_mem>>, %arg25: memref<!tpu.dma_semaphore, #tpu.memory_space<semaphore_mem>>) attributes {dimension_semantics = [#tpu.dimension_semantics<core_parallel>, #tpu.dimension_semantics<subcore_parallel>], iteration_bounds = array<i64: 2, 16>, scalar_prefetch = 0 : i64, scratch_operands = 18 : i64, tpu.core_type = #tpu.core_type<sc_vector_subcore>, window_params = [{transform_indices = #map}, {transform_indices = #map}, {transform_indices = #map1}, {transform_indices = #map2}, {transform_indices = #map1}, {transform_indices = #map2}]} {
    %mul3A = arith.constant 16 : i32
    %mul3A_0 = arith.muli %arg0, %mul3A : i32
    %add3A = arith.addi %mul3A_0, %arg1 : i32
    %mul3A_1 = arith.constant 80 : i32
    %mul3A_2 = arith.muli %add3A, %mul3A_1 : i32
    %add3A_3 = arith.constant 0 : i32
    %add3A_4 = arith.addi %mul3A_2, %add3A_3 : i32
    %dma_start3A = arith.constant 0 : i32
    %dma_start3A_5 = arith.constant 0 : i32
    %dma_start3A_6 = tpu.memref_slice %arg2[%add3A_4, %dma_start3A, %dma_start3A_5] : memref<2560x1x128xi32, #tpu.memory_space<hbm>> -> memref<8x1x128xi32, #tpu.memory_space<hbm>>
    %dma_start3A_7 = arith.constant 0 : i32
    %dma_start3A_8 = arith.constant 0 : i32
    %dma_start3A_9 = tpu.memref_slice %arg2[%add3A_4, %dma_start3A_7, %dma_start3A_8] : memref<2560x1x128xi32, #tpu.memory_space<hbm>> -> memref<8x1x128xi32, #tpu.memory_space<hbm>>
    tpu.enqueue_dma source(%dma_start3A_9 : memref<8x1x128xi32, #tpu.memory_space<hbm>>) target(%arg8 : memref<8x1x128xi32, #tpu.memory_space<vmem>>) target_semaphore(%arg24 : memref<!tpu.dma_semaphore, #tpu.memory_space<semaphore_mem>>)
    %dma_start3A_10 = arith.constant 0 : i32
    %dma_start3A_11 = arith.constant 0 : i32
    %dma_start3A_12 = tpu.memref_slice %arg3[%add3A_4, %dma_start3A_10, %dma_start3A_11] : memref<2560x1x128xi32, #tpu.memory_space<hbm>> -> memref<8x1x128xi32, #tpu.memory_space<hbm>>
    %dma_start3A_13 = arith.constant 0 : i32
    %dma_start3A_14 = arith.constant 0 : i32
    %dma_start3A_15 = tpu.memref_slice %arg3[%add3A_4, %dma_start3A_13, %dma_start3A_14] : memref<2560x1x128xi32, #tpu.memory_space<hbm>> -> memref<8x1x128xi32, #tpu.memory_space<hbm>>
    tpu.enqueue_dma source(%dma_start3A_15 : memref<8x1x128xi32, #tpu.memory_space<hbm>>) target(%arg10 : memref<8x1x128xi32, #tpu.memory_space<vmem>>) target_semaphore(%arg24 : memref<!tpu.dma_semaphore, #tpu.memory_space<semaphore_mem>>)
    %add3A_16 = arith.constant 8 : i32
    %add3A_17 = arith.addi %mul3A_2, %add3A_16 : i32
    %dma_start3A_18 = arith.constant 0 : i32
    %dma_start3A_19 = arith.constant 0 : i32
    %dma_start3A_20 = tpu.memref_slice %arg2[%add3A_17, %dma_start3A_18, %dma_start3A_19] : memref<2560x1x128xi32, #tpu.memory_space<hbm>> -> memref<8x1x128xi32, #tpu.memory_space<hbm>>
    %dma_start3A_21 = arith.constant 0 : i32
    %dma_start3A_22 = arith.constant 0 : i32
    %dma_start3A_23 = tpu.memref_slice %arg2[%add3A_17, %dma_start3A_21, %dma_start3A_22] : memref<2560x1x128xi32, #tpu.memory_space<hbm>> -> memref<8x1x128xi32, #tpu.memory_space<hbm>>
    tpu.enqueue_dma source(%dma_start3A_23 : memref<8x1x128xi32, #tpu.memory_space<hbm>>) target(%arg9 : memref<8x1x128xi32, #tpu.memory_space<vmem>>) target_semaphore(%arg25 : memref<!tpu.dma_semaphore, #tpu.memory_space<semaphore_mem>>)
    %dma_start3A_24 = arith.constant 0 : i32
    %dma_start3A_25 = arith.constant 0 : i32
    %dma_start3A_26 = tpu.memref_slice %arg3[%add3A_17, %dma_start3A_24, %dma_start3A_25] : memref<2560x1x128xi32, #tpu.memory_space<hbm>> -> memref<8x1x128xi32, #tpu.memory_space<hbm>>
    %dma_start3A_27 = arith.constant 0 : i32
    %dma_start3A_28 = arith.constant 0 : i32
    %dma_start3A_29 = tpu.memref_slice %arg3[%add3A_17, %dma_start3A_27, %dma_start3A_28] : memref<2560x1x128xi32, #tpu.memory_space<hbm>> -> memref<8x1x128xi32, #tpu.memory_space<hbm>>
    tpu.enqueue_dma source(%dma_start3A_29 : memref<8x1x128xi32, #tpu.memory_space<hbm>>) target(%arg11 : memref<8x1x128xi32, #tpu.memory_space<vmem>>) target_semaphore(%arg25 : memref<!tpu.dma_semaphore, #tpu.memory_space<semaphore_mem>>)
    %broadcast_in_dim3A = arith.constant 0.000000e+00 : f32
    %broadcast_in_dim3A_30 = vector.broadcast %broadcast_in_dim3A : f32 to vector<16xf32>
    %swap3A = arith.constant 0 : index
    %swap3A_31 = tpu.vector_load %arg16[%swap3A] {strides = array<i32>} : memref<128xf32, #tpu.memory_space<vmem>>, vector<16xf32>,
    %swap3A_32 = vector.shape_cast %swap3A_31 : vector<16xf32> to vector<16xf32>
    %swap3A_33 = vector.shape_cast %broadcast_in_dim3A_30 : vector<16xf32> to vector<16xf32>
    tpu.vector_store %arg16[%swap3A], %swap3A_33 {strides = array<i32>} : memref<128xf32, #tpu.memory_space<vmem>>, vector<16xf32>,
    %broadcast_in_dim3A_34 = arith.constant 0.000000e+00 : f32
    %broadcast_in_dim3A_35 = vector.broadcast %broadcast_in_dim3A_34 : f32 to vector<16xf32>
    %swap3A_36 = arith.constant 16 : index
    %swap3A_37 = tpu.vector_load %arg16[%swap3A_36] {strides = array<i32>} : memref<128xf32, #tpu.memory_space<vmem>>, vector<16xf32>,
    %swap3A_38 = vector.shape_cast %swap3A_37 : vector<16xf32> to vector<16xf32>
    %swap3A_39 = vector.shape_cast %broadcast_in_dim3A_35 : vector<16xf32> to vector<16xf32>
    tpu.vector_store %arg16[%swap3A_36], %swap3A_39 {strides = array<i32>} : memref<128xf32, #tpu.memory_space<vmem>>, vector<16xf32>,
    %broadcast_in_dim3A_40 = arith.constant 0.000000e+00 : f32
    %broadcast_in_dim3A_41 = vector.broadcast %broadcast_in_dim3A_40 : f32 to vector<16xf32>
    %swap3A_42 = arith.constant 32 : index
    %swap3A_43 = tpu.vector_load %arg16[%swap3A_42] {strides = array<i32>} : memref<128xf32, #tpu.memory_space<vmem>>, vector<16xf32>,
    %swap3A_44 = vector.shape_cast %swap3A_43 : vector<16xf32> to vector<16xf32>
    %swap3A_45 = vector.shape_cast %broadcast_in_dim3A_41 : vector<16xf32> to vector<16xf32>
    tpu.vector_store %arg16[%swap3A_42], %swap3A_45 {strides = array<i32>} : memref<128xf32, #tpu.memory_space<vmem>>, vector<16xf32>,
    %broadcast_in_dim3A_46 = arith.constant 0.000000e+00 : f32
    %broadcast_in_dim3A_47 = vector.broadcast %broadcast_in_dim3A_46 : f32 to vector<16xf32>
    %swap3A_48 = arith.constant 48 : index
    %swap3A_49 = tpu.vector_load %arg16[%swap3A_48] {strides = array<i32>} : memref<128xf32, #tpu.memory_space<vmem>>, vector<16xf32>,
    %swap3A_50 = vector.shape_cast %swap3A_49 : vector<16xf32> to vector<16xf32>
    %swap3A_51 = vector.shape_cast %broadcast_in_dim3A_47 : vector<16xf32> to vector<16xf32>
    tpu.vector_store %arg16[%swap3A_48], %swap3A_51 {strides = array<i32>} : memref<128xf32, #tpu.memory_space<vmem>>, vector<16xf32>,
    %broadcast_in_dim3A_52 = arith.constant 0.000000e+00 : f32
    %broadcast_in_dim3A_53 = vector.broadcast %broadcast_in_dim3A_52 : f32 to vector<16xf32>
    %swap3A_54 = arith.constant 64 : index
    %swap3A_55 = tpu.vector_load %arg16[%swap3A_54] {strides = array<i32>} : memref<128xf32, #tpu.memory_space<vmem>>, vector<16xf32>,
    %swap3A_56 = vector.shape_cast %swap3A_55 : vector<16xf32> to vector<16xf32>
    %swap3A_57 = vector.shape_cast %broadcast_in_dim3A_53 : vector<16xf32> to vector<16xf32>
    tpu.vector_store %arg16[%swap3A_54], %swap3A_57 {strides = array<i32>} : memref<128xf32, #tpu.memory_space<vmem>>, vector<16xf32>,
    %broadcast_in_dim3A_58 = arith.constant 0.000000e+00 : f32
    %broadcast_in_dim3A_59 = vector.broadcast %broadcast_in_dim3A_58 : f32 to vector<16xf32>
    %swap3A_60 = arith.constant 80 : index
    %swap3A_61 = tpu.vector_load %arg16[%swap3A_60] {strides = array<i32>} : memref<128xf32, #tpu.memory_space<vmem>>, vector<16xf32>,
    %swap3A_62 = vector.shape_cast %swap3A_61 : vector<16xf32> to vector<16xf32>
    %swap3A_63 = vector.shape_cast %broadcast_in_dim3A_59 : vector<16xf32> to vector<16xf32>
    tpu.vector_store %arg16[%swap3A_60], %swap3A_63 {strides = array<i32>} : memref<128xf32, #tpu.memory_space<vmem>>, vector<16xf32>,
    %broadcast_in_dim3A_64 = arith.constant 0.000000e+00 : f32
    %broadcast_in_dim3A_65 = vector.broadcast %broadcast_in_dim3A_64 : f32 to vector<16xf32>
    %swap3A_66 = arith.constant 96 : index
    %swap3A_67 = tpu.vector_load %arg16[%swap3A_66] {strides = array<i32>} : memref<128xf32, #tpu.memory_space<vmem>>, vector<16xf32>,
    %swap3A_68 = vector.shape_cast %swap3A_67 : vector<16xf32> to vector<16xf32>
    %swap3A_69 = vector.shape_cast %broadcast_in_dim3A_65 : vector<16xf32> to vector<16xf32>
    tpu.vector_store %arg16[%swap3A_66], %swap3A_69 {strides = array<i32>} : memref<128xf32, #tpu.memory_space<vmem>>, vector<16xf32>,
    %broadcast_in_dim3A_70 = arith.constant 0.000000e+00 : f32
    %broadcast_in_dim3A_71 = vector.broadcast %broadcast_in_dim3A_70 : f32 to vector<16xf32>
    %swap3A_72 = arith.constant 112 : index
    %swap3A_73 = tpu.vector_load %arg16[%swap3A_72] {strides = array<i32>} : memref<128xf32, #tpu.memory_space<vmem>>, vector<16xf32>,
    %swap3A_74 = vector.shape_cast %swap3A_73 : vector<16xf32> to vector<16xf32>
    %swap3A_75 = vector.shape_cast %broadcast_in_dim3A_71 : vector<16xf32> to vector<16xf32>
    tpu.vector_store %arg16[%swap3A_72], %swap3A_75 {strides = array<i32>} : memref<128xf32, #tpu.memory_space<vmem>>, vector<16xf32>,
    %scan3A = arith.constant 0 : i32
    %scan3A_76 = arith.constant 0 : i32
    %scan3A_77 = arith.constant 128 : i32
    %scan3A_78 = arith.addi %scan3A_76, %scan3A_77 : i32
    %scan3A_79 = arith.constant 1 : i32
    scf.for %scan3A_257 = %scan3A_76 to %scan3A_78 step %scan3A_79  : i32 {
      %broadcast_in_dim3A_258 = arith.constant 0.000000e+00 : f32
      %broadcast_in_dim3A_259 = vector.broadcast %broadcast_in_dim3A_258 : f32 to vector<16xf32>
      %swap3A_260 = arith.index_cast %scan3A_257 : i32 to index
      %swap3A_261 = arith.constant 0 : index
      %swap3A_262 = tpu.vector_load %arg12[%swap3A_260, %swap3A_261] {strides = array<i32>} : memref<128x128xf32, #tpu.memory_space<vmem>>, vector<1x16xf32>,
      %swap3A_263 = vector.shape_cast %swap3A_262 : vector<1x16xf32> to vector<16xf32>
      %swap3A_264 = vector.shape_cast %broadcast_in_dim3A_259 : vector<16xf32> to vector<1x16xf32>
      tpu.vector_store %arg12[%swap3A_260, %swap3A_261], %swap3A_264 {strides = array<i32>} : memref<128x128xf32, #tpu.memory_space<vmem>>, vector<1x16xf32>,
      %broadcast_in_dim3A_265 = arith.constant 0.000000e+00 : f32
      %broadcast_in_dim3A_266 = vector.broadcast %broadcast_in_dim3A_265 : f32 to vector<16xf32>
      %swap3A_267 = arith.index_cast %scan3A_257 : i32 to index
      %swap3A_268 = arith.constant 16 : index
      %swap3A_269 = tpu.vector_load %arg12[%swap3A_267, %swap3A_268] {strides = array<i32>} : memref<128x128xf32, #tpu.memory_space<vmem>>, vector<1x16xf32>,
      %swap3A_270 = vector.shape_cast %swap3A_269 : vector<1x16xf32> to vector<16xf32>
      %swap3A_271 = vector.shape_cast %broadcast_in_dim3A_266 : vector<16xf32> to vector<1x16xf32>
      tpu.vector_store %arg12[%swap3A_267, %swap3A_268], %swap3A_271 {strides = array<i32>} : memref<128x128xf32, #tpu.memory_space<vmem>>, vector<1x16xf32>,
      %broadcast_in_dim3A_272 = arith.constant 0.000000e+00 : f32
      %broadcast_in_dim3A_273 = vector.broadcast %broadcast_in_dim3A_272 : f32 to vector<16xf32>
      %swap3A_274 = arith.index_cast %scan3A_257 : i32 to index
      %swap3A_275 = arith.constant 32 : index
      %swap3A_276 = tpu.vector_load %arg12[%swap3A_274, %swap3A_275] {strides = array<i32>} : memref<128x128xf32, #tpu.memory_space<vmem>>, vector<1x16xf32>,
      %swap3A_277 = vector.shape_cast %swap3A_276 : vector<1x16xf32> to vector<16xf32>
      %swap3A_278 = vector.shape_cast %broadcast_in_dim3A_273 : vector<16xf32> to vector<1x16xf32>
      tpu.vector_store %arg12[%swap3A_274, %swap3A_275], %swap3A_278 {strides = array<i32>} : memref<128x128xf32, #tpu.memory_space<vmem>>, vector<1x16xf32>,
      %broadcast_in_dim3A_279 = arith.constant 0.000000e+00 : f32
      %broadcast_in_dim3A_280 = vector.broadcast %broadcast_in_dim3A_279 : f32 to vector<16xf32>
      %swap3A_281 = arith.index_cast %scan3A_257 : i32 to index
      %swap3A_282 = arith.constant 48 : index
      %swap3A_283 = tpu.vector_load %arg12[%swap3A_281, %swap3A_282] {strides = array<i32>} : memref<128x128xf32, #tpu.memory_space<vmem>>, vector<1x16xf32>,
      %swap3A_284 = vector.shape_cast %swap3A_283 : vector<1x16xf32> to vector<16xf32>
      %swap3A_285 = vector.shape_cast %broadcast_in_dim3A_280 : vector<16xf32> to vector<1x16xf32>
      tpu.vector_store %arg12[%swap3A_281, %swap3A_282], %swap3A_285 {strides = array<i32>} : memref<128x128xf32, #tpu.memory_space<vmem>>, vector<1x16xf32>,
      %broadcast_in_dim3A_286 = arith.constant 0.000000e+00 : f32
      %broadcast_in_dim3A_287 = vector.broadcast %broadcast_in_dim3A_286 : f32 to vector<16xf32>
      %swap3A_288 = arith.index_cast %scan3A_257 : i32 to index
      %swap3A_289 = arith.constant 64 : index
      %swap3A_290 = tpu.vector_load %arg12[%swap3A_288, %swap3A_289] {strides = array<i32>} : memref<128x128xf32, #tpu.memory_space<vmem>>, vector<1x16xf32>,
      %swap3A_291 = vector.shape_cast %swap3A_290 : vector<1x16xf32> to vector<16xf32>
      %swap3A_292 = vector.shape_cast %broadcast_in_dim3A_287 : vector<16xf32> to vector<1x16xf32>
      tpu.vector_store %arg12[%swap3A_288, %swap3A_289], %swap3A_292 {strides = array<i32>} : memref<128x128xf32, #tpu.memory_space<vmem>>, vector<1x16xf32>,
      %broadcast_in_dim3A_293 = arith.constant 0.000000e+00 : f32
      %broadcast_in_dim3A_294 = vector.broadcast %broadcast_in_dim3A_293 : f32 to vector<16xf32>
      %swap3A_295 = arith.index_cast %scan3A_257 : i32 to index
      %swap3A_296 = arith.constant 80 : index
      %swap3A_297 = tpu.vector_load %arg12[%swap3A_295, %swap3A_296] {strides = array<i32>} : memref<128x128xf32, #tpu.memory_space<vmem>>, vector<1x16xf32>,
      %swap3A_298 = vector.shape_cast %swap3A_297 : vector<1x16xf32> to vector<16xf32>
      %swap3A_299 = vector.shape_cast %broadcast_in_dim3A_294 : vector<16xf32> to vector<1x16xf32>
      tpu.vector_store %arg12[%swap3A_295, %swap3A_296], %swap3A_299 {strides = array<i32>} : memref<128x128xf32, #tpu.memory_space<vmem>>, vector<1x16xf32>,
      %broadcast_in_dim3A_300 = arith.constant 0.000000e+00 : f32
      %broadcast_in_dim3A_301 = vector.broadcast %broadcast_in_dim3A_300 : f32 to vector<16xf32>
      %swap3A_302 = arith.index_cast %scan3A_257 : i32 to index
      %swap3A_303 = arith.constant 96 : index
      %swap3A_304 = tpu.vector_load %arg12[%swap3A_302, %swap3A_303] {strides = array<i32>} : memref<128x128xf32, #tpu.memory_space<vmem>>, vector<1x16xf32>,
      %swap3A_305 = vector.shape_cast %swap3A_304 : vector<1x16xf32> to vector<16xf32>
      %swap3A_306 = vector.shape_cast %broadcast_in_dim3A_301 : vector<16xf32> to vector<1x16xf32>
      tpu.vector_store %arg12[%swap3A_302, %swap3A_303], %swap3A_306 {strides = array<i32>} : memref<128x128xf32, #tpu.memory_space<vmem>>, vector<1x16xf32>,
      %broadcast_in_dim3A_307 = arith.constant 0.000000e+00 : f32
      %broadcast_in_dim3A_308 = vector.broadcast %broadcast_in_dim3A_307 : f32 to vector<16xf32>
      %swap3A_309 = arith.index_cast %scan3A_257 : i32 to index
      %swap3A_310 = arith.constant 112 : index
      %swap3A_311 = tpu.vector_load %arg12[%swap3A_309, %swap3A_310] {strides = array<i32>} : memref<128x128xf32, #tpu.memory_space<vmem>>, vector<1x16xf32>,
      %swap3A_312 = vector.shape_cast %swap3A_311 : vector<1x16xf32> to vector<16xf32>
      %swap3A_313 = vector.shape_cast %broadcast_in_dim3A_308 : vector<16xf32> to vector<1x16xf32>
      tpu.vector_store %arg12[%swap3A_309, %swap3A_310], %swap3A_313 {strides = array<i32>} : memref<128x128xf32, #tpu.memory_space<vmem>>, vector<1x16xf32>,
    }
    %scan3A_80 = arith.constant 128 : i32
    %mul3A_81 = arith.constant 640 : i32
    %mul3A_82 = arith.muli %arg1, %mul3A_81 : i32
    %add3A_83 = arith.constant 0 : i32
    %add3A_84 = arith.addi %mul3A_82, %add3A_83 : i32
    %dma_start3A_85 = arith.constant 0 : i32
    %dma_start3A_86 = tpu.memref_slice %arg17[%add3A_84, %dma_start3A_85] : memref<10240x128xf32, #tpu.memory_space<vmem_shared>> -> memref<128x128xf32, #tpu.memory_space<vmem_shared>>
    %dma_start3A_87 = arith.constant 0 : i32
    %dma_start3A_88 = tpu.memref_slice %arg17[%add3A_84, %dma_start3A_87] : memref<10240x128xf32, #tpu.memory_space<vmem_shared>> -> memref<128x128xf32, #tpu.memory_space<vmem_shared>>
    tpu.enqueue_dma source(%arg12 : memref<128x128xf32, #tpu.memory_space<vmem>>) target(%dma_start3A_88 : memref<128x128xf32, #tpu.memory_space<vmem_shared>>) target_semaphore(%arg20 : memref<!tpu.dma_semaphore, #tpu.memory_space<semaphore_mem>>)
    %mul3A_89 = arith.constant 640 : i32
    %mul3A_90 = arith.muli %arg1, %mul3A_89 : i32
    %add3A_91 = arith.constant 128 : i32
    %add3A_92 = arith.addi %mul3A_90, %add3A_91 : i32
    %dma_start3A_93 = arith.constant 0 : i32
    %dma_start3A_94 = tpu.memref_slice %arg17[%add3A_92, %dma_start3A_93] : memref<10240x128xf32, #tpu.memory_space<vmem_shared>> -> memref<128x128xf32, #tpu.memory_space<vmem_shared>>
    %dma_start3A_95 = arith.constant 0 : i32
    %dma_start3A_96 = tpu.memref_slice %arg17[%add3A_92, %dma_start3A_95] : memref<10240x128xf32, #tpu.memory_space<vmem_shared>> -> memref<128x128xf32, #tpu.memory_space<vmem_shared>>
    tpu.enqueue_dma source(%arg12 : memref<128x128xf32, #tpu.memory_space<vmem>>) target(%dma_start3A_96 : memref<128x128xf32, #tpu.memory_space<vmem_shared>>) target_semaphore(%arg20 : memref<!tpu.dma_semaphore, #tpu.memory_space<semaphore_mem>>)
    %mul3A_97 = arith.constant 640 : i32
    %mul3A_98 = arith.muli %arg1, %mul3A_97 : i32
    %add3A_99 = arith.constant 256 : i32
    %add3A_100 = arith.addi %mul3A_98, %add3A_99 : i32
    %dma_start3A_101 = arith.constant 0 : i32
    %dma_start3A_102 = tpu.memref_slice %arg17[%add3A_100, %dma_start3A_101] : memref<10240x128xf32, #tpu.memory_space<vmem_shared>> -> memref<128x128xf32, #tpu.memory_space<vmem_shared>>
    %dma_start3A_103 = arith.constant 0 : i32
    %dma_start3A_104 = tpu.memref_slice %arg17[%add3A_100, %dma_start3A_103] : memref<10240x128xf32, #tpu.memory_space<vmem_shared>> -> memref<128x128xf32, #tpu.memory_space<vmem_shared>>
    tpu.enqueue_dma source(%arg12 : memref<128x128xf32, #tpu.memory_space<vmem>>) target(%dma_start3A_104 : memref<128x128xf32, #tpu.memory_space<vmem_shared>>) target_semaphore(%arg20 : memref<!tpu.dma_semaphore, #tpu.memory_space<semaphore_mem>>)
    %mul3A_105 = arith.constant 640 : i32
    %mul3A_106 = arith.muli %arg1, %mul3A_105 : i32
    %add3A_107 = arith.constant 384 : i32
    %add3A_108 = arith.addi %mul3A_106, %add3A_107 : i32
    %dma_start3A_109 = arith.constant 0 : i32
    %dma_start3A_110 = tpu.memref_slice %arg17[%add3A_108, %dma_start3A_109] : memref<10240x128xf32, #tpu.memory_space<vmem_shared>> -> memref<128x128xf32, #tpu.memory_space<vmem_shared>>
    %dma_start3A_111 = arith.constant 0 : i32
    %dma_start3A_112 = tpu.memref_slice %arg17[%add3A_108, %dma_start3A_111] : memref<10240x128xf32, #tpu.memory_space<vmem_shared>> -> memref<128x128xf32, #tpu.memory_space<vmem_shared>>
    tpu.enqueue_dma source(%arg12 : memref<128x128xf32, #tpu.memory_space<vmem>>) target(%dma_start3A_112 : memref<128x128xf32, #tpu.memory_space<vmem_shared>>) target_semaphore(%arg20 : memref<!tpu.dma_semaphore, #tpu.memory_space<semaphore_mem>>)
    %mul3A_113 = arith.constant 640 : i32
    %mul3A_114 = arith.muli %arg1, %mul3A_113 : i32
    %add3A_115 = arith.constant 512 : i32
    %add3A_116 = arith.addi %mul3A_114, %add3A_115 : i32
    %dma_start3A_117 = arith.constant 0 : i32
    %dma_start3A_118 = tpu.memref_slice %arg17[%add3A_116, %dma_start3A_117] : memref<10240x128xf32, #tpu.memory_space<vmem_shared>> -> memref<128x128xf32, #tpu.memory_space<vmem_shared>>
    %dma_start3A_119 = arith.constant 0 : i32
    %dma_start3A_120 = tpu.memref_slice %arg17[%add3A_116, %dma_start3A_119] : memref<10240x128xf32, #tpu.memory_space<vmem_shared>> -> memref<128x128xf32, #tpu.memory_space<vmem_shared>>
    tpu.enqueue_dma source(%arg12 : memref<128x128xf32, #tpu.memory_space<vmem>>) target(%dma_start3A_120 : memref<128x128xf32, #tpu.memory_space<vmem_shared>>) target_semaphore(%arg20 : memref<!tpu.dma_semaphore, #tpu.memory_space<semaphore_mem>>)
    %mul3A_121 = arith.constant 640 : i32
    %mul3A_122 = arith.muli %arg1, %mul3A_121 : i32
    %add3A_123 = arith.constant 0 : i32
    %add3A_124 = arith.addi %mul3A_122, %add3A_123 : i32
    %dma_start3A_125 = tpu.memref_slice %arg18[%add3A_124] : memref<10240xf32, #tpu.memory_space<vmem_shared>> -> memref<128xf32, #tpu.memory_space<vmem_shared>>
    %dma_start3A_126 = tpu.memref_slice %arg18[%add3A_124] : memref<10240xf32, #tpu.memory_space<vmem_shared>> -> memref<128xf32, #tpu.memory_space<vmem_shared>>
    tpu.enqueue_dma source(%arg16 : memref<128xf32, #tpu.memory_space<vmem>>) target(%dma_start3A_126 : memref<128xf32, #tpu.memory_space<vmem_shared>>) target_semaphore(%arg20 : memref<!tpu.dma_semaphore, #tpu.memory_space<semaphore_mem>>)
    %mul3A_127 = arith.constant 640 : i32
    %mul3A_128 = arith.muli %arg1, %mul3A_127 : i32
    %add3A_129 = arith.constant 128 : i32
    %add3A_130 = arith.addi %mul3A_128, %add3A_129 : i32
    %dma_start3A_131 = tpu.memref_slice %arg18[%add3A_130] : memref<10240xf32, #tpu.memory_space<vmem_shared>> -> memref<128xf32, #tpu.memory_space<vmem_shared>>
    %dma_start3A_132 = tpu.memref_slice %arg18[%add3A_130] : memref<10240xf32, #tpu.memory_space<vmem_shared>> -> memref<128xf32, #tpu.memory_space<vmem_shared>>
    tpu.enqueue_dma source(%arg16 : memref<128xf32, #tpu.memory_space<vmem>>) target(%dma_start3A_132 : memref<128xf32, #tpu.memory_space<vmem_shared>>) target_semaphore(%arg20 : memref<!tpu.dma_semaphore, #tpu.memory_space<semaphore_mem>>)
    %mul3A_133 = arith.constant 640 : i32
    %mul3A_134 = arith.muli %arg1, %mul3A_133 : i32
    %add3A_135 = arith.constant 256 : i32
    %add3A_136 = arith.addi %mul3A_134, %add3A_135 : i32
    %dma_start3A_137 = tpu.memref_slice %arg18[%add3A_136] : memref<10240xf32, #tpu.memory_space<vmem_shared>> -> memref<128xf32, #tpu.memory_space<vmem_shared>>
    %dma_start3A_138 = tpu.memref_slice %arg18[%add3A_136] : memref<10240xf32, #tpu.memory_space<vmem_shared>> -> memref<128xf32, #tpu.memory_space<vmem_shared>>
    tpu.enqueue_dma source(%arg16 : memref<128xf32, #tpu.memory_space<vmem>>) target(%dma_start3A_138 : memref<128xf32, #tpu.memory_space<vmem_shared>>) target_semaphore(%arg20 : memref<!tpu.dma_semaphore, #tpu.memory_space<semaphore_mem>>)
    %mul3A_139 = arith.constant 640 : i32
    %mul3A_140 = arith.muli %arg1, %mul3A_139 : i32
    %add3A_141 = arith.constant 384 : i32
    %add3A_142 = arith.addi %mul3A_140, %add3A_141 : i32
    %dma_start3A_143 = tpu.memref_slice %arg18[%add3A_142] : memref<10240xf32, #tpu.memory_space<vmem_shared>> -> memref<128xf32, #tpu.memory_space<vmem_shared>>
    %dma_start3A_144 = tpu.memref_slice %arg18[%add3A_142] : memref<10240xf32, #tpu.memory_space<vmem_shared>> -> memref<128xf32, #tpu.memory_space<vmem_shared>>
    tpu.enqueue_dma source(%arg16 : memref<128xf32, #tpu.memory_space<vmem>>) target(%dma_start3A_144 : memref<128xf32, #tpu.memory_space<vmem_shared>>) target_semaphore(%arg20 : memref<!tpu.dma_semaphore, #tpu.memory_space<semaphore_mem>>)
    %mul3A_145 = arith.constant 640 : i32
    %mul3A_146 = arith.muli %arg1, %mul3A_145 : i32
    %add3A_147 = arith.constant 512 : i32
    %add3A_148 = arith.addi %mul3A_146, %add3A_147 : i32
    %dma_start3A_149 = tpu.memref_slice %arg18[%add3A_148] : memref<10240xf32, #tpu.memory_space<vmem_shared>> -> memref<128xf32, #tpu.memory_space<vmem_shared>>
    %dma_start3A_150 = tpu.memref_slice %arg18[%add3A_148] : memref<10240xf32, #tpu.memory_space<vmem_shared>> -> memref<128xf32, #tpu.memory_space<vmem_shared>>
    tpu.enqueue_dma source(%arg16 : memref<128xf32, #tpu.memory_space<vmem>>) target(%dma_start3A_150 : memref<128xf32, #tpu.memory_space<vmem_shared>>) target_semaphore(%arg20 : memref<!tpu.dma_semaphore, #tpu.memory_space<semaphore_mem>>)
    %mul3A_151 = arith.constant 640 : i32
    %mul3A_152 = arith.muli %arg1, %mul3A_151 : i32
    %mul3A_153 = arith.constant 640 : i32
    %mul3A_154 = arith.muli %arg1, %mul3A_153 : i32
    %dma_start3A_155 = tpu.memref_slice %arg19[%mul3A_154] : memref<10240xf32, #tpu.memory_space<vmem_shared>> -> memref<640xf32, #tpu.memory_space<vmem_shared>>
    %dma_start3A_156 = tpu.memref_slice %arg5[%mul3A_152] : memref<10240xf32, #tpu.memory_space<hbm>> -> memref<640xf32, #tpu.memory_space<hbm>>
    tpu.enqueue_dma source(%dma_start3A_156 : memref<640xf32, #tpu.memory_space<hbm>>) target(%dma_start3A_155 : memref<640xf32, #tpu.memory_space<vmem_shared>>) target_semaphore(%arg21 : memref<!tpu.dma_semaphore, #tpu.memory_space<semaphore_mem>>)
    %dma_wait3A = arith.constant 0 : i32
    %dma_wait3A_157 = arith.constant 0 : i32
    %dma_wait3A_158 = arith.constant 0 : i32
    %dma_wait3A_159 = tpu.memref_slice %arg2[%dma_wait3A, %dma_wait3A_157, %dma_wait3A_158] : memref<2560x1x128xi32, #tpu.memory_space<hbm>> -> memref<8x1x128xi32, #tpu.memory_space<hbm>>
    %dma_wait3A_160 = arith.constant 0 : i32
    %dma_wait3A_161 = arith.constant 0 : i32
    %dma_wait3A_162 = arith.constant 0 : i32
    %dma_wait3A_163 = tpu.memref_slice %arg2[%dma_wait3A_160, %dma_wait3A_161, %dma_wait3A_162] : memref<2560x1x128xi32, #tpu.memory_space<hbm>> -> memref<8x1x128xi32, #tpu.memory_space<hbm>>
    tpu.wait_dma2 semaphore(%arg24 : memref<!tpu.dma_semaphore, #tpu.memory_space<semaphore_mem>>) src(%dma_wait3A_163 : memref<8x1x128xi32, #tpu.memory_space<hbm>>) dst(%arg8 : memref<8x1x128xi32, #tpu.memory_space<vmem>>)
    %dma_wait3A_164 = arith.constant 0 : i32
    %dma_wait3A_165 = arith.constant 0 : i32
    %dma_wait3A_166 = arith.constant 0 : i32
    %dma_wait3A_167 = tpu.memref_slice %arg2[%dma_wait3A_164, %dma_wait3A_165, %dma_wait3A_166] : memref<2560x1x128xi32, #tpu.memory_space<hbm>> -> memref<8x1x128xi32, #tpu.memory_space<hbm>>
    %dma_wait3A_168 = arith.constant 0 : i32
    %dma_wait3A_169 = arith.constant 0 : i32
    %dma_wait3A_170 = arith.constant 0 : i32
    %dma_wait3A_171 = tpu.memref_slice %arg2[%dma_wait3A_168, %dma_wait3A_169, %dma_wait3A_170] : memref<2560x1x128xi32, #tpu.memory_space<hbm>> -> memref<8x1x128xi32, #tpu.memory_space<hbm>>
    tpu.wait_dma2 semaphore(%arg24 : memref<!tpu.dma_semaphore, #tpu.memory_space<semaphore_mem>>) src(%dma_wait3A_171 : memref<8x1x128xi32, #tpu.memory_space<hbm>>) dst(%arg10 : memref<8x1x128xi32, #tpu.memory_space<vmem>>)
    %dma_wait3A_172 = arith.constant 0 : i32
    %dma_wait3A_173 = arith.constant 0 : i32
    %dma_wait3A_174 = tpu.memref_slice %arg17[%dma_wait3A_172, %dma_wait3A_173] : memref<10240x128xf32, #tpu.memory_space<vmem_shared>> -> memref<128x128xf32, #tpu.memory_space<vmem_shared>>
    %dma_wait3A_175 = arith.constant 0 : i32
    %dma_wait3A_176 = arith.constant 0 : i32
    %dma_wait3A_177 = tpu.memref_slice %arg17[%dma_wait3A_175, %dma_wait3A_176] : memref<10240x128xf32, #tpu.memory_space<vmem_shared>> -> memref<128x128xf32, #tpu.memory_space<vmem_shared>>
    tpu.wait_dma2 semaphore(%arg20 : memref<!tpu.dma_semaphore, #tpu.memory_space<semaphore_mem>>) src(%arg12 : memref<128x128xf32, #tpu.memory_space<vmem>>) dst(%dma_wait3A_177 : memref<128x128xf32, #tpu.memory_space<vmem_shared>>)
    %dma_wait3A_178 = arith.constant 0 : i32
    %dma_wait3A_179 = arith.constant 0 : i32
    %dma_wait3A_180 = tpu.memref_slice %arg17[%dma_wait3A_178, %dma_wait3A_179] : memref<10240x128xf32, #tpu.memory_space<vmem_shared>> -> memref<128x128xf32, #tpu.memory_space<vmem_shared>>
    %dma_wait3A_181 = arith.constant 0 : i32
    %dma_wait3A_182 = arith.constant 0 : i32
    %dma_wait3A_183 = tpu.memref_slice %arg17[%dma_wait3A_181, %dma_wait3A_182] : memref<10240x128xf32, #tpu.memory_space<vmem_shared>> -> memref<128x128xf32, #tpu.memory_space<vmem_shared>>
    tpu.wait_dma2 semaphore(%arg20 : memref<!tpu.dma_semaphore, #tpu.memory_space<semaphore_mem>>) src(%arg12 : memref<128x128xf32, #tpu.memory_space<vmem>>) dst(%dma_wait3A_183 : memref<128x128xf32, #tpu.memory_space<vmem_shared>>)
    %dma_wait3A_184 = arith.constant 0 : i32
    %dma_wait3A_185 = arith.constant 0 : i32
    %dma_wait3A_186 = tpu.memref_slice %arg17[%dma_wait3A_184, %dma_wait3A_185] : memref<10240x128xf32, #tpu.memory_space<vmem_shared>> -> memref<128x128xf32, #tpu.memory_space<vmem_shared>>
    %dma_wait3A_187 = arith.constant 0 : i32
    %dma_wait3A_188 = arith.constant 0 : i32
    %dma_wait3A_189 = tpu.memref_slice %arg17[%dma_wait3A_187, %dma_wait3A_188] : memref<10240x128xf32, #tpu.memory_space<vmem_shared>> -> memref<128x128xf32, #tpu.memory_space<vmem_shared>>
    tpu.wait_dma2 semaphore(%arg20 : memref<!tpu.dma_semaphore, #tpu.memory_space<semaphore_mem>>) src(%arg12 : memref<128x128xf32, #tpu.memory_space<vmem>>) dst(%dma_wait3A_189 : memref<128x128xf32, #tpu.memory_space<vmem_shared>>)
    %dma_wait3A_190 = arith.constant 0 : i32
    %dma_wait3A_191 = arith.constant 0 : i32
    %dma_wait3A_192 = tpu.memref_slice %arg17[%dma_wait3A_190, %dma_wait3A_191] : memref<10240x128xf32, #tpu.memory_space<vmem_shared>> -> memref<128x128xf32, #tpu.memory_space<vmem_shared>>
    %dma_wait3A_193 = arith.constant 0 : i32
    %dma_wait3A_194 = arith.constant 0 : i32
    %dma_wait3A_195 = tpu.memref_slice %arg17[%dma_wait3A_193, %dma_wait3A_194] : memref<10240x128xf32, #tpu.memory_space<vmem_shared>> -> memref<128x128xf32, #tpu.memory_space<vmem_shared>>
    tpu.wait_dma2 semaphore(%arg20 : memref<!tpu.dma_semaphore, #tpu.memory_space<semaphore_mem>>) src(%arg12 : memref<128x128xf32, #tpu.memory_space<vmem>>) dst(%dma_wait3A_195 : memref<128x128xf32, #tpu.memory_space<vmem_shared>>)
    %dma_wait3A_196 = arith.constant 0 : i32
    %dma_wait3A_197 = arith.constant 0 : i32
    %dma_wait3A_198 = tpu.memref_slice %arg17[%dma_wait3A_196, %dma_wait3A_197] : memref<10240x128xf32, #tpu.memory_space<vmem_shared>> -> memref<128x128xf32, #tpu.memory_space<vmem_shared>>
    %dma_wait3A_199 = arith.constant 0 : i32
    %dma_wait3A_200 = arith.constant 0 : i32
    %dma_wait3A_201 = tpu.memref_slice %arg17[%dma_wait3A_199, %dma_wait3A_200] : memref<10240x128xf32, #tpu.memory_space<vmem_shared>> -> memref<128x128xf32, #tpu.memory_space<vmem_shared>>
    tpu.wait_dma2 semaphore(%arg20 : memref<!tpu.dma_semaphore, #tpu.memory_space<semaphore_mem>>) src(%arg12 : memref<128x128xf32, #tpu.memory_space<vmem>>) dst(%dma_wait3A_201 : memref<128x128xf32, #tpu.memory_space<vmem_shared>>)
    %dma_wait3A_202 = arith.constant 0 : i32
    %dma_wait3A_203 = tpu.memref_slice %arg18[%dma_wait3A_202] : memref<10240xf32, #tpu.memory_space<vmem_shared>> -> memref<128xf32, #tpu.memory_space<vmem_shared>>
    %dma_wait3A_204 = arith.constant 0 : i32
    %dma_wait3A_205 = tpu.memref_slice %arg18[%dma_wait3A_204] : memref<10240xf32, #tpu.memory_space<vmem_shared>> -> memref<128xf32, #tpu.memory_space<vmem_shared>>
    tpu.wait_dma2 semaphore(%arg20 : memref<!tpu.dma_semaphore, #tpu.memory_space<semaphore_mem>>) src(%arg16 : memref<128xf32, #tpu.memory_space<vmem>>) dst(%dma_wait3A_205 : memref<128xf32, #tpu.memory_space<vmem_shared>>)
    %dma_wait3A_206 = arith.constant 0 : i32
    %dma_wait3A_207 = tpu.memref_slice %arg18[%dma_wait3A_206] : memref<10240xf32, #tpu.memory_space<vmem_shared>> -> memref<128xf32, #tpu.memory_space<vmem_shared>>
    %dma_wait3A_208 = arith.constant 0 : i32
    %dma_wait3A_209 = tpu.memref_slice %arg18[%dma_wait3A_208] : memref<10240xf32, #tpu.memory_space<vmem_shared>> -> memref<128xf32, #tpu.memory_space<vmem_shared>>
    tpu.wait_dma2 semaphore(%arg20 : memref<!tpu.dma_semaphore, #tpu.memory_space<semaphore_mem>>) src(%arg16 : memref<128xf32, #tpu.memory_space<vmem>>) dst(%dma_wait3A_209 : memref<128xf32, #tpu.memory_space<vmem_shared>>)
    %dma_wait3A_210 = arith.constant 0 : i32
    %dma_wait3A_211 = tpu.memref_slice %arg18[%dma_wait3A_210] : memref<10240xf32, #tpu.memory_space<vmem_shared>> -> memref<128xf32, #tpu.memory_space<vmem_shared>>
    %dma_wait3A_212 = arith.constant 0 : i32
    %dma_wait3A_213 = tpu.memref_slice %arg18[%dma_wait3A_212] : memref<10240xf32, #tpu.memory_space<vmem_shared>> -> memref<128xf32, #tpu.memory_space<vmem_shared>>
    tpu.wait_dma2 semaphore(%arg20 : memref<!tpu.dma_semaphore, #tpu.memory_space<semaphore_mem>>) src(%arg16 : memref<128xf32, #tpu.memory_space<vmem>>) dst(%dma_wait3A_213 : memref<128xf32, #tpu.memory_space<vmem_shared>>)
    %dma_wait3A_214 = arith.constant 0 : i32
    %dma_wait3A_215 = tpu.memref_slice %arg18[%dma_wait3A_214] : memref<10240xf32, #tpu.memory_space<vmem_shared>> -> memref<128xf32, #tpu.memory_space<vmem_shared>>
    %dma_wait3A_216 = arith.constant 0 : i32
    %dma_wait3A_217 = tpu.memref_slice %arg18[%dma_wait3A_216] : memref<10240xf32, #tpu.memory_space<vmem_shared>> -> memref<128xf32, #tpu.memory_space<vmem_shared>>
    tpu.wait_dma2 semaphore(%arg20 : memref<!tpu.dma_semaphore, #tpu.memory_space<semaphore_mem>>) src(%arg16 : memref<128xf32, #tpu.memory_space<vmem>>) dst(%dma_wait3A_217 : memref<128xf32, #tpu.memory_space<vmem_shared>>)
    %dma_wait3A_218 = arith.constant 0 : i32
    %dma_wait3A_219 = tpu.memref_slice %arg18[%dma_wait3A_218] : memref<10240xf32, #tpu.memory_space<vmem_shared>> -> memref<128xf32, #tpu.memory_space<vmem_shared>>
    %dma_wait3A_220 = arith.constant 0 : i32
    %dma_wait3A_221 = tpu.memref_slice %arg18[%dma_wait3A_220] : memref<10240xf32, #tpu.memory_space<vmem_shared>> -> memref<128xf32, #tpu.memory_space<vmem_shared>>
    tpu.wait_dma2 semaphore(%arg20 : memref<!tpu.dma_semaphore, #tpu.memory_space<semaphore_mem>>) src(%arg16 : memref<128xf32, #tpu.memory_space<vmem>>) dst(%dma_wait3A_221 : memref<128xf32, #tpu.memory_space<vmem_shared>>)
    %dma_wait3A_222 = arith.constant 0 : i32
    %dma_wait3A_223 = tpu.memref_slice %arg19[%dma_wait3A_222] : memref<10240xf32, #tpu.memory_space<vmem_shared>> -> memref<640xf32, #tpu.memory_space<vmem_shared>>
    %dma_wait3A_224 = arith.constant 0 : i32
    %dma_wait3A_225 = tpu.memref_slice %arg5[%dma_wait3A_224] : memref<10240xf32, #tpu.memory_space<hbm>> -> memref<640xf32, #tpu.memory_space<hbm>>
    tpu.wait_dma2 semaphore(%arg21 : memref<!tpu.dma_semaphore, #tpu.memory_space<semaphore_mem>>) src(%dma_wait3A_225 : memref<640xf32, #tpu.memory_space<hbm>>) dst(%dma_wait3A_223 : memref<640xf32, #tpu.memory_space<vmem_shared>>)
    %dma_start3A_226 = arith.constant 0 : i32
    %dma_start3A_227 = arith.constant 0 : i32
    %dma_start3A_228 = arith.constant 0 : i32
    %dma_start3A_229 = tpu.memref_slice %arg8[%dma_start3A_226, %dma_start3A_227, %dma_start3A_228] : memref<8x1x128xi32, #tpu.memory_space<vmem>> -> memref<1x1x128xi32, #tpu.memory_space<vmem>>
    %dma_start3A_230 = tpu.memref_squeeze %dma_start3A_229 : memref<1x1x128xi32, #tpu.memory_space<vmem>> -> memref<128xi32, #tpu.memory_space<vmem>>
    %dma_start3A_231 = arith.constant 0 : i32
    %dma_start3A_232 = arith.constant 0 : i32
    %dma_start3A_233 = tpu.memref_slice %arg4[%dma_start3A_231, %dma_start3A_232] : memref<10240x128xf32, #tpu.memory_space<hbm>> -> memref<10240x128xf32, #tpu.memory_space<hbm>>
    tpu.enqueue_indirect_dma source(%dma_start3A_233 : memref<10240x128xf32, #tpu.memory_space<hbm>>) target(%arg12 : memref<128x128xf32, #tpu.memory_space<vmem>>) offsets(%dma_start3A_230 : memref<128xi32, #tpu.memory_space<vmem>>) semaphore(%arg20 : memref<!tpu.dma_semaphore, #tpu.memory_space<semaphore_mem>>)
    %barrier3A = arith.constant 0 : index
    tpu.barrier barrier_id(%barrier3A)
    %dma_start3A_234 = arith.constant 0 : i32
    %dma_start3A_235 = arith.constant 0 : i32
    %dma_start3A_236 = arith.constant 0 : i32
    %dma_start3A_237 = tpu.memref_slice %arg10[%dma_start3A_234, %dma_start3A_235, %dma_start3A_236] : memref<8x1x128xi32, #tpu.memory_space<vmem>> -> memref<1x1x128xi32, #tpu.memory_space<vmem>>
    %dma_start3A_238 = tpu.memref_squeeze %dma_start3A_237 : memref<1x1x128xi32, #tpu.memory_space<vmem>> -> memref<128xi32, #tpu.memory_space<vmem>>
    %dma_start3A_239 = arith.constant 0 : i32
    %dma_start3A_240 = tpu.memref_slice %arg19[%dma_start3A_239] : memref<10240xf32, #tpu.memory_space<vmem_shared>> -> memref<10240xf32, #tpu.memory_space<vmem_shared>>
    tpu.enqueue_indirect_dma source(%dma_start3A_240 : memref<10240xf32, #tpu.memory_space<vmem_shared>>) target(%arg14 : memref<128xf32, #tpu.memory_space<vmem>>) offsets(%dma_start3A_238 : memref<128xi32, #tpu.memory_space<vmem>>) semaphore(%arg22 : memref<!tpu.dma_semaphore, #tpu.memory_space<semaphore_mem>>)
    %scan3A_241 = arith.constant 0 : i32
    %scan3A_242 = arith.constant 0 : i32
    %scan3A_243 = arith.constant 5 : i32
    %scan3A_244 = arith.addi %scan3A_242, %scan3A_243 : i32
    %scan3A_245 = arith.constant 1 : i32
    scf.for %scan3A_257 = %scan3A_242 to %scan3A_244 step %scan3A_245  : i32 {
      %mul3A_258 = arith.constant 2 : i32
      %mul3A_259 = arith.muli %mul3A_258, %scan3A_257 : i32
      %dma_start3A_260 = arith.constant 1 : i32
      %dma_start3A_261 = arith.constant 0 : i32
      %dma_start3A_262 = arith.constant 0 : i32
      %dma_start3A_263 = tpu.memref_slice %arg8[%dma_start3A_260, %dma_start3A_261, %dma_start3A_262] : memref<8x1x128xi32, #tpu.memory_space<vmem>> -> memref<1x1x128xi32, #tpu.memory_space<vmem>>
      %dma_start3A_264 = tpu.memref_squeeze %dma_start3A_263 : memref<1x1x128xi32, #tpu.memory_space<vmem>> -> memref<128xi32, #tpu.memory_space<vmem>>
      %dma_start3A_265 = arith.constant 0 : i32
      %dma_start3A_266 = arith.constant 0 : i32
      %dma_start3A_267 = tpu.memref_slice %arg4[%dma_start3A_265, %dma_start3A_266] : memref<10240x128xf32, #tpu.memory_space<hbm>> -> memref<10240x128xf32, #tpu.memory_space<hbm>>
      tpu.enqueue_indirect_dma source(%dma_start3A_267 : memref<10240x128xf32, #tpu.memory_space<hbm>>) target(%arg13 : memref<128x128xf32, #tpu.memory_space<vmem>>) offsets(%dma_start3A_264 : memref<128xi32, #tpu.memory_space<vmem>>) semaphore(%arg21 : memref<!tpu.dma_semaphore, #tpu.memory_space<semaphore_mem>>)
      %dma_start3A_268 = arith.constant 1 : i32
      %dma_start3A_269 = arith.constant 0 : i32
      %dma_start3A_270 = arith.constant 0 : i32
      %dma_start3A_271 = tpu.memref_slice %arg10[%dma_start3A_268, %dma_start3A_269, %dma_start3A_270] : memref<8x1x128xi32, #tpu.memory_space<vmem>> -> memref<1x1x128xi32, #tpu.memory_space<vmem>>
      %dma_start3A_272 = tpu.memref_squeeze %dma_start3A_271 : memref<1x1x128xi32, #tpu.memory_space<vmem>> -> memref<128xi32, #tpu.memory_space<vmem>>
      %dma_start3A_273 = arith.constant 0 : i32
      %dma_start3A_274 = tpu.memref_slice %arg19[%dma_start3A_273] : memref<10240xf32, #tpu.memory_space<vmem_shared>> -> memref<10240xf32, #tpu.memory_space<vmem_shared>>
      tpu.enqueue_indirect_dma source(%dma_start3A_274 : memref<10240xf32, #tpu.memory_space<vmem_shared>>) target(%arg15 : memref<128xf32, #tpu.memory_space<vmem>>) offsets(%dma_start3A_272 : memref<128xi32, #tpu.memory_space<vmem>>) semaphore(%arg23 : memref<!tpu.dma_semaphore, #tpu.memory_space<semaphore_mem>>)
      %dma_wait3A_275 = arith.constant 0 : i32
      %dma_wait3A_276 = arith.constant 0 : i32
      %dma_wait3A_277 = tpu.memref_slice %arg4[%dma_wait3A_275, %dma_wait3A_276] : memref<10240x128xf32, #tpu.memory_space<hbm>> -> memref<128x128xf32, #tpu.memory_space<hbm>>
      %dma_wait3A_278 = arith.constant 0 : i32
      %dma_wait3A_279 = arith.constant 0 : i32
      %dma_wait3A_280 = tpu.memref_slice %arg4[%dma_wait3A_278, %dma_wait3A_279] : memref<10240x128xf32, #tpu.memory_space<hbm>> -> memref<128x128xf32, #tpu.memory_space<hbm>>
      tpu.wait_dma2 semaphore(%arg20 : memref<!tpu.dma_semaphore, #tpu.memory_space<semaphore_mem>>) src(%dma_wait3A_280 : memref<128x128xf32, #tpu.memory_space<hbm>>) dst(%arg12 : memref<128x128xf32, #tpu.memory_space<vmem>>)
      %dma_wait3A_281 = arith.constant 0 : i32
      %dma_wait3A_282 = tpu.memref_slice %arg19[%dma_wait3A_281] : memref<10240xf32, #tpu.memory_space<vmem_shared>> -> memref<128xf32, #tpu.memory_space<vmem_shared>>
      %dma_wait3A_283 = arith.constant 0 : i32
      %dma_wait3A_284 = tpu.memref_slice %arg19[%dma_wait3A_283] : memref<10240xf32, #tpu.memory_space<vmem_shared>> -> memref<128xf32, #tpu.memory_space<vmem_shared>>
      tpu.wait_dma2 semaphore(%arg22 : memref<!tpu.dma_semaphore, #tpu.memory_space<semaphore_mem>>) src(%dma_wait3A_284 : memref<128xf32, #tpu.memory_space<vmem_shared>>) dst(%arg14 : memref<128xf32, #tpu.memory_space<vmem>>)
      %run_scoped3A = arith.constant 0 : i32
      %run_scoped3A_285 = arith.constant 0 : i32
      "tpu.region"() ({
        %run_scoped3A_722 = tpu.sem_alloc : memref<!tpu.dma_semaphore, #tpu.memory_space<semaphore_mem>>
        %dma_start3A_723 = arith.constant 0 : i32
        %dma_start3A_724 = tpu.memref_slice %arg10[%run_scoped3A, %run_scoped3A_285, %dma_start3A_723] : memref<8x1x128xi32, #tpu.memory_space<vmem>> -> memref<1x1x128xi32, #tpu.memory_space<vmem>>
        %dma_start3A_725 = tpu.memref_squeeze %dma_start3A_724 : memref<1x1x128xi32, #tpu.memory_space<vmem>> -> memref<128xi32, #tpu.memory_space<vmem>>
        %dma_start3A_726 = arith.constant 0 : i32
        %dma_start3A_727 = arith.constant 0 : i32
        %dma_start3A_728 = tpu.memref_slice %arg17[%dma_start3A_726, %dma_start3A_727] : memref<10240x128xf32, #tpu.memory_space<vmem_shared>> -> memref<10240x128xf32, #tpu.memory_space<vmem_shared>>
        tpu.enqueue_indirect_dma source(%arg12 : memref<128x128xf32, #tpu.memory_space<vmem>>) target(%dma_start3A_728 : memref<10240x128xf32, #tpu.memory_space<vmem_shared>>) offsets(%dma_start3A_725 : memref<128xi32, #tpu.memory_space<vmem>>) semaphore(%run_scoped3A_722 : memref<!tpu.dma_semaphore, #tpu.memory_space<semaphore_mem>>) {add = true}
        %dma_wait3A_729 = arith.constant 0 : i32
        %dma_wait3A_730 = tpu.memref_slice %arg10[%run_scoped3A, %run_scoped3A_285, %dma_wait3A_729] : memref<8x1x128xi32, #tpu.memory_space<vmem>> -> memref<1x1x128xi32, #tpu.memory_space<vmem>>
        %dma_wait3A_731 = tpu.memref_squeeze %dma_wait3A_730 : memref<1x1x128xi32, #tpu.memory_space<vmem>> -> memref<128xi32, #tpu.memory_space<vmem>>
        %dma_wait3A_732 = arith.constant 0 : i32
        %dma_wait3A_733 = arith.constant 0 : i32
        %dma_wait3A_734 = tpu.memref_slice %arg17[%dma_wait3A_732, %dma_wait3A_733] : memref<10240x128xf32, #tpu.memory_space<vmem_shared>> -> memref<10240x128xf32, #tpu.memory_space<vmem_shared>>
        tpu.wait_indirect_dma semaphore(%run_scoped3A_722 : memref<!tpu.dma_semaphore, #tpu.memory_space<semaphore_mem>>) src(%arg12 : memref<128x128xf32, #tpu.memory_space<vmem>>) dst(%dma_wait3A_734 : memref<10240x128xf32, #tpu.memory_space<vmem_shared>>)
        tpu.yield
      }) : () -> ()
      %run_scoped3A_286 = arith.constant 0 : i32
      %run_scoped3A_287 = arith.constant 0 : i32
      "tpu.region"() ({
        %run_scoped3A_722 = tpu.sem_alloc : memref<!tpu.dma_semaphore, #tpu.memory_space<semaphore_mem>>
        %dma_start3A_723 = arith.constant 0 : i32
        %dma_start3A_724 = tpu.memref_slice %arg8[%run_scoped3A_286, %run_scoped3A_287, %dma_start3A_723] : memref<8x1x128xi32, #tpu.memory_space<vmem>> -> memref<1x1x128xi32, #tpu.memory_space<vmem>>
        %dma_start3A_725 = tpu.memref_squeeze %dma_start3A_724 : memref<1x1x128xi32, #tpu.memory_space<vmem>> -> memref<128xi32, #tpu.memory_space<vmem>>
        %dma_start3A_726 = arith.constant 0 : i32
        %dma_start3A_727 = tpu.memref_slice %arg18[%dma_start3A_726] : memref<10240xf32, #tpu.memory_space<vmem_shared>> -> memref<10240xf32, #tpu.memory_space<vmem_shared>>
        tpu.enqueue_indirect_dma source(%arg14 : memref<128xf32, #tpu.memory_space<vmem>>) target(%dma_start3A_727 : memref<10240xf32, #tpu.memory_space<vmem_shared>>) offsets(%dma_start3A_725 : memref<128xi32, #tpu.memory_space<vmem>>) semaphore(%run_scoped3A_722 : memref<!tpu.dma_semaphore, #tpu.memory_space<semaphore_mem>>) {add = true}
        %dma_wait3A_728 = arith.constant 0 : i32
        %dma_wait3A_729 = tpu.memref_slice %arg8[%run_scoped3A_286, %run_scoped3A_287, %dma_wait3A_728] : memref<8x1x128xi32, #tpu.memory_space<vmem>> -> memref<1x1x128xi32, #tpu.memory_space<vmem>>
        %dma_wait3A_730 = tpu.memref_squeeze %dma_wait3A_729 : memref<1x1x128xi32, #tpu.memory_space<vmem>> -> memref<128xi32, #tpu.memory_space<vmem>>
        %dma_wait3A_731 = arith.constant 0 : i32
        %dma_wait3A_732 = tpu.memref_slice %arg18[%dma_wait3A_731] : memref<10240xf32, #tpu.memory_space<vmem_shared>> -> memref<10240xf32, #tpu.memory_space<vmem_shared>>
        tpu.wait_indirect_dma semaphore(%run_scoped3A_722 : memref<!tpu.dma_semaphore, #tpu.memory_space<semaphore_mem>>) src(%arg14 : memref<128xf32, #tpu.memory_space<vmem>>) dst(%dma_wait3A_732 : memref<10240xf32, #tpu.memory_space<vmem_shared>>)
        tpu.yield
      }) : () -> ()
      %dma_start3A_288 = arith.constant 2 : i32
      %dma_start3A_289 = arith.constant 0 : i32
      %dma_start3A_290 = arith.constant 0 : i32
      %dma_start3A_291 = tpu.memref_slice %arg8[%dma_start3A_288, %dma_start3A_289, %dma_start3A_290] : memref<8x1x128xi32, #tpu.memory_space<vmem>> -> memref<1x1x128xi32, #tpu.memory_space<vmem>>
      %dma_start3A_292 = tpu.memref_squeeze %dma_start3A_291 : memref<1x1x128xi32, #tpu.memory_space<vmem>> -> memref<128xi32, #tpu.memory_space<vmem>>
      %dma_start3A_293 = arith.constant 0 : i32
      %dma_start3A_294 = arith.constant 0 : i32
      %dma_start3A_295 = tpu.memref_slice %arg4[%dma_start3A_293, %dma_start3A_294] : memref<10240x128xf32, #tpu.memory_space<hbm>> -> memref<10240x128xf32, #tpu.memory_space<hbm>>
      tpu.enqueue_indirect_dma source(%dma_start3A_295 : memref<10240x128xf32, #tpu.memory_space<hbm>>) target(%arg12 : memref<128x128xf32, #tpu.memory_space<vmem>>) offsets(%dma_start3A_292 : memref<128xi32, #tpu.memory_space<vmem>>) semaphore(%arg20 : memref<!tpu.dma_semaphore, #tpu.memory_space<semaphore_mem>>)
      %dma_start3A_296 = arith.constant 2 : i32
      %dma_start3A_297 = arith.constant 0 : i32
      %dma_start3A_298 = arith.constant 0 : i32
      %dma_start3A_299 = tpu.memref_slice %arg10[%dma_start3A_296, %dma_start3A_297, %dma_start3A_298] : memref<8x1x128xi32, #tpu.memory_space<vmem>> -> memref<1x1x128xi32, #tpu.memory_space<vmem>>
      %dma_start3A_300 = tpu.memref_squeeze %dma_start3A_299 : memref<1x1x128xi32, #tpu.memory_space<vmem>> -> memref<128xi32, #tpu.memory_space<vmem>>
      %dma_start3A_301 = arith.constant 0 : i32
      %dma_start3A_302 = tpu.memref_slice %arg19[%dma_start3A_301] : memref<10240xf32, #tpu.memory_space<vmem_shared>> -> memref<10240xf32, #tpu.memory_space<vmem_shared>>
      tpu.enqueue_indirect_dma source(%dma_start3A_302 : memref<10240xf32, #tpu.memory_space<vmem_shared>>) target(%arg14 : memref<128xf32, #tpu.memory_space<vmem>>) offsets(%dma_start3A_300 : memref<128xi32, #tpu.memory_space<vmem>>) semaphore(%arg22 : memref<!tpu.dma_semaphore, #tpu.memory_space<semaphore_mem>>)
      %dma_wait3A_303 = arith.constant 0 : i32
      %dma_wait3A_304 = arith.constant 0 : i32
      %dma_wait3A_305 = tpu.memref_slice %arg4[%dma_wait3A_303, %dma_wait3A_304] : memref<10240x128xf32, #tpu.memory_space<hbm>> -> memref<128x128xf32, #tpu.memory_space<hbm>>
      %dma_wait3A_306 = arith.constant 0 : i32
      %dma_wait3A_307 = arith.constant 0 : i32
      %dma_wait3A_308 = tpu.memref_slice %arg4[%dma_wait3A_306, %dma_wait3A_307] : memref<10240x128xf32, #tpu.memory_space<hbm>> -> memref<128x128xf32, #tpu.memory_space<hbm>>
      tpu.wait_dma2 semaphore(%arg21 : memref<!tpu.dma_semaphore, #tpu.memory_space<semaphore_mem>>) src(%dma_wait3A_308 : memref<128x128xf32, #tpu.memory_space<hbm>>) dst(%arg13 : memref<128x128xf32, #tpu.memory_space<vmem>>)
      %dma_wait3A_309 = arith.constant 0 : i32
      %dma_wait3A_310 = tpu.memref_slice %arg19[%dma_wait3A_309] : memref<10240xf32, #tpu.memory_space<vmem_shared>> -> memref<128xf32, #tpu.memory_space<vmem_shared>>
      %dma_wait3A_311 = arith.constant 0 : i32
      %dma_wait3A_312 = tpu.memref_slice %arg19[%dma_wait3A_311] : memref<10240xf32, #tpu.memory_space<vmem_shared>> -> memref<128xf32, #tpu.memory_space<vmem_shared>>
      tpu.wait_dma2 semaphore(%arg23 : memref<!tpu.dma_semaphore, #tpu.memory_space<semaphore_mem>>) src(%dma_wait3A_312 : memref<128xf32, #tpu.memory_space<vmem_shared>>) dst(%arg15 : memref<128xf32, #tpu.memory_space<vmem>>)
      %run_scoped3A_313 = arith.constant 1 : i32
      %run_scoped3A_314 = arith.constant 0 : i32
      "tpu.region"() ({
        %run_scoped3A_722 = tpu.sem_alloc : memref<!tpu.dma_semaphore, #tpu.memory_space<semaphore_mem>>
        %dma_start3A_723 = arith.constant 0 : i32
        %dma_start3A_724 = tpu.memref_slice %arg10[%run_scoped3A_313, %run_scoped3A_314, %dma_start3A_723] : memref<8x1x128xi32, #tpu.memory_space<vmem>> -> memref<1x1x128xi32, #tpu.memory_space<vmem>>
        %dma_start3A_725 = tpu.memref_squeeze %dma_start3A_724 : memref<1x1x128xi32, #tpu.memory_space<vmem>> -> memref<128xi32, #tpu.memory_space<vmem>>
        %dma_start3A_726 = arith.constant 0 : i32
        %dma_start3A_727 = arith.constant 0 : i32
        %dma_start3A_728 = tpu.memref_slice %arg17[%dma_start3A_726, %dma_start3A_727] : memref<10240x128xf32, #tpu.memory_space<vmem_shared>> -> memref<10240x128xf32, #tpu.memory_space<vmem_shared>>
        tpu.enqueue_indirect_dma source(%arg13 : memref<128x128xf32, #tpu.memory_space<vmem>>) target(%dma_start3A_728 : memref<10240x128xf32, #tpu.memory_space<vmem_shared>>) offsets(%dma_start3A_725 : memref<128xi32, #tpu.memory_space<vmem>>) semaphore(%run_scoped3A_722 : memref<!tpu.dma_semaphore, #tpu.memory_space<semaphore_mem>>) {add = true}
        %dma_wait3A_729 = arith.constant 0 : i32
        %dma_wait3A_730 = tpu.memref_slice %arg10[%run_scoped3A_313, %run_scoped3A_314, %dma_wait3A_729] : memref<8x1x128xi32, #tpu.memory_space<vmem>> -> memref<1x1x128xi32, #tpu.memory_space<vmem>>
        %dma_wait3A_731 = tpu.memref_squeeze %dma_wait3A_730 : memref<1x1x128xi32, #tpu.memory_space<vmem>> -> memref<128xi32, #tpu.memory_space<vmem>>
        %dma_wait3A_732 = arith.constant 0 : i32
        %dma_wait3A_733 = arith.constant 0 : i32
        %dma_wait3A_734 = tpu.memref_slice %arg17[%dma_wait3A_732, %dma_wait3A_733] : memref<10240x128xf32, #tpu.memory_space<vmem_shared>> -> memref<10240x128xf32, #tpu.memory_space<vmem_shared>>
        tpu.wait_indirect_dma semaphore(%run_scoped3A_722 : memref<!tpu.dma_semaphore, #tpu.memory_space<semaphore_mem>>) src(%arg13 : memref<128x128xf32, #tpu.memory_space<vmem>>) dst(%dma_wait3A_734 : memref<10240x128xf32, #tpu.memory_space<vmem_shared>>)
        tpu.yield
      }) : () -> ()
      %run_scoped3A_315 = arith.constant 1 : i32
      %run_scoped3A_316 = arith.constant 0 : i32
      "tpu.region"() ({
        %run_scoped3A_722 = tpu.sem_alloc : memref<!tpu.dma_semaphore, #tpu.memory_space<semaphore_mem>>
        %dma_start3A_723 = arith.constant 0 : i32
        %dma_start3A_724 = tpu.memref_slice %arg8[%run_scoped3A_315, %run_scoped3A_316, %dma_start3A_723] : memref<8x1x128xi32, #tpu.memory_space<vmem>> -> memref<1x1x128xi32, #tpu.memory_space<vmem>>
        %dma_start3A_725 = tpu.memref_squeeze %dma_start3A_724 : memref<1x1x128xi32, #tpu.memory_space<vmem>> -> memref<128xi32, #tpu.memory_space<vmem>>
        %dma_start3A_726 = arith.constant 0 : i32
        %dma_start3A_727 = tpu.memref_slice %arg18[%dma_start3A_726] : memref<10240xf32, #tpu.memory_space<vmem_shared>> -> memref<10240xf32, #tpu.memory_space<vmem_shared>>
        tpu.enqueue_indirect_dma source(%arg15 : memref<128xf32, #tpu.memory_space<vmem>>) target(%dma_start3A_727 : memref<10240xf32, #tpu.memory_space<vmem_shared>>) offsets(%dma_start3A_725 : memref<128xi32, #tpu.memory_space<vmem>>) semaphore(%run_scoped3A_722 : memref<!tpu.dma_semaphore, #tpu.memory_space<semaphore_mem>>) {add = true}
        %dma_wait3A_728 = arith.constant 0 : i32
        %dma_wait3A_729 = tpu.memref_slice %arg8[%run_scoped3A_315, %run_scoped3A_316, %dma_wait3A_728] : memref<8x1x128xi32, #tpu.memory_space<vmem>> -> memref<1x1x128xi32, #tpu.memory_space<vmem>>
        %dma_wait3A_730 = tpu.memref_squeeze %dma_wait3A_729 : memref<1x1x128xi32, #tpu.memory_space<vmem>> -> memref<128xi32, #tpu.memory_space<vmem>>
        %dma_wait3A_731 = arith.constant 0 : i32
        %dma_wait3A_732 = tpu.memref_slice %arg18[%dma_wait3A_731] : memref<10240xf32, #tpu.memory_space<vmem_shared>> -> memref<10240xf32, #tpu.memory_space<vmem_shared>>
        tpu.wait_indirect_dma semaphore(%run_scoped3A_722 : memref<!tpu.dma_semaphore, #tpu.memory_space<semaphore_mem>>) src(%arg15 : memref<128xf32, #tpu.memory_space<vmem>>) dst(%dma_wait3A_732 : memref<10240xf32, #tpu.memory_space<vmem_shared>>)
        tpu.yield
      }) : () -> ()
      %dma_start3A_317 = arith.constant 3 : i32
      %dma_start3A_318 = arith.constant 0 : i32
      %dma_start3A_319 = arith.constant 0 : i32
      %dma_start3A_320 = tpu.memref_slice %arg8[%dma_start3A_317, %dma_start3A_318, %dma_start3A_319] : memref<8x1x128xi32, #tpu.memory_space<vmem>> -> memref<1x1x128xi32, #tpu.memory_space<vmem>>
      %dma_start3A_321 = tpu.memref_squeeze %dma_start3A_320 : memref<1x1x128xi32, #tpu.memory_space<vmem>> -> memref<128xi32, #tpu.memory_space<vmem>>
      %dma_start3A_322 = arith.constant 0 : i32
      %dma_start3A_323 = arith.constant 0 : i32
      %dma_start3A_324 = tpu.memref_slice %arg4[%dma_start3A_322, %dma_start3A_323] : memref<10240x128xf32, #tpu.memory_space<hbm>> -> memref<10240x128xf32, #tpu.memory_space<hbm>>
      tpu.enqueue_indirect_dma source(%dma_start3A_324 : memref<10240x128xf32, #tpu.memory_space<hbm>>) target(%arg13 : memref<128x128xf32, #tpu.memory_space<vmem>>) offsets(%dma_start3A_321 : memref<128xi32, #tpu.memory_space<vmem>>) semaphore(%arg21 : memref<!tpu.dma_semaphore, #tpu.memory_space<semaphore_mem>>)
      %dma_start3A_325 = arith.constant 3 : i32
      %dma_start3A_326 = arith.constant 0 : i32
      %dma_start3A_327 = arith.constant 0 : i32
      %dma_start3A_328 = tpu.memref_slice %arg10[%dma_start3A_325, %dma_start3A_326, %dma_start3A_327] : memref<8x1x128xi32, #tpu.memory_space<vmem>> -> memref<1x1x128xi32, #tpu.memory_space<vmem>>
      %dma_start3A_329 = tpu.memref_squeeze %dma_start3A_328 : memref<1x1x128xi32, #tpu.memory_space<vmem>> -> memref<128xi32, #tpu.memory_space<vmem>>
      %dma_start3A_330 = arith.constant 0 : i32
      %dma_start3A_331 = tpu.memref_slice %arg19[%dma_start3A_330] : memref<10240xf32, #tpu.memory_space<vmem_shared>> -> memref<10240xf32, #tpu.memory_space<vmem_shared>>
      tpu.enqueue_indirect_dma source(%dma_start3A_331 : memref<10240xf32, #tpu.memory_space<vmem_shared>>) target(%arg15 : memref<128xf32, #tpu.memory_space<vmem>>) offsets(%dma_start3A_329 : memref<128xi32, #tpu.memory_space<vmem>>) semaphore(%arg23 : memref<!tpu.dma_semaphore, #tpu.memory_space<semaphore_mem>>)
      %dma_wait3A_332 = arith.constant 0 : i32
      %dma_wait3A_333 = arith.constant 0 : i32
      %dma_wait3A_334 = tpu.memref_slice %arg4[%dma_wait3A_332, %dma_wait3A_333] : memref<10240x128xf32, #tpu.memory_space<hbm>> -> memref<128x128xf32, #tpu.memory_space<hbm>>
      %dma_wait3A_335 = arith.constant 0 : i32
      %dma_wait3A_336 = arith.constant 0 : i32
      %dma_wait3A_337 = tpu.memref_slice %arg4[%dma_wait3A_335, %dma_wait3A_336] : memref<10240x128xf32, #tpu.memory_space<hbm>> -> memref<128x128xf32, #tpu.memory_space<hbm>>
      tpu.wait_dma2 semaphore(%arg20 : memref<!tpu.dma_semaphore, #tpu.memory_space<semaphore_mem>>) src(%dma_wait3A_337 : memref<128x128xf32, #tpu.memory_space<hbm>>) dst(%arg12 : memref<128x128xf32, #tpu.memory_space<vmem>>)
      %dma_wait3A_338 = arith.constant 0 : i32
      %dma_wait3A_339 = tpu.memref_slice %arg19[%dma_wait3A_338] : memref<10240xf32, #tpu.memory_space<vmem_shared>> -> memref<128xf32, #tpu.memory_space<vmem_shared>>
      %dma_wait3A_340 = arith.constant 0 : i32
      %dma_wait3A_341 = tpu.memref_slice %arg19[%dma_wait3A_340] : memref<10240xf32, #tpu.memory_space<vmem_shared>> -> memref<128xf32, #tpu.memory_space<vmem_shared>>
      tpu.wait_dma2 semaphore(%arg22 : memref<!tpu.dma_semaphore, #tpu.memory_space<semaphore_mem>>) src(%dma_wait3A_341 : memref<128xf32, #tpu.memory_space<vmem_shared>>) dst(%arg14 : memref<128xf32, #tpu.memory_space<vmem>>)
      %run_scoped3A_342 = arith.constant 2 : i32
      %run_scoped3A_343 = arith.constant 0 : i32
      "tpu.region"() ({
        %run_scoped3A_722 = tpu.sem_alloc : memref<!tpu.dma_semaphore, #tpu.memory_space<semaphore_mem>>
        %dma_start3A_723 = arith.constant 0 : i32
        %dma_start3A_724 = tpu.memref_slice %arg10[%run_scoped3A_342, %run_scoped3A_343, %dma_start3A_723] : memref<8x1x128xi32, #tpu.memory_space<vmem>> -> memref<1x1x128xi32, #tpu.memory_space<vmem>>
        %dma_start3A_725 = tpu.memref_squeeze %dma_start3A_724 : memref<1x1x128xi32, #tpu.memory_space<vmem>> -> memref<128xi32, #tpu.memory_space<vmem>>
        %dma_start3A_726 = arith.constant 0 : i32
        %dma_start3A_727 = arith.constant 0 : i32
        %dma_start3A_728 = tpu.memref_slice %arg17[%dma_start3A_726, %dma_start3A_727] : memref<10240x128xf32, #tpu.memory_space<vmem_shared>> -> memref<10240x128xf32, #tpu.memory_space<vmem_shared>>
        tpu.enqueue_indirect_dma source(%arg12 : memref<128x128xf32, #tpu.memory_space<vmem>>) target(%dma_start3A_728 : memref<10240x128xf32, #tpu.memory_space<vmem_shared>>) offsets(%dma_start3A_725 : memref<128xi32, #tpu.memory_space<vmem>>) semaphore(%run_scoped3A_722 : memref<!tpu.dma_semaphore, #tpu.memory_space<semaphore_mem>>) {add = true}
        %dma_wait3A_729 = arith.constant 0 : i32
        %dma_wait3A_730 = tpu.memref_slice %arg10[%run_scoped3A_342, %run_scoped3A_343, %dma_wait3A_729] : memref<8x1x128xi32, #tpu.memory_space<vmem>> -> memref<1x1x128xi32, #tpu.memory_space<vmem>>
        %dma_wait3A_731 = tpu.memref_squeeze %dma_wait3A_730 : memref<1x1x128xi32, #tpu.memory_space<vmem>> -> memref<128xi32, #tpu.memory_space<vmem>>
        %dma_wait3A_732 = arith.constant 0 : i32
        %dma_wait3A_733 = arith.constant 0 : i32
        %dma_wait3A_734 = tpu.memref_slice %arg17[%dma_wait3A_732, %dma_wait3A_733] : memref<10240x128xf32, #tpu.memory_space<vmem_shared>> -> memref<10240x128xf32, #tpu.memory_space<vmem_shared>>
        tpu.wait_indirect_dma semaphore(%run_scoped3A_722 : memref<!tpu.dma_semaphore, #tpu.memory_space<semaphore_mem>>) src(%arg12 : memref<128x128xf32, #tpu.memory_space<vmem>>) dst(%dma_wait3A_734 : memref<10240x128xf32, #tpu.memory_space<vmem_shared>>)
        tpu.yield
      }) : () -> ()
      %run_scoped3A_344 = arith.constant 2 : i32
      %run_scoped3A_345 = arith.constant 0 : i32
      "tpu.region"() ({
        %run_scoped3A_722 = tpu.sem_alloc : memref<!tpu.dma_semaphore, #tpu.memory_space<semaphore_mem>>
        %dma_start3A_723 = arith.constant 0 : i32
        %dma_start3A_724 = tpu.memref_slice %arg8[%run_scoped3A_344, %run_scoped3A_345, %dma_start3A_723] : memref<8x1x128xi32, #tpu.memory_space<vmem>> -> memref<1x1x128xi32, #tpu.memory_space<vmem>>
        %dma_start3A_725 = tpu.memref_squeeze %dma_start3A_724 : memref<1x1x128xi32, #tpu.memory_space<vmem>> -> memref<128xi32, #tpu.memory_space<vmem>>
        %dma_start3A_726 = arith.constant 0 : i32
        %dma_start3A_727 = tpu.memref_slice %arg18[%dma_start3A_726] : memref<10240xf32, #tpu.memory_space<vmem_shared>> -> memref<10240xf32, #tpu.memory_space<vmem_shared>>
        tpu.enqueue_indirect_dma source(%arg14 : memref<128xf32, #tpu.memory_space<vmem>>) target(%dma_start3A_727 : memref<10240xf32, #tpu.memory_space<vmem_shared>>) offsets(%dma_start3A_725 : memref<128xi32, #tpu.memory_space<vmem>>) semaphore(%run_scoped3A_722 : memref<!tpu.dma_semaphore, #tpu.memory_space<semaphore_mem>>) {add = true}
        %dma_wait3A_728 = arith.constant 0 : i32
        %dma_wait3A_729 = tpu.memref_slice %arg8[%run_scoped3A_344, %run_scoped3A_345, %dma_wait3A_728] : memref<8x1x128xi32, #tpu.memory_space<vmem>> -> memref<1x1x128xi32, #tpu.memory_space<vmem>>
        %dma_wait3A_730 = tpu.memref_squeeze %dma_wait3A_729 : memref<1x1x128xi32, #tpu.memory_space<vmem>> -> memref<128xi32, #tpu.memory_space<vmem>>
        %dma_wait3A_731 = arith.constant 0 : i32
        %dma_wait3A_732 = tpu.memref_slice %arg18[%dma_wait3A_731] : memref<10240xf32, #tpu.memory_space<vmem_shared>> -> memref<10240xf32, #tpu.memory_space<vmem_shared>>
        tpu.wait_indirect_dma semaphore(%run_scoped3A_722 : memref<!tpu.dma_semaphore, #tpu.memory_space<semaphore_mem>>) src(%arg14 : memref<128xf32, #tpu.memory_space<vmem>>) dst(%dma_wait3A_732 : memref<10240xf32, #tpu.memory_space<vmem_shared>>)
        tpu.yield
      }) : () -> ()
      %dma_start3A_346 = arith.constant 4 : i32
      %dma_start3A_347 = arith.constant 0 : i32
      %dma_start3A_348 = arith.constant 0 : i32
      %dma_start3A_349 = tpu.memref_slice %arg8[%dma_start3A_346, %dma_start3A_347, %dma_start3A_348] : memref<8x1x128xi32, #tpu.memory_space<vmem>> -> memref<1x1x128xi32, #tpu.memory_space<vmem>>
      %dma_start3A_350 = tpu.memref_squeeze %dma_start3A_349 : memref<1x1x128xi32, #tpu.memory_space<vmem>> -> memref<128xi32, #tpu.memory_space<vmem>>
      %dma_start3A_351 = arith.constant 0 : i32
      %dma_start3A_352 = arith.constant 0 : i32
      %dma_start3A_353 = tpu.memref_slice %arg4[%dma_start3A_351, %dma_start3A_352] : memref<10240x128xf32, #tpu.memory_space<hbm>> -> memref<10240x128xf32, #tpu.memory_space<hbm>>
      tpu.enqueue_indirect_dma source(%dma_start3A_353 : memref<10240x128xf32, #tpu.memory_space<hbm>>) target(%arg12 : memref<128x128xf32, #tpu.memory_space<vmem>>) offsets(%dma_start3A_350 : memref<128xi32, #tpu.memory_space<vmem>>) semaphore(%arg20 : memref<!tpu.dma_semaphore, #tpu.memory_space<semaphore_mem>>)
      %dma_start3A_354 = arith.constant 4 : i32
      %dma_start3A_355 = arith.constant 0 : i32
      %dma_start3A_356 = arith.constant 0 : i32
      %dma_start3A_357 = tpu.memref_slice %arg10[%dma_start3A_354, %dma_start3A_355, %dma_start3A_356] : memref<8x1x128xi32, #tpu.memory_space<vmem>> -> memref<1x1x128xi32, #tpu.memory_space<vmem>>
      %dma_start3A_358 = tpu.memref_squeeze %dma_start3A_357 : memref<1x1x128xi32, #tpu.memory_space<vmem>> -> memref<128xi32, #tpu.memory_space<vmem>>
      %dma_start3A_359 = arith.constant 0 : i32
      %dma_start3A_360 = tpu.memref_slice %arg19[%dma_start3A_359] : memref<10240xf32, #tpu.memory_space<vmem_shared>> -> memref<10240xf32, #tpu.memory_space<vmem_shared>>
      tpu.enqueue_indirect_dma source(%dma_start3A_360 : memref<10240xf32, #tpu.memory_space<vmem_shared>>) target(%arg14 : memref<128xf32, #tpu.memory_space<vmem>>) offsets(%dma_start3A_358 : memref<128xi32, #tpu.memory_space<vmem>>) semaphore(%arg22 : memref<!tpu.dma_semaphore, #tpu.memory_space<semaphore_mem>>)
      %dma_wait3A_361 = arith.constant 0 : i32
      %dma_wait3A_362 = arith.constant 0 : i32
      %dma_wait3A_363 = tpu.memref_slice %arg4[%dma_wait3A_361, %dma_wait3A_362] : memref<10240x128xf32, #tpu.memory_space<hbm>> -> memref<128x128xf32, #tpu.memory_space<hbm>>
      %dma_wait3A_364 = arith.constant 0 : i32
      %dma_wait3A_365 = arith.constant 0 : i32
      %dma_wait3A_366 = tpu.memref_slice %arg4[%dma_wait3A_364, %dma_wait3A_365] : memref<10240x128xf32, #tpu.memory_space<hbm>> -> memref<128x128xf32, #tpu.memory_space<hbm>>
      tpu.wait_dma2 semaphore(%arg21 : memref<!tpu.dma_semaphore, #tpu.memory_space<semaphore_mem>>) src(%dma_wait3A_366 : memref<128x128xf32, #tpu.memory_space<hbm>>) dst(%arg13 : memref<128x128xf32, #tpu.memory_space<vmem>>)
      %dma_wait3A_367 = arith.constant 0 : i32
      %dma_wait3A_368 = tpu.memref_slice %arg19[%dma_wait3A_367] : memref<10240xf32, #tpu.memory_space<vmem_shared>> -> memref<128xf32, #tpu.memory_space<vmem_shared>>
      %dma_wait3A_369 = arith.constant 0 : i32
      %dma_wait3A_370 = tpu.memref_slice %arg19[%dma_wait3A_369] : memref<10240xf32, #tpu.memory_space<vmem_shared>> -> memref<128xf32, #tpu.memory_space<vmem_shared>>
      tpu.wait_dma2 semaphore(%arg23 : memref<!tpu.dma_semaphore, #tpu.memory_space<semaphore_mem>>) src(%dma_wait3A_370 : memref<128xf32, #tpu.memory_space<vmem_shared>>) dst(%arg15 : memref<128xf32, #tpu.memory_space<vmem>>)
      %run_scoped3A_371 = arith.constant 3 : i32
      %run_scoped3A_372 = arith.constant 0 : i32
      "tpu.region"() ({
        %run_scoped3A_722 = tpu.sem_alloc : memref<!tpu.dma_semaphore, #tpu.memory_space<semaphore_mem>>
        %dma_start3A_723 = arith.constant 0 : i32
        %dma_start3A_724 = tpu.memref_slice %arg10[%run_scoped3A_371, %run_scoped3A_372, %dma_start3A_723] : memref<8x1x128xi32, #tpu.memory_space<vmem>> -> memref<1x1x128xi32, #tpu.memory_space<vmem>>
        %dma_start3A_725 = tpu.memref_squeeze %dma_start3A_724 : memref<1x1x128xi32, #tpu.memory_space<vmem>> -> memref<128xi32, #tpu.memory_space<vmem>>
        %dma_start3A_726 = arith.constant 0 : i32
        %dma_start3A_727 = arith.constant 0 : i32
        %dma_start3A_728 = tpu.memref_slice %arg17[%dma_start3A_726, %dma_start3A_727] : memref<10240x128xf32, #tpu.memory_space<vmem_shared>> -> memref<10240x128xf32, #tpu.memory_space<vmem_shared>>
        tpu.enqueue_indirect_dma source(%arg13 : memref<128x128xf32, #tpu.memory_space<vmem>>) target(%dma_start3A_728 : memref<10240x128xf32, #tpu.memory_space<vmem_shared>>) offsets(%dma_start3A_725 : memref<128xi32, #tpu.memory_space<vmem>>) semaphore(%run_scoped3A_722 : memref<!tpu.dma_semaphore, #tpu.memory_space<semaphore_mem>>) {add = true}
        %dma_wait3A_729 = arith.constant 0 : i32
        %dma_wait3A_730 = tpu.memref_slice %arg10[%run_scoped3A_371, %run_scoped3A_372, %dma_wait3A_729] : memref<8x1x128xi32, #tpu.memory_space<vmem>> -> memref<1x1x128xi32, #tpu.memory_space<vmem>>
        %dma_wait3A_731 = tpu.memref_squeeze %dma_wait3A_730 : memref<1x1x128xi32, #tpu.memory_space<vmem>> -> memref<128xi32, #tpu.memory_space<vmem>>
        %dma_wait3A_732 = arith.constant 0 : i32
        %dma_wait3A_733 = arith.constant 0 : i32
        %dma_wait3A_734 = tpu.memref_slice %arg17[%dma_wait3A_732, %dma_wait3A_733] : memref<10240x128xf32, #tpu.memory_space<vmem_shared>> -> memref<10240x128xf32, #tpu.memory_space<vmem_shared>>
        tpu.wait_indirect_dma semaphore(%run_scoped3A_722 : memref<!tpu.dma_semaphore, #tpu.memory_space<semaphore_mem>>) src(%arg13 : memref<128x128xf32, #tpu.memory_space<vmem>>) dst(%dma_wait3A_734 : memref<10240x128xf32, #tpu.memory_space<vmem_shared>>)
        tpu.yield
      }) : () -> ()
      %run_scoped3A_373 = arith.constant 3 : i32
      %run_scoped3A_374 = arith.constant 0 : i32
      "tpu.region"() ({
        %run_scoped3A_722 = tpu.sem_alloc : memref<!tpu.dma_semaphore, #tpu.memory_space<semaphore_mem>>
        %dma_start3A_723 = arith.constant 0 : i32
        %dma_start3A_724 = tpu.memref_slice %arg8[%run_scoped3A_373, %run_scoped3A_374, %dma_start3A_723] : memref<8x1x128xi32, #tpu.memory_space<vmem>> -> memref<1x1x128xi32, #tpu.memory_space<vmem>>
        %dma_start3A_725 = tpu.memref_squeeze %dma_start3A_724 : memref<1x1x128xi32, #tpu.memory_space<vmem>> -> memref<128xi32, #tpu.memory_space<vmem>>
        %dma_start3A_726 = arith.constant 0 : i32
        %dma_start3A_727 = tpu.memref_slice %arg18[%dma_start3A_726] : memref<10240xf32, #tpu.memory_space<vmem_shared>> -> memref<10240xf32, #tpu.memory_space<vmem_shared>>
        tpu.enqueue_indirect_dma source(%arg15 : memref<128xf32, #tpu.memory_space<vmem>>) target(%dma_start3A_727 : memref<10240xf32, #tpu.memory_space<vmem_shared>>) offsets(%dma_start3A_725 : memref<128xi32, #tpu.memory_space<vmem>>) semaphore(%run_scoped3A_722 : memref<!tpu.dma_semaphore, #tpu.memory_space<semaphore_mem>>) {add = true}
        %dma_wait3A_728 = arith.constant 0 : i32
        %dma_wait3A_729 = tpu.memref_slice %arg8[%run_scoped3A_373, %run_scoped3A_374, %dma_wait3A_728] : memref<8x1x128xi32, #tpu.memory_space<vmem>> -> memref<1x1x128xi32, #tpu.memory_space<vmem>>
        %dma_wait3A_730 = tpu.memref_squeeze %dma_wait3A_729 : memref<1x1x128xi32, #tpu.memory_space<vmem>> -> memref<128xi32, #tpu.memory_space<vmem>>
        %dma_wait3A_731 = arith.constant 0 : i32
        %dma_wait3A_732 = tpu.memref_slice %arg18[%dma_wait3A_731] : memref<10240xf32, #tpu.memory_space<vmem_shared>> -> memref<10240xf32, #tpu.memory_space<vmem_shared>>
        tpu.wait_indirect_dma semaphore(%run_scoped3A_722 : memref<!tpu.dma_semaphore, #tpu.memory_space<semaphore_mem>>) src(%arg15 : memref<128xf32, #tpu.memory_space<vmem>>) dst(%dma_wait3A_732 : memref<10240xf32, #tpu.memory_space<vmem_shared>>)
        tpu.yield
      }) : () -> ()
      %dma_start3A_375 = arith.constant 5 : i32
      %dma_start3A_376 = arith.constant 0 : i32
      %dma_start3A_377 = arith.constant 0 : i32
      %dma_start3A_378 = tpu.memref_slice %arg8[%dma_start3A_375, %dma_start3A_376, %dma_start3A_377] : memref<8x1x128xi32, #tpu.memory_space<vmem>> -> memref<1x1x128xi32, #tpu.memory_space<vmem>>
      %dma_start3A_379 = tpu.memref_squeeze %dma_start3A_378 : memref<1x1x128xi32, #tpu.memory_space<vmem>> -> memref<128xi32, #tpu.memory_space<vmem>>
      %dma_start3A_380 = arith.constant 0 : i32
      %dma_start3A_381 = arith.constant 0 : i32
      %dma_start3A_382 = tpu.memref_slice %arg4[%dma_start3A_380, %dma_start3A_381] : memref<10240x128xf32, #tpu.memory_space<hbm>> -> memref<10240x128xf32, #tpu.memory_space<hbm>>
      tpu.enqueue_indirect_dma source(%dma_start3A_382 : memref<10240x128xf32, #tpu.memory_space<hbm>>) target(%arg13 : memref<128x128xf32, #tpu.memory_space<vmem>>) offsets(%dma_start3A_379 : memref<128xi32, #tpu.memory_space<vmem>>) semaphore(%arg21 : memref<!tpu.dma_semaphore, #tpu.memory_space<semaphore_mem>>)
      %dma_start3A_383 = arith.constant 5 : i32
      %dma_start3A_384 = arith.constant 0 : i32
      %dma_start3A_385 = arith.constant 0 : i32
      %dma_start3A_386 = tpu.memref_slice %arg10[%dma_start3A_383, %dma_start3A_384, %dma_start3A_385] : memref<8x1x128xi32, #tpu.memory_space<vmem>> -> memref<1x1x128xi32, #tpu.memory_space<vmem>>
      %dma_start3A_387 = tpu.memref_squeeze %dma_start3A_386 : memref<1x1x128xi32, #tpu.memory_space<vmem>> -> memref<128xi32, #tpu.memory_space<vmem>>
      %dma_start3A_388 = arith.constant 0 : i32
      %dma_start3A_389 = tpu.memref_slice %arg19[%dma_start3A_388] : memref<10240xf32, #tpu.memory_space<vmem_shared>> -> memref<10240xf32, #tpu.memory_space<vmem_shared>>
      tpu.enqueue_indirect_dma source(%dma_start3A_389 : memref<10240xf32, #tpu.memory_space<vmem_shared>>) target(%arg15 : memref<128xf32, #tpu.memory_space<vmem>>) offsets(%dma_start3A_387 : memref<128xi32, #tpu.memory_space<vmem>>) semaphore(%arg23 : memref<!tpu.dma_semaphore, #tpu.memory_space<semaphore_mem>>)
      %dma_wait3A_390 = arith.constant 0 : i32
      %dma_wait3A_391 = arith.constant 0 : i32
      %dma_wait3A_392 = tpu.memref_slice %arg4[%dma_wait3A_390, %dma_wait3A_391] : memref<10240x128xf32, #tpu.memory_space<hbm>> -> memref<128x128xf32, #tpu.memory_space<hbm>>
      %dma_wait3A_393 = arith.constant 0 : i32
      %dma_wait3A_394 = arith.constant 0 : i32
      %dma_wait3A_395 = tpu.memref_slice %arg4[%dma_wait3A_393, %dma_wait3A_394] : memref<10240x128xf32, #tpu.memory_space<hbm>> -> memref<128x128xf32, #tpu.memory_space<hbm>>
      tpu.wait_dma2 semaphore(%arg20 : memref<!tpu.dma_semaphore, #tpu.memory_space<semaphore_mem>>) src(%dma_wait3A_395 : memref<128x128xf32, #tpu.memory_space<hbm>>) dst(%arg12 : memref<128x128xf32, #tpu.memory_space<vmem>>)
      %dma_wait3A_396 = arith.constant 0 : i32
      %dma_wait3A_397 = tpu.memref_slice %arg19[%dma_wait3A_396] : memref<10240xf32, #tpu.memory_space<vmem_shared>> -> memref<128xf32, #tpu.memory_space<vmem_shared>>
      %dma_wait3A_398 = arith.constant 0 : i32
      %dma_wait3A_399 = tpu.memref_slice %arg19[%dma_wait3A_398] : memref<10240xf32, #tpu.memory_space<vmem_shared>> -> memref<128xf32, #tpu.memory_space<vmem_shared>>
      tpu.wait_dma2 semaphore(%arg22 : memref<!tpu.dma_semaphore, #tpu.memory_space<semaphore_mem>>) src(%dma_wait3A_399 : memref<128xf32, #tpu.memory_space<vmem_shared>>) dst(%arg14 : memref<128xf32, #tpu.memory_space<vmem>>)
      %run_scoped3A_400 = arith.constant 4 : i32
      %run_scoped3A_401 = arith.constant 0 : i32
      "tpu.region"() ({
        %run_scoped3A_722 = tpu.sem_alloc : memref<!tpu.dma_semaphore, #tpu.memory_space<semaphore_mem>>
        %dma_start3A_723 = arith.constant 0 : i32
        %dma_start3A_724 = tpu.memref_slice %arg10[%run_scoped3A_400, %run_scoped3A_401, %dma_start3A_723] : memref<8x1x128xi32, #tpu.memory_space<vmem>> -> memref<1x1x128xi32, #tpu.memory_space<vmem>>
        %dma_start3A_725 = tpu.memref_squeeze %dma_start3A_724 : memref<1x1x128xi32, #tpu.memory_space<vmem>> -> memref<128xi32, #tpu.memory_space<vmem>>
        %dma_start3A_726 = arith.constant 0 : i32
        %dma_start3A_727 = arith.constant 0 : i32
        %dma_start3A_728 = tpu.memref_slice %arg17[%dma_start3A_726, %dma_start3A_727] : memref<10240x128xf32, #tpu.memory_space<vmem_shared>> -> memref<10240x128xf32, #tpu.memory_space<vmem_shared>>
        tpu.enqueue_indirect_dma source(%arg12 : memref<128x128xf32, #tpu.memory_space<vmem>>) target(%dma_start3A_728 : memref<10240x128xf32, #tpu.memory_space<vmem_shared>>) offsets(%dma_start3A_725 : memref<128xi32, #tpu.memory_space<vmem>>) semaphore(%run_scoped3A_722 : memref<!tpu.dma_semaphore, #tpu.memory_space<semaphore_mem>>) {add = true}
        %dma_wait3A_729 = arith.constant 0 : i32
        %dma_wait3A_730 = tpu.memref_slice %arg10[%run_scoped3A_400, %run_scoped3A_401, %dma_wait3A_729] : memref<8x1x128xi32, #tpu.memory_space<vmem>> -> memref<1x1x128xi32, #tpu.memory_space<vmem>>
        %dma_wait3A_731 = tpu.memref_squeeze %dma_wait3A_730 : memref<1x1x128xi32, #tpu.memory_space<vmem>> -> memref<128xi32, #tpu.memory_space<vmem>>
        %dma_wait3A_732 = arith.constant 0 : i32
        %dma_wait3A_733 = arith.constant 0 : i32
        %dma_wait3A_734 = tpu.memref_slice %arg17[%dma_wait3A_732, %dma_wait3A_733] : memref<10240x128xf32, #tpu.memory_space<vmem_shared>> -> memref<10240x128xf32, #tpu.memory_space<vmem_shared>>
        tpu.wait_indirect_dma semaphore(%run_scoped3A_722 : memref<!tpu.dma_semaphore, #tpu.memory_space<semaphore_mem>>) src(%arg12 : memref<128x128xf32, #tpu.memory_space<vmem>>) dst(%dma_wait3A_734 : memref<10240x128xf32, #tpu.memory_space<vmem_shared>>)
        tpu.yield
      }) : () -> ()
      %run_scoped3A_402 = arith.constant 4 : i32
      %run_scoped3A_403 = arith.constant 0 : i32
      "tpu.region"() ({
        %run_scoped3A_722 = tpu.sem_alloc : memref<!tpu.dma_semaphore, #tpu.memory_space<semaphore_mem>>
        %dma_start3A_723 = arith.constant 0 : i32
        %dma_start3A_724 = tpu.memref_slice %arg8[%run_scoped3A_402, %run_scoped3A_403, %dma_start3A_723] : memref<8x1x128xi32, #tpu.memory_space<vmem>> -> memref<1x1x128xi32, #tpu.memory_space<vmem>>
        %dma_start3A_725 = tpu.memref_squeeze %dma_start3A_724 : memref<1x1x128xi32, #tpu.memory_space<vmem>> -> memref<128xi32, #tpu.memory_space<vmem>>
        %dma_start3A_726 = arith.constant 0 : i32
        %dma_start3A_727 = tpu.memref_slice %arg18[%dma_start3A_726] : memref<10240xf32, #tpu.memory_space<vmem_shared>> -> memref<10240xf32, #tpu.memory_space<vmem_shared>>
        tpu.enqueue_indirect_dma source(%arg14 : memref<128xf32, #tpu.memory_space<vmem>>) target(%dma_start3A_727 : memref<10240xf32, #tpu.memory_space<vmem_shared>>) offsets(%dma_start3A_725 : memref<128xi32, #tpu.memory_space<vmem>>) semaphore(%run_scoped3A_722 : memref<!tpu.dma_semaphore, #tpu.memory_space<semaphore_mem>>) {add = true}
        %dma_wait3A_728 = arith.constant 0 : i32
        %dma_wait3A_729 = tpu.memref_slice %arg8[%run_scoped3A_402, %run_scoped3A_403, %dma_wait3A_728] : memref<8x1x128xi32, #tpu.memory_space<vmem>> -> memref<1x1x128xi32, #tpu.memory_space<vmem>>
        %dma_wait3A_730 = tpu.memref_squeeze %dma_wait3A_729 : memref<1x1x128xi32, #tpu.memory_space<vmem>> -> memref<128xi32, #tpu.memory_space<vmem>>
        %dma_wait3A_731 = arith.constant 0 : i32
        %dma_wait3A_732 = tpu.memref_slice %arg18[%dma_wait3A_731] : memref<10240xf32, #tpu.memory_space<vmem_shared>> -> memref<10240xf32, #tpu.memory_space<vmem_shared>>
        tpu.wait_indirect_dma semaphore(%run_scoped3A_722 : memref<!tpu.dma_semaphore, #tpu.memory_space<semaphore_mem>>) src(%arg14 : memref<128xf32, #tpu.memory_space<vmem>>) dst(%dma_wait3A_732 : memref<10240xf32, #tpu.memory_space<vmem_shared>>)
        tpu.yield
      }) : () -> ()
      %dma_start3A_404 = arith.constant 6 : i32
      %dma_start3A_405 = arith.constant 0 : i32
      %dma_start3A_406 = arith.constant 0 : i32
      %dma_start3A_407 = tpu.memref_slice %arg8[%dma_start3A_404, %dma_start3A_405, %dma_start3A_406] : memref<8x1x128xi32, #tpu.memory_space<vmem>> -> memref<1x1x128xi32, #tpu.memory_space<vmem>>
      %dma_start3A_408 = tpu.memref_squeeze %dma_start3A_407 : memref<1x1x128xi32, #tpu.memory_space<vmem>> -> memref<128xi32, #tpu.memory_space<vmem>>
      %dma_start3A_409 = arith.constant 0 : i32
      %dma_start3A_410 = arith.constant 0 : i32
      %dma_start3A_411 = tpu.memref_slice %arg4[%dma_start3A_409, %dma_start3A_410] : memref<10240x128xf32, #tpu.memory_space<hbm>> -> memref<10240x128xf32, #tpu.memory_space<hbm>>
      tpu.enqueue_indirect_dma source(%dma_start3A_411 : memref<10240x128xf32, #tpu.memory_space<hbm>>) target(%arg12 : memref<128x128xf32, #tpu.memory_space<vmem>>) offsets(%dma_start3A_408 : memref<128xi32, #tpu.memory_space<vmem>>) semaphore(%arg20 : memref<!tpu.dma_semaphore, #tpu.memory_space<semaphore_mem>>)
      %dma_start3A_412 = arith.constant 6 : i32
      %dma_start3A_413 = arith.constant 0 : i32
      %dma_start3A_414 = arith.constant 0 : i32
      %dma_start3A_415 = tpu.memref_slice %arg10[%dma_start3A_412, %dma_start3A_413, %dma_start3A_414] : memref<8x1x128xi32, #tpu.memory_space<vmem>> -> memref<1x1x128xi32, #tpu.memory_space<vmem>>
      %dma_start3A_416 = tpu.memref_squeeze %dma_start3A_415 : memref<1x1x128xi32, #tpu.memory_space<vmem>> -> memref<128xi32, #tpu.memory_space<vmem>>
      %dma_start3A_417 = arith.constant 0 : i32
      %dma_start3A_418 = tpu.memref_slice %arg19[%dma_start3A_417] : memref<10240xf32, #tpu.memory_space<vmem_shared>> -> memref<10240xf32, #tpu.memory_space<vmem_shared>>
      tpu.enqueue_indirect_dma source(%dma_start3A_418 : memref<10240xf32, #tpu.memory_space<vmem_shared>>) target(%arg14 : memref<128xf32, #tpu.memory_space<vmem>>) offsets(%dma_start3A_416 : memref<128xi32, #tpu.memory_space<vmem>>) semaphore(%arg22 : memref<!tpu.dma_semaphore, #tpu.memory_space<semaphore_mem>>)
      %dma_wait3A_419 = arith.constant 0 : i32
      %dma_wait3A_420 = arith.constant 0 : i32
      %dma_wait3A_421 = tpu.memref_slice %arg4[%dma_wait3A_419, %dma_wait3A_420] : memref<10240x128xf32, #tpu.memory_space<hbm>> -> memref<128x128xf32, #tpu.memory_space<hbm>>
      %dma_wait3A_422 = arith.constant 0 : i32
      %dma_wait3A_423 = arith.constant 0 : i32
      %dma_wait3A_424 = tpu.memref_slice %arg4[%dma_wait3A_422, %dma_wait3A_423] : memref<10240x128xf32, #tpu.memory_space<hbm>> -> memref<128x128xf32, #tpu.memory_space<hbm>>
      tpu.wait_dma2 semaphore(%arg21 : memref<!tpu.dma_semaphore, #tpu.memory_space<semaphore_mem>>) src(%dma_wait3A_424 : memref<128x128xf32, #tpu.memory_space<hbm>>) dst(%arg13 : memref<128x128xf32, #tpu.memory_space<vmem>>)
      %dma_wait3A_425 = arith.constant 0 : i32
      %dma_wait3A_426 = tpu.memref_slice %arg19[%dma_wait3A_425] : memref<10240xf32, #tpu.memory_space<vmem_shared>> -> memref<128xf32, #tpu.memory_space<vmem_shared>>
      %dma_wait3A_427 = arith.constant 0 : i32
      %dma_wait3A_428 = tpu.memref_slice %arg19[%dma_wait3A_427] : memref<10240xf32, #tpu.memory_space<vmem_shared>> -> memref<128xf32, #tpu.memory_space<vmem_shared>>
      tpu.wait_dma2 semaphore(%arg23 : memref<!tpu.dma_semaphore, #tpu.memory_space<semaphore_mem>>) src(%dma_wait3A_428 : memref<128xf32, #tpu.memory_space<vmem_shared>>) dst(%arg15 : memref<128xf32, #tpu.memory_space<vmem>>)
      %run_scoped3A_429 = arith.constant 5 : i32
      %run_scoped3A_430 = arith.constant 0 : i32
      "tpu.region"() ({
        %run_scoped3A_722 = tpu.sem_alloc : memref<!tpu.dma_semaphore, #tpu.memory_space<semaphore_mem>>
        %dma_start3A_723 = arith.constant 0 : i32
        %dma_start3A_724 = tpu.memref_slice %arg10[%run_scoped3A_429, %run_scoped3A_430, %dma_start3A_723] : memref<8x1x128xi32, #tpu.memory_space<vmem>> -> memref<1x1x128xi32, #tpu.memory_space<vmem>>
        %dma_start3A_725 = tpu.memref_squeeze %dma_start3A_724 : memref<1x1x128xi32, #tpu.memory_space<vmem>> -> memref<128xi32, #tpu.memory_space<vmem>>
        %dma_start3A_726 = arith.constant 0 : i32
        %dma_start3A_727 = arith.constant 0 : i32
        %dma_start3A_728 = tpu.memref_slice %arg17[%dma_start3A_726, %dma_start3A_727] : memref<10240x128xf32, #tpu.memory_space<vmem_shared>> -> memref<10240x128xf32, #tpu.memory_space<vmem_shared>>
        tpu.enqueue_indirect_dma source(%arg13 : memref<128x128xf32, #tpu.memory_space<vmem>>) target(%dma_start3A_728 : memref<10240x128xf32, #tpu.memory_space<vmem_shared>>) offsets(%dma_start3A_725 : memref<128xi32, #tpu.memory_space<vmem>>) semaphore(%run_scoped3A_722 : memref<!tpu.dma_semaphore, #tpu.memory_space<semaphore_mem>>) {add = true}
        %dma_wait3A_729 = arith.constant 0 : i32
        %dma_wait3A_730 = tpu.memref_slice %arg10[%run_scoped3A_429, %run_scoped3A_430, %dma_wait3A_729] : memref<8x1x128xi32, #tpu.memory_space<vmem>> -> memref<1x1x128xi32, #tpu.memory_space<vmem>>
        %dma_wait3A_731 = tpu.memref_squeeze %dma_wait3A_730 : memref<1x1x128xi32, #tpu.memory_space<vmem>> -> memref<128xi32, #tpu.memory_space<vmem>>
        %dma_wait3A_732 = arith.constant 0 : i32
        %dma_wait3A_733 = arith.constant 0 : i32
        %dma_wait3A_734 = tpu.memref_slice %arg17[%dma_wait3A_732, %dma_wait3A_733] : memref<10240x128xf32, #tpu.memory_space<vmem_shared>> -> memref<10240x128xf32, #tpu.memory_space<vmem_shared>>
        tpu.wait_indirect_dma semaphore(%run_scoped3A_722 : memref<!tpu.dma_semaphore, #tpu.memory_space<semaphore_mem>>) src(%arg13 : memref<128x128xf32, #tpu.memory_space<vmem>>) dst(%dma_wait3A_734 : memref<10240x128xf32, #tpu.memory_space<vmem_shared>>)
        tpu.yield
      }) : () -> ()
      %run_scoped3A_431 = arith.constant 5 : i32
      %run_scoped3A_432 = arith.constant 0 : i32
      "tpu.region"() ({
        %run_scoped3A_722 = tpu.sem_alloc : memref<!tpu.dma_semaphore, #tpu.memory_space<semaphore_mem>>
        %dma_start3A_723 = arith.constant 0 : i32
        %dma_start3A_724 = tpu.memref_slice %arg8[%run_scoped3A_431, %run_scoped3A_432, %dma_start3A_723] : memref<8x1x128xi32, #tpu.memory_space<vmem>> -> memref<1x1x128xi32, #tpu.memory_space<vmem>>
        %dma_start3A_725 = tpu.memref_squeeze %dma_start3A_724 : memref<1x1x128xi32, #tpu.memory_space<vmem>> -> memref<128xi32, #tpu.memory_space<vmem>>
        %dma_start3A_726 = arith.constant 0 : i32
        %dma_start3A_727 = tpu.memref_slice %arg18[%dma_start3A_726] : memref<10240xf32, #tpu.memory_space<vmem_shared>> -> memref<10240xf32, #tpu.memory_space<vmem_shared>>
        tpu.enqueue_indirect_dma source(%arg15 : memref<128xf32, #tpu.memory_space<vmem>>) target(%dma_start3A_727 : memref<10240xf32, #tpu.memory_space<vmem_shared>>) offsets(%dma_start3A_725 : memref<128xi32, #tpu.memory_space<vmem>>) semaphore(%run_scoped3A_722 : memref<!tpu.dma_semaphore, #tpu.memory_space<semaphore_mem>>) {add = true}
        %dma_wait3A_728 = arith.constant 0 : i32
        %dma_wait3A_729 = tpu.memref_slice %arg8[%run_scoped3A_431, %run_scoped3A_432, %dma_wait3A_728] : memref<8x1x128xi32, #tpu.memory_space<vmem>> -> memref<1x1x128xi32, #tpu.memory_space<vmem>>
        %dma_wait3A_730 = tpu.memref_squeeze %dma_wait3A_729 : memref<1x1x128xi32, #tpu.memory_space<vmem>> -> memref<128xi32, #tpu.memory_space<vmem>>
        %dma_wait3A_731 = arith.constant 0 : i32
        %dma_wait3A_732 = tpu.memref_slice %arg18[%dma_wait3A_731] : memref<10240xf32, #tpu.memory_space<vmem_shared>> -> memref<10240xf32, #tpu.memory_space<vmem_shared>>
        tpu.wait_indirect_dma semaphore(%run_scoped3A_722 : memref<!tpu.dma_semaphore, #tpu.memory_space<semaphore_mem>>) src(%arg15 : memref<128xf32, #tpu.memory_space<vmem>>) dst(%dma_wait3A_732 : memref<10240xf32, #tpu.memory_space<vmem_shared>>)
        tpu.yield
      }) : () -> ()
      %dma_start3A_433 = arith.constant 7 : i32
      %dma_start3A_434 = arith.constant 0 : i32
      %dma_start3A_435 = arith.constant 0 : i32
      %dma_start3A_436 = tpu.memref_slice %arg8[%dma_start3A_433, %dma_start3A_434, %dma_start3A_435] : memref<8x1x128xi32, #tpu.memory_space<vmem>> -> memref<1x1x128xi32, #tpu.memory_space<vmem>>
      %dma_start3A_437 = tpu.memref_squeeze %dma_start3A_436 : memref<1x1x128xi32, #tpu.memory_space<vmem>> -> memref<128xi32, #tpu.memory_space<vmem>>
      %dma_start3A_438 = arith.constant 0 : i32
      %dma_start3A_439 = arith.constant 0 : i32
      %dma_start3A_440 = tpu.memref_slice %arg4[%dma_start3A_438, %dma_start3A_439] : memref<10240x128xf32, #tpu.memory_space<hbm>> -> memref<10240x128xf32, #tpu.memory_space<hbm>>
      tpu.enqueue_indirect_dma source(%dma_start3A_440 : memref<10240x128xf32, #tpu.memory_space<hbm>>) target(%arg13 : memref<128x128xf32, #tpu.memory_space<vmem>>) offsets(%dma_start3A_437 : memref<128xi32, #tpu.memory_space<vmem>>) semaphore(%arg21 : memref<!tpu.dma_semaphore, #tpu.memory_space<semaphore_mem>>)
      %dma_start3A_441 = arith.constant 7 : i32
      %dma_start3A_442 = arith.constant 0 : i32
      %dma_start3A_443 = arith.constant 0 : i32
      %dma_start3A_444 = tpu.memref_slice %arg10[%dma_start3A_441, %dma_start3A_442, %dma_start3A_443] : memref<8x1x128xi32, #tpu.memory_space<vmem>> -> memref<1x1x128xi32, #tpu.memory_space<vmem>>
      %dma_start3A_445 = tpu.memref_squeeze %dma_start3A_444 : memref<1x1x128xi32, #tpu.memory_space<vmem>> -> memref<128xi32, #tpu.memory_space<vmem>>
      %dma_start3A_446 = arith.constant 0 : i32
      %dma_start3A_447 = tpu.memref_slice %arg19[%dma_start3A_446] : memref<10240xf32, #tpu.memory_space<vmem_shared>> -> memref<10240xf32, #tpu.memory_space<vmem_shared>>
      tpu.enqueue_indirect_dma source(%dma_start3A_447 : memref<10240xf32, #tpu.memory_space<vmem_shared>>) target(%arg15 : memref<128xf32, #tpu.memory_space<vmem>>) offsets(%dma_start3A_445 : memref<128xi32, #tpu.memory_space<vmem>>) semaphore(%arg23 : memref<!tpu.dma_semaphore, #tpu.memory_space<semaphore_mem>>)
      %dma_wait3A_448 = arith.constant 0 : i32
      %dma_wait3A_449 = arith.constant 0 : i32
      %dma_wait3A_450 = tpu.memref_slice %arg4[%dma_wait3A_448, %dma_wait3A_449] : memref<10240x128xf32, #tpu.memory_space<hbm>> -> memref<128x128xf32, #tpu.memory_space<hbm>>
      %dma_wait3A_451 = arith.constant 0 : i32
      %dma_wait3A_452 = arith.constant 0 : i32
      %dma_wait3A_453 = tpu.memref_slice %arg4[%dma_wait3A_451, %dma_wait3A_452] : memref<10240x128xf32, #tpu.memory_space<hbm>> -> memref<128x128xf32, #tpu.memory_space<hbm>>
      tpu.wait_dma2 semaphore(%arg20 : memref<!tpu.dma_semaphore, #tpu.memory_space<semaphore_mem>>) src(%dma_wait3A_453 : memref<128x128xf32, #tpu.memory_space<hbm>>) dst(%arg12 : memref<128x128xf32, #tpu.memory_space<vmem>>)
      %dma_wait3A_454 = arith.constant 0 : i32
      %dma_wait3A_455 = tpu.memref_slice %arg19[%dma_wait3A_454] : memref<10240xf32, #tpu.memory_space<vmem_shared>> -> memref<128xf32, #tpu.memory_space<vmem_shared>>
      %dma_wait3A_456 = arith.constant 0 : i32
      %dma_wait3A_457 = tpu.memref_slice %arg19[%dma_wait3A_456] : memref<10240xf32, #tpu.memory_space<vmem_shared>> -> memref<128xf32, #tpu.memory_space<vmem_shared>>
      tpu.wait_dma2 semaphore(%arg22 : memref<!tpu.dma_semaphore, #tpu.memory_space<semaphore_mem>>) src(%dma_wait3A_457 : memref<128xf32, #tpu.memory_space<vmem_shared>>) dst(%arg14 : memref<128xf32, #tpu.memory_space<vmem>>)
      %run_scoped3A_458 = arith.constant 6 : i32
      %run_scoped3A_459 = arith.constant 0 : i32
      "tpu.region"() ({
        %run_scoped3A_722 = tpu.sem_alloc : memref<!tpu.dma_semaphore, #tpu.memory_space<semaphore_mem>>
        %dma_start3A_723 = arith.constant 0 : i32
        %dma_start3A_724 = tpu.memref_slice %arg10[%run_scoped3A_458, %run_scoped3A_459, %dma_start3A_723] : memref<8x1x128xi32, #tpu.memory_space<vmem>> -> memref<1x1x128xi32, #tpu.memory_space<vmem>>
        %dma_start3A_725 = tpu.memref_squeeze %dma_start3A_724 : memref<1x1x128xi32, #tpu.memory_space<vmem>> -> memref<128xi32, #tpu.memory_space<vmem>>
        %dma_start3A_726 = arith.constant 0 : i32
        %dma_start3A_727 = arith.constant 0 : i32
        %dma_start3A_728 = tpu.memref_slice %arg17[%dma_start3A_726, %dma_start3A_727] : memref<10240x128xf32, #tpu.memory_space<vmem_shared>> -> memref<10240x128xf32, #tpu.memory_space<vmem_shared>>
        tpu.enqueue_indirect_dma source(%arg12 : memref<128x128xf32, #tpu.memory_space<vmem>>) target(%dma_start3A_728 : memref<10240x128xf32, #tpu.memory_space<vmem_shared>>) offsets(%dma_start3A_725 : memref<128xi32, #tpu.memory_space<vmem>>) semaphore(%run_scoped3A_722 : memref<!tpu.dma_semaphore, #tpu.memory_space<semaphore_mem>>) {add = true}
        %dma_wait3A_729 = arith.constant 0 : i32
        %dma_wait3A_730 = tpu.memref_slice %arg10[%run_scoped3A_458, %run_scoped3A_459, %dma_wait3A_729] : memref<8x1x128xi32, #tpu.memory_space<vmem>> -> memref<1x1x128xi32, #tpu.memory_space<vmem>>
        %dma_wait3A_731 = tpu.memref_squeeze %dma_wait3A_730 : memref<1x1x128xi32, #tpu.memory_space<vmem>> -> memref<128xi32, #tpu.memory_space<vmem>>
        %dma_wait3A_732 = arith.constant 0 : i32
        %dma_wait3A_733 = arith.constant 0 : i32
        %dma_wait3A_734 = tpu.memref_slice %arg17[%dma_wait3A_732, %dma_wait3A_733] : memref<10240x128xf32, #tpu.memory_space<vmem_shared>> -> memref<10240x128xf32, #tpu.memory_space<vmem_shared>>
        tpu.wait_indirect_dma semaphore(%run_scoped3A_722 : memref<!tpu.dma_semaphore, #tpu.memory_space<semaphore_mem>>) src(%arg12 : memref<128x128xf32, #tpu.memory_space<vmem>>) dst(%dma_wait3A_734 : memref<10240x128xf32, #tpu.memory_space<vmem_shared>>)
        tpu.yield
      }) : () -> ()
      %run_scoped3A_460 = arith.constant 6 : i32
      %run_scoped3A_461 = arith.constant 0 : i32
      "tpu.region"() ({
        %run_scoped3A_722 = tpu.sem_alloc : memref<!tpu.dma_semaphore, #tpu.memory_space<semaphore_mem>>
        %dma_start3A_723 = arith.constant 0 : i32
        %dma_start3A_724 = tpu.memref_slice %arg8[%run_scoped3A_460, %run_scoped3A_461, %dma_start3A_723] : memref<8x1x128xi32, #tpu.memory_space<vmem>> -> memref<1x1x128xi32, #tpu.memory_space<vmem>>
        %dma_start3A_725 = tpu.memref_squeeze %dma_start3A_724 : memref<1x1x128xi32, #tpu.memory_space<vmem>> -> memref<128xi32, #tpu.memory_space<vmem>>
        %dma_start3A_726 = arith.constant 0 : i32
        %dma_start3A_727 = tpu.memref_slice %arg18[%dma_start3A_726] : memref<10240xf32, #tpu.memory_space<vmem_shared>> -> memref<10240xf32, #tpu.memory_space<vmem_shared>>
        tpu.enqueue_indirect_dma source(%arg14 : memref<128xf32, #tpu.memory_space<vmem>>) target(%dma_start3A_727 : memref<10240xf32, #tpu.memory_space<vmem_shared>>) offsets(%dma_start3A_725 : memref<128xi32, #tpu.memory_space<vmem>>) semaphore(%run_scoped3A_722 : memref<!tpu.dma_semaphore, #tpu.memory_space<semaphore_mem>>) {add = true}
        %dma_wait3A_728 = arith.constant 0 : i32
        %dma_wait3A_729 = tpu.memref_slice %arg8[%run_scoped3A_460, %run_scoped3A_461, %dma_wait3A_728] : memref<8x1x128xi32, #tpu.memory_space<vmem>> -> memref<1x1x128xi32, #tpu.memory_space<vmem>>
        %dma_wait3A_730 = tpu.memref_squeeze %dma_wait3A_729 : memref<1x1x128xi32, #tpu.memory_space<vmem>> -> memref<128xi32, #tpu.memory_space<vmem>>
        %dma_wait3A_731 = arith.constant 0 : i32
        %dma_wait3A_732 = tpu.memref_slice %arg18[%dma_wait3A_731] : memref<10240xf32, #tpu.memory_space<vmem_shared>> -> memref<10240xf32, #tpu.memory_space<vmem_shared>>
        tpu.wait_indirect_dma semaphore(%run_scoped3A_722 : memref<!tpu.dma_semaphore, #tpu.memory_space<semaphore_mem>>) src(%arg14 : memref<128xf32, #tpu.memory_space<vmem>>) dst(%dma_wait3A_732 : memref<10240xf32, #tpu.memory_space<vmem_shared>>)
        tpu.yield
      }) : () -> ()
      %add3A_462 = arith.constant 1 : i32
      %add3A_463 = arith.addi %mul3A_259, %add3A_462 : i32
      %lt3A = arith.constant 10 : i32
      %lt3A_464 = arith.cmpi slt, %add3A_463, %lt3A : i32
      %convert_element_type3A = arith.extui %lt3A_464 : i1 to i32
      %cond3A = arith.constant 0 : i32
      %cond3A_465 = arith.cmpi ne, %convert_element_type3A, %cond3A : i32
      scf.if %cond3A_465 {
        %dma_wait3A_722 = arith.constant 0 : i32
        %dma_wait3A_723 = arith.constant 0 : i32
        %dma_wait3A_724 = arith.constant 0 : i32
        %dma_wait3A_725 = tpu.memref_slice %arg2[%dma_wait3A_722, %dma_wait3A_723, %dma_wait3A_724] : memref<2560x1x128xi32, #tpu.memory_space<hbm>> -> memref<8x1x128xi32, #tpu.memory_space<hbm>>
        %dma_wait3A_726 = arith.constant 0 : i32
        %dma_wait3A_727 = arith.constant 0 : i32
        %dma_wait3A_728 = arith.constant 0 : i32
        %dma_wait3A_729 = tpu.memref_slice %arg2[%dma_wait3A_726, %dma_wait3A_727, %dma_wait3A_728] : memref<2560x1x128xi32, #tpu.memory_space<hbm>> -> memref<8x1x128xi32, #tpu.memory_space<hbm>>
        tpu.wait_dma2 semaphore(%arg25 : memref<!tpu.dma_semaphore, #tpu.memory_space<semaphore_mem>>) src(%dma_wait3A_729 : memref<8x1x128xi32, #tpu.memory_space<hbm>>) dst(%arg8 : memref<8x1x128xi32, #tpu.memory_space<vmem>>)
        %dma_wait3A_730 = arith.constant 0 : i32
        %dma_wait3A_731 = arith.constant 0 : i32
        %dma_wait3A_732 = arith.constant 0 : i32
        %dma_wait3A_733 = tpu.memref_slice %arg2[%dma_wait3A_730, %dma_wait3A_731, %dma_wait3A_732] : memref<2560x1x128xi32, #tpu.memory_space<hbm>> -> memref<8x1x128xi32, #tpu.memory_space<hbm>>
        %dma_wait3A_734 = arith.constant 0 : i32
        %dma_wait3A_735 = arith.constant 0 : i32
        %dma_wait3A_736 = arith.constant 0 : i32
        %dma_wait3A_737 = tpu.memref_slice %arg2[%dma_wait3A_734, %dma_wait3A_735, %dma_wait3A_736] : memref<2560x1x128xi32, #tpu.memory_space<hbm>> -> memref<8x1x128xi32, #tpu.memory_space<hbm>>
        tpu.wait_dma2 semaphore(%arg25 : memref<!tpu.dma_semaphore, #tpu.memory_space<semaphore_mem>>) src(%dma_wait3A_737 : memref<8x1x128xi32, #tpu.memory_space<hbm>>) dst(%arg10 : memref<8x1x128xi32, #tpu.memory_space<vmem>>)
        %dma_start3A_738 = arith.constant 0 : i32
        %dma_start3A_739 = arith.constant 0 : i32
        %dma_start3A_740 = arith.constant 0 : i32
        %dma_start3A_741 = tpu.memref_slice %arg9[%dma_start3A_738, %dma_start3A_739, %dma_start3A_740] : memref<8x1x128xi32, #tpu.memory_space<vmem>> -> memref<1x1x128xi32, #tpu.memory_space<vmem>>
        %dma_start3A_742 = tpu.memref_squeeze %dma_start3A_741 : memref<1x1x128xi32, #tpu.memory_space<vmem>> -> memref<128xi32, #tpu.memory_space<vmem>>
        %dma_start3A_743 = arith.constant 0 : i32
        %dma_start3A_744 = arith.constant 0 : i32
        %dma_start3A_745 = tpu.memref_slice %arg4[%dma_start3A_743, %dma_start3A_744] : memref<10240x128xf32, #tpu.memory_space<hbm>> -> memref<10240x128xf32, #tpu.memory_space<hbm>>
        tpu.enqueue_indirect_dma source(%dma_start3A_745 : memref<10240x128xf32, #tpu.memory_space<hbm>>) target(%arg12 : memref<128x128xf32, #tpu.memory_space<vmem>>) offsets(%dma_start3A_742 : memref<128xi32, #tpu.memory_space<vmem>>) semaphore(%arg20 : memref<!tpu.dma_semaphore, #tpu.memory_space<semaphore_mem>>)
        %dma_start3A_746 = arith.constant 0 : i32
        %dma_start3A_747 = arith.constant 0 : i32
        %dma_start3A_748 = arith.constant 0 : i32
        %dma_start3A_749 = tpu.memref_slice %arg11[%dma_start3A_746, %dma_start3A_747, %dma_start3A_748] : memref<8x1x128xi32, #tpu.memory_space<vmem>> -> memref<1x1x128xi32, #tpu.memory_space<vmem>>
        %dma_start3A_750 = tpu.memref_squeeze %dma_start3A_749 : memref<1x1x128xi32, #tpu.memory_space<vmem>> -> memref<128xi32, #tpu.memory_space<vmem>>
        %dma_start3A_751 = arith.constant 0 : i32
        %dma_start3A_752 = tpu.memref_slice %arg19[%dma_start3A_751] : memref<10240xf32, #tpu.memory_space<vmem_shared>> -> memref<10240xf32, #tpu.memory_space<vmem_shared>>
        tpu.enqueue_indirect_dma source(%dma_start3A_752 : memref<10240xf32, #tpu.memory_space<vmem_shared>>) target(%arg14 : memref<128xf32, #tpu.memory_space<vmem>>) offsets(%dma_start3A_750 : memref<128xi32, #tpu.memory_space<vmem>>) semaphore(%arg22 : memref<!tpu.dma_semaphore, #tpu.memory_space<semaphore_mem>>)
      } else {
      }
      %dma_wait3A_466 = arith.constant 0 : i32
      %dma_wait3A_467 = arith.constant 0 : i32
      %dma_wait3A_468 = tpu.memref_slice %arg4[%dma_wait3A_466, %dma_wait3A_467] : memref<10240x128xf32, #tpu.memory_space<hbm>> -> memref<128x128xf32, #tpu.memory_space<hbm>>
      %dma_wait3A_469 = arith.constant 0 : i32
      %dma_wait3A_470 = arith.constant 0 : i32
      %dma_wait3A_471 = tpu.memref_slice %arg4[%dma_wait3A_469, %dma_wait3A_470] : memref<10240x128xf32, #tpu.memory_space<hbm>> -> memref<128x128xf32, #tpu.memory_space<hbm>>
      tpu.wait_dma2 semaphore(%arg21 : memref<!tpu.dma_semaphore, #tpu.memory_space<semaphore_mem>>) src(%dma_wait3A_471 : memref<128x128xf32, #tpu.memory_space<hbm>>) dst(%arg13 : memref<128x128xf32, #tpu.memory_space<vmem>>)
      %dma_wait3A_472 = arith.constant 0 : i32
      %dma_wait3A_473 = tpu.memref_slice %arg19[%dma_wait3A_472] : memref<10240xf32, #tpu.memory_space<vmem_shared>> -> memref<128xf32, #tpu.memory_space<vmem_shared>>
      %dma_wait3A_474 = arith.constant 0 : i32
      %dma_wait3A_475 = tpu.memref_slice %arg19[%dma_wait3A_474] : memref<10240xf32, #tpu.memory_space<vmem_shared>> -> memref<128xf32, #tpu.memory_space<vmem_shared>>
      tpu.wait_dma2 semaphore(%arg23 : memref<!tpu.dma_semaphore, #tpu.memory_space<semaphore_mem>>) src(%dma_wait3A_475 : memref<128xf32, #tpu.memory_space<vmem_shared>>) dst(%arg15 : memref<128xf32, #tpu.memory_space<vmem>>)
      %run_scoped3A_476 = arith.constant 7 : i32
      %run_scoped3A_477 = arith.constant 0 : i32
      "tpu.region"() ({
        %run_scoped3A_722 = tpu.sem_alloc : memref<!tpu.dma_semaphore, #tpu.memory_space<semaphore_mem>>
        %dma_start3A_723 = arith.constant 0 : i32
        %dma_start3A_724 = tpu.memref_slice %arg10[%run_scoped3A_476, %run_scoped3A_477, %dma_start3A_723] : memref<8x1x128xi32, #tpu.memory_space<vmem>> -> memref<1x1x128xi32, #tpu.memory_space<vmem>>
        %dma_start3A_725 = tpu.memref_squeeze %dma_start3A_724 : memref<1x1x128xi32, #tpu.memory_space<vmem>> -> memref<128xi32, #tpu.memory_space<vmem>>
        %dma_start3A_726 = arith.constant 0 : i32
        %dma_start3A_727 = arith.constant 0 : i32
        %dma_start3A_728 = tpu.memref_slice %arg17[%dma_start3A_726, %dma_start3A_727] : memref<10240x128xf32, #tpu.memory_space<vmem_shared>> -> memref<10240x128xf32, #tpu.memory_space<vmem_shared>>
        tpu.enqueue_indirect_dma source(%arg13 : memref<128x128xf32, #tpu.memory_space<vmem>>) target(%dma_start3A_728 : memref<10240x128xf32, #tpu.memory_space<vmem_shared>>) offsets(%dma_start3A_725 : memref<128xi32, #tpu.memory_space<vmem>>) semaphore(%run_scoped3A_722 : memref<!tpu.dma_semaphore, #tpu.memory_space<semaphore_mem>>) {add = true}
        %dma_wait3A_729 = arith.constant 0 : i32
        %dma_wait3A_730 = tpu.memref_slice %arg10[%run_scoped3A_476, %run_scoped3A_477, %dma_wait3A_729] : memref<8x1x128xi32, #tpu.memory_space<vmem>> -> memref<1x1x128xi32, #tpu.memory_space<vmem>>
        %dma_wait3A_731 = tpu.memref_squeeze %dma_wait3A_730 : memref<1x1x128xi32, #tpu.memory_space<vmem>> -> memref<128xi32, #tpu.memory_space<vmem>>
        %dma_wait3A_732 = arith.constant 0 : i32
        %dma_wait3A_733 = arith.constant 0 : i32
        %dma_wait3A_734 = tpu.memref_slice %arg17[%dma_wait3A_732, %dma_wait3A_733] : memref<10240x128xf32, #tpu.memory_space<vmem_shared>> -> memref<10240x128xf32, #tpu.memory_space<vmem_shared>>
        tpu.wait_indirect_dma semaphore(%run_scoped3A_722 : memref<!tpu.dma_semaphore, #tpu.memory_space<semaphore_mem>>) src(%arg13 : memref<128x128xf32, #tpu.memory_space<vmem>>) dst(%dma_wait3A_734 : memref<10240x128xf32, #tpu.memory_space<vmem_shared>>)
        tpu.yield
      }) : () -> ()
      %run_scoped3A_478 = arith.constant 7 : i32
      %run_scoped3A_479 = arith.constant 0 : i32
      "tpu.region"() ({
        %run_scoped3A_722 = tpu.sem_alloc : memref<!tpu.dma_semaphore, #tpu.memory_space<semaphore_mem>>
        %dma_start3A_723 = arith.constant 0 : i32
        %dma_start3A_724 = tpu.memref_slice %arg8[%run_scoped3A_478, %run_scoped3A_479, %dma_start3A_723] : memref<8x1x128xi32, #tpu.memory_space<vmem>> -> memref<1x1x128xi32, #tpu.memory_space<vmem>>
        %dma_start3A_725 = tpu.memref_squeeze %dma_start3A_724 : memref<1x1x128xi32, #tpu.memory_space<vmem>> -> memref<128xi32, #tpu.memory_space<vmem>>
        %dma_start3A_726 = arith.constant 0 : i32
        %dma_start3A_727 = tpu.memref_slice %arg18[%dma_start3A_726] : memref<10240xf32, #tpu.memory_space<vmem_shared>> -> memref<10240xf32, #tpu.memory_space<vmem_shared>>
        tpu.enqueue_indirect_dma source(%arg15 : memref<128xf32, #tpu.memory_space<vmem>>) target(%dma_start3A_727 : memref<10240xf32, #tpu.memory_space<vmem_shared>>) offsets(%dma_start3A_725 : memref<128xi32, #tpu.memory_space<vmem>>) semaphore(%run_scoped3A_722 : memref<!tpu.dma_semaphore, #tpu.memory_space<semaphore_mem>>) {add = true}
        %dma_wait3A_728 = arith.constant 0 : i32
        %dma_wait3A_729 = tpu.memref_slice %arg8[%run_scoped3A_478, %run_scoped3A_479, %dma_wait3A_728] : memref<8x1x128xi32, #tpu.memory_space<vmem>> -> memref<1x1x128xi32, #tpu.memory_space<vmem>>
        %dma_wait3A_730 = tpu.memref_squeeze %dma_wait3A_729 : memref<1x1x128xi32, #tpu.memory_space<vmem>> -> memref<128xi32, #tpu.memory_space<vmem>>
        %dma_wait3A_731 = arith.constant 0 : i32
        %dma_wait3A_732 = tpu.memref_slice %arg18[%dma_wait3A_731] : memref<10240xf32, #tpu.memory_space<vmem_shared>> -> memref<10240xf32, #tpu.memory_space<vmem_shared>>
        tpu.wait_indirect_dma semaphore(%run_scoped3A_722 : memref<!tpu.dma_semaphore, #tpu.memory_space<semaphore_mem>>) src(%arg15 : memref<128xf32, #tpu.memory_space<vmem>>) dst(%dma_wait3A_732 : memref<10240xf32, #tpu.memory_space<vmem_shared>>)
        tpu.yield
      }) : () -> ()
      %add3A_480 = arith.constant 2 : i32
      %add3A_481 = arith.addi %mul3A_259, %add3A_480 : i32
      %lt3A_482 = arith.constant 10 : i32
      %lt3A_483 = arith.cmpi slt, %add3A_481, %lt3A_482 : i32
      %convert_element_type3A_484 = arith.extui %lt3A_483 : i1 to i32
      %cond3A_485 = arith.constant 0 : i32
      %cond3A_486 = arith.cmpi ne, %convert_element_type3A_484, %cond3A_485 : i32
      scf.if %cond3A_486 {
        %add3A_722 = arith.constant 2 : i32
        %add3A_723 = arith.addi %mul3A_259, %add3A_722 : i32
        %mul3A_724 = arith.constant 8 : i32
        %mul3A_725 = arith.muli %add3A_723, %mul3A_724 : i32
        %add3A_726 = arith.addi %mul3A_2, %mul3A_725 : i32
        %dma_start3A_727 = arith.constant 0 : i32
        %dma_start3A_728 = arith.constant 0 : i32
        %dma_start3A_729 = tpu.memref_slice %arg2[%add3A_726, %dma_start3A_727, %dma_start3A_728] : memref<2560x1x128xi32, #tpu.memory_space<hbm>> -> memref<8x1x128xi32, #tpu.memory_space<hbm>>
        %dma_start3A_730 = arith.constant 0 : i32
        %dma_start3A_731 = arith.constant 0 : i32
        %dma_start3A_732 = tpu.memref_slice %arg2[%add3A_726, %dma_start3A_730, %dma_start3A_731] : memref<2560x1x128xi32, #tpu.memory_space<hbm>> -> memref<8x1x128xi32, #tpu.memory_space<hbm>>
        tpu.enqueue_dma source(%dma_start3A_732 : memref<8x1x128xi32, #tpu.memory_space<hbm>>) target(%arg8 : memref<8x1x128xi32, #tpu.memory_space<vmem>>) target_semaphore(%arg24 : memref<!tpu.dma_semaphore, #tpu.memory_space<semaphore_mem>>)
        %dma_start3A_733 = arith.constant 0 : i32
        %dma_start3A_734 = arith.constant 0 : i32
        %dma_start3A_735 = tpu.memref_slice %arg3[%add3A_726, %dma_start3A_733, %dma_start3A_734] : memref<2560x1x128xi32, #tpu.memory_space<hbm>> -> memref<8x1x128xi32, #tpu.memory_space<hbm>>
        %dma_start3A_736 = arith.constant 0 : i32
        %dma_start3A_737 = arith.constant 0 : i32
        %dma_start3A_738 = tpu.memref_slice %arg3[%add3A_726, %dma_start3A_736, %dma_start3A_737] : memref<2560x1x128xi32, #tpu.memory_space<hbm>> -> memref<8x1x128xi32, #tpu.memory_space<hbm>>
        tpu.enqueue_dma source(%dma_start3A_738 : memref<8x1x128xi32, #tpu.memory_space<hbm>>) target(%arg10 : memref<8x1x128xi32, #tpu.memory_space<vmem>>) target_semaphore(%arg24 : memref<!tpu.dma_semaphore, #tpu.memory_space<semaphore_mem>>)
      } else {
      }
      %mul3A_487 = arith.constant 2 : i32
      %mul3A_488 = arith.muli %mul3A_487, %scan3A_257 : i32
      %add3A_489 = arith.constant 1 : i32
      %add3A_490 = arith.addi %mul3A_488, %add3A_489 : i32
      %dma_start3A_491 = arith.constant 1 : i32
      %dma_start3A_492 = arith.constant 0 : i32
      %dma_start3A_493 = arith.constant 0 : i32
      %dma_start3A_494 = tpu.memref_slice %arg9[%dma_start3A_491, %dma_start3A_492, %dma_start3A_493] : memref<8x1x128xi32, #tpu.memory_space<vmem>> -> memref<1x1x128xi32, #tpu.memory_space<vmem>>
      %dma_start3A_495 = tpu.memref_squeeze %dma_start3A_494 : memref<1x1x128xi32, #tpu.memory_space<vmem>> -> memref<128xi32, #tpu.memory_space<vmem>>
      %dma_start3A_496 = arith.constant 0 : i32
      %dma_start3A_497 = arith.constant 0 : i32
      %dma_start3A_498 = tpu.memref_slice %arg4[%dma_start3A_496, %dma_start3A_497] : memref<10240x128xf32, #tpu.memory_space<hbm>> -> memref<10240x128xf32, #tpu.memory_space<hbm>>
      tpu.enqueue_indirect_dma source(%dma_start3A_498 : memref<10240x128xf32, #tpu.memory_space<hbm>>) target(%arg13 : memref<128x128xf32, #tpu.memory_space<vmem>>) offsets(%dma_start3A_495 : memref<128xi32, #tpu.memory_space<vmem>>) semaphore(%arg21 : memref<!tpu.dma_semaphore, #tpu.memory_space<semaphore_mem>>)
      %dma_start3A_499 = arith.constant 1 : i32
      %dma_start3A_500 = arith.constant 0 : i32
      %dma_start3A_501 = arith.constant 0 : i32
      %dma_start3A_502 = tpu.memref_slice %arg11[%dma_start3A_499, %dma_start3A_500, %dma_start3A_501] : memref<8x1x128xi32, #tpu.memory_space<vmem>> -> memref<1x1x128xi32, #tpu.memory_space<vmem>>
      %dma_start3A_503 = tpu.memref_squeeze %dma_start3A_502 : memref<1x1x128xi32, #tpu.memory_space<vmem>> -> memref<128xi32, #tpu.memory_space<vmem>>
      %dma_start3A_504 = arith.constant 0 : i32
      %dma_start3A_505 = tpu.memref_slice %arg19[%dma_start3A_504] : memref<10240xf32, #tpu.memory_space<vmem_shared>> -> memref<10240xf32, #tpu.memory_space<vmem_shared>>
      tpu.enqueue_indirect_dma source(%dma_start3A_505 : memref<10240xf32, #tpu.memory_space<vmem_shared>>) target(%arg15 : memref<128xf32, #tpu.memory_space<vmem>>) offsets(%dma_start3A_503 : memref<128xi32, #tpu.memory_space<vmem>>) semaphore(%arg23 : memref<!tpu.dma_semaphore, #tpu.memory_space<semaphore_mem>>)
      %dma_wait3A_506 = arith.constant 0 : i32
      %dma_wait3A_507 = arith.constant 0 : i32
      %dma_wait3A_508 = tpu.memref_slice %arg4[%dma_wait3A_506, %dma_wait3A_507] : memref<10240x128xf32, #tpu.memory_space<hbm>> -> memref<128x128xf32, #tpu.memory_space<hbm>>
      %dma_wait3A_509 = arith.constant 0 : i32
      %dma_wait3A_510 = arith.constant 0 : i32
      %dma_wait3A_511 = tpu.memref_slice %arg4[%dma_wait3A_509, %dma_wait3A_510] : memref<10240x128xf32, #tpu.memory_space<hbm>> -> memref<128x128xf32, #tpu.memory_space<hbm>>
      tpu.wait_dma2 semaphore(%arg20 : memref<!tpu.dma_semaphore, #tpu.memory_space<semaphore_mem>>) src(%dma_wait3A_511 : memref<128x128xf32, #tpu.memory_space<hbm>>) dst(%arg12 : memref<128x128xf32, #tpu.memory_space<vmem>>)
      %dma_wait3A_512 = arith.constant 0 : i32
      %dma_wait3A_513 = tpu.memref_slice %arg19[%dma_wait3A_512] : memref<10240xf32, #tpu.memory_space<vmem_shared>> -> memref<128xf32, #tpu.memory_space<vmem_shared>>
      %dma_wait3A_514 = arith.constant 0 : i32
      %dma_wait3A_515 = tpu.memref_slice %arg19[%dma_wait3A_514] : memref<10240xf32, #tpu.memory_space<vmem_shared>> -> memref<128xf32, #tpu.memory_space<vmem_shared>>
      tpu.wait_dma2 semaphore(%arg22 : memref<!tpu.dma_semaphore, #tpu.memory_space<semaphore_mem>>) src(%dma_wait3A_515 : memref<128xf32, #tpu.memory_space<vmem_shared>>) dst(%arg14 : memref<128xf32, #tpu.memory_space<vmem>>)
      %run_scoped3A_516 = arith.constant 0 : i32
      %run_scoped3A_517 = arith.constant 0 : i32
      "tpu.region"() ({
        %run_scoped3A_722 = tpu.sem_alloc : memref<!tpu.dma_semaphore, #tpu.memory_space<semaphore_mem>>
        %dma_start3A_723 = arith.constant 0 : i32
        %dma_start3A_724 = tpu.memref_slice %arg11[%run_scoped3A_516, %run_scoped3A_517, %dma_start3A_723] : memref<8x1x128xi32, #tpu.memory_space<vmem>> -> memref<1x1x128xi32, #tpu.memory_space<vmem>>
        %dma_start3A_725 = tpu.memref_squeeze %dma_start3A_724 : memref<1x1x128xi32, #tpu.memory_space<vmem>> -> memref<128xi32, #tpu.memory_space<vmem>>
        %dma_start3A_726 = arith.constant 0 : i32
        %dma_start3A_727 = arith.constant 0 : i32
        %dma_start3A_728 = tpu.memref_slice %arg17[%dma_start3A_726, %dma_start3A_727] : memref<10240x128xf32, #tpu.memory_space<vmem_shared>> -> memref<10240x128xf32, #tpu.memory_space<vmem_shared>>
        tpu.enqueue_indirect_dma source(%arg12 : memref<128x128xf32, #tpu.memory_space<vmem>>) target(%dma_start3A_728 : memref<10240x128xf32, #tpu.memory_space<vmem_shared>>) offsets(%dma_start3A_725 : memref<128xi32, #tpu.memory_space<vmem>>) semaphore(%run_scoped3A_722 : memref<!tpu.dma_semaphore, #tpu.memory_space<semaphore_mem>>) {add = true}
        %dma_wait3A_729 = arith.constant 0 : i32
        %dma_wait3A_730 = tpu.memref_slice %arg11[%run_scoped3A_516, %run_scoped3A_517, %dma_wait3A_729] : memref<8x1x128xi32, #tpu.memory_space<vmem>> -> memref<1x1x128xi32, #tpu.memory_space<vmem>>
        %dma_wait3A_731 = tpu.memref_squeeze %dma_wait3A_730 : memref<1x1x128xi32, #tpu.memory_space<vmem>> -> memref<128xi32, #tpu.memory_space<vmem>>
        %dma_wait3A_732 = arith.constant 0 : i32
        %dma_wait3A_733 = arith.constant 0 : i32
        %dma_wait3A_734 = tpu.memref_slice %arg17[%dma_wait3A_732, %dma_wait3A_733] : memref<10240x128xf32, #tpu.memory_space<vmem_shared>> -> memref<10240x128xf32, #tpu.memory_space<vmem_shared>>
        tpu.wait_indirect_dma semaphore(%run_scoped3A_722 : memref<!tpu.dma_semaphore, #tpu.memory_space<semaphore_mem>>) src(%arg12 : memref<128x128xf32, #tpu.memory_space<vmem>>) dst(%dma_wait3A_734 : memref<10240x128xf32, #tpu.memory_space<vmem_shared>>)
        tpu.yield
      }) : () -> ()
      %run_scoped3A_518 = arith.constant 0 : i32
      %run_scoped3A_519 = arith.constant 0 : i32
      "tpu.region"() ({
        %run_scoped3A_722 = tpu.sem_alloc : memref<!tpu.dma_semaphore, #tpu.memory_space<semaphore_mem>>
        %dma_start3A_723 = arith.constant 0 : i32
        %dma_start3A_724 = tpu.memref_slice %arg9[%run_scoped3A_518, %run_scoped3A_519, %dma_start3A_723] : memref<8x1x128xi32, #tpu.memory_space<vmem>> -> memref<1x1x128xi32, #tpu.memory_space<vmem>>
        %dma_start3A_725 = tpu.memref_squeeze %dma_start3A_724 : memref<1x1x128xi32, #tpu.memory_space<vmem>> -> memref<128xi32, #tpu.memory_space<vmem>>
        %dma_start3A_726 = arith.constant 0 : i32
        %dma_start3A_727 = tpu.memref_slice %arg18[%dma_start3A_726] : memref<10240xf32, #tpu.memory_space<vmem_shared>> -> memref<10240xf32, #tpu.memory_space<vmem_shared>>
        tpu.enqueue_indirect_dma source(%arg14 : memref<128xf32, #tpu.memory_space<vmem>>) target(%dma_start3A_727 : memref<10240xf32, #tpu.memory_space<vmem_shared>>) offsets(%dma_start3A_725 : memref<128xi32, #tpu.memory_space<vmem>>) semaphore(%run_scoped3A_722 : memref<!tpu.dma_semaphore, #tpu.memory_space<semaphore_mem>>) {add = true}
        %dma_wait3A_728 = arith.constant 0 : i32
        %dma_wait3A_729 = tpu.memref_slice %arg9[%run_scoped3A_518, %run_scoped3A_519, %dma_wait3A_728] : memref<8x1x128xi32, #tpu.memory_space<vmem>> -> memref<1x1x128xi32, #tpu.memory_space<vmem>>
        %dma_wait3A_730 = tpu.memref_squeeze %dma_wait3A_729 : memref<1x1x128xi32, #tpu.memory_space<vmem>> -> memref<128xi32, #tpu.memory_space<vmem>>
        %dma_wait3A_731 = arith.constant 0 : i32
        %dma_wait3A_732 = tpu.memref_slice %arg18[%dma_wait3A_731] : memref<10240xf32, #tpu.memory_space<vmem_shared>> -> memref<10240xf32, #tpu.memory_space<vmem_shared>>
        tpu.wait_indirect_dma semaphore(%run_scoped3A_722 : memref<!tpu.dma_semaphore, #tpu.memory_space<semaphore_mem>>) src(%arg14 : memref<128xf32, #tpu.memory_space<vmem>>) dst(%dma_wait3A_732 : memref<10240xf32, #tpu.memory_space<vmem_shared>>)
        tpu.yield
      }) : () -> ()
      %dma_start3A_520 = arith.constant 2 : i32
      %dma_start3A_521 = arith.constant 0 : i32
      %dma_start3A_522 = arith.constant 0 : i32
      %dma_start3A_523 = tpu.memref_slice %arg9[%dma_start3A_520, %dma_start3A_521, %dma_start3A_522] : memref<8x1x128xi32, #tpu.memory_space<vmem>> -> memref<1x1x128xi32, #tpu.memory_space<vmem>>
      %dma_start3A_524 = tpu.memref_squeeze %dma_start3A_523 : memref<1x1x128xi32, #tpu.memory_space<vmem>> -> memref<128xi32, #tpu.memory_space<vmem>>
      %dma_start3A_525 = arith.constant 0 : i32
      %dma_start3A_526 = arith.constant 0 : i32
      %dma_start3A_527 = tpu.memref_slice %arg4[%dma_start3A_525, %dma_start3A_526] : memref<10240x128xf32, #tpu.memory_space<hbm>> -> memref<10240x128xf32, #tpu.memory_space<hbm>>
      tpu.enqueue_indirect_dma source(%dma_start3A_527 : memref<10240x128xf32, #tpu.memory_space<hbm>>) target(%arg12 : memref<128x128xf32, #tpu.memory_space<vmem>>) offsets(%dma_start3A_524 : memref<128xi32, #tpu.memory_space<vmem>>) semaphore(%arg20 : memref<!tpu.dma_semaphore, #tpu.memory_space<semaphore_mem>>)
      %dma_start3A_528 = arith.constant 2 : i32
      %dma_start3A_529 = arith.constant 0 : i32
      %dma_start3A_530 = arith.constant 0 : i32
      %dma_start3A_531 = tpu.memref_slice %arg11[%dma_start3A_528, %dma_start3A_529, %dma_start3A_530] : memref<8x1x128xi32, #tpu.memory_space<vmem>> -> memref<1x1x128xi32, #tpu.memory_space<vmem>>
      %dma_start3A_532 = tpu.memref_squeeze %dma_start3A_531 : memref<1x1x128xi32, #tpu.memory_space<vmem>> -> memref<128xi32, #tpu.memory_space<vmem>>
      %dma_start3A_533 = arith.constant 0 : i32
      %dma_start3A_534 = tpu.memref_slice %arg19[%dma_start3A_533] : memref<10240xf32, #tpu.memory_space<vmem_shared>> -> memref<10240xf32, #tpu.memory_space<vmem_shared>>
      tpu.enqueue_indirect_dma source(%dma_start3A_534 : memref<10240xf32, #tpu.memory_space<vmem_shared>>) target(%arg14 : memref<128xf32, #tpu.memory_space<vmem>>) offsets(%dma_start3A_532 : memref<128xi32, #tpu.memory_space<vmem>>) semaphore(%arg22 : memref<!tpu.dma_semaphore, #tpu.memory_space<semaphore_mem>>)
      %dma_wait3A_535 = arith.constant 0 : i32
      %dma_wait3A_536 = arith.constant 0 : i32
      %dma_wait3A_537 = tpu.memref_slice %arg4[%dma_wait3A_535, %dma_wait3A_536] : memref<10240x128xf32, #tpu.memory_space<hbm>> -> memref<128x128xf32, #tpu.memory_space<hbm>>
      %dma_wait3A_538 = arith.constant 0 : i32
      %dma_wait3A_539 = arith.constant 0 : i32
      %dma_wait3A_540 = tpu.memref_slice %arg4[%dma_wait3A_538, %dma_wait3A_539] : memref<10240x128xf32, #tpu.memory_space<hbm>> -> memref<128x128xf32, #tpu.memory_space<hbm>>
      tpu.wait_dma2 semaphore(%arg21 : memref<!tpu.dma_semaphore, #tpu.memory_space<semaphore_mem>>) src(%dma_wait3A_540 : memref<128x128xf32, #tpu.memory_space<hbm>>) dst(%arg13 : memref<128x128xf32, #tpu.memory_space<vmem>>)
      %dma_wait3A_541 = arith.constant 0 : i32
      %dma_wait3A_542 = tpu.memref_slice %arg19[%dma_wait3A_541] : memref<10240xf32, #tpu.memory_space<vmem_shared>> -> memref<128xf32, #tpu.memory_space<vmem_shared>>
      %dma_wait3A_543 = arith.constant 0 : i32
      %dma_wait3A_544 = tpu.memref_slice %arg19[%dma_wait3A_543] : memref<10240xf32, #tpu.memory_space<vmem_shared>> -> memref<128xf32, #tpu.memory_space<vmem_shared>>
      tpu.wait_dma2 semaphore(%arg23 : memref<!tpu.dma_semaphore, #tpu.memory_space<semaphore_mem>>) src(%dma_wait3A_544 : memref<128xf32, #tpu.memory_space<vmem_shared>>) dst(%arg15 : memref<128xf32, #tpu.memory_space<vmem>>)
      %run_scoped3A_545 = arith.constant 1 : i32
      %run_scoped3A_546 = arith.constant 0 : i32
      "tpu.region"() ({
        %run_scoped3A_722 = tpu.sem_alloc : memref<!tpu.dma_semaphore, #tpu.memory_space<semaphore_mem>>
        %dma_start3A_723 = arith.constant 0 : i32
        %dma_start3A_724 = tpu.memref_slice %arg11[%run_scoped3A_545, %run_scoped3A_546, %dma_start3A_723] : memref<8x1x128xi32, #tpu.memory_space<vmem>> -> memref<1x1x128xi32, #tpu.memory_space<vmem>>
        %dma_start3A_725 = tpu.memref_squeeze %dma_start3A_724 : memref<1x1x128xi32, #tpu.memory_space<vmem>> -> memref<128xi32, #tpu.memory_space<vmem>>
        %dma_start3A_726 = arith.constant 0 : i32
        %dma_start3A_727 = arith.constant 0 : i32
        %dma_start3A_728 = tpu.memref_slice %arg17[%dma_start3A_726, %dma_start3A_727] : memref<10240x128xf32, #tpu.memory_space<vmem_shared>> -> memref<10240x128xf32, #tpu.memory_space<vmem_shared>>
        tpu.enqueue_indirect_dma source(%arg13 : memref<128x128xf32, #tpu.memory_space<vmem>>) target(%dma_start3A_728 : memref<10240x128xf32, #tpu.memory_space<vmem_shared>>) offsets(%dma_start3A_725 : memref<128xi32, #tpu.memory_space<vmem>>) semaphore(%run_scoped3A_722 : memref<!tpu.dma_semaphore, #tpu.memory_space<semaphore_mem>>) {add = true}
        %dma_wait3A_729 = arith.constant 0 : i32
        %dma_wait3A_730 = tpu.memref_slice %arg11[%run_scoped3A_545, %run_scoped3A_546, %dma_wait3A_729] : memref<8x1x128xi32, #tpu.memory_space<vmem>> -> memref<1x1x128xi32, #tpu.memory_space<vmem>>
        %dma_wait3A_731 = tpu.memref_squeeze %dma_wait3A_730 : memref<1x1x128xi32, #tpu.memory_space<vmem>> -> memref<128xi32, #tpu.memory_space<vmem>>
        %dma_wait3A_732 = arith.constant 0 : i32
        %dma_wait3A_733 = arith.constant 0 : i32
        %dma_wait3A_734 = tpu.memref_slice %arg17[%dma_wait3A_732, %dma_wait3A_733] : memref<10240x128xf32, #tpu.memory_space<vmem_shared>> -> memref<10240x128xf32, #tpu.memory_space<vmem_shared>>
        tpu.wait_indirect_dma semaphore(%run_scoped3A_722 : memref<!tpu.dma_semaphore, #tpu.memory_space<semaphore_mem>>) src(%arg13 : memref<128x128xf32, #tpu.memory_space<vmem>>) dst(%dma_wait3A_734 : memref<10240x128xf32, #tpu.memory_space<vmem_shared>>)
        tpu.yield
      }) : () -> ()
      %run_scoped3A_547 = arith.constant 1 : i32
      %run_scoped3A_548 = arith.constant 0 : i32
      "tpu.region"() ({
        %run_scoped3A_722 = tpu.sem_alloc : memref<!tpu.dma_semaphore, #tpu.memory_space<semaphore_mem>>
        %dma_start3A_723 = arith.constant 0 : i32
        %dma_start3A_724 = tpu.memref_slice %arg9[%run_scoped3A_547, %run_scoped3A_548, %dma_start3A_723] : memref<8x1x128xi32, #tpu.memory_space<vmem>> -> memref<1x1x128xi32, #tpu.memory_space<vmem>>
        %dma_start3A_725 = tpu.memref_squeeze %dma_start3A_724 : memref<1x1x128xi32, #tpu.memory_space<vmem>> -> memref<128xi32, #tpu.memory_space<vmem>>
        %dma_start3A_726 = arith.constant 0 : i32
        %dma_start3A_727 = tpu.memref_slice %arg18[%dma_start3A_726] : memref<10240xf32, #tpu.memory_space<vmem_shared>> -> memref<10240xf32, #tpu.memory_space<vmem_shared>>
        tpu.enqueue_indirect_dma source(%arg15 : memref<128xf32, #tpu.memory_space<vmem>>) target(%dma_start3A_727 : memref<10240xf32, #tpu.memory_space<vmem_shared>>) offsets(%dma_start3A_725 : memref<128xi32, #tpu.memory_space<vmem>>) semaphore(%run_scoped3A_722 : memref<!tpu.dma_semaphore, #tpu.memory_space<semaphore_mem>>) {add = true}
        %dma_wait3A_728 = arith.constant 0 : i32
        %dma_wait3A_729 = tpu.memref_slice %arg9[%run_scoped3A_547, %run_scoped3A_548, %dma_wait3A_728] : memref<8x1x128xi32, #tpu.memory_space<vmem>> -> memref<1x1x128xi32, #tpu.memory_space<vmem>>
        %dma_wait3A_730 = tpu.memref_squeeze %dma_wait3A_729 : memref<1x1x128xi32, #tpu.memory_space<vmem>> -> memref<128xi32, #tpu.memory_space<vmem>>
        %dma_wait3A_731 = arith.constant 0 : i32
        %dma_wait3A_732 = tpu.memref_slice %arg18[%dma_wait3A_731] : memref<10240xf32, #tpu.memory_space<vmem_shared>> -> memref<10240xf32, #tpu.memory_space<vmem_shared>>
        tpu.wait_indirect_dma semaphore(%run_scoped3A_722 : memref<!tpu.dma_semaphore, #tpu.memory_space<semaphore_mem>>) src(%arg15 : memref<128xf32, #tpu.memory_space<vmem>>) dst(%dma_wait3A_732 : memref<10240xf32, #tpu.memory_space<vmem_shared>>)
        tpu.yield
      }) : () -> ()
      %dma_start3A_549 = arith.constant 3 : i32
      %dma_start3A_550 = arith.constant 0 : i32
      %dma_start3A_551 = arith.constant 0 : i32
      %dma_start3A_552 = tpu.memref_slice %arg9[%dma_start3A_549, %dma_start3A_550, %dma_start3A_551] : memref<8x1x128xi32, #tpu.memory_space<vmem>> -> memref<1x1x128xi32, #tpu.memory_space<vmem>>
      %dma_start3A_553 = tpu.memref_squeeze %dma_start3A_552 : memref<1x1x128xi32, #tpu.memory_space<vmem>> -> memref<128xi32, #tpu.memory_space<vmem>>
      %dma_start3A_554 = arith.constant 0 : i32
      %dma_start3A_555 = arith.constant 0 : i32
      %dma_start3A_556 = tpu.memref_slice %arg4[%dma_start3A_554, %dma_start3A_555] : memref<10240x128xf32, #tpu.memory_space<hbm>> -> memref<10240x128xf32, #tpu.memory_space<hbm>>
      tpu.enqueue_indirect_dma source(%dma_start3A_556 : memref<10240x128xf32, #tpu.memory_space<hbm>>) target(%arg13 : memref<128x128xf32, #tpu.memory_space<vmem>>) offsets(%dma_start3A_553 : memref<128xi32, #tpu.memory_space<vmem>>) semaphore(%arg21 : memref<!tpu.dma_semaphore, #tpu.memory_space<semaphore_mem>>)
      %dma_start3A_557 = arith.constant 3 : i32
      %dma_start3A_558 = arith.constant 0 : i32
      %dma_start3A_559 = arith.constant 0 : i32
      %dma_start3A_560 = tpu.memref_slice %arg11[%dma_start3A_557, %dma_start3A_558, %dma_start3A_559] : memref<8x1x128xi32, #tpu.memory_space<vmem>> -> memref<1x1x128xi32, #tpu.memory_space<vmem>>
      %dma_start3A_561 = tpu.memref_squeeze %dma_start3A_560 : memref<1x1x128xi32, #tpu.memory_space<vmem>> -> memref<128xi32, #tpu.memory_space<vmem>>
      %dma_start3A_562 = arith.constant 0 : i32
      %dma_start3A_563 = tpu.memref_slice %arg19[%dma_start3A_562] : memref<10240xf32, #tpu.memory_space<vmem_shared>> -> memref<10240xf32, #tpu.memory_space<vmem_shared>>
      tpu.enqueue_indirect_dma source(%dma_start3A_563 : memref<10240xf32, #tpu.memory_space<vmem_shared>>) target(%arg15 : memref<128xf32, #tpu.memory_space<vmem>>) offsets(%dma_start3A_561 : memref<128xi32, #tpu.memory_space<vmem>>) semaphore(%arg23 : memref<!tpu.dma_semaphore, #tpu.memory_space<semaphore_mem>>)
      %dma_wait3A_564 = arith.constant 0 : i32
      %dma_wait3A_565 = arith.constant 0 : i32
      %dma_wait3A_566 = tpu.memref_slice %arg4[%dma_wait3A_564, %dma_wait3A_565] : memref<10240x128xf32, #tpu.memory_space<hbm>> -> memref<128x128xf32, #tpu.memory_space<hbm>>
      %dma_wait3A_567 = arith.constant 0 : i32
      %dma_wait3A_568 = arith.constant 0 : i32
      %dma_wait3A_569 = tpu.memref_slice %arg4[%dma_wait3A_567, %dma_wait3A_568] : memref<10240x128xf32, #tpu.memory_space<hbm>> -> memref<128x128xf32, #tpu.memory_space<hbm>>
      tpu.wait_dma2 semaphore(%arg20 : memref<!tpu.dma_semaphore, #tpu.memory_space<semaphore_mem>>) src(%dma_wait3A_569 : memref<128x128xf32, #tpu.memory_space<hbm>>) dst(%arg12 : memref<128x128xf32, #tpu.memory_space<vmem>>)
      %dma_wait3A_570 = arith.constant 0 : i32
      %dma_wait3A_571 = tpu.memref_slice %arg19[%dma_wait3A_570] : memref<10240xf32, #tpu.memory_space<vmem_shared>> -> memref<128xf32, #tpu.memory_space<vmem_shared>>
      %dma_wait3A_572 = arith.constant 0 : i32
      %dma_wait3A_573 = tpu.memref_slice %arg19[%dma_wait3A_572] : memref<10240xf32, #tpu.memory_space<vmem_shared>> -> memref<128xf32, #tpu.memory_space<vmem_shared>>
      tpu.wait_dma2 semaphore(%arg22 : memref<!tpu.dma_semaphore, #tpu.memory_space<semaphore_mem>>) src(%dma_wait3A_573 : memref<128xf32, #tpu.memory_space<vmem_shared>>) dst(%arg14 : memref<128xf32, #tpu.memory_space<vmem>>)
      %run_scoped3A_574 = arith.constant 2 : i32
      %run_scoped3A_575 = arith.constant 0 : i32
      "tpu.region"() ({
        %run_scoped3A_722 = tpu.sem_alloc : memref<!tpu.dma_semaphore, #tpu.memory_space<semaphore_mem>>
        %dma_start3A_723 = arith.constant 0 : i32
        %dma_start3A_724 = tpu.memref_slice %arg11[%run_scoped3A_574, %run_scoped3A_575, %dma_start3A_723] : memref<8x1x128xi32, #tpu.memory_space<vmem>> -> memref<1x1x128xi32, #tpu.memory_space<vmem>>
        %dma_start3A_725 = tpu.memref_squeeze %dma_start3A_724 : memref<1x1x128xi32, #tpu.memory_space<vmem>> -> memref<128xi32, #tpu.memory_space<vmem>>
        %dma_start3A_726 = arith.constant 0 : i32
        %dma_start3A_727 = arith.constant 0 : i32
        %dma_start3A_728 = tpu.memref_slice %arg17[%dma_start3A_726, %dma_start3A_727] : memref<10240x128xf32, #tpu.memory_space<vmem_shared>> -> memref<10240x128xf32, #tpu.memory_space<vmem_shared>>
        tpu.enqueue_indirect_dma source(%arg12 : memref<128x128xf32, #tpu.memory_space<vmem>>) target(%dma_start3A_728 : memref<10240x128xf32, #tpu.memory_space<vmem_shared>>) offsets(%dma_start3A_725 : memref<128xi32, #tpu.memory_space<vmem>>) semaphore(%run_scoped3A_722 : memref<!tpu.dma_semaphore, #tpu.memory_space<semaphore_mem>>) {add = true}
        %dma_wait3A_729 = arith.constant 0 : i32
        %dma_wait3A_730 = tpu.memref_slice %arg11[%run_scoped3A_574, %run_scoped3A_575, %dma_wait3A_729] : memref<8x1x128xi32, #tpu.memory_space<vmem>> -> memref<1x1x128xi32, #tpu.memory_space<vmem>>
        %dma_wait3A_731 = tpu.memref_squeeze %dma_wait3A_730 : memref<1x1x128xi32, #tpu.memory_space<vmem>> -> memref<128xi32, #tpu.memory_space<vmem>>
        %dma_wait3A_732 = arith.constant 0 : i32
        %dma_wait3A_733 = arith.constant 0 : i32
        %dma_wait3A_734 = tpu.memref_slice %arg17[%dma_wait3A_732, %dma_wait3A_733] : memref<10240x128xf32, #tpu.memory_space<vmem_shared>> -> memref<10240x128xf32, #tpu.memory_space<vmem_shared>>
        tpu.wait_indirect_dma semaphore(%run_scoped3A_722 : memref<!tpu.dma_semaphore, #tpu.memory_space<semaphore_mem>>) src(%arg12 : memref<128x128xf32, #tpu.memory_space<vmem>>) dst(%dma_wait3A_734 : memref<10240x128xf32, #tpu.memory_space<vmem_shared>>)
        tpu.yield
      }) : () -> ()
      %run_scoped3A_576 = arith.constant 2 : i32
      %run_scoped3A_577 = arith.constant 0 : i32
      "tpu.region"() ({
        %run_scoped3A_722 = tpu.sem_alloc : memref<!tpu.dma_semaphore, #tpu.memory_space<semaphore_mem>>
        %dma_start3A_723 = arith.constant 0 : i32
        %dma_start3A_724 = tpu.memref_slice %arg9[%run_scoped3A_576, %run_scoped3A_577, %dma_start3A_723] : memref<8x1x128xi32, #tpu.memory_space<vmem>> -> memref<1x1x128xi32, #tpu.memory_space<vmem>>
        %dma_start3A_725 = tpu.memref_squeeze %dma_start3A_724 : memref<1x1x128xi32, #tpu.memory_space<vmem>> -> memref<128xi32, #tpu.memory_space<vmem>>
        %dma_start3A_726 = arith.constant 0 : i32
        %dma_start3A_727 = tpu.memref_slice %arg18[%dma_start3A_726] : memref<10240xf32, #tpu.memory_space<vmem_shared>> -> memref<10240xf32, #tpu.memory_space<vmem_shared>>
        tpu.enqueue_indirect_dma source(%arg14 : memref<128xf32, #tpu.memory_space<vmem>>) target(%dma_start3A_727 : memref<10240xf32, #tpu.memory_space<vmem_shared>>) offsets(%dma_start3A_725 : memref<128xi32, #tpu.memory_space<vmem>>) semaphore(%run_scoped3A_722 : memref<!tpu.dma_semaphore, #tpu.memory_space<semaphore_mem>>) {add = true}
        %dma_wait3A_728 = arith.constant 0 : i32
        %dma_wait3A_729 = tpu.memref_slice %arg9[%run_scoped3A_576, %run_scoped3A_577, %dma_wait3A_728] : memref<8x1x128xi32, #tpu.memory_space<vmem>> -> memref<1x1x128xi32, #tpu.memory_space<vmem>>
        %dma_wait3A_730 = tpu.memref_squeeze %dma_wait3A_729 : memref<1x1x128xi32, #tpu.memory_space<vmem>> -> memref<128xi32, #tpu.memory_space<vmem>>
        %dma_wait3A_731 = arith.constant 0 : i32
        %dma_wait3A_732 = tpu.memref_slice %arg18[%dma_wait3A_731] : memref<10240xf32, #tpu.memory_space<vmem_shared>> -> memref<10240xf32, #tpu.memory_space<vmem_shared>>
        tpu.wait_indirect_dma semaphore(%run_scoped3A_722 : memref<!tpu.dma_semaphore, #tpu.memory_space<semaphore_mem>>) src(%arg14 : memref<128xf32, #tpu.memory_space<vmem>>) dst(%dma_wait3A_732 : memref<10240xf32, #tpu.memory_space<vmem_shared>>)
        tpu.yield
      }) : () -> ()
      %dma_start3A_578 = arith.constant 4 : i32
      %dma_start3A_579 = arith.constant 0 : i32
      %dma_start3A_580 = arith.constant 0 : i32
      %dma_start3A_581 = tpu.memref_slice %arg9[%dma_start3A_578, %dma_start3A_579, %dma_start3A_580] : memref<8x1x128xi32, #tpu.memory_space<vmem>> -> memref<1x1x128xi32, #tpu.memory_space<vmem>>
      %dma_start3A_582 = tpu.memref_squeeze %dma_start3A_581 : memref<1x1x128xi32, #tpu.memory_space<vmem>> -> memref<128xi32, #tpu.memory_space<vmem>>
      %dma_start3A_583 = arith.constant 0 : i32
      %dma_start3A_584 = arith.constant 0 : i32
      %dma_start3A_585 = tpu.memref_slice %arg4[%dma_start3A_583, %dma_start3A_584] : memref<10240x128xf32, #tpu.memory_space<hbm>> -> memref<10240x128xf32, #tpu.memory_space<hbm>>
      tpu.enqueue_indirect_dma source(%dma_start3A_585 : memref<10240x128xf32, #tpu.memory_space<hbm>>) target(%arg12 : memref<128x128xf32, #tpu.memory_space<vmem>>) offsets(%dma_start3A_582 : memref<128xi32, #tpu.memory_space<vmem>>) semaphore(%arg20 : memref<!tpu.dma_semaphore, #tpu.memory_space<semaphore_mem>>)
      %dma_start3A_586 = arith.constant 4 : i32
      %dma_start3A_587 = arith.constant 0 : i32
      %dma_start3A_588 = arith.constant 0 : i32
      %dma_start3A_589 = tpu.memref_slice %arg11[%dma_start3A_586, %dma_start3A_587, %dma_start3A_588] : memref<8x1x128xi32, #tpu.memory_space<vmem>> -> memref<1x1x128xi32, #tpu.memory_space<vmem>>
      %dma_start3A_590 = tpu.memref_squeeze %dma_start3A_589 : memref<1x1x128xi32, #tpu.memory_space<vmem>> -> memref<128xi32, #tpu.memory_space<vmem>>
      %dma_start3A_591 = arith.constant 0 : i32
      %dma_start3A_592 = tpu.memref_slice %arg19[%dma_start3A_591] : memref<10240xf32, #tpu.memory_space<vmem_shared>> -> memref<10240xf32, #tpu.memory_space<vmem_shared>>
      tpu.enqueue_indirect_dma source(%dma_start3A_592 : memref<10240xf32, #tpu.memory_space<vmem_shared>>) target(%arg14 : memref<128xf32, #tpu.memory_space<vmem>>) offsets(%dma_start3A_590 : memref<128xi32, #tpu.memory_space<vmem>>) semaphore(%arg22 : memref<!tpu.dma_semaphore, #tpu.memory_space<semaphore_mem>>)
      %dma_wait3A_593 = arith.constant 0 : i32
      %dma_wait3A_594 = arith.constant 0 : i32
      %dma_wait3A_595 = tpu.memref_slice %arg4[%dma_wait3A_593, %dma_wait3A_594] : memref<10240x128xf32, #tpu.memory_space<hbm>> -> memref<128x128xf32, #tpu.memory_space<hbm>>
      %dma_wait3A_596 = arith.constant 0 : i32
      %dma_wait3A_597 = arith.constant 0 : i32
      %dma_wait3A_598 = tpu.memref_slice %arg4[%dma_wait3A_596, %dma_wait3A_597] : memref<10240x128xf32, #tpu.memory_space<hbm>> -> memref<128x128xf32, #tpu.memory_space<hbm>>
      tpu.wait_dma2 semaphore(%arg21 : memref<!tpu.dma_semaphore, #tpu.memory_space<semaphore_mem>>) src(%dma_wait3A_598 : memref<128x128xf32, #tpu.memory_space<hbm>>) dst(%arg13 : memref<128x128xf32, #tpu.memory_space<vmem>>)
      %dma_wait3A_599 = arith.constant 0 : i32
      %dma_wait3A_600 = tpu.memref_slice %arg19[%dma_wait3A_599] : memref<10240xf32, #tpu.memory_space<vmem_shared>> -> memref<128xf32, #tpu.memory_space<vmem_shared>>
      %dma_wait3A_601 = arith.constant 0 : i32
      %dma_wait3A_602 = tpu.memref_slice %arg19[%dma_wait3A_601] : memref<10240xf32, #tpu.memory_space<vmem_shared>> -> memref<128xf32, #tpu.memory_space<vmem_shared>>
      tpu.wait_dma2 semaphore(%arg23 : memref<!tpu.dma_semaphore, #tpu.memory_space<semaphore_mem>>) src(%dma_wait3A_602 : memref<128xf32, #tpu.memory_space<vmem_shared>>) dst(%arg15 : memref<128xf32, #tpu.memory_space<vmem>>)
      %run_scoped3A_603 = arith.constant 3 : i32
      %run_scoped3A_604 = arith.constant 0 : i32
      "tpu.region"() ({
        %run_scoped3A_722 = tpu.sem_alloc : memref<!tpu.dma_semaphore, #tpu.memory_space<semaphore_mem>>
        %dma_start3A_723 = arith.constant 0 : i32
        %dma_start3A_724 = tpu.memref_slice %arg11[%run_scoped3A_603, %run_scoped3A_604, %dma_start3A_723] : memref<8x1x128xi32, #tpu.memory_space<vmem>> -> memref<1x1x128xi32, #tpu.memory_space<vmem>>
        %dma_start3A_725 = tpu.memref_squeeze %dma_start3A_724 : memref<1x1x128xi32, #tpu.memory_space<vmem>> -> memref<128xi32, #tpu.memory_space<vmem>>
        %dma_start3A_726 = arith.constant 0 : i32
        %dma_start3A_727 = arith.constant 0 : i32
        %dma_start3A_728 = tpu.memref_slice %arg17[%dma_start3A_726, %dma_start3A_727] : memref<10240x128xf32, #tpu.memory_space<vmem_shared>> -> memref<10240x128xf32, #tpu.memory_space<vmem_shared>>
        tpu.enqueue_indirect_dma source(%arg13 : memref<128x128xf32, #tpu.memory_space<vmem>>) target(%dma_start3A_728 : memref<10240x128xf32, #tpu.memory_space<vmem_shared>>) offsets(%dma_start3A_725 : memref<128xi32, #tpu.memory_space<vmem>>) semaphore(%run_scoped3A_722 : memref<!tpu.dma_semaphore, #tpu.memory_space<semaphore_mem>>) {add = true}
        %dma_wait3A_729 = arith.constant 0 : i32
        %dma_wait3A_730 = tpu.memref_slice %arg11[%run_scoped3A_603, %run_scoped3A_604, %dma_wait3A_729] : memref<8x1x128xi32, #tpu.memory_space<vmem>> -> memref<1x1x128xi32, #tpu.memory_space<vmem>>
        %dma_wait3A_731 = tpu.memref_squeeze %dma_wait3A_730 : memref<1x1x128xi32, #tpu.memory_space<vmem>> -> memref<128xi32, #tpu.memory_space<vmem>>
        %dma_wait3A_732 = arith.constant 0 : i32
        %dma_wait3A_733 = arith.constant 0 : i32
        %dma_wait3A_734 = tpu.memref_slice %arg17[%dma_wait3A_732, %dma_wait3A_733] : memref<10240x128xf32, #tpu.memory_space<vmem_shared>> -> memref<10240x128xf32, #tpu.memory_space<vmem_shared>>
        tpu.wait_indirect_dma semaphore(%run_scoped3A_722 : memref<!tpu.dma_semaphore, #tpu.memory_space<semaphore_mem>>) src(%arg13 : memref<128x128xf32, #tpu.memory_space<vmem>>) dst(%dma_wait3A_734 : memref<10240x128xf32, #tpu.memory_space<vmem_shared>>)
        tpu.yield
      }) : () -> ()
      %run_scoped3A_605 = arith.constant 3 : i32
      %run_scoped3A_606 = arith.constant 0 : i32
      "tpu.region"() ({
        %run_scoped3A_722 = tpu.sem_alloc : memref<!tpu.dma_semaphore, #tpu.memory_space<semaphore_mem>>
        %dma_start3A_723 = arith.constant 0 : i32
        %dma_start3A_724 = tpu.memref_slice %arg9[%run_scoped3A_605, %run_scoped3A_606, %dma_start3A_723] : memref<8x1x128xi32, #tpu.memory_space<vmem>> -> memref<1x1x128xi32, #tpu.memory_space<vmem>>
        %dma_start3A_725 = tpu.memref_squeeze %dma_start3A_724 : memref<1x1x128xi32, #tpu.memory_space<vmem>> -> memref<128xi32, #tpu.memory_space<vmem>>
        %dma_start3A_726 = arith.constant 0 : i32
        %dma_start3A_727 = tpu.memref_slice %arg18[%dma_start3A_726] : memref<10240xf32, #tpu.memory_space<vmem_shared>> -> memref<10240xf32, #tpu.memory_space<vmem_shared>>
        tpu.enqueue_indirect_dma source(%arg15 : memref<128xf32, #tpu.memory_space<vmem>>) target(%dma_start3A_727 : memref<10240xf32, #tpu.memory_space<vmem_shared>>) offsets(%dma_start3A_725 : memref<128xi32, #tpu.memory_space<vmem>>) semaphore(%run_scoped3A_722 : memref<!tpu.dma_semaphore, #tpu.memory_space<semaphore_mem>>) {add = true}
        %dma_wait3A_728 = arith.constant 0 : i32
        %dma_wait3A_729 = tpu.memref_slice %arg9[%run_scoped3A_605, %run_scoped3A_606, %dma_wait3A_728] : memref<8x1x128xi32, #tpu.memory_space<vmem>> -> memref<1x1x128xi32, #tpu.memory_space<vmem>>
        %dma_wait3A_730 = tpu.memref_squeeze %dma_wait3A_729 : memref<1x1x128xi32, #tpu.memory_space<vmem>> -> memref<128xi32, #tpu.memory_space<vmem>>
        %dma_wait3A_731 = arith.constant 0 : i32
        %dma_wait3A_732 = tpu.memref_slice %arg18[%dma_wait3A_731] : memref<10240xf32, #tpu.memory_space<vmem_shared>> -> memref<10240xf32, #tpu.memory_space<vmem_shared>>
        tpu.wait_indirect_dma semaphore(%run_scoped3A_722 : memref<!tpu.dma_semaphore, #tpu.memory_space<semaphore_mem>>) src(%arg15 : memref<128xf32, #tpu.memory_space<vmem>>) dst(%dma_wait3A_732 : memref<10240xf32, #tpu.memory_space<vmem_shared>>)
        tpu.yield
      }) : () -> ()
      %dma_start3A_607 = arith.constant 5 : i32
      %dma_start3A_608 = arith.constant 0 : i32
      %dma_start3A_609 = arith.constant 0 : i32
      %dma_start3A_610 = tpu.memref_slice %arg9[%dma_start3A_607, %dma_start3A_608, %dma_start3A_609] : memref<8x1x128xi32, #tpu.memory_space<vmem>> -> memref<1x1x128xi32, #tpu.memory_space<vmem>>
      %dma_start3A_611 = tpu.memref_squeeze %dma_start3A_610 : memref<1x1x128xi32, #tpu.memory_space<vmem>> -> memref<128xi32, #tpu.memory_space<vmem>>
      %dma_start3A_612 = arith.constant 0 : i32
      %dma_start3A_613 = arith.constant 0 : i32
      %dma_start3A_614 = tpu.memref_slice %arg4[%dma_start3A_612, %dma_start3A_613] : memref<10240x128xf32, #tpu.memory_space<hbm>> -> memref<10240x128xf32, #tpu.memory_space<hbm>>
      tpu.enqueue_indirect_dma source(%dma_start3A_614 : memref<10240x128xf32, #tpu.memory_space<hbm>>) target(%arg13 : memref<128x128xf32, #tpu.memory_space<vmem>>) offsets(%dma_start3A_611 : memref<128xi32, #tpu.memory_space<vmem>>) semaphore(%arg21 : memref<!tpu.dma_semaphore, #tpu.memory_space<semaphore_mem>>)
      %dma_start3A_615 = arith.constant 5 : i32
      %dma_start3A_616 = arith.constant 0 : i32
      %dma_start3A_617 = arith.constant 0 : i32
      %dma_start3A_618 = tpu.memref_slice %arg11[%dma_start3A_615, %dma_start3A_616, %dma_start3A_617] : memref<8x1x128xi32, #tpu.memory_space<vmem>> -> memref<1x1x128xi32, #tpu.memory_space<vmem>>
      %dma_start3A_619 = tpu.memref_squeeze %dma_start3A_618 : memref<1x1x128xi32, #tpu.memory_space<vmem>> -> memref<128xi32, #tpu.memory_space<vmem>>
      %dma_start3A_620 = arith.constant 0 : i32
      %dma_start3A_621 = tpu.memref_slice %arg19[%dma_start3A_620] : memref<10240xf32, #tpu.memory_space<vmem_shared>> -> memref<10240xf32, #tpu.memory_space<vmem_shared>>
      tpu.enqueue_indirect_dma source(%dma_start3A_621 : memref<10240xf32, #tpu.memory_space<vmem_shared>>) target(%arg15 : memref<128xf32, #tpu.memory_space<vmem>>) offsets(%dma_start3A_619 : memref<128xi32, #tpu.memory_space<vmem>>) semaphore(%arg23 : memref<!tpu.dma_semaphore, #tpu.memory_space<semaphore_mem>>)
      %dma_wait3A_622 = arith.constant 0 : i32
      %dma_wait3A_623 = arith.constant 0 : i32
      %dma_wait3A_624 = tpu.memref_slice %arg4[%dma_wait3A_622, %dma_wait3A_623] : memref<10240x128xf32, #tpu.memory_space<hbm>> -> memref<128x128xf32, #tpu.memory_space<hbm>>
      %dma_wait3A_625 = arith.constant 0 : i32
      %dma_wait3A_626 = arith.constant 0 : i32
      %dma_wait3A_627 = tpu.memref_slice %arg4[%dma_wait3A_625, %dma_wait3A_626] : memref<10240x128xf32, #tpu.memory_space<hbm>> -> memref<128x128xf32, #tpu.memory_space<hbm>>
      tpu.wait_dma2 semaphore(%arg20 : memref<!tpu.dma_semaphore, #tpu.memory_space<semaphore_mem>>) src(%dma_wait3A_627 : memref<128x128xf32, #tpu.memory_space<hbm>>) dst(%arg12 : memref<128x128xf32, #tpu.memory_space<vmem>>)
      %dma_wait3A_628 = arith.constant 0 : i32
      %dma_wait3A_629 = tpu.memref_slice %arg19[%dma_wait3A_628] : memref<10240xf32, #tpu.memory_space<vmem_shared>> -> memref<128xf32, #tpu.memory_space<vmem_shared>>
      %dma_wait3A_630 = arith.constant 0 : i32
      %dma_wait3A_631 = tpu.memref_slice %arg19[%dma_wait3A_630] : memref<10240xf32, #tpu.memory_space<vmem_shared>> -> memref<128xf32, #tpu.memory_space<vmem_shared>>
      tpu.wait_dma2 semaphore(%arg22 : memref<!tpu.dma_semaphore, #tpu.memory_space<semaphore_mem>>) src(%dma_wait3A_631 : memref<128xf32, #tpu.memory_space<vmem_shared>>) dst(%arg14 : memref<128xf32, #tpu.memory_space<vmem>>)
      %run_scoped3A_632 = arith.constant 4 : i32
      %run_scoped3A_633 = arith.constant 0 : i32
      "tpu.region"() ({
        %run_scoped3A_722 = tpu.sem_alloc : memref<!tpu.dma_semaphore, #tpu.memory_space<semaphore_mem>>
        %dma_start3A_723 = arith.constant 0 : i32
        %dma_start3A_724 = tpu.memref_slice %arg11[%run_scoped3A_632, %run_scoped3A_633, %dma_start3A_723] : memref<8x1x128xi32, #tpu.memory_space<vmem>> -> memref<1x1x128xi32, #tpu.memory_space<vmem>>
        %dma_start3A_725 = tpu.memref_squeeze %dma_start3A_724 : memref<1x1x128xi32, #tpu.memory_space<vmem>> -> memref<128xi32, #tpu.memory_space<vmem>>
        %dma_start3A_726 = arith.constant 0 : i32
        %dma_start3A_727 = arith.constant 0 : i32
        %dma_start3A_728 = tpu.memref_slice %arg17[%dma_start3A_726, %dma_start3A_727] : memref<10240x128xf32, #tpu.memory_space<vmem_shared>> -> memref<10240x128xf32, #tpu.memory_space<vmem_shared>>
        tpu.enqueue_indirect_dma source(%arg12 : memref<128x128xf32, #tpu.memory_space<vmem>>) target(%dma_start3A_728 : memref<10240x128xf32, #tpu.memory_space<vmem_shared>>) offsets(%dma_start3A_725 : memref<128xi32, #tpu.memory_space<vmem>>) semaphore(%run_scoped3A_722 : memref<!tpu.dma_semaphore, #tpu.memory_space<semaphore_mem>>) {add = true}
        %dma_wait3A_729 = arith.constant 0 : i32
        %dma_wait3A_730 = tpu.memref_slice %arg11[%run_scoped3A_632, %run_scoped3A_633, %dma_wait3A_729] : memref<8x1x128xi32, #tpu.memory_space<vmem>> -> memref<1x1x128xi32, #tpu.memory_space<vmem>>
        %dma_wait3A_731 = tpu.memref_squeeze %dma_wait3A_730 : memref<1x1x128xi32, #tpu.memory_space<vmem>> -> memref<128xi32, #tpu.memory_space<vmem>>
        %dma_wait3A_732 = arith.constant 0 : i32
        %dma_wait3A_733 = arith.constant 0 : i32
        %dma_wait3A_734 = tpu.memref_slice %arg17[%dma_wait3A_732, %dma_wait3A_733] : memref<10240x128xf32, #tpu.memory_space<vmem_shared>> -> memref<10240x128xf32, #tpu.memory_space<vmem_shared>>
        tpu.wait_indirect_dma semaphore(%run_scoped3A_722 : memref<!tpu.dma_semaphore, #tpu.memory_space<semaphore_mem>>) src(%arg12 : memref<128x128xf32, #tpu.memory_space<vmem>>) dst(%dma_wait3A_734 : memref<10240x128xf32, #tpu.memory_space<vmem_shared>>)
        tpu.yield
      }) : () -> ()
      %run_scoped3A_634 = arith.constant 4 : i32
      %run_scoped3A_635 = arith.constant 0 : i32
      "tpu.region"() ({
        %run_scoped3A_722 = tpu.sem_alloc : memref<!tpu.dma_semaphore, #tpu.memory_space<semaphore_mem>>
        %dma_start3A_723 = arith.constant 0 : i32
        %dma_start3A_724 = tpu.memref_slice %arg9[%run_scoped3A_634, %run_scoped3A_635, %dma_start3A_723] : memref<8x1x128xi32, #tpu.memory_space<vmem>> -> memref<1x1x128xi32, #tpu.memory_space<vmem>>
        %dma_start3A_725 = tpu.memref_squeeze %dma_start3A_724 : memref<1x1x128xi32, #tpu.memory_space<vmem>> -> memref<128xi32, #tpu.memory_space<vmem>>
        %dma_start3A_726 = arith.constant 0 : i32
        %dma_start3A_727 = tpu.memref_slice %arg18[%dma_start3A_726] : memref<10240xf32, #tpu.memory_space<vmem_shared>> -> memref<10240xf32, #tpu.memory_space<vmem_shared>>
        tpu.enqueue_indirect_dma source(%arg14 : memref<128xf32, #tpu.memory_space<vmem>>) target(%dma_start3A_727 : memref<10240xf32, #tpu.memory_space<vmem_shared>>) offsets(%dma_start3A_725 : memref<128xi32, #tpu.memory_space<vmem>>) semaphore(%run_scoped3A_722 : memref<!tpu.dma_semaphore, #tpu.memory_space<semaphore_mem>>) {add = true}
        %dma_wait3A_728 = arith.constant 0 : i32
        %dma_wait3A_729 = tpu.memref_slice %arg9[%run_scoped3A_634, %run_scoped3A_635, %dma_wait3A_728] : memref<8x1x128xi32, #tpu.memory_space<vmem>> -> memref<1x1x128xi32, #tpu.memory_space<vmem>>
        %dma_wait3A_730 = tpu.memref_squeeze %dma_wait3A_729 : memref<1x1x128xi32, #tpu.memory_space<vmem>> -> memref<128xi32, #tpu.memory_space<vmem>>
        %dma_wait3A_731 = arith.constant 0 : i32
        %dma_wait3A_732 = tpu.memref_slice %arg18[%dma_wait3A_731] : memref<10240xf32, #tpu.memory_space<vmem_shared>> -> memref<10240xf32, #tpu.memory_space<vmem_shared>>
        tpu.wait_indirect_dma semaphore(%run_scoped3A_722 : memref<!tpu.dma_semaphore, #tpu.memory_space<semaphore_mem>>) src(%arg14 : memref<128xf32, #tpu.memory_space<vmem>>) dst(%dma_wait3A_732 : memref<10240xf32, #tpu.memory_space<vmem_shared>>)
        tpu.yield
      }) : () -> ()
      %dma_start3A_636 = arith.constant 6 : i32
      %dma_start3A_637 = arith.constant 0 : i32
      %dma_start3A_638 = arith.constant 0 : i32
      %dma_start3A_639 = tpu.memref_slice %arg9[%dma_start3A_636, %dma_start3A_637, %dma_start3A_638] : memref<8x1x128xi32, #tpu.memory_space<vmem>> -> memref<1x1x128xi32, #tpu.memory_space<vmem>>
      %dma_start3A_640 = tpu.memref_squeeze %dma_start3A_639 : memref<1x1x128xi32, #tpu.memory_space<vmem>> -> memref<128xi32, #tpu.memory_space<vmem>>
      %dma_start3A_641 = arith.constant 0 : i32
      %dma_start3A_642 = arith.constant 0 : i32
      %dma_start3A_643 = tpu.memref_slice %arg4[%dma_start3A_641, %dma_start3A_642] : memref<10240x128xf32, #tpu.memory_space<hbm>> -> memref<10240x128xf32, #tpu.memory_space<hbm>>
      tpu.enqueue_indirect_dma source(%dma_start3A_643 : memref<10240x128xf32, #tpu.memory_space<hbm>>) target(%arg12 : memref<128x128xf32, #tpu.memory_space<vmem>>) offsets(%dma_start3A_640 : memref<128xi32, #tpu.memory_space<vmem>>) semaphore(%arg20 : memref<!tpu.dma_semaphore, #tpu.memory_space<semaphore_mem>>)
      %dma_start3A_644 = arith.constant 6 : i32
      %dma_start3A_645 = arith.constant 0 : i32
      %dma_start3A_646 = arith.constant 0 : i32
      %dma_start3A_647 = tpu.memref_slice %arg11[%dma_start3A_644, %dma_start3A_645, %dma_start3A_646] : memref<8x1x128xi32, #tpu.memory_space<vmem>> -> memref<1x1x128xi32, #tpu.memory_space<vmem>>
      %dma_start3A_648 = tpu.memref_squeeze %dma_start3A_647 : memref<1x1x128xi32, #tpu.memory_space<vmem>> -> memref<128xi32, #tpu.memory_space<vmem>>
      %dma_start3A_649 = arith.constant 0 : i32
      %dma_start3A_650 = tpu.memref_slice %arg19[%dma_start3A_649] : memref<10240xf32, #tpu.memory_space<vmem_shared>> -> memref<10240xf32, #tpu.memory_space<vmem_shared>>
      tpu.enqueue_indirect_dma source(%dma_start3A_650 : memref<10240xf32, #tpu.memory_space<vmem_shared>>) target(%arg14 : memref<128xf32, #tpu.memory_space<vmem>>) offsets(%dma_start3A_648 : memref<128xi32, #tpu.memory_space<vmem>>) semaphore(%arg22 : memref<!tpu.dma_semaphore, #tpu.memory_space<semaphore_mem>>)
      %dma_wait3A_651 = arith.constant 0 : i32
      %dma_wait3A_652 = arith.constant 0 : i32
      %dma_wait3A_653 = tpu.memref_slice %arg4[%dma_wait3A_651, %dma_wait3A_652] : memref<10240x128xf32, #tpu.memory_space<hbm>> -> memref<128x128xf32, #tpu.memory_space<hbm>>
      %dma_wait3A_654 = arith.constant 0 : i32
      %dma_wait3A_655 = arith.constant 0 : i32
      %dma_wait3A_656 = tpu.memref_slice %arg4[%dma_wait3A_654, %dma_wait3A_655] : memref<10240x128xf32, #tpu.memory_space<hbm>> -> memref<128x128xf32, #tpu.memory_space<hbm>>
      tpu.wait_dma2 semaphore(%arg21 : memref<!tpu.dma_semaphore, #tpu.memory_space<semaphore_mem>>) src(%dma_wait3A_656 : memref<128x128xf32, #tpu.memory_space<hbm>>) dst(%arg13 : memref<128x128xf32, #tpu.memory_space<vmem>>)
      %dma_wait3A_657 = arith.constant 0 : i32
      %dma_wait3A_658 = tpu.memref_slice %arg19[%dma_wait3A_657] : memref<10240xf32, #tpu.memory_space<vmem_shared>> -> memref<128xf32, #tpu.memory_space<vmem_shared>>
      %dma_wait3A_659 = arith.constant 0 : i32
      %dma_wait3A_660 = tpu.memref_slice %arg19[%dma_wait3A_659] : memref<10240xf32, #tpu.memory_space<vmem_shared>> -> memref<128xf32, #tpu.memory_space<vmem_shared>>
      tpu.wait_dma2 semaphore(%arg23 : memref<!tpu.dma_semaphore, #tpu.memory_space<semaphore_mem>>) src(%dma_wait3A_660 : memref<128xf32, #tpu.memory_space<vmem_shared>>) dst(%arg15 : memref<128xf32, #tpu.memory_space<vmem>>)
      %run_scoped3A_661 = arith.constant 5 : i32
      %run_scoped3A_662 = arith.constant 0 : i32
      "tpu.region"() ({
        %run_scoped3A_722 = tpu.sem_alloc : memref<!tpu.dma_semaphore, #tpu.memory_space<semaphore_mem>>
        %dma_start3A_723 = arith.constant 0 : i32
        %dma_start3A_724 = tpu.memref_slice %arg11[%run_scoped3A_661, %run_scoped3A_662, %dma_start3A_723] : memref<8x1x128xi32, #tpu.memory_space<vmem>> -> memref<1x1x128xi32, #tpu.memory_space<vmem>>
        %dma_start3A_725 = tpu.memref_squeeze %dma_start3A_724 : memref<1x1x128xi32, #tpu.memory_space<vmem>> -> memref<128xi32, #tpu.memory_space<vmem>>
        %dma_start3A_726 = arith.constant 0 : i32
        %dma_start3A_727 = arith.constant 0 : i32
        %dma_start3A_728 = tpu.memref_slice %arg17[%dma_start3A_726, %dma_start3A_727] : memref<10240x128xf32, #tpu.memory_space<vmem_shared>> -> memref<10240x128xf32, #tpu.memory_space<vmem_shared>>
        tpu.enqueue_indirect_dma source(%arg13 : memref<128x128xf32, #tpu.memory_space<vmem>>) target(%dma_start3A_728 : memref<10240x128xf32, #tpu.memory_space<vmem_shared>>) offsets(%dma_start3A_725 : memref<128xi32, #tpu.memory_space<vmem>>) semaphore(%run_scoped3A_722 : memref<!tpu.dma_semaphore, #tpu.memory_space<semaphore_mem>>) {add = true}
        %dma_wait3A_729 = arith.constant 0 : i32
        %dma_wait3A_730 = tpu.memref_slice %arg11[%run_scoped3A_661, %run_scoped3A_662, %dma_wait3A_729] : memref<8x1x128xi32, #tpu.memory_space<vmem>> -> memref<1x1x128xi32, #tpu.memory_space<vmem>>
        %dma_wait3A_731 = tpu.memref_squeeze %dma_wait3A_730 : memref<1x1x128xi32, #tpu.memory_space<vmem>> -> memref<128xi32, #tpu.memory_space<vmem>>
        %dma_wait3A_732 = arith.constant 0 : i32
        %dma_wait3A_733 = arith.constant 0 : i32
        %dma_wait3A_734 = tpu.memref_slice %arg17[%dma_wait3A_732, %dma_wait3A_733] : memref<10240x128xf32, #tpu.memory_space<vmem_shared>> -> memref<10240x128xf32, #tpu.memory_space<vmem_shared>>
        tpu.wait_indirect_dma semaphore(%run_scoped3A_722 : memref<!tpu.dma_semaphore, #tpu.memory_space<semaphore_mem>>) src(%arg13 : memref<128x128xf32, #tpu.memory_space<vmem>>) dst(%dma_wait3A_734 : memref<10240x128xf32, #tpu.memory_space<vmem_shared>>)
        tpu.yield
      }) : () -> ()
      %run_scoped3A_663 = arith.constant 5 : i32
      %run_scoped3A_664 = arith.constant 0 : i32
      "tpu.region"() ({
        %run_scoped3A_722 = tpu.sem_alloc : memref<!tpu.dma_semaphore, #tpu.memory_space<semaphore_mem>>
        %dma_start3A_723 = arith.constant 0 : i32
        %dma_start3A_724 = tpu.memref_slice %arg9[%run_scoped3A_663, %run_scoped3A_664, %dma_start3A_723] : memref<8x1x128xi32, #tpu.memory_space<vmem>> -> memref<1x1x128xi32, #tpu.memory_space<vmem>>
        %dma_start3A_725 = tpu.memref_squeeze %dma_start3A_724 : memref<1x1x128xi32, #tpu.memory_space<vmem>> -> memref<128xi32, #tpu.memory_space<vmem>>
        %dma_start3A_726 = arith.constant 0 : i32
        %dma_start3A_727 = tpu.memref_slice %arg18[%dma_start3A_726] : memref<10240xf32, #tpu.memory_space<vmem_shared>> -> memref<10240xf32, #tpu.memory_space<vmem_shared>>
        tpu.enqueue_indirect_dma source(%arg15 : memref<128xf32, #tpu.memory_space<vmem>>) target(%dma_start3A_727 : memref<10240xf32, #tpu.memory_space<vmem_shared>>) offsets(%dma_start3A_725 : memref<128xi32, #tpu.memory_space<vmem>>) semaphore(%run_scoped3A_722 : memref<!tpu.dma_semaphore, #tpu.memory_space<semaphore_mem>>) {add = true}
        %dma_wait3A_728 = arith.constant 0 : i32
        %dma_wait3A_729 = tpu.memref_slice %arg9[%run_scoped3A_663, %run_scoped3A_664, %dma_wait3A_728] : memref<8x1x128xi32, #tpu.memory_space<vmem>> -> memref<1x1x128xi32, #tpu.memory_space<vmem>>
        %dma_wait3A_730 = tpu.memref_squeeze %dma_wait3A_729 : memref<1x1x128xi32, #tpu.memory_space<vmem>> -> memref<128xi32, #tpu.memory_space<vmem>>
        %dma_wait3A_731 = arith.constant 0 : i32
        %dma_wait3A_732 = tpu.memref_slice %arg18[%dma_wait3A_731] : memref<10240xf32, #tpu.memory_space<vmem_shared>> -> memref<10240xf32, #tpu.memory_space<vmem_shared>>
        tpu.wait_indirect_dma semaphore(%run_scoped3A_722 : memref<!tpu.dma_semaphore, #tpu.memory_space<semaphore_mem>>) src(%arg15 : memref<128xf32, #tpu.memory_space<vmem>>) dst(%dma_wait3A_732 : memref<10240xf32, #tpu.memory_space<vmem_shared>>)
        tpu.yield
      }) : () -> ()
      %dma_start3A_665 = arith.constant 7 : i32
      %dma_start3A_666 = arith.constant 0 : i32
      %dma_start3A_667 = arith.constant 0 : i32
      %dma_start3A_668 = tpu.memref_slice %arg9[%dma_start3A_665, %dma_start3A_666, %dma_start3A_667] : memref<8x1x128xi32, #tpu.memory_space<vmem>> -> memref<1x1x128xi32, #tpu.memory_space<vmem>>
      %dma_start3A_669 = tpu.memref_squeeze %dma_start3A_668 : memref<1x1x128xi32, #tpu.memory_space<vmem>> -> memref<128xi32, #tpu.memory_space<vmem>>
      %dma_start3A_670 = arith.constant 0 : i32
      %dma_start3A_671 = arith.constant 0 : i32
      %dma_start3A_672 = tpu.memref_slice %arg4[%dma_start3A_670, %dma_start3A_671] : memref<10240x128xf32, #tpu.memory_space<hbm>> -> memref<10240x128xf32, #tpu.memory_space<hbm>>
      tpu.enqueue_indirect_dma source(%dma_start3A_672 : memref<10240x128xf32, #tpu.memory_space<hbm>>) target(%arg13 : memref<128x128xf32, #tpu.memory_space<vmem>>) offsets(%dma_start3A_669 : memref<128xi32, #tpu.memory_space<vmem>>) semaphore(%arg21 : memref<!tpu.dma_semaphore, #tpu.memory_space<semaphore_mem>>)
      %dma_start3A_673 = arith.constant 7 : i32
      %dma_start3A_674 = arith.constant 0 : i32
      %dma_start3A_675 = arith.constant 0 : i32
      %dma_start3A_676 = tpu.memref_slice %arg11[%dma_start3A_673, %dma_start3A_674, %dma_start3A_675] : memref<8x1x128xi32, #tpu.memory_space<vmem>> -> memref<1x1x128xi32, #tpu.memory_space<vmem>>
      %dma_start3A_677 = tpu.memref_squeeze %dma_start3A_676 : memref<1x1x128xi32, #tpu.memory_space<vmem>> -> memref<128xi32, #tpu.memory_space<vmem>>
      %dma_start3A_678 = arith.constant 0 : i32
      %dma_start3A_679 = tpu.memref_slice %arg19[%dma_start3A_678] : memref<10240xf32, #tpu.memory_space<vmem_shared>> -> memref<10240xf32, #tpu.memory_space<vmem_shared>>
      tpu.enqueue_indirect_dma source(%dma_start3A_679 : memref<10240xf32, #tpu.memory_space<vmem_shared>>) target(%arg15 : memref<128xf32, #tpu.memory_space<vmem>>) offsets(%dma_start3A_677 : memref<128xi32, #tpu.memory_space<vmem>>) semaphore(%arg23 : memref<!tpu.dma_semaphore, #tpu.memory_space<semaphore_mem>>)
      %dma_wait3A_680 = arith.constant 0 : i32
      %dma_wait3A_681 = arith.constant 0 : i32
      %dma_wait3A_682 = tpu.memref_slice %arg4[%dma_wait3A_680, %dma_wait3A_681] : memref<10240x128xf32, #tpu.memory_space<hbm>> -> memref<128x128xf32, #tpu.memory_space<hbm>>
      %dma_wait3A_683 = arith.constant 0 : i32
      %dma_wait3A_684 = arith.constant 0 : i32
      %dma_wait3A_685 = tpu.memref_slice %arg4[%dma_wait3A_683, %dma_wait3A_684] : memref<10240x128xf32, #tpu.memory_space<hbm>> -> memref<128x128xf32, #tpu.memory_space<hbm>>
      tpu.wait_dma2 semaphore(%arg20 : memref<!tpu.dma_semaphore, #tpu.memory_space<semaphore_mem>>) src(%dma_wait3A_685 : memref<128x128xf32, #tpu.memory_space<hbm>>) dst(%arg12 : memref<128x128xf32, #tpu.memory_space<vmem>>)
      %dma_wait3A_686 = arith.constant 0 : i32
      %dma_wait3A_687 = tpu.memref_slice %arg19[%dma_wait3A_686] : memref<10240xf32, #tpu.memory_space<vmem_shared>> -> memref<128xf32, #tpu.memory_space<vmem_shared>>
      %dma_wait3A_688 = arith.constant 0 : i32
      %dma_wait3A_689 = tpu.memref_slice %arg19[%dma_wait3A_688] : memref<10240xf32, #tpu.memory_space<vmem_shared>> -> memref<128xf32, #tpu.memory_space<vmem_shared>>
      tpu.wait_dma2 semaphore(%arg22 : memref<!tpu.dma_semaphore, #tpu.memory_space<semaphore_mem>>) src(%dma_wait3A_689 : memref<128xf32, #tpu.memory_space<vmem_shared>>) dst(%arg14 : memref<128xf32, #tpu.memory_space<vmem>>)
      %run_scoped3A_690 = arith.constant 6 : i32
      %run_scoped3A_691 = arith.constant 0 : i32
      "tpu.region"() ({
        %run_scoped3A_722 = tpu.sem_alloc : memref<!tpu.dma_semaphore, #tpu.memory_space<semaphore_mem>>
        %dma_start3A_723 = arith.constant 0 : i32
        %dma_start3A_724 = tpu.memref_slice %arg11[%run_scoped3A_690, %run_scoped3A_691, %dma_start3A_723] : memref<8x1x128xi32, #tpu.memory_space<vmem>> -> memref<1x1x128xi32, #tpu.memory_space<vmem>>
        %dma_start3A_725 = tpu.memref_squeeze %dma_start3A_724 : memref<1x1x128xi32, #tpu.memory_space<vmem>> -> memref<128xi32, #tpu.memory_space<vmem>>
        %dma_start3A_726 = arith.constant 0 : i32
        %dma_start3A_727 = arith.constant 0 : i32
        %dma_start3A_728 = tpu.memref_slice %arg17[%dma_start3A_726, %dma_start3A_727] : memref<10240x128xf32, #tpu.memory_space<vmem_shared>> -> memref<10240x128xf32, #tpu.memory_space<vmem_shared>>
        tpu.enqueue_indirect_dma source(%arg12 : memref<128x128xf32, #tpu.memory_space<vmem>>) target(%dma_start3A_728 : memref<10240x128xf32, #tpu.memory_space<vmem_shared>>) offsets(%dma_start3A_725 : memref<128xi32, #tpu.memory_space<vmem>>) semaphore(%run_scoped3A_722 : memref<!tpu.dma_semaphore, #tpu.memory_space<semaphore_mem>>) {add = true}
        %dma_wait3A_729 = arith.constant 0 : i32
        %dma_wait3A_730 = tpu.memref_slice %arg11[%run_scoped3A_690, %run_scoped3A_691, %dma_wait3A_729] : memref<8x1x128xi32, #tpu.memory_space<vmem>> -> memref<1x1x128xi32, #tpu.memory_space<vmem>>
        %dma_wait3A_731 = tpu.memref_squeeze %dma_wait3A_730 : memref<1x1x128xi32, #tpu.memory_space<vmem>> -> memref<128xi32, #tpu.memory_space<vmem>>
        %dma_wait3A_732 = arith.constant 0 : i32
        %dma_wait3A_733 = arith.constant 0 : i32
        %dma_wait3A_734 = tpu.memref_slice %arg17[%dma_wait3A_732, %dma_wait3A_733] : memref<10240x128xf32, #tpu.memory_space<vmem_shared>> -> memref<10240x128xf32, #tpu.memory_space<vmem_shared>>
        tpu.wait_indirect_dma semaphore(%run_scoped3A_722 : memref<!tpu.dma_semaphore, #tpu.memory_space<semaphore_mem>>) src(%arg12 : memref<128x128xf32, #tpu.memory_space<vmem>>) dst(%dma_wait3A_734 : memref<10240x128xf32, #tpu.memory_space<vmem_shared>>)
        tpu.yield
      }) : () -> ()
      %run_scoped3A_692 = arith.constant 6 : i32
      %run_scoped3A_693 = arith.constant 0 : i32
      "tpu.region"() ({
        %run_scoped3A_722 = tpu.sem_alloc : memref<!tpu.dma_semaphore, #tpu.memory_space<semaphore_mem>>
        %dma_start3A_723 = arith.constant 0 : i32
        %dma_start3A_724 = tpu.memref_slice %arg9[%run_scoped3A_692, %run_scoped3A_693, %dma_start3A_723] : memref<8x1x128xi32, #tpu.memory_space<vmem>> -> memref<1x1x128xi32, #tpu.memory_space<vmem>>
        %dma_start3A_725 = tpu.memref_squeeze %dma_start3A_724 : memref<1x1x128xi32, #tpu.memory_space<vmem>> -> memref<128xi32, #tpu.memory_space<vmem>>
        %dma_start3A_726 = arith.constant 0 : i32
        %dma_start3A_727 = tpu.memref_slice %arg18[%dma_start3A_726] : memref<10240xf32, #tpu.memory_space<vmem_shared>> -> memref<10240xf32, #tpu.memory_space<vmem_shared>>
        tpu.enqueue_indirect_dma source(%arg14 : memref<128xf32, #tpu.memory_space<vmem>>) target(%dma_start3A_727 : memref<10240xf32, #tpu.memory_space<vmem_shared>>) offsets(%dma_start3A_725 : memref<128xi32, #tpu.memory_space<vmem>>) semaphore(%run_scoped3A_722 : memref<!tpu.dma_semaphore, #tpu.memory_space<semaphore_mem>>) {add = true}
        %dma_wait3A_728 = arith.constant 0 : i32
        %dma_wait3A_729 = tpu.memref_slice %arg9[%run_scoped3A_692, %run_scoped3A_693, %dma_wait3A_728] : memref<8x1x128xi32, #tpu.memory_space<vmem>> -> memref<1x1x128xi32, #tpu.memory_space<vmem>>
        %dma_wait3A_730 = tpu.memref_squeeze %dma_wait3A_729 : memref<1x1x128xi32, #tpu.memory_space<vmem>> -> memref<128xi32, #tpu.memory_space<vmem>>
        %dma_wait3A_731 = arith.constant 0 : i32
        %dma_wait3A_732 = tpu.memref_slice %arg18[%dma_wait3A_731] : memref<10240xf32, #tpu.memory_space<vmem_shared>> -> memref<10240xf32, #tpu.memory_space<vmem_shared>>
        tpu.wait_indirect_dma semaphore(%run_scoped3A_722 : memref<!tpu.dma_semaphore, #tpu.memory_space<semaphore_mem>>) src(%arg14 : memref<128xf32, #tpu.memory_space<vmem>>) dst(%dma_wait3A_732 : memref<10240xf32, #tpu.memory_space<vmem_shared>>)
        tpu.yield
      }) : () -> ()
      %add3A_694 = arith.constant 1 : i32
      %add3A_695 = arith.addi %add3A_490, %add3A_694 : i32
      %lt3A_696 = arith.constant 10 : i32
      %lt3A_697 = arith.cmpi slt, %add3A_695, %lt3A_696 : i32
      %convert_element_type3A_698 = arith.extui %lt3A_697 : i1 to i32
      %cond3A_699 = arith.constant 0 : i32
      %cond3A_700 = arith.cmpi ne, %convert_element_type3A_698, %cond3A_699 : i32
      scf.if %cond3A_700 {
        %dma_wait3A_722 = arith.constant 0 : i32
        %dma_wait3A_723 = arith.constant 0 : i32
        %dma_wait3A_724 = arith.constant 0 : i32
        %dma_wait3A_725 = tpu.memref_slice %arg2[%dma_wait3A_722, %dma_wait3A_723, %dma_wait3A_724] : memref<2560x1x128xi32, #tpu.memory_space<hbm>> -> memref<8x1x128xi32, #tpu.memory_space<hbm>>
        %dma_wait3A_726 = arith.constant 0 : i32
        %dma_wait3A_727 = arith.constant 0 : i32
        %dma_wait3A_728 = arith.constant 0 : i32
        %dma_wait3A_729 = tpu.memref_slice %arg2[%dma_wait3A_726, %dma_wait3A_727, %dma_wait3A_728] : memref<2560x1x128xi32, #tpu.memory_space<hbm>> -> memref<8x1x128xi32, #tpu.memory_space<hbm>>
        tpu.wait_dma2 semaphore(%arg24 : memref<!tpu.dma_semaphore, #tpu.memory_space<semaphore_mem>>) src(%dma_wait3A_729 : memref<8x1x128xi32, #tpu.memory_space<hbm>>) dst(%arg8 : memref<8x1x128xi32, #tpu.memory_space<vmem>>)
        %dma_wait3A_730 = arith.constant 0 : i32
        %dma_wait3A_731 = arith.constant 0 : i32
        %dma_wait3A_732 = arith.constant 0 : i32
        %dma_wait3A_733 = tpu.memref_slice %arg2[%dma_wait3A_730, %dma_wait3A_731, %dma_wait3A_732] : memref<2560x1x128xi32, #tpu.memory_space<hbm>> -> memref<8x1x128xi32, #tpu.memory_space<hbm>>
        %dma_wait3A_734 = arith.constant 0 : i32
        %dma_wait3A_735 = arith.constant 0 : i32
        %dma_wait3A_736 = arith.constant 0 : i32
        %dma_wait3A_737 = tpu.memref_slice %arg2[%dma_wait3A_734, %dma_wait3A_735, %dma_wait3A_736] : memref<2560x1x128xi32, #tpu.memory_space<hbm>> -> memref<8x1x128xi32, #tpu.memory_space<hbm>>
        tpu.wait_dma2 semaphore(%arg24 : memref<!tpu.dma_semaphore, #tpu.memory_space<semaphore_mem>>) src(%dma_wait3A_737 : memref<8x1x128xi32, #tpu.memory_space<hbm>>) dst(%arg10 : memref<8x1x128xi32, #tpu.memory_space<vmem>>)
        %dma_start3A_738 = arith.constant 0 : i32
        %dma_start3A_739 = arith.constant 0 : i32
        %dma_start3A_740 = arith.constant 0 : i32
        %dma_start3A_741 = tpu.memref_slice %arg8[%dma_start3A_738, %dma_start3A_739, %dma_start3A_740] : memref<8x1x128xi32, #tpu.memory_space<vmem>> -> memref<1x1x128xi32, #tpu.memory_space<vmem>>
        %dma_start3A_742 = tpu.memref_squeeze %dma_start3A_741 : memref<1x1x128xi32, #tpu.memory_space<vmem>> -> memref<128xi32, #tpu.memory_space<vmem>>
        %dma_start3A_743 = arith.constant 0 : i32
        %dma_start3A_744 = arith.constant 0 : i32
        %dma_start3A_745 = tpu.memref_slice %arg4[%dma_start3A_743, %dma_start3A_744] : memref<10240x128xf32, #tpu.memory_space<hbm>> -> memref<10240x128xf32, #tpu.memory_space<hbm>>
        tpu.enqueue_indirect_dma source(%dma_start3A_745 : memref<10240x128xf32, #tpu.memory_space<hbm>>) target(%arg12 : memref<128x128xf32, #tpu.memory_space<vmem>>) offsets(%dma_start3A_742 : memref<128xi32, #tpu.memory_space<vmem>>) semaphore(%arg20 : memref<!tpu.dma_semaphore, #tpu.memory_space<semaphore_mem>>)
        %dma_start3A_746 = arith.constant 0 : i32
        %dma_start3A_747 = arith.constant 0 : i32
        %dma_start3A_748 = arith.constant 0 : i32
        %dma_start3A_749 = tpu.memref_slice %arg10[%dma_start3A_746, %dma_start3A_747, %dma_start3A_748] : memref<8x1x128xi32, #tpu.memory_space<vmem>> -> memref<1x1x128xi32, #tpu.memory_space<vmem>>
        %dma_start3A_750 = tpu.memref_squeeze %dma_start3A_749 : memref<1x1x128xi32, #tpu.memory_space<vmem>> -> memref<128xi32, #tpu.memory_space<vmem>>
        %dma_start3A_751 = arith.constant 0 : i32
        %dma_start3A_752 = tpu.memref_slice %arg19[%dma_start3A_751] : memref<10240xf32, #tpu.memory_space<vmem_shared>> -> memref<10240xf32, #tpu.memory_space<vmem_shared>>
        tpu.enqueue_indirect_dma source(%dma_start3A_752 : memref<10240xf32, #tpu.memory_space<vmem_shared>>) target(%arg14 : memref<128xf32, #tpu.memory_space<vmem>>) offsets(%dma_start3A_750 : memref<128xi32, #tpu.memory_space<vmem>>) semaphore(%arg22 : memref<!tpu.dma_semaphore, #tpu.memory_space<semaphore_mem>>)
      } else {
      }
      %dma_wait3A_701 = arith.constant 0 : i32
      %dma_wait3A_702 = arith.constant 0 : i32
      %dma_wait3A_703 = tpu.memref_slice %arg4[%dma_wait3A_701, %dma_wait3A_702] : memref<10240x128xf32, #tpu.memory_space<hbm>> -> memref<128x128xf32, #tpu.memory_space<hbm>>
      %dma_wait3A_704 = arith.constant 0 : i32
      %dma_wait3A_705 = arith.constant 0 : i32
      %dma_wait3A_706 = tpu.memref_slice %arg4[%dma_wait3A_704, %dma_wait3A_705] : memref<10240x128xf32, #tpu.memory_space<hbm>> -> memref<128x128xf32, #tpu.memory_space<hbm>>
      tpu.wait_dma2 semaphore(%arg21 : memref<!tpu.dma_semaphore, #tpu.memory_space<semaphore_mem>>) src(%dma_wait3A_706 : memref<128x128xf32, #tpu.memory_space<hbm>>) dst(%arg13 : memref<128x128xf32, #tpu.memory_space<vmem>>)
      %dma_wait3A_707 = arith.constant 0 : i32
      %dma_wait3A_708 = tpu.memref_slice %arg19[%dma_wait3A_707] : memref<10240xf32, #tpu.memory_space<vmem_shared>> -> memref<128xf32, #tpu.memory_space<vmem_shared>>
      %dma_wait3A_709 = arith.constant 0 : i32
      %dma_wait3A_710 = tpu.memref_slice %arg19[%dma_wait3A_709] : memref<10240xf32, #tpu.memory_space<vmem_shared>> -> memref<128xf32, #tpu.memory_space<vmem_shared>>
      tpu.wait_dma2 semaphore(%arg23 : memref<!tpu.dma_semaphore, #tpu.memory_space<semaphore_mem>>) src(%dma_wait3A_710 : memref<128xf32, #tpu.memory_space<vmem_shared>>) dst(%arg15 : memref<128xf32, #tpu.memory_space<vmem>>)
      %run_scoped3A_711 = arith.constant 7 : i32
      %run_scoped3A_712 = arith.constant 0 : i32
      "tpu.region"() ({
        %run_scoped3A_722 = tpu.sem_alloc : memref<!tpu.dma_semaphore, #tpu.memory_space<semaphore_mem>>
        %dma_start3A_723 = arith.constant 0 : i32
        %dma_start3A_724 = tpu.memref_slice %arg11[%run_scoped3A_711, %run_scoped3A_712, %dma_start3A_723] : memref<8x1x128xi32, #tpu.memory_space<vmem>> -> memref<1x1x128xi32, #tpu.memory_space<vmem>>
        %dma_start3A_725 = tpu.memref_squeeze %dma_start3A_724 : memref<1x1x128xi32, #tpu.memory_space<vmem>> -> memref<128xi32, #tpu.memory_space<vmem>>
        %dma_start3A_726 = arith.constant 0 : i32
        %dma_start3A_727 = arith.constant 0 : i32
        %dma_start3A_728 = tpu.memref_slice %arg17[%dma_start3A_726, %dma_start3A_727] : memref<10240x128xf32, #tpu.memory_space<vmem_shared>> -> memref<10240x128xf32, #tpu.memory_space<vmem_shared>>
        tpu.enqueue_indirect_dma source(%arg13 : memref<128x128xf32, #tpu.memory_space<vmem>>) target(%dma_start3A_728 : memref<10240x128xf32, #tpu.memory_space<vmem_shared>>) offsets(%dma_start3A_725 : memref<128xi32, #tpu.memory_space<vmem>>) semaphore(%run_scoped3A_722 : memref<!tpu.dma_semaphore, #tpu.memory_space<semaphore_mem>>) {add = true}
        %dma_wait3A_729 = arith.constant 0 : i32
        %dma_wait3A_730 = tpu.memref_slice %arg11[%run_scoped3A_711, %run_scoped3A_712, %dma_wait3A_729] : memref<8x1x128xi32, #tpu.memory_space<vmem>> -> memref<1x1x128xi32, #tpu.memory_space<vmem>>
        %dma_wait3A_731 = tpu.memref_squeeze %dma_wait3A_730 : memref<1x1x128xi32, #tpu.memory_space<vmem>> -> memref<128xi32, #tpu.memory_space<vmem>>
        %dma_wait3A_732 = arith.constant 0 : i32
        %dma_wait3A_733 = arith.constant 0 : i32
        %dma_wait3A_734 = tpu.memref_slice %arg17[%dma_wait3A_732, %dma_wait3A_733] : memref<10240x128xf32, #tpu.memory_space<vmem_shared>> -> memref<10240x128xf32, #tpu.memory_space<vmem_shared>>
        tpu.wait_indirect_dma semaphore(%run_scoped3A_722 : memref<!tpu.dma_semaphore, #tpu.memory_space<semaphore_mem>>) src(%arg13 : memref<128x128xf32, #tpu.memory_space<vmem>>) dst(%dma_wait3A_734 : memref<10240x128xf32, #tpu.memory_space<vmem_shared>>)
        tpu.yield
      }) : () -> ()
      %run_scoped3A_713 = arith.constant 7 : i32
      %run_scoped3A_714 = arith.constant 0 : i32
      "tpu.region"() ({
        %run_scoped3A_722 = tpu.sem_alloc : memref<!tpu.dma_semaphore, #tpu.memory_space<semaphore_mem>>
        %dma_start3A_723 = arith.constant 0 : i32
        %dma_start3A_724 = tpu.memref_slice %arg9[%run_scoped3A_713, %run_scoped3A_714, %dma_start3A_723] : memref<8x1x128xi32, #tpu.memory_space<vmem>> -> memref<1x1x128xi32, #tpu.memory_space<vmem>>
        %dma_start3A_725 = tpu.memref_squeeze %dma_start3A_724 : memref<1x1x128xi32, #tpu.memory_space<vmem>> -> memref<128xi32, #tpu.memory_space<vmem>>
        %dma_start3A_726 = arith.constant 0 : i32
        %dma_start3A_727 = tpu.memref_slice %arg18[%dma_start3A_726] : memref<10240xf32, #tpu.memory_space<vmem_shared>> -> memref<10240xf32, #tpu.memory_space<vmem_shared>>
        tpu.enqueue_indirect_dma source(%arg15 : memref<128xf32, #tpu.memory_space<vmem>>) target(%dma_start3A_727 : memref<10240xf32, #tpu.memory_space<vmem_shared>>) offsets(%dma_start3A_725 : memref<128xi32, #tpu.memory_space<vmem>>) semaphore(%run_scoped3A_722 : memref<!tpu.dma_semaphore, #tpu.memory_space<semaphore_mem>>) {add = true}
        %dma_wait3A_728 = arith.constant 0 : i32
        %dma_wait3A_729 = tpu.memref_slice %arg9[%run_scoped3A_713, %run_scoped3A_714, %dma_wait3A_728] : memref<8x1x128xi32, #tpu.memory_space<vmem>> -> memref<1x1x128xi32, #tpu.memory_space<vmem>>
        %dma_wait3A_730 = tpu.memref_squeeze %dma_wait3A_729 : memref<1x1x128xi32, #tpu.memory_space<vmem>> -> memref<128xi32, #tpu.memory_space<vmem>>
        %dma_wait3A_731 = arith.constant 0 : i32
        %dma_wait3A_732 = tpu.memref_slice %arg18[%dma_wait3A_731] : memref<10240xf32, #tpu.memory_space<vmem_shared>> -> memref<10240xf32, #tpu.memory_space<vmem_shared>>
        tpu.wait_indirect_dma semaphore(%run_scoped3A_722 : memref<!tpu.dma_semaphore, #tpu.memory_space<semaphore_mem>>) src(%arg15 : memref<128xf32, #tpu.memory_space<vmem>>) dst(%dma_wait3A_732 : memref<10240xf32, #tpu.memory_space<vmem_shared>>)
        tpu.yield
      }) : () -> ()
      %add3A_715 = arith.constant 2 : i32
      %add3A_716 = arith.addi %add3A_490, %add3A_715 : i32
      %lt3A_717 = arith.constant 10 : i32
      %lt3A_718 = arith.cmpi slt, %add3A_716, %lt3A_717 : i32
      %convert_element_type3A_719 = arith.extui %lt3A_718 : i1 to i32
      %cond3A_720 = arith.constant 0 : i32
      %cond3A_721 = arith.cmpi ne, %convert_element_type3A_719, %cond3A_720 : i32
      scf.if %cond3A_721 {
        %add3A_722 = arith.constant 2 : i32
        %add3A_723 = arith.addi %add3A_490, %add3A_722 : i32
        %mul3A_724 = arith.constant 8 : i32
        %mul3A_725 = arith.muli %add3A_723, %mul3A_724 : i32
        %add3A_726 = arith.addi %mul3A_2, %mul3A_725 : i32
        %dma_start3A_727 = arith.constant 0 : i32
        %dma_start3A_728 = arith.constant 0 : i32
        %dma_start3A_729 = tpu.memref_slice %arg2[%add3A_726, %dma_start3A_727, %dma_start3A_728] : memref<2560x1x128xi32, #tpu.memory_space<hbm>> -> memref<8x1x128xi32, #tpu.memory_space<hbm>>
        %dma_start3A_730 = arith.constant 0 : i32
        %dma_start3A_731 = arith.constant 0 : i32
        %dma_start3A_732 = tpu.memref_slice %arg2[%add3A_726, %dma_start3A_730, %dma_start3A_731] : memref<2560x1x128xi32, #tpu.memory_space<hbm>> -> memref<8x1x128xi32, #tpu.memory_space<hbm>>
        tpu.enqueue_dma source(%dma_start3A_732 : memref<8x1x128xi32, #tpu.memory_space<hbm>>) target(%arg9 : memref<8x1x128xi32, #tpu.memory_space<vmem>>) target_semaphore(%arg25 : memref<!tpu.dma_semaphore, #tpu.memory_space<semaphore_mem>>)
        %dma_start3A_733 = arith.constant 0 : i32
        %dma_start3A_734 = arith.constant 0 : i32
        %dma_start3A_735 = tpu.memref_slice %arg3[%add3A_726, %dma_start3A_733, %dma_start3A_734] : memref<2560x1x128xi32, #tpu.memory_space<hbm>> -> memref<8x1x128xi32, #tpu.memory_space<hbm>>
        %dma_start3A_736 = arith.constant 0 : i32
        %dma_start3A_737 = arith.constant 0 : i32
        %dma_start3A_738 = tpu.memref_slice %arg3[%add3A_726, %dma_start3A_736, %dma_start3A_737] : memref<2560x1x128xi32, #tpu.memory_space<hbm>> -> memref<8x1x128xi32, #tpu.memory_space<hbm>>
        tpu.enqueue_dma source(%dma_start3A_738 : memref<8x1x128xi32, #tpu.memory_space<hbm>>) target(%arg11 : memref<8x1x128xi32, #tpu.memory_space<vmem>>) target_semaphore(%arg25 : memref<!tpu.dma_semaphore, #tpu.memory_space<semaphore_mem>>)
      } else {
      }
    }
    %scan3A_246 = arith.constant 5 : i32
    %barrier3A_247 = arith.constant 0 : index
    tpu.barrier barrier_id(%barrier3A_247)
    %mul3A_248 = arith.constant 10240 : i32
    %mul3A_249 = arith.muli %arg0, %mul3A_248 : i32
    %mul3A_250 = arith.constant 640 : i32
    %mul3A_251 = arith.muli %arg1, %mul3A_250 : i32
    %add3A_252 = arith.addi %mul3A_249, %mul3A_251 : i32
    %mul3A_253 = arith.constant 640 : i32
    %mul3A_254 = arith.muli %arg1, %mul3A_253 : i32
    "tpu.region"() ({
      %run_scoped3A = tpu.sem_alloc : memref<!tpu.dma_semaphore, #tpu.memory_space<semaphore_mem>>
      %dma_start3A_257 = arith.constant 0 : i32
      %dma_start3A_258 = tpu.memref_slice %arg6[%add3A_252, %dma_start3A_257] : memref<20480x128xf32, #tpu.memory_space<hbm>> -> memref<640x128xf32, #tpu.memory_space<hbm>>
      %dma_start3A_259 = arith.constant 0 : i32
      %dma_start3A_260 = tpu.memref_slice %arg17[%mul3A_254, %dma_start3A_259] : memref<10240x128xf32, #tpu.memory_space<vmem_shared>> -> memref<640x128xf32, #tpu.memory_space<vmem_shared>>
      tpu.enqueue_dma source(%dma_start3A_260 : memref<640x128xf32, #tpu.memory_space<vmem_shared>>) target(%dma_start3A_258 : memref<640x128xf32, #tpu.memory_space<hbm>>) target_semaphore(%run_scoped3A : memref<!tpu.dma_semaphore, #tpu.memory_space<semaphore_mem>>)
      %dma_wait3A_261 = arith.constant 0 : i32
      %dma_wait3A_262 = tpu.memref_slice %arg6[%add3A_252, %dma_wait3A_261] : memref<20480x128xf32, #tpu.memory_space<hbm>> -> memref<640x128xf32, #tpu.memory_space<hbm>>
      %dma_wait3A_263 = arith.constant 0 : i32
      %dma_wait3A_264 = tpu.memref_slice %arg17[%mul3A_254, %dma_wait3A_263] : memref<10240x128xf32, #tpu.memory_space<vmem_shared>> -> memref<640x128xf32, #tpu.memory_space<vmem_shared>>
      tpu.wait_dma2 semaphore(%run_scoped3A : memref<!tpu.dma_semaphore, #tpu.memory_space<semaphore_mem>>) src(%dma_wait3A_264 : memref<640x128xf32, #tpu.memory_space<vmem_shared>>) dst(%dma_wait3A_262 : memref<640x128xf32, #tpu.memory_space<hbm>>)
      tpu.yield
    }) : () -> ()
    %mul3A_255 = arith.constant 640 : i32
    %mul3A_256 = arith.muli %arg1, %mul3A_255 : i32
    "tpu.region"() ({
      %run_scoped3A = tpu.sem_alloc : memref<!tpu.dma_semaphore, #tpu.memory_space<semaphore_mem>>
      %dma_start3A_257 = tpu.memref_slice %arg7[%add3A_252] : memref<20480xf32, #tpu.memory_space<hbm>> -> memref<640xf32, #tpu.memory_space<hbm>>
      %dma_start3A_258 = tpu.memref_slice %arg18[%mul3A_256] : memref<10240xf32, #tpu.memory_space<vmem_shared>> -> memref<640xf32, #tpu.memory_space<vmem_shared>>
      tpu.enqueue_dma source(%dma_start3A_258 : memref<640xf32, #tpu.memory_space<vmem_shared>>) target(%dma_start3A_257 : memref<640xf32, #tpu.memory_space<hbm>>) target_semaphore(%run_scoped3A : memref<!tpu.dma_semaphore, #tpu.memory_space<semaphore_mem>>)
      %dma_wait3A_259 = tpu.memref_slice %arg7[%add3A_252] : memref<20480xf32, #tpu.memory_space<hbm>> -> memref<640xf32, #tpu.memory_space<hbm>>
      %dma_wait3A_260 = tpu.memref_slice %arg18[%mul3A_256] : memref<10240xf32, #tpu.memory_space<vmem_shared>> -> memref<640xf32, #tpu.memory_space<vmem_shared>>
      tpu.wait_dma2 semaphore(%run_scoped3A : memref<!tpu.dma_semaphore, #tpu.memory_space<semaphore_mem>>) src(%dma_wait3A_260 : memref<640xf32, #tpu.memory_space<vmem_shared>>) dst(%dma_wait3A_259 : memref<640xf32, #tpu.memory_space<hbm>>)
      tpu.yield
    }) : () -> ()
    return
  }
}

#map = affine_map<(d0, d1) -> (0, 0, 0)>
#map1 = affine_map<(d0, d1) -> (0, 0)>
#map2 = affine_map<(d0, d1) -> (0)>
module attributes {stable_mosaic.version = 14 : i64} {
  func.func @_pass1_body(%arg0: i32, %arg1: i32, %arg2: memref<640x1x128xi32, #tpu.memory_space<hbm>>, %arg3: memref<640x1x128xi32, #tpu.memory_space<hbm>>, %arg4: memref<2560x1x128xi32, #tpu.memory_space<hbm>>, %arg5: memref<2560x1x128xi32, #tpu.memory_space<hbm>>, %arg6: memref<100000x128xf32, #tpu.memory_space<hbm>>, %arg7: memref<10240x128xf32, #tpu.memory_space<hbm>>, %arg8: memref<20480xf32, #tpu.memory_space<hbm>>, %arg9: memref<20480xf32, #tpu.memory_space<hbm>>, %arg10: memref<20x1x128xi32, #tpu.memory_space<vmem>>, %arg11: memref<20x1x128xi32, #tpu.memory_space<vmem>>, %arg12: memref<8x1x128xi32, #tpu.memory_space<vmem>>, %arg13: memref<8x1x128xi32, #tpu.memory_space<vmem>>, %arg14: memref<8x1x128xi32, #tpu.memory_space<vmem>>, %arg15: memref<8x1x128xi32, #tpu.memory_space<vmem>>, %arg16: memref<128x128xf32, #tpu.memory_space<vmem>>, %arg17: memref<128x128xf32, #tpu.memory_space<vmem>>, %arg18: memref<128xf32, #tpu.memory_space<vmem>>, %arg19: memref<10240x128xf32, #tpu.memory_space<vmem_shared>>, %arg20: memref<10240xf32, #tpu.memory_space<vmem_shared>>, %arg21: memref<10240xf32, #tpu.memory_space<vmem_shared>>, %arg22: memref<!tpu.dma_semaphore, #tpu.memory_space<semaphore_mem>>, %arg23: memref<!tpu.dma_semaphore, #tpu.memory_space<semaphore_mem>>, %arg24: memref<!tpu.dma_semaphore, #tpu.memory_space<semaphore_mem>>, %arg25: memref<!tpu.dma_semaphore, #tpu.memory_space<semaphore_mem>>, %arg26: memref<!tpu.dma_semaphore, #tpu.memory_space<semaphore_mem>>, %arg27: memref<!tpu.dma_semaphore, #tpu.memory_space<semaphore_mem>>) attributes {dimension_semantics = [#tpu.dimension_semantics<core_parallel>, #tpu.dimension_semantics<subcore_parallel>], iteration_bounds = array<i64: 2, 16>, scalar_prefetch = 0 : i64, scratch_operands = 18 : i64, tpu.core_type = #tpu.core_type<sc_vector_subcore>, window_params = [{transform_indices = #map}, {transform_indices = #map}, {transform_indices = #map}, {transform_indices = #map}, {transform_indices = #map1}, {transform_indices = #map1}, {transform_indices = #map2}, {transform_indices = #map2}]} {
    %mul3A = arith.constant 16 : i32
    %mul3A_0 = arith.muli %arg0, %mul3A : i32
    %add3A = arith.addi %mul3A_0, %arg1 : i32
    %mul3A_1 = arith.constant 80 : i32
    %mul3A_2 = arith.muli %add3A, %mul3A_1 : i32
    %mul3A_3 = arith.constant 20 : i32
    %mul3A_4 = arith.muli %add3A, %mul3A_3 : i32
    %dma_start3A = arith.constant 0 : i32
    %dma_start3A_5 = arith.constant 0 : i32
    %dma_start3A_6 = tpu.memref_slice %arg2[%mul3A_4, %dma_start3A, %dma_start3A_5] : memref<640x1x128xi32, #tpu.memory_space<hbm>> -> memref<20x1x128xi32, #tpu.memory_space<hbm>>
    %dma_start3A_7 = arith.constant 0 : i32
    %dma_start3A_8 = arith.constant 0 : i32
    %dma_start3A_9 = tpu.memref_slice %arg2[%mul3A_4, %dma_start3A_7, %dma_start3A_8] : memref<640x1x128xi32, #tpu.memory_space<hbm>> -> memref<20x1x128xi32, #tpu.memory_space<hbm>>
    tpu.enqueue_dma source(%dma_start3A_9 : memref<20x1x128xi32, #tpu.memory_space<hbm>>) target(%arg10 : memref<20x1x128xi32, #tpu.memory_space<vmem>>) target_semaphore(%arg27 : memref<!tpu.dma_semaphore, #tpu.memory_space<semaphore_mem>>)
    %mul3A_10 = arith.constant 20 : i32
    %mul3A_11 = arith.muli %add3A, %mul3A_10 : i32
    %dma_start3A_12 = arith.constant 0 : i32
    %dma_start3A_13 = arith.constant 0 : i32
    %dma_start3A_14 = tpu.memref_slice %arg3[%mul3A_11, %dma_start3A_12, %dma_start3A_13] : memref<640x1x128xi32, #tpu.memory_space<hbm>> -> memref<20x1x128xi32, #tpu.memory_space<hbm>>
    %dma_start3A_15 = arith.constant 0 : i32
    %dma_start3A_16 = arith.constant 0 : i32
    %dma_start3A_17 = tpu.memref_slice %arg3[%mul3A_11, %dma_start3A_15, %dma_start3A_16] : memref<640x1x128xi32, #tpu.memory_space<hbm>> -> memref<20x1x128xi32, #tpu.memory_space<hbm>>
    tpu.enqueue_dma source(%dma_start3A_17 : memref<20x1x128xi32, #tpu.memory_space<hbm>>) target(%arg11 : memref<20x1x128xi32, #tpu.memory_space<vmem>>) target_semaphore(%arg27 : memref<!tpu.dma_semaphore, #tpu.memory_space<semaphore_mem>>)
    %add3A_18 = arith.constant 0 : i32
    %add3A_19 = arith.addi %mul3A_2, %add3A_18 : i32
    %dma_start3A_20 = arith.constant 0 : i32
    %dma_start3A_21 = arith.constant 0 : i32
    %dma_start3A_22 = tpu.memref_slice %arg4[%add3A_19, %dma_start3A_20, %dma_start3A_21] : memref<2560x1x128xi32, #tpu.memory_space<hbm>> -> memref<8x1x128xi32, #tpu.memory_space<hbm>>
    %dma_start3A_23 = arith.constant 0 : i32
    %dma_start3A_24 = arith.constant 0 : i32
    %dma_start3A_25 = tpu.memref_slice %arg4[%add3A_19, %dma_start3A_23, %dma_start3A_24] : memref<2560x1x128xi32, #tpu.memory_space<hbm>> -> memref<8x1x128xi32, #tpu.memory_space<hbm>>
    tpu.enqueue_dma source(%dma_start3A_25 : memref<8x1x128xi32, #tpu.memory_space<hbm>>) target(%arg12 : memref<8x1x128xi32, #tpu.memory_space<vmem>>) target_semaphore(%arg25 : memref<!tpu.dma_semaphore, #tpu.memory_space<semaphore_mem>>)
    %dma_start3A_26 = arith.constant 0 : i32
    %dma_start3A_27 = arith.constant 0 : i32
    %dma_start3A_28 = tpu.memref_slice %arg5[%add3A_19, %dma_start3A_26, %dma_start3A_27] : memref<2560x1x128xi32, #tpu.memory_space<hbm>> -> memref<8x1x128xi32, #tpu.memory_space<hbm>>
    %dma_start3A_29 = arith.constant 0 : i32
    %dma_start3A_30 = arith.constant 0 : i32
    %dma_start3A_31 = tpu.memref_slice %arg5[%add3A_19, %dma_start3A_29, %dma_start3A_30] : memref<2560x1x128xi32, #tpu.memory_space<hbm>> -> memref<8x1x128xi32, #tpu.memory_space<hbm>>
    tpu.enqueue_dma source(%dma_start3A_31 : memref<8x1x128xi32, #tpu.memory_space<hbm>>) target(%arg14 : memref<8x1x128xi32, #tpu.memory_space<vmem>>) target_semaphore(%arg25 : memref<!tpu.dma_semaphore, #tpu.memory_space<semaphore_mem>>)
    %add3A_32 = arith.constant 8 : i32
    %add3A_33 = arith.addi %mul3A_2, %add3A_32 : i32
    %dma_start3A_34 = arith.constant 0 : i32
    %dma_start3A_35 = arith.constant 0 : i32
    %dma_start3A_36 = tpu.memref_slice %arg4[%add3A_33, %dma_start3A_34, %dma_start3A_35] : memref<2560x1x128xi32, #tpu.memory_space<hbm>> -> memref<8x1x128xi32, #tpu.memory_space<hbm>>
    %dma_start3A_37 = arith.constant 0 : i32
    %dma_start3A_38 = arith.constant 0 : i32
    %dma_start3A_39 = tpu.memref_slice %arg4[%add3A_33, %dma_start3A_37, %dma_start3A_38] : memref<2560x1x128xi32, #tpu.memory_space<hbm>> -> memref<8x1x128xi32, #tpu.memory_space<hbm>>
    tpu.enqueue_dma source(%dma_start3A_39 : memref<8x1x128xi32, #tpu.memory_space<hbm>>) target(%arg13 : memref<8x1x128xi32, #tpu.memory_space<vmem>>) target_semaphore(%arg26 : memref<!tpu.dma_semaphore, #tpu.memory_space<semaphore_mem>>)
    %dma_start3A_40 = arith.constant 0 : i32
    %dma_start3A_41 = arith.constant 0 : i32
    %dma_start3A_42 = tpu.memref_slice %arg5[%add3A_33, %dma_start3A_40, %dma_start3A_41] : memref<2560x1x128xi32, #tpu.memory_space<hbm>> -> memref<8x1x128xi32, #tpu.memory_space<hbm>>
    %dma_start3A_43 = arith.constant 0 : i32
    %dma_start3A_44 = arith.constant 0 : i32
    %dma_start3A_45 = tpu.memref_slice %arg5[%add3A_33, %dma_start3A_43, %dma_start3A_44] : memref<2560x1x128xi32, #tpu.memory_space<hbm>> -> memref<8x1x128xi32, #tpu.memory_space<hbm>>
    tpu.enqueue_dma source(%dma_start3A_45 : memref<8x1x128xi32, #tpu.memory_space<hbm>>) target(%arg15 : memref<8x1x128xi32, #tpu.memory_space<vmem>>) target_semaphore(%arg26 : memref<!tpu.dma_semaphore, #tpu.memory_space<semaphore_mem>>)
    %broadcast_in_dim3A = arith.constant 1.000000e+00 : f32
    %broadcast_in_dim3A_46 = vector.broadcast %broadcast_in_dim3A : f32 to vector<16xf32>
    %swap3A = arith.constant 0 : index
    %swap3A_47 = tpu.vector_load %arg18[%swap3A] {strides = array<i32>} : memref<128xf32, #tpu.memory_space<vmem>>, vector<16xf32>,
    %swap3A_48 = vector.shape_cast %swap3A_47 : vector<16xf32> to vector<16xf32>
    %swap3A_49 = vector.shape_cast %broadcast_in_dim3A_46 : vector<16xf32> to vector<16xf32>
    tpu.vector_store %arg18[%swap3A], %swap3A_49 {strides = array<i32>} : memref<128xf32, #tpu.memory_space<vmem>>, vector<16xf32>,
    %broadcast_in_dim3A_50 = arith.constant 1.000000e+00 : f32
    %broadcast_in_dim3A_51 = vector.broadcast %broadcast_in_dim3A_50 : f32 to vector<16xf32>
    %swap3A_52 = arith.constant 16 : index
    %swap3A_53 = tpu.vector_load %arg18[%swap3A_52] {strides = array<i32>} : memref<128xf32, #tpu.memory_space<vmem>>, vector<16xf32>,
    %swap3A_54 = vector.shape_cast %swap3A_53 : vector<16xf32> to vector<16xf32>
    %swap3A_55 = vector.shape_cast %broadcast_in_dim3A_51 : vector<16xf32> to vector<16xf32>
    tpu.vector_store %arg18[%swap3A_52], %swap3A_55 {strides = array<i32>} : memref<128xf32, #tpu.memory_space<vmem>>, vector<16xf32>,
    %broadcast_in_dim3A_56 = arith.constant 1.000000e+00 : f32
    %broadcast_in_dim3A_57 = vector.broadcast %broadcast_in_dim3A_56 : f32 to vector<16xf32>
    %swap3A_58 = arith.constant 32 : index
    %swap3A_59 = tpu.vector_load %arg18[%swap3A_58] {strides = array<i32>} : memref<128xf32, #tpu.memory_space<vmem>>, vector<16xf32>,
    %swap3A_60 = vector.shape_cast %swap3A_59 : vector<16xf32> to vector<16xf32>
    %swap3A_61 = vector.shape_cast %broadcast_in_dim3A_57 : vector<16xf32> to vector<16xf32>
    tpu.vector_store %arg18[%swap3A_58], %swap3A_61 {strides = array<i32>} : memref<128xf32, #tpu.memory_space<vmem>>, vector<16xf32>,
    %broadcast_in_dim3A_62 = arith.constant 1.000000e+00 : f32
    %broadcast_in_dim3A_63 = vector.broadcast %broadcast_in_dim3A_62 : f32 to vector<16xf32>
    %swap3A_64 = arith.constant 48 : index
    %swap3A_65 = tpu.vector_load %arg18[%swap3A_64] {strides = array<i32>} : memref<128xf32, #tpu.memory_space<vmem>>, vector<16xf32>,
    %swap3A_66 = vector.shape_cast %swap3A_65 : vector<16xf32> to vector<16xf32>
    %swap3A_67 = vector.shape_cast %broadcast_in_dim3A_63 : vector<16xf32> to vector<16xf32>
    tpu.vector_store %arg18[%swap3A_64], %swap3A_67 {strides = array<i32>} : memref<128xf32, #tpu.memory_space<vmem>>, vector<16xf32>,
    %broadcast_in_dim3A_68 = arith.constant 1.000000e+00 : f32
    %broadcast_in_dim3A_69 = vector.broadcast %broadcast_in_dim3A_68 : f32 to vector<16xf32>
    %swap3A_70 = arith.constant 64 : index
    %swap3A_71 = tpu.vector_load %arg18[%swap3A_70] {strides = array<i32>} : memref<128xf32, #tpu.memory_space<vmem>>, vector<16xf32>,
    %swap3A_72 = vector.shape_cast %swap3A_71 : vector<16xf32> to vector<16xf32>
    %swap3A_73 = vector.shape_cast %broadcast_in_dim3A_69 : vector<16xf32> to vector<16xf32>
    tpu.vector_store %arg18[%swap3A_70], %swap3A_73 {strides = array<i32>} : memref<128xf32, #tpu.memory_space<vmem>>, vector<16xf32>,
    %broadcast_in_dim3A_74 = arith.constant 1.000000e+00 : f32
    %broadcast_in_dim3A_75 = vector.broadcast %broadcast_in_dim3A_74 : f32 to vector<16xf32>
    %swap3A_76 = arith.constant 80 : index
    %swap3A_77 = tpu.vector_load %arg18[%swap3A_76] {strides = array<i32>} : memref<128xf32, #tpu.memory_space<vmem>>, vector<16xf32>,
    %swap3A_78 = vector.shape_cast %swap3A_77 : vector<16xf32> to vector<16xf32>
    %swap3A_79 = vector.shape_cast %broadcast_in_dim3A_75 : vector<16xf32> to vector<16xf32>
    tpu.vector_store %arg18[%swap3A_76], %swap3A_79 {strides = array<i32>} : memref<128xf32, #tpu.memory_space<vmem>>, vector<16xf32>,
    %broadcast_in_dim3A_80 = arith.constant 1.000000e+00 : f32
    %broadcast_in_dim3A_81 = vector.broadcast %broadcast_in_dim3A_80 : f32 to vector<16xf32>
    %swap3A_82 = arith.constant 96 : index
    %swap3A_83 = tpu.vector_load %arg18[%swap3A_82] {strides = array<i32>} : memref<128xf32, #tpu.memory_space<vmem>>, vector<16xf32>,
    %swap3A_84 = vector.shape_cast %swap3A_83 : vector<16xf32> to vector<16xf32>
    %swap3A_85 = vector.shape_cast %broadcast_in_dim3A_81 : vector<16xf32> to vector<16xf32>
    tpu.vector_store %arg18[%swap3A_82], %swap3A_85 {strides = array<i32>} : memref<128xf32, #tpu.memory_space<vmem>>, vector<16xf32>,
    %broadcast_in_dim3A_86 = arith.constant 1.000000e+00 : f32
    %broadcast_in_dim3A_87 = vector.broadcast %broadcast_in_dim3A_86 : f32 to vector<16xf32>
    %swap3A_88 = arith.constant 112 : index
    %swap3A_89 = tpu.vector_load %arg18[%swap3A_88] {strides = array<i32>} : memref<128xf32, #tpu.memory_space<vmem>>, vector<16xf32>,
    %swap3A_90 = vector.shape_cast %swap3A_89 : vector<16xf32> to vector<16xf32>
    %swap3A_91 = vector.shape_cast %broadcast_in_dim3A_87 : vector<16xf32> to vector<16xf32>
    tpu.vector_store %arg18[%swap3A_88], %swap3A_91 {strides = array<i32>} : memref<128xf32, #tpu.memory_space<vmem>>, vector<16xf32>,
    %scan3A = arith.constant 0 : i32
    %scan3A_92 = arith.constant 0 : i32
    %scan3A_93 = arith.constant 128 : i32
    %scan3A_94 = arith.addi %scan3A_92, %scan3A_93 : i32
    %scan3A_95 = arith.constant 1 : i32
    scf.for %scan3A_447 = %scan3A_92 to %scan3A_94 step %scan3A_95  : i32 {
      %broadcast_in_dim3A_448 = arith.constant 0.000000e+00 : f32
      %broadcast_in_dim3A_449 = vector.broadcast %broadcast_in_dim3A_448 : f32 to vector<16xf32>
      %swap3A_450 = arith.index_cast %scan3A_447 : i32 to index
      %swap3A_451 = arith.constant 0 : index
      %swap3A_452 = tpu.vector_load %arg16[%swap3A_450, %swap3A_451] {strides = array<i32>} : memref<128x128xf32, #tpu.memory_space<vmem>>, vector<1x16xf32>,
      %swap3A_453 = vector.shape_cast %swap3A_452 : vector<1x16xf32> to vector<16xf32>
      %swap3A_454 = vector.shape_cast %broadcast_in_dim3A_449 : vector<16xf32> to vector<1x16xf32>
      tpu.vector_store %arg16[%swap3A_450, %swap3A_451], %swap3A_454 {strides = array<i32>} : memref<128x128xf32, #tpu.memory_space<vmem>>, vector<1x16xf32>,
      %broadcast_in_dim3A_455 = arith.constant 0.000000e+00 : f32
      %broadcast_in_dim3A_456 = vector.broadcast %broadcast_in_dim3A_455 : f32 to vector<16xf32>
      %swap3A_457 = arith.index_cast %scan3A_447 : i32 to index
      %swap3A_458 = arith.constant 16 : index
      %swap3A_459 = tpu.vector_load %arg16[%swap3A_457, %swap3A_458] {strides = array<i32>} : memref<128x128xf32, #tpu.memory_space<vmem>>, vector<1x16xf32>,
      %swap3A_460 = vector.shape_cast %swap3A_459 : vector<1x16xf32> to vector<16xf32>
      %swap3A_461 = vector.shape_cast %broadcast_in_dim3A_456 : vector<16xf32> to vector<1x16xf32>
      tpu.vector_store %arg16[%swap3A_457, %swap3A_458], %swap3A_461 {strides = array<i32>} : memref<128x128xf32, #tpu.memory_space<vmem>>, vector<1x16xf32>,
      %broadcast_in_dim3A_462 = arith.constant 0.000000e+00 : f32
      %broadcast_in_dim3A_463 = vector.broadcast %broadcast_in_dim3A_462 : f32 to vector<16xf32>
      %swap3A_464 = arith.index_cast %scan3A_447 : i32 to index
      %swap3A_465 = arith.constant 32 : index
      %swap3A_466 = tpu.vector_load %arg16[%swap3A_464, %swap3A_465] {strides = array<i32>} : memref<128x128xf32, #tpu.memory_space<vmem>>, vector<1x16xf32>,
      %swap3A_467 = vector.shape_cast %swap3A_466 : vector<1x16xf32> to vector<16xf32>
      %swap3A_468 = vector.shape_cast %broadcast_in_dim3A_463 : vector<16xf32> to vector<1x16xf32>
      tpu.vector_store %arg16[%swap3A_464, %swap3A_465], %swap3A_468 {strides = array<i32>} : memref<128x128xf32, #tpu.memory_space<vmem>>, vector<1x16xf32>,
      %broadcast_in_dim3A_469 = arith.constant 0.000000e+00 : f32
      %broadcast_in_dim3A_470 = vector.broadcast %broadcast_in_dim3A_469 : f32 to vector<16xf32>
      %swap3A_471 = arith.index_cast %scan3A_447 : i32 to index
      %swap3A_472 = arith.constant 48 : index
      %swap3A_473 = tpu.vector_load %arg16[%swap3A_471, %swap3A_472] {strides = array<i32>} : memref<128x128xf32, #tpu.memory_space<vmem>>, vector<1x16xf32>,
      %swap3A_474 = vector.shape_cast %swap3A_473 : vector<1x16xf32> to vector<16xf32>
      %swap3A_475 = vector.shape_cast %broadcast_in_dim3A_470 : vector<16xf32> to vector<1x16xf32>
      tpu.vector_store %arg16[%swap3A_471, %swap3A_472], %swap3A_475 {strides = array<i32>} : memref<128x128xf32, #tpu.memory_space<vmem>>, vector<1x16xf32>,
      %broadcast_in_dim3A_476 = arith.constant 0.000000e+00 : f32
      %broadcast_in_dim3A_477 = vector.broadcast %broadcast_in_dim3A_476 : f32 to vector<16xf32>
      %swap3A_478 = arith.index_cast %scan3A_447 : i32 to index
      %swap3A_479 = arith.constant 64 : index
      %swap3A_480 = tpu.vector_load %arg16[%swap3A_478, %swap3A_479] {strides = array<i32>} : memref<128x128xf32, #tpu.memory_space<vmem>>, vector<1x16xf32>,
      %swap3A_481 = vector.shape_cast %swap3A_480 : vector<1x16xf32> to vector<16xf32>
      %swap3A_482 = vector.shape_cast %broadcast_in_dim3A_477 : vector<16xf32> to vector<1x16xf32>
      tpu.vector_store %arg16[%swap3A_478, %swap3A_479], %swap3A_482 {strides = array<i32>} : memref<128x128xf32, #tpu.memory_space<vmem>>, vector<1x16xf32>,
      %broadcast_in_dim3A_483 = arith.constant 0.000000e+00 : f32
      %broadcast_in_dim3A_484 = vector.broadcast %broadcast_in_dim3A_483 : f32 to vector<16xf32>
      %swap3A_485 = arith.index_cast %scan3A_447 : i32 to index
      %swap3A_486 = arith.constant 80 : index
      %swap3A_487 = tpu.vector_load %arg16[%swap3A_485, %swap3A_486] {strides = array<i32>} : memref<128x128xf32, #tpu.memory_space<vmem>>, vector<1x16xf32>,
      %swap3A_488 = vector.shape_cast %swap3A_487 : vector<1x16xf32> to vector<16xf32>
      %swap3A_489 = vector.shape_cast %broadcast_in_dim3A_484 : vector<16xf32> to vector<1x16xf32>
      tpu.vector_store %arg16[%swap3A_485, %swap3A_486], %swap3A_489 {strides = array<i32>} : memref<128x128xf32, #tpu.memory_space<vmem>>, vector<1x16xf32>,
      %broadcast_in_dim3A_490 = arith.constant 0.000000e+00 : f32
      %broadcast_in_dim3A_491 = vector.broadcast %broadcast_in_dim3A_490 : f32 to vector<16xf32>
      %swap3A_492 = arith.index_cast %scan3A_447 : i32 to index
      %swap3A_493 = arith.constant 96 : index
      %swap3A_494 = tpu.vector_load %arg16[%swap3A_492, %swap3A_493] {strides = array<i32>} : memref<128x128xf32, #tpu.memory_space<vmem>>, vector<1x16xf32>,
      %swap3A_495 = vector.shape_cast %swap3A_494 : vector<1x16xf32> to vector<16xf32>
      %swap3A_496 = vector.shape_cast %broadcast_in_dim3A_491 : vector<16xf32> to vector<1x16xf32>
      tpu.vector_store %arg16[%swap3A_492, %swap3A_493], %swap3A_496 {strides = array<i32>} : memref<128x128xf32, #tpu.memory_space<vmem>>, vector<1x16xf32>,
      %broadcast_in_dim3A_497 = arith.constant 0.000000e+00 : f32
      %broadcast_in_dim3A_498 = vector.broadcast %broadcast_in_dim3A_497 : f32 to vector<16xf32>
      %swap3A_499 = arith.index_cast %scan3A_447 : i32 to index
      %swap3A_500 = arith.constant 112 : index
      %swap3A_501 = tpu.vector_load %arg16[%swap3A_499, %swap3A_500] {strides = array<i32>} : memref<128x128xf32, #tpu.memory_space<vmem>>, vector<1x16xf32>,
      %swap3A_502 = vector.shape_cast %swap3A_501 : vector<1x16xf32> to vector<16xf32>
      %swap3A_503 = vector.shape_cast %broadcast_in_dim3A_498 : vector<16xf32> to vector<1x16xf32>
      tpu.vector_store %arg16[%swap3A_499, %swap3A_500], %swap3A_503 {strides = array<i32>} : memref<128x128xf32, #tpu.memory_space<vmem>>, vector<1x16xf32>,
    }
    %scan3A_96 = arith.constant 128 : i32
    %mul3A_97 = arith.constant 640 : i32
    %mul3A_98 = arith.muli %arg1, %mul3A_97 : i32
    %add3A_99 = arith.constant 0 : i32
    %add3A_100 = arith.addi %mul3A_98, %add3A_99 : i32
    %dma_start3A_101 = arith.constant 0 : i32
    %dma_start3A_102 = tpu.memref_slice %arg19[%add3A_100, %dma_start3A_101] : memref<10240x128xf32, #tpu.memory_space<vmem_shared>> -> memref<128x128xf32, #tpu.memory_space<vmem_shared>>
    %dma_start3A_103 = arith.constant 0 : i32
    %dma_start3A_104 = tpu.memref_slice %arg19[%add3A_100, %dma_start3A_103] : memref<10240x128xf32, #tpu.memory_space<vmem_shared>> -> memref<128x128xf32, #tpu.memory_space<vmem_shared>>
    tpu.enqueue_dma source(%arg16 : memref<128x128xf32, #tpu.memory_space<vmem>>) target(%dma_start3A_104 : memref<128x128xf32, #tpu.memory_space<vmem_shared>>) target_semaphore(%arg22 : memref<!tpu.dma_semaphore, #tpu.memory_space<semaphore_mem>>)
    %mul3A_105 = arith.constant 640 : i32
    %mul3A_106 = arith.muli %arg1, %mul3A_105 : i32
    %add3A_107 = arith.constant 128 : i32
    %add3A_108 = arith.addi %mul3A_106, %add3A_107 : i32
    %dma_start3A_109 = arith.constant 0 : i32
    %dma_start3A_110 = tpu.memref_slice %arg19[%add3A_108, %dma_start3A_109] : memref<10240x128xf32, #tpu.memory_space<vmem_shared>> -> memref<128x128xf32, #tpu.memory_space<vmem_shared>>
    %dma_start3A_111 = arith.constant 0 : i32
    %dma_start3A_112 = tpu.memref_slice %arg19[%add3A_108, %dma_start3A_111] : memref<10240x128xf32, #tpu.memory_space<vmem_shared>> -> memref<128x128xf32, #tpu.memory_space<vmem_shared>>
    tpu.enqueue_dma source(%arg16 : memref<128x128xf32, #tpu.memory_space<vmem>>) target(%dma_start3A_112 : memref<128x128xf32, #tpu.memory_space<vmem_shared>>) target_semaphore(%arg22 : memref<!tpu.dma_semaphore, #tpu.memory_space<semaphore_mem>>)
    %mul3A_113 = arith.constant 640 : i32
    %mul3A_114 = arith.muli %arg1, %mul3A_113 : i32
    %add3A_115 = arith.constant 256 : i32
    %add3A_116 = arith.addi %mul3A_114, %add3A_115 : i32
    %dma_start3A_117 = arith.constant 0 : i32
    %dma_start3A_118 = tpu.memref_slice %arg19[%add3A_116, %dma_start3A_117] : memref<10240x128xf32, #tpu.memory_space<vmem_shared>> -> memref<128x128xf32, #tpu.memory_space<vmem_shared>>
    %dma_start3A_119 = arith.constant 0 : i32
    %dma_start3A_120 = tpu.memref_slice %arg19[%add3A_116, %dma_start3A_119] : memref<10240x128xf32, #tpu.memory_space<vmem_shared>> -> memref<128x128xf32, #tpu.memory_space<vmem_shared>>
    tpu.enqueue_dma source(%arg16 : memref<128x128xf32, #tpu.memory_space<vmem>>) target(%dma_start3A_120 : memref<128x128xf32, #tpu.memory_space<vmem_shared>>) target_semaphore(%arg22 : memref<!tpu.dma_semaphore, #tpu.memory_space<semaphore_mem>>)
    %mul3A_121 = arith.constant 640 : i32
    %mul3A_122 = arith.muli %arg1, %mul3A_121 : i32
    %add3A_123 = arith.constant 384 : i32
    %add3A_124 = arith.addi %mul3A_122, %add3A_123 : i32
    %dma_start3A_125 = arith.constant 0 : i32
    %dma_start3A_126 = tpu.memref_slice %arg19[%add3A_124, %dma_start3A_125] : memref<10240x128xf32, #tpu.memory_space<vmem_shared>> -> memref<128x128xf32, #tpu.memory_space<vmem_shared>>
    %dma_start3A_127 = arith.constant 0 : i32
    %dma_start3A_128 = tpu.memref_slice %arg19[%add3A_124, %dma_start3A_127] : memref<10240x128xf32, #tpu.memory_space<vmem_shared>> -> memref<128x128xf32, #tpu.memory_space<vmem_shared>>
    tpu.enqueue_dma source(%arg16 : memref<128x128xf32, #tpu.memory_space<vmem>>) target(%dma_start3A_128 : memref<128x128xf32, #tpu.memory_space<vmem_shared>>) target_semaphore(%arg22 : memref<!tpu.dma_semaphore, #tpu.memory_space<semaphore_mem>>)
    %mul3A_129 = arith.constant 640 : i32
    %mul3A_130 = arith.muli %arg1, %mul3A_129 : i32
    %add3A_131 = arith.constant 512 : i32
    %add3A_132 = arith.addi %mul3A_130, %add3A_131 : i32
    %dma_start3A_133 = arith.constant 0 : i32
    %dma_start3A_134 = tpu.memref_slice %arg19[%add3A_132, %dma_start3A_133] : memref<10240x128xf32, #tpu.memory_space<vmem_shared>> -> memref<128x128xf32, #tpu.memory_space<vmem_shared>>
    %dma_start3A_135 = arith.constant 0 : i32
    %dma_start3A_136 = tpu.memref_slice %arg19[%add3A_132, %dma_start3A_135] : memref<10240x128xf32, #tpu.memory_space<vmem_shared>> -> memref<128x128xf32, #tpu.memory_space<vmem_shared>>
    tpu.enqueue_dma source(%arg16 : memref<128x128xf32, #tpu.memory_space<vmem>>) target(%dma_start3A_136 : memref<128x128xf32, #tpu.memory_space<vmem_shared>>) target_semaphore(%arg22 : memref<!tpu.dma_semaphore, #tpu.memory_space<semaphore_mem>>)
    %mul3A_137 = arith.constant 640 : i32
    %mul3A_138 = arith.muli %arg1, %mul3A_137 : i32
    %add3A_139 = arith.constant 0 : i32
    %add3A_140 = arith.addi %mul3A_138, %add3A_139 : i32
    %dma_start3A_141 = arith.constant 0 : i32
    %dma_start3A_142 = arith.constant 0 : i32
    %dma_start3A_143 = tpu.memref_slice %arg16[%dma_start3A_141, %dma_start3A_142] : memref<128x128xf32, #tpu.memory_space<vmem>> -> memref<1x128xf32, #tpu.memory_space<vmem>>
    %dma_start3A_144 = tpu.memref_squeeze %dma_start3A_143 : memref<1x128xf32, #tpu.memory_space<vmem>> -> memref<128xf32, #tpu.memory_space<vmem>>
    %dma_start3A_145 = tpu.memref_slice %arg20[%add3A_140] : memref<10240xf32, #tpu.memory_space<vmem_shared>> -> memref<128xf32, #tpu.memory_space<vmem_shared>>
    %dma_start3A_146 = tpu.memref_slice %arg20[%add3A_140] : memref<10240xf32, #tpu.memory_space<vmem_shared>> -> memref<128xf32, #tpu.memory_space<vmem_shared>>
    %dma_start3A_147 = arith.constant 0 : i32
    %dma_start3A_148 = tpu.memref_slice %arg16[%dma_start3A_141, %dma_start3A_147] : memref<128x128xf32, #tpu.memory_space<vmem>> -> memref<1x128xf32, #tpu.memory_space<vmem>>
    %dma_start3A_149 = tpu.memref_squeeze %dma_start3A_148 : memref<1x128xf32, #tpu.memory_space<vmem>> -> memref<128xf32, #tpu.memory_space<vmem>>
    tpu.enqueue_dma source(%dma_start3A_149 : memref<128xf32, #tpu.memory_space<vmem>>) target(%dma_start3A_146 : memref<128xf32, #tpu.memory_space<vmem_shared>>) target_semaphore(%arg22 : memref<!tpu.dma_semaphore, #tpu.memory_space<semaphore_mem>>)
    %mul3A_150 = arith.constant 640 : i32
    %mul3A_151 = arith.muli %arg1, %mul3A_150 : i32
    %add3A_152 = arith.constant 128 : i32
    %add3A_153 = arith.addi %mul3A_151, %add3A_152 : i32
    %dma_start3A_154 = arith.constant 0 : i32
    %dma_start3A_155 = arith.constant 0 : i32
    %dma_start3A_156 = tpu.memref_slice %arg16[%dma_start3A_154, %dma_start3A_155] : memref<128x128xf32, #tpu.memory_space<vmem>> -> memref<1x128xf32, #tpu.memory_space<vmem>>
    %dma_start3A_157 = tpu.memref_squeeze %dma_start3A_156 : memref<1x128xf32, #tpu.memory_space<vmem>> -> memref<128xf32, #tpu.memory_space<vmem>>
    %dma_start3A_158 = tpu.memref_slice %arg20[%add3A_153] : memref<10240xf32, #tpu.memory_space<vmem_shared>> -> memref<128xf32, #tpu.memory_space<vmem_shared>>
    %dma_start3A_159 = tpu.memref_slice %arg20[%add3A_153] : memref<10240xf32, #tpu.memory_space<vmem_shared>> -> memref<128xf32, #tpu.memory_space<vmem_shared>>
    %dma_start3A_160 = arith.constant 0 : i32
    %dma_start3A_161 = tpu.memref_slice %arg16[%dma_start3A_154, %dma_start3A_160] : memref<128x128xf32, #tpu.memory_space<vmem>> -> memref<1x128xf32, #tpu.memory_space<vmem>>
    %dma_start3A_162 = tpu.memref_squeeze %dma_start3A_161 : memref<1x128xf32, #tpu.memory_space<vmem>> -> memref<128xf32, #tpu.memory_space<vmem>>
    tpu.enqueue_dma source(%dma_start3A_162 : memref<128xf32, #tpu.memory_space<vmem>>) target(%dma_start3A_159 : memref<128xf32, #tpu.memory_space<vmem_shared>>) target_semaphore(%arg22 : memref<!tpu.dma_semaphore, #tpu.memory_space<semaphore_mem>>)
    %mul3A_163 = arith.constant 640 : i32
    %mul3A_164 = arith.muli %arg1, %mul3A_163 : i32
    %add3A_165 = arith.constant 256 : i32
    %add3A_166 = arith.addi %mul3A_164, %add3A_165 : i32
    %dma_start3A_167 = arith.constant 0 : i32
    %dma_start3A_168 = arith.constant 0 : i32
    %dma_start3A_169 = tpu.memref_slice %arg16[%dma_start3A_167, %dma_start3A_168] : memref<128x128xf32, #tpu.memory_space<vmem>> -> memref<1x128xf32, #tpu.memory_space<vmem>>
    %dma_start3A_170 = tpu.memref_squeeze %dma_start3A_169 : memref<1x128xf32, #tpu.memory_space<vmem>> -> memref<128xf32, #tpu.memory_space<vmem>>
    %dma_start3A_171 = tpu.memref_slice %arg20[%add3A_166] : memref<10240xf32, #tpu.memory_space<vmem_shared>> -> memref<128xf32, #tpu.memory_space<vmem_shared>>
    %dma_start3A_172 = tpu.memref_slice %arg20[%add3A_166] : memref<10240xf32, #tpu.memory_space<vmem_shared>> -> memref<128xf32, #tpu.memory_space<vmem_shared>>
    %dma_start3A_173 = arith.constant 0 : i32
    %dma_start3A_174 = tpu.memref_slice %arg16[%dma_start3A_167, %dma_start3A_173] : memref<128x128xf32, #tpu.memory_space<vmem>> -> memref<1x128xf32, #tpu.memory_space<vmem>>
    %dma_start3A_175 = tpu.memref_squeeze %dma_start3A_174 : memref<1x128xf32, #tpu.memory_space<vmem>> -> memref<128xf32, #tpu.memory_space<vmem>>
    tpu.enqueue_dma source(%dma_start3A_175 : memref<128xf32, #tpu.memory_space<vmem>>) target(%dma_start3A_172 : memref<128xf32, #tpu.memory_space<vmem_shared>>) target_semaphore(%arg22 : memref<!tpu.dma_semaphore, #tpu.memory_space<semaphore_mem>>)
    %mul3A_176 = arith.constant 640 : i32
    %mul3A_177 = arith.muli %arg1, %mul3A_176 : i32
    %add3A_178 = arith.constant 384 : i32
    %add3A_179 = arith.addi %mul3A_177, %add3A_178 : i32
    %dma_start3A_180 = arith.constant 0 : i32
    %dma_start3A_181 = arith.constant 0 : i32
    %dma_start3A_182 = tpu.memref_slice %arg16[%dma_start3A_180, %dma_start3A_181] : memref<128x128xf32, #tpu.memory_space<vmem>> -> memref<1x128xf32, #tpu.memory_space<vmem>>
    %dma_start3A_183 = tpu.memref_squeeze %dma_start3A_182 : memref<1x128xf32, #tpu.memory_space<vmem>> -> memref<128xf32, #tpu.memory_space<vmem>>
    %dma_start3A_184 = tpu.memref_slice %arg20[%add3A_179] : memref<10240xf32, #tpu.memory_space<vmem_shared>> -> memref<128xf32, #tpu.memory_space<vmem_shared>>
    %dma_start3A_185 = tpu.memref_slice %arg20[%add3A_179] : memref<10240xf32, #tpu.memory_space<vmem_shared>> -> memref<128xf32, #tpu.memory_space<vmem_shared>>
    %dma_start3A_186 = arith.constant 0 : i32
    %dma_start3A_187 = tpu.memref_slice %arg16[%dma_start3A_180, %dma_start3A_186] : memref<128x128xf32, #tpu.memory_space<vmem>> -> memref<1x128xf32, #tpu.memory_space<vmem>>
    %dma_start3A_188 = tpu.memref_squeeze %dma_start3A_187 : memref<1x128xf32, #tpu.memory_space<vmem>> -> memref<128xf32, #tpu.memory_space<vmem>>
    tpu.enqueue_dma source(%dma_start3A_188 : memref<128xf32, #tpu.memory_space<vmem>>) target(%dma_start3A_185 : memref<128xf32, #tpu.memory_space<vmem_shared>>) target_semaphore(%arg22 : memref<!tpu.dma_semaphore, #tpu.memory_space<semaphore_mem>>)
    %mul3A_189 = arith.constant 640 : i32
    %mul3A_190 = arith.muli %arg1, %mul3A_189 : i32
    %add3A_191 = arith.constant 512 : i32
    %add3A_192 = arith.addi %mul3A_190, %add3A_191 : i32
    %dma_start3A_193 = arith.constant 0 : i32
    %dma_start3A_194 = arith.constant 0 : i32
    %dma_start3A_195 = tpu.memref_slice %arg16[%dma_start3A_193, %dma_start3A_194] : memref<128x128xf32, #tpu.memory_space<vmem>> -> memref<1x128xf32, #tpu.memory_space<vmem>>
    %dma_start3A_196 = tpu.memref_squeeze %dma_start3A_195 : memref<1x128xf32, #tpu.memory_space<vmem>> -> memref<128xf32, #tpu.memory_space<vmem>>
    %dma_start3A_197 = tpu.memref_slice %arg20[%add3A_192] : memref<10240xf32, #tpu.memory_space<vmem_shared>> -> memref<128xf32, #tpu.memory_space<vmem_shared>>
    %dma_start3A_198 = tpu.memref_slice %arg20[%add3A_192] : memref<10240xf32, #tpu.memory_space<vmem_shared>> -> memref<128xf32, #tpu.memory_space<vmem_shared>>
    %dma_start3A_199 = arith.constant 0 : i32
    %dma_start3A_200 = tpu.memref_slice %arg16[%dma_start3A_193, %dma_start3A_199] : memref<128x128xf32, #tpu.memory_space<vmem>> -> memref<1x128xf32, #tpu.memory_space<vmem>>
    %dma_start3A_201 = tpu.memref_squeeze %dma_start3A_200 : memref<1x128xf32, #tpu.memory_space<vmem>> -> memref<128xf32, #tpu.memory_space<vmem>>
    tpu.enqueue_dma source(%dma_start3A_201 : memref<128xf32, #tpu.memory_space<vmem>>) target(%dma_start3A_198 : memref<128xf32, #tpu.memory_space<vmem_shared>>) target_semaphore(%arg22 : memref<!tpu.dma_semaphore, #tpu.memory_space<semaphore_mem>>)
    %mul3A_202 = arith.constant 640 : i32
    %mul3A_203 = arith.muli %arg1, %mul3A_202 : i32
    %add3A_204 = arith.constant 0 : i32
    %add3A_205 = arith.addi %mul3A_203, %add3A_204 : i32
    %dma_start3A_206 = arith.constant 0 : i32
    %dma_start3A_207 = arith.constant 0 : i32
    %dma_start3A_208 = tpu.memref_slice %arg16[%dma_start3A_206, %dma_start3A_207] : memref<128x128xf32, #tpu.memory_space<vmem>> -> memref<1x128xf32, #tpu.memory_space<vmem>>
    %dma_start3A_209 = tpu.memref_squeeze %dma_start3A_208 : memref<1x128xf32, #tpu.memory_space<vmem>> -> memref<128xf32, #tpu.memory_space<vmem>>
    %dma_start3A_210 = tpu.memref_slice %arg21[%add3A_205] : memref<10240xf32, #tpu.memory_space<vmem_shared>> -> memref<128xf32, #tpu.memory_space<vmem_shared>>
    %dma_start3A_211 = tpu.memref_slice %arg21[%add3A_205] : memref<10240xf32, #tpu.memory_space<vmem_shared>> -> memref<128xf32, #tpu.memory_space<vmem_shared>>
    %dma_start3A_212 = arith.constant 0 : i32
    %dma_start3A_213 = tpu.memref_slice %arg16[%dma_start3A_206, %dma_start3A_212] : memref<128x128xf32, #tpu.memory_space<vmem>> -> memref<1x128xf32, #tpu.memory_space<vmem>>
    %dma_start3A_214 = tpu.memref_squeeze %dma_start3A_213 : memref<1x128xf32, #tpu.memory_space<vmem>> -> memref<128xf32, #tpu.memory_space<vmem>>
    tpu.enqueue_dma source(%dma_start3A_214 : memref<128xf32, #tpu.memory_space<vmem>>) target(%dma_start3A_211 : memref<128xf32, #tpu.memory_space<vmem_shared>>) target_semaphore(%arg22 : memref<!tpu.dma_semaphore, #tpu.memory_space<semaphore_mem>>)
    %mul3A_215 = arith.constant 640 : i32
    %mul3A_216 = arith.muli %arg1, %mul3A_215 : i32
    %add3A_217 = arith.constant 128 : i32
    %add3A_218 = arith.addi %mul3A_216, %add3A_217 : i32
    %dma_start3A_219 = arith.constant 0 : i32
    %dma_start3A_220 = arith.constant 0 : i32
    %dma_start3A_221 = tpu.memref_slice %arg16[%dma_start3A_219, %dma_start3A_220] : memref<128x128xf32, #tpu.memory_space<vmem>> -> memref<1x128xf32, #tpu.memory_space<vmem>>
    %dma_start3A_222 = tpu.memref_squeeze %dma_start3A_221 : memref<1x128xf32, #tpu.memory_space<vmem>> -> memref<128xf32, #tpu.memory_space<vmem>>
    %dma_start3A_223 = tpu.memref_slice %arg21[%add3A_218] : memref<10240xf32, #tpu.memory_space<vmem_shared>> -> memref<128xf32, #tpu.memory_space<vmem_shared>>
    %dma_start3A_224 = tpu.memref_slice %arg21[%add3A_218] : memref<10240xf32, #tpu.memory_space<vmem_shared>> -> memref<128xf32, #tpu.memory_space<vmem_shared>>
    %dma_start3A_225 = arith.constant 0 : i32
    %dma_start3A_226 = tpu.memref_slice %arg16[%dma_start3A_219, %dma_start3A_225] : memref<128x128xf32, #tpu.memory_space<vmem>> -> memref<1x128xf32, #tpu.memory_space<vmem>>
    %dma_start3A_227 = tpu.memref_squeeze %dma_start3A_226 : memref<1x128xf32, #tpu.memory_space<vmem>> -> memref<128xf32, #tpu.memory_space<vmem>>
    tpu.enqueue_dma source(%dma_start3A_227 : memref<128xf32, #tpu.memory_space<vmem>>) target(%dma_start3A_224 : memref<128xf32, #tpu.memory_space<vmem_shared>>) target_semaphore(%arg22 : memref<!tpu.dma_semaphore, #tpu.memory_space<semaphore_mem>>)
    %mul3A_228 = arith.constant 640 : i32
    %mul3A_229 = arith.muli %arg1, %mul3A_228 : i32
    %add3A_230 = arith.constant 256 : i32
    %add3A_231 = arith.addi %mul3A_229, %add3A_230 : i32
    %dma_start3A_232 = arith.constant 0 : i32
    %dma_start3A_233 = arith.constant 0 : i32
    %dma_start3A_234 = tpu.memref_slice %arg16[%dma_start3A_232, %dma_start3A_233] : memref<128x128xf32, #tpu.memory_space<vmem>> -> memref<1x128xf32, #tpu.memory_space<vmem>>
    %dma_start3A_235 = tpu.memref_squeeze %dma_start3A_234 : memref<1x128xf32, #tpu.memory_space<vmem>> -> memref<128xf32, #tpu.memory_space<vmem>>
    %dma_start3A_236 = tpu.memref_slice %arg21[%add3A_231] : memref<10240xf32, #tpu.memory_space<vmem_shared>> -> memref<128xf32, #tpu.memory_space<vmem_shared>>
    %dma_start3A_237 = tpu.memref_slice %arg21[%add3A_231] : memref<10240xf32, #tpu.memory_space<vmem_shared>> -> memref<128xf32, #tpu.memory_space<vmem_shared>>
    %dma_start3A_238 = arith.constant 0 : i32
    %dma_start3A_239 = tpu.memref_slice %arg16[%dma_start3A_232, %dma_start3A_238] : memref<128x128xf32, #tpu.memory_space<vmem>> -> memref<1x128xf32, #tpu.memory_space<vmem>>
    %dma_start3A_240 = tpu.memref_squeeze %dma_start3A_239 : memref<1x128xf32, #tpu.memory_space<vmem>> -> memref<128xf32, #tpu.memory_space<vmem>>
    tpu.enqueue_dma source(%dma_start3A_240 : memref<128xf32, #tpu.memory_space<vmem>>) target(%dma_start3A_237 : memref<128xf32, #tpu.memory_space<vmem_shared>>) target_semaphore(%arg22 : memref<!tpu.dma_semaphore, #tpu.memory_space<semaphore_mem>>)
    %mul3A_241 = arith.constant 640 : i32
    %mul3A_242 = arith.muli %arg1, %mul3A_241 : i32
    %add3A_243 = arith.constant 384 : i32
    %add3A_244 = arith.addi %mul3A_242, %add3A_243 : i32
    %dma_start3A_245 = arith.constant 0 : i32
    %dma_start3A_246 = arith.constant 0 : i32
    %dma_start3A_247 = tpu.memref_slice %arg16[%dma_start3A_245, %dma_start3A_246] : memref<128x128xf32, #tpu.memory_space<vmem>> -> memref<1x128xf32, #tpu.memory_space<vmem>>
    %dma_start3A_248 = tpu.memref_squeeze %dma_start3A_247 : memref<1x128xf32, #tpu.memory_space<vmem>> -> memref<128xf32, #tpu.memory_space<vmem>>
    %dma_start3A_249 = tpu.memref_slice %arg21[%add3A_244] : memref<10240xf32, #tpu.memory_space<vmem_shared>> -> memref<128xf32, #tpu.memory_space<vmem_shared>>
    %dma_start3A_250 = tpu.memref_slice %arg21[%add3A_244] : memref<10240xf32, #tpu.memory_space<vmem_shared>> -> memref<128xf32, #tpu.memory_space<vmem_shared>>
    %dma_start3A_251 = arith.constant 0 : i32
    %dma_start3A_252 = tpu.memref_slice %arg16[%dma_start3A_245, %dma_start3A_251] : memref<128x128xf32, #tpu.memory_space<vmem>> -> memref<1x128xf32, #tpu.memory_space<vmem>>
    %dma_start3A_253 = tpu.memref_squeeze %dma_start3A_252 : memref<1x128xf32, #tpu.memory_space<vmem>> -> memref<128xf32, #tpu.memory_space<vmem>>
    tpu.enqueue_dma source(%dma_start3A_253 : memref<128xf32, #tpu.memory_space<vmem>>) target(%dma_start3A_250 : memref<128xf32, #tpu.memory_space<vmem_shared>>) target_semaphore(%arg22 : memref<!tpu.dma_semaphore, #tpu.memory_space<semaphore_mem>>)
    %mul3A_254 = arith.constant 640 : i32
    %mul3A_255 = arith.muli %arg1, %mul3A_254 : i32
    %add3A_256 = arith.constant 512 : i32
    %add3A_257 = arith.addi %mul3A_255, %add3A_256 : i32
    %dma_start3A_258 = arith.constant 0 : i32
    %dma_start3A_259 = arith.constant 0 : i32
    %dma_start3A_260 = tpu.memref_slice %arg16[%dma_start3A_258, %dma_start3A_259] : memref<128x128xf32, #tpu.memory_space<vmem>> -> memref<1x128xf32, #tpu.memory_space<vmem>>
    %dma_start3A_261 = tpu.memref_squeeze %dma_start3A_260 : memref<1x128xf32, #tpu.memory_space<vmem>> -> memref<128xf32, #tpu.memory_space<vmem>>
    %dma_start3A_262 = tpu.memref_slice %arg21[%add3A_257] : memref<10240xf32, #tpu.memory_space<vmem_shared>> -> memref<128xf32, #tpu.memory_space<vmem_shared>>
    %dma_start3A_263 = tpu.memref_slice %arg21[%add3A_257] : memref<10240xf32, #tpu.memory_space<vmem_shared>> -> memref<128xf32, #tpu.memory_space<vmem_shared>>
    %dma_start3A_264 = arith.constant 0 : i32
    %dma_start3A_265 = tpu.memref_slice %arg16[%dma_start3A_258, %dma_start3A_264] : memref<128x128xf32, #tpu.memory_space<vmem>> -> memref<1x128xf32, #tpu.memory_space<vmem>>
    %dma_start3A_266 = tpu.memref_squeeze %dma_start3A_265 : memref<1x128xf32, #tpu.memory_space<vmem>> -> memref<128xf32, #tpu.memory_space<vmem>>
    tpu.enqueue_dma source(%dma_start3A_266 : memref<128xf32, #tpu.memory_space<vmem>>) target(%dma_start3A_263 : memref<128xf32, #tpu.memory_space<vmem_shared>>) target_semaphore(%arg22 : memref<!tpu.dma_semaphore, #tpu.memory_space<semaphore_mem>>)
    %dma_wait3A = arith.constant 0 : i32
    %dma_wait3A_267 = arith.constant 0 : i32
    %dma_wait3A_268 = tpu.memref_slice %arg2[%mul3A_4, %dma_wait3A, %dma_wait3A_267] : memref<640x1x128xi32, #tpu.memory_space<hbm>> -> memref<20x1x128xi32, #tpu.memory_space<hbm>>
    %dma_wait3A_269 = arith.constant 0 : i32
    %dma_wait3A_270 = arith.constant 0 : i32
    %dma_wait3A_271 = tpu.memref_slice %arg2[%mul3A_4, %dma_wait3A_269, %dma_wait3A_270] : memref<640x1x128xi32, #tpu.memory_space<hbm>> -> memref<20x1x128xi32, #tpu.memory_space<hbm>>
    tpu.wait_dma2 semaphore(%arg27 : memref<!tpu.dma_semaphore, #tpu.memory_space<semaphore_mem>>) src(%dma_wait3A_271 : memref<20x1x128xi32, #tpu.memory_space<hbm>>) dst(%arg10 : memref<20x1x128xi32, #tpu.memory_space<vmem>>)
    %dma_wait3A_272 = arith.constant 0 : i32
    %dma_wait3A_273 = arith.constant 0 : i32
    %dma_wait3A_274 = tpu.memref_slice %arg3[%mul3A_11, %dma_wait3A_272, %dma_wait3A_273] : memref<640x1x128xi32, #tpu.memory_space<hbm>> -> memref<20x1x128xi32, #tpu.memory_space<hbm>>
    %dma_wait3A_275 = arith.constant 0 : i32
    %dma_wait3A_276 = arith.constant 0 : i32
    %dma_wait3A_277 = tpu.memref_slice %arg3[%mul3A_11, %dma_wait3A_275, %dma_wait3A_276] : memref<640x1x128xi32, #tpu.memory_space<hbm>> -> memref<20x1x128xi32, #tpu.memory_space<hbm>>
    tpu.wait_dma2 semaphore(%arg27 : memref<!tpu.dma_semaphore, #tpu.memory_space<semaphore_mem>>) src(%dma_wait3A_277 : memref<20x1x128xi32, #tpu.memory_space<hbm>>) dst(%arg11 : memref<20x1x128xi32, #tpu.memory_space<vmem>>)
    %dma_wait3A_278 = arith.constant 0 : i32
    %dma_wait3A_279 = arith.constant 0 : i32
    %dma_wait3A_280 = tpu.memref_slice %arg19[%dma_wait3A_278, %dma_wait3A_279] : memref<10240x128xf32, #tpu.memory_space<vmem_shared>> -> memref<128x128xf32, #tpu.memory_space<vmem_shared>>
    %dma_wait3A_281 = arith.constant 0 : i32
    %dma_wait3A_282 = arith.constant 0 : i32
    %dma_wait3A_283 = tpu.memref_slice %arg19[%dma_wait3A_281, %dma_wait3A_282] : memref<10240x128xf32, #tpu.memory_space<vmem_shared>> -> memref<128x128xf32, #tpu.memory_space<vmem_shared>>
    tpu.wait_dma2 semaphore(%arg22 : memref<!tpu.dma_semaphore, #tpu.memory_space<semaphore_mem>>) src(%arg16 : memref<128x128xf32, #tpu.memory_space<vmem>>) dst(%dma_wait3A_283 : memref<128x128xf32, #tpu.memory_space<vmem_shared>>)
    %dma_wait3A_284 = arith.constant 0 : i32
    %dma_wait3A_285 = arith.constant 0 : i32
    %dma_wait3A_286 = tpu.memref_slice %arg19[%dma_wait3A_284, %dma_wait3A_285] : memref<10240x128xf32, #tpu.memory_space<vmem_shared>> -> memref<128x128xf32, #tpu.memory_space<vmem_shared>>
    %dma_wait3A_287 = arith.constant 0 : i32
    %dma_wait3A_288 = arith.constant 0 : i32
    %dma_wait3A_289 = tpu.memref_slice %arg19[%dma_wait3A_287, %dma_wait3A_288] : memref<10240x128xf32, #tpu.memory_space<vmem_shared>> -> memref<128x128xf32, #tpu.memory_space<vmem_shared>>
    tpu.wait_dma2 semaphore(%arg22 : memref<!tpu.dma_semaphore, #tpu.memory_space<semaphore_mem>>) src(%arg16 : memref<128x128xf32, #tpu.memory_space<vmem>>) dst(%dma_wait3A_289 : memref<128x128xf32, #tpu.memory_space<vmem_shared>>)
    %dma_wait3A_290 = arith.constant 0 : i32
    %dma_wait3A_291 = arith.constant 0 : i32
    %dma_wait3A_292 = tpu.memref_slice %arg19[%dma_wait3A_290, %dma_wait3A_291] : memref<10240x128xf32, #tpu.memory_space<vmem_shared>> -> memref<128x128xf32, #tpu.memory_space<vmem_shared>>
    %dma_wait3A_293 = arith.constant 0 : i32
    %dma_wait3A_294 = arith.constant 0 : i32
    %dma_wait3A_295 = tpu.memref_slice %arg19[%dma_wait3A_293, %dma_wait3A_294] : memref<10240x128xf32, #tpu.memory_space<vmem_shared>> -> memref<128x128xf32, #tpu.memory_space<vmem_shared>>
    tpu.wait_dma2 semaphore(%arg22 : memref<!tpu.dma_semaphore, #tpu.memory_space<semaphore_mem>>) src(%arg16 : memref<128x128xf32, #tpu.memory_space<vmem>>) dst(%dma_wait3A_295 : memref<128x128xf32, #tpu.memory_space<vmem_shared>>)
    %dma_wait3A_296 = arith.constant 0 : i32
    %dma_wait3A_297 = arith.constant 0 : i32
    %dma_wait3A_298 = tpu.memref_slice %arg19[%dma_wait3A_296, %dma_wait3A_297] : memref<10240x128xf32, #tpu.memory_space<vmem_shared>> -> memref<128x128xf32, #tpu.memory_space<vmem_shared>>
    %dma_wait3A_299 = arith.constant 0 : i32
    %dma_wait3A_300 = arith.constant 0 : i32
    %dma_wait3A_301 = tpu.memref_slice %arg19[%dma_wait3A_299, %dma_wait3A_300] : memref<10240x128xf32, #tpu.memory_space<vmem_shared>> -> memref<128x128xf32, #tpu.memory_space<vmem_shared>>
    tpu.wait_dma2 semaphore(%arg22 : memref<!tpu.dma_semaphore, #tpu.memory_space<semaphore_mem>>) src(%arg16 : memref<128x128xf32, #tpu.memory_space<vmem>>) dst(%dma_wait3A_301 : memref<128x128xf32, #tpu.memory_space<vmem_shared>>)
    %dma_wait3A_302 = arith.constant 0 : i32
    %dma_wait3A_303 = arith.constant 0 : i32
    %dma_wait3A_304 = tpu.memref_slice %arg19[%dma_wait3A_302, %dma_wait3A_303] : memref<10240x128xf32, #tpu.memory_space<vmem_shared>> -> memref<128x128xf32, #tpu.memory_space<vmem_shared>>
    %dma_wait3A_305 = arith.constant 0 : i32
    %dma_wait3A_306 = arith.constant 0 : i32
    %dma_wait3A_307 = tpu.memref_slice %arg19[%dma_wait3A_305, %dma_wait3A_306] : memref<10240x128xf32, #tpu.memory_space<vmem_shared>> -> memref<128x128xf32, #tpu.memory_space<vmem_shared>>
    tpu.wait_dma2 semaphore(%arg22 : memref<!tpu.dma_semaphore, #tpu.memory_space<semaphore_mem>>) src(%arg16 : memref<128x128xf32, #tpu.memory_space<vmem>>) dst(%dma_wait3A_307 : memref<128x128xf32, #tpu.memory_space<vmem_shared>>)
    %dma_wait3A_308 = arith.constant 0 : i32
    %dma_wait3A_309 = arith.constant 0 : i32
    %dma_wait3A_310 = tpu.memref_slice %arg16[%dma_wait3A_308, %dma_wait3A_309] : memref<128x128xf32, #tpu.memory_space<vmem>> -> memref<1x128xf32, #tpu.memory_space<vmem>>
    %dma_wait3A_311 = tpu.memref_squeeze %dma_wait3A_310 : memref<1x128xf32, #tpu.memory_space<vmem>> -> memref<128xf32, #tpu.memory_space<vmem>>
    %dma_wait3A_312 = arith.constant 0 : i32
    %dma_wait3A_313 = tpu.memref_slice %arg20[%dma_wait3A_312] : memref<10240xf32, #tpu.memory_space<vmem_shared>> -> memref<128xf32, #tpu.memory_space<vmem_shared>>
    %dma_wait3A_314 = arith.constant 0 : i32
    %dma_wait3A_315 = tpu.memref_slice %arg20[%dma_wait3A_314] : memref<10240xf32, #tpu.memory_space<vmem_shared>> -> memref<128xf32, #tpu.memory_space<vmem_shared>>
    %dma_wait3A_316 = arith.constant 0 : i32
    %dma_wait3A_317 = tpu.memref_slice %arg16[%dma_wait3A_308, %dma_wait3A_316] : memref<128x128xf32, #tpu.memory_space<vmem>> -> memref<1x128xf32, #tpu.memory_space<vmem>>
    %dma_wait3A_318 = tpu.memref_squeeze %dma_wait3A_317 : memref<1x128xf32, #tpu.memory_space<vmem>> -> memref<128xf32, #tpu.memory_space<vmem>>
    tpu.wait_dma2 semaphore(%arg22 : memref<!tpu.dma_semaphore, #tpu.memory_space<semaphore_mem>>) src(%dma_wait3A_318 : memref<128xf32, #tpu.memory_space<vmem>>) dst(%dma_wait3A_315 : memref<128xf32, #tpu.memory_space<vmem_shared>>)
    %dma_wait3A_319 = arith.constant 0 : i32
    %dma_wait3A_320 = arith.constant 0 : i32
    %dma_wait3A_321 = tpu.memref_slice %arg16[%dma_wait3A_319, %dma_wait3A_320] : memref<128x128xf32, #tpu.memory_space<vmem>> -> memref<1x128xf32, #tpu.memory_space<vmem>>
    %dma_wait3A_322 = tpu.memref_squeeze %dma_wait3A_321 : memref<1x128xf32, #tpu.memory_space<vmem>> -> memref<128xf32, #tpu.memory_space<vmem>>
    %dma_wait3A_323 = arith.constant 0 : i32
    %dma_wait3A_324 = tpu.memref_slice %arg20[%dma_wait3A_323] : memref<10240xf32, #tpu.memory_space<vmem_shared>> -> memref<128xf32, #tpu.memory_space<vmem_shared>>
    %dma_wait3A_325 = arith.constant 0 : i32
    %dma_wait3A_326 = tpu.memref_slice %arg20[%dma_wait3A_325] : memref<10240xf32, #tpu.memory_space<vmem_shared>> -> memref<128xf32, #tpu.memory_space<vmem_shared>>
    %dma_wait3A_327 = arith.constant 0 : i32
    %dma_wait3A_328 = tpu.memref_slice %arg16[%dma_wait3A_319, %dma_wait3A_327] : memref<128x128xf32, #tpu.memory_space<vmem>> -> memref<1x128xf32, #tpu.memory_space<vmem>>
    %dma_wait3A_329 = tpu.memref_squeeze %dma_wait3A_328 : memref<1x128xf32, #tpu.memory_space<vmem>> -> memref<128xf32, #tpu.memory_space<vmem>>
    tpu.wait_dma2 semaphore(%arg22 : memref<!tpu.dma_semaphore, #tpu.memory_space<semaphore_mem>>) src(%dma_wait3A_329 : memref<128xf32, #tpu.memory_space<vmem>>) dst(%dma_wait3A_326 : memref<128xf32, #tpu.memory_space<vmem_shared>>)
    %dma_wait3A_330 = arith.constant 0 : i32
    %dma_wait3A_331 = arith.constant 0 : i32
    %dma_wait3A_332 = tpu.memref_slice %arg16[%dma_wait3A_330, %dma_wait3A_331] : memref<128x128xf32, #tpu.memory_space<vmem>> -> memref<1x128xf32, #tpu.memory_space<vmem>>
    %dma_wait3A_333 = tpu.memref_squeeze %dma_wait3A_332 : memref<1x128xf32, #tpu.memory_space<vmem>> -> memref<128xf32, #tpu.memory_space<vmem>>
    %dma_wait3A_334 = arith.constant 0 : i32
    %dma_wait3A_335 = tpu.memref_slice %arg20[%dma_wait3A_334] : memref<10240xf32, #tpu.memory_space<vmem_shared>> -> memref<128xf32, #tpu.memory_space<vmem_shared>>
    %dma_wait3A_336 = arith.constant 0 : i32
    %dma_wait3A_337 = tpu.memref_slice %arg20[%dma_wait3A_336] : memref<10240xf32, #tpu.memory_space<vmem_shared>> -> memref<128xf32, #tpu.memory_space<vmem_shared>>
    %dma_wait3A_338 = arith.constant 0 : i32
    %dma_wait3A_339 = tpu.memref_slice %arg16[%dma_wait3A_330, %dma_wait3A_338] : memref<128x128xf32, #tpu.memory_space<vmem>> -> memref<1x128xf32, #tpu.memory_space<vmem>>
    %dma_wait3A_340 = tpu.memref_squeeze %dma_wait3A_339 : memref<1x128xf32, #tpu.memory_space<vmem>> -> memref<128xf32, #tpu.memory_space<vmem>>
    tpu.wait_dma2 semaphore(%arg22 : memref<!tpu.dma_semaphore, #tpu.memory_space<semaphore_mem>>) src(%dma_wait3A_340 : memref<128xf32, #tpu.memory_space<vmem>>) dst(%dma_wait3A_337 : memref<128xf32, #tpu.memory_space<vmem_shared>>)
    %dma_wait3A_341 = arith.constant 0 : i32
    %dma_wait3A_342 = arith.constant 0 : i32
    %dma_wait3A_343 = tpu.memref_slice %arg16[%dma_wait3A_341, %dma_wait3A_342] : memref<128x128xf32, #tpu.memory_space<vmem>> -> memref<1x128xf32, #tpu.memory_space<vmem>>
    %dma_wait3A_344 = tpu.memref_squeeze %dma_wait3A_343 : memref<1x128xf32, #tpu.memory_space<vmem>> -> memref<128xf32, #tpu.memory_space<vmem>>
    %dma_wait3A_345 = arith.constant 0 : i32
    %dma_wait3A_346 = tpu.memref_slice %arg20[%dma_wait3A_345] : memref<10240xf32, #tpu.memory_space<vmem_shared>> -> memref<128xf32, #tpu.memory_space<vmem_shared>>
    %dma_wait3A_347 = arith.constant 0 : i32
    %dma_wait3A_348 = tpu.memref_slice %arg20[%dma_wait3A_347] : memref<10240xf32, #tpu.memory_space<vmem_shared>> -> memref<128xf32, #tpu.memory_space<vmem_shared>>
    %dma_wait3A_349 = arith.constant 0 : i32
    %dma_wait3A_350 = tpu.memref_slice %arg16[%dma_wait3A_341, %dma_wait3A_349] : memref<128x128xf32, #tpu.memory_space<vmem>> -> memref<1x128xf32, #tpu.memory_space<vmem>>
    %dma_wait3A_351 = tpu.memref_squeeze %dma_wait3A_350 : memref<1x128xf32, #tpu.memory_space<vmem>> -> memref<128xf32, #tpu.memory_space<vmem>>
    tpu.wait_dma2 semaphore(%arg22 : memref<!tpu.dma_semaphore, #tpu.memory_space<semaphore_mem>>) src(%dma_wait3A_351 : memref<128xf32, #tpu.memory_space<vmem>>) dst(%dma_wait3A_348 : memref<128xf32, #tpu.memory_space<vmem_shared>>)
    %dma_wait3A_352 = arith.constant 0 : i32
    %dma_wait3A_353 = arith.constant 0 : i32
    %dma_wait3A_354 = tpu.memref_slice %arg16[%dma_wait3A_352, %dma_wait3A_353] : memref<128x128xf32, #tpu.memory_space<vmem>> -> memref<1x128xf32, #tpu.memory_space<vmem>>
    %dma_wait3A_355 = tpu.memref_squeeze %dma_wait3A_354 : memref<1x128xf32, #tpu.memory_space<vmem>> -> memref<128xf32, #tpu.memory_space<vmem>>
    %dma_wait3A_356 = arith.constant 0 : i32
    %dma_wait3A_357 = tpu.memref_slice %arg20[%dma_wait3A_356] : memref<10240xf32, #tpu.memory_space<vmem_shared>> -> memref<128xf32, #tpu.memory_space<vmem_shared>>
    %dma_wait3A_358 = arith.constant 0 : i32
    %dma_wait3A_359 = tpu.memref_slice %arg20[%dma_wait3A_358] : memref<10240xf32, #tpu.memory_space<vmem_shared>> -> memref<128xf32, #tpu.memory_space<vmem_shared>>
    %dma_wait3A_360 = arith.constant 0 : i32
    %dma_wait3A_361 = tpu.memref_slice %arg16[%dma_wait3A_352, %dma_wait3A_360] : memref<128x128xf32, #tpu.memory_space<vmem>> -> memref<1x128xf32, #tpu.memory_space<vmem>>
    %dma_wait3A_362 = tpu.memref_squeeze %dma_wait3A_361 : memref<1x128xf32, #tpu.memory_space<vmem>> -> memref<128xf32, #tpu.memory_space<vmem>>
    tpu.wait_dma2 semaphore(%arg22 : memref<!tpu.dma_semaphore, #tpu.memory_space<semaphore_mem>>) src(%dma_wait3A_362 : memref<128xf32, #tpu.memory_space<vmem>>) dst(%dma_wait3A_359 : memref<128xf32, #tpu.memory_space<vmem_shared>>)
    %dma_wait3A_363 = arith.constant 0 : i32
    %dma_wait3A_364 = arith.constant 0 : i32
    %dma_wait3A_365 = tpu.memref_slice %arg16[%dma_wait3A_363, %dma_wait3A_364] : memref<128x128xf32, #tpu.memory_space<vmem>> -> memref<1x128xf32, #tpu.memory_space<vmem>>
    %dma_wait3A_366 = tpu.memref_squeeze %dma_wait3A_365 : memref<1x128xf32, #tpu.memory_space<vmem>> -> memref<128xf32, #tpu.memory_space<vmem>>
    %dma_wait3A_367 = arith.constant 0 : i32
    %dma_wait3A_368 = tpu.memref_slice %arg21[%dma_wait3A_367] : memref<10240xf32, #tpu.memory_space<vmem_shared>> -> memref<128xf32, #tpu.memory_space<vmem_shared>>
    %dma_wait3A_369 = arith.constant 0 : i32
    %dma_wait3A_370 = tpu.memref_slice %arg21[%dma_wait3A_369] : memref<10240xf32, #tpu.memory_space<vmem_shared>> -> memref<128xf32, #tpu.memory_space<vmem_shared>>
    %dma_wait3A_371 = arith.constant 0 : i32
    %dma_wait3A_372 = tpu.memref_slice %arg16[%dma_wait3A_363, %dma_wait3A_371] : memref<128x128xf32, #tpu.memory_space<vmem>> -> memref<1x128xf32, #tpu.memory_space<vmem>>
    %dma_wait3A_373 = tpu.memref_squeeze %dma_wait3A_372 : memref<1x128xf32, #tpu.memory_space<vmem>> -> memref<128xf32, #tpu.memory_space<vmem>>
    tpu.wait_dma2 semaphore(%arg22 : memref<!tpu.dma_semaphore, #tpu.memory_space<semaphore_mem>>) src(%dma_wait3A_373 : memref<128xf32, #tpu.memory_space<vmem>>) dst(%dma_wait3A_370 : memref<128xf32, #tpu.memory_space<vmem_shared>>)
    %dma_wait3A_374 = arith.constant 0 : i32
    %dma_wait3A_375 = arith.constant 0 : i32
    %dma_wait3A_376 = tpu.memref_slice %arg16[%dma_wait3A_374, %dma_wait3A_375] : memref<128x128xf32, #tpu.memory_space<vmem>> -> memref<1x128xf32, #tpu.memory_space<vmem>>
    %dma_wait3A_377 = tpu.memref_squeeze %dma_wait3A_376 : memref<1x128xf32, #tpu.memory_space<vmem>> -> memref<128xf32, #tpu.memory_space<vmem>>
    %dma_wait3A_378 = arith.constant 0 : i32
    %dma_wait3A_379 = tpu.memref_slice %arg21[%dma_wait3A_378] : memref<10240xf32, #tpu.memory_space<vmem_shared>> -> memref<128xf32, #tpu.memory_space<vmem_shared>>
    %dma_wait3A_380 = arith.constant 0 : i32
    %dma_wait3A_381 = tpu.memref_slice %arg21[%dma_wait3A_380] : memref<10240xf32, #tpu.memory_space<vmem_shared>> -> memref<128xf32, #tpu.memory_space<vmem_shared>>
    %dma_wait3A_382 = arith.constant 0 : i32
    %dma_wait3A_383 = tpu.memref_slice %arg16[%dma_wait3A_374, %dma_wait3A_382] : memref<128x128xf32, #tpu.memory_space<vmem>> -> memref<1x128xf32, #tpu.memory_space<vmem>>
    %dma_wait3A_384 = tpu.memref_squeeze %dma_wait3A_383 : memref<1x128xf32, #tpu.memory_space<vmem>> -> memref<128xf32, #tpu.memory_space<vmem>>
    tpu.wait_dma2 semaphore(%arg22 : memref<!tpu.dma_semaphore, #tpu.memory_space<semaphore_mem>>) src(%dma_wait3A_384 : memref<128xf32, #tpu.memory_space<vmem>>) dst(%dma_wait3A_381 : memref<128xf32, #tpu.memory_space<vmem_shared>>)
    %dma_wait3A_385 = arith.constant 0 : i32
    %dma_wait3A_386 = arith.constant 0 : i32
    %dma_wait3A_387 = tpu.memref_slice %arg16[%dma_wait3A_385, %dma_wait3A_386] : memref<128x128xf32, #tpu.memory_space<vmem>> -> memref<1x128xf32, #tpu.memory_space<vmem>>
    %dma_wait3A_388 = tpu.memref_squeeze %dma_wait3A_387 : memref<1x128xf32, #tpu.memory_space<vmem>> -> memref<128xf32, #tpu.memory_space<vmem>>
    %dma_wait3A_389 = arith.constant 0 : i32
    %dma_wait3A_390 = tpu.memref_slice %arg21[%dma_wait3A_389] : memref<10240xf32, #tpu.memory_space<vmem_shared>> -> memref<128xf32, #tpu.memory_space<vmem_shared>>
    %dma_wait3A_391 = arith.constant 0 : i32
    %dma_wait3A_392 = tpu.memref_slice %arg21[%dma_wait3A_391] : memref<10240xf32, #tpu.memory_space<vmem_shared>> -> memref<128xf32, #tpu.memory_space<vmem_shared>>
    %dma_wait3A_393 = arith.constant 0 : i32
    %dma_wait3A_394 = tpu.memref_slice %arg16[%dma_wait3A_385, %dma_wait3A_393] : memref<128x128xf32, #tpu.memory_space<vmem>> -> memref<1x128xf32, #tpu.memory_space<vmem>>
    %dma_wait3A_395 = tpu.memref_squeeze %dma_wait3A_394 : memref<1x128xf32, #tpu.memory_space<vmem>> -> memref<128xf32, #tpu.memory_space<vmem>>
    tpu.wait_dma2 semaphore(%arg22 : memref<!tpu.dma_semaphore, #tpu.memory_space<semaphore_mem>>) src(%dma_wait3A_395 : memref<128xf32, #tpu.memory_space<vmem>>) dst(%dma_wait3A_392 : memref<128xf32, #tpu.memory_space<vmem_shared>>)
    %dma_wait3A_396 = arith.constant 0 : i32
    %dma_wait3A_397 = arith.constant 0 : i32
    %dma_wait3A_398 = tpu.memref_slice %arg16[%dma_wait3A_396, %dma_wait3A_397] : memref<128x128xf32, #tpu.memory_space<vmem>> -> memref<1x128xf32, #tpu.memory_space<vmem>>
    %dma_wait3A_399 = tpu.memref_squeeze %dma_wait3A_398 : memref<1x128xf32, #tpu.memory_space<vmem>> -> memref<128xf32, #tpu.memory_space<vmem>>
    %dma_wait3A_400 = arith.constant 0 : i32
    %dma_wait3A_401 = tpu.memref_slice %arg21[%dma_wait3A_400] : memref<10240xf32, #tpu.memory_space<vmem_shared>> -> memref<128xf32, #tpu.memory_space<vmem_shared>>
    %dma_wait3A_402 = arith.constant 0 : i32
    %dma_wait3A_403 = tpu.memref_slice %arg21[%dma_wait3A_402] : memref<10240xf32, #tpu.memory_space<vmem_shared>> -> memref<128xf32, #tpu.memory_space<vmem_shared>>
    %dma_wait3A_404 = arith.constant 0 : i32
    %dma_wait3A_405 = tpu.memref_slice %arg16[%dma_wait3A_396, %dma_wait3A_404] : memref<128x128xf32, #tpu.memory_space<vmem>> -> memref<1x128xf32, #tpu.memory_space<vmem>>
    %dma_wait3A_406 = tpu.memref_squeeze %dma_wait3A_405 : memref<1x128xf32, #tpu.memory_space<vmem>> -> memref<128xf32, #tpu.memory_space<vmem>>
    tpu.wait_dma2 semaphore(%arg22 : memref<!tpu.dma_semaphore, #tpu.memory_space<semaphore_mem>>) src(%dma_wait3A_406 : memref<128xf32, #tpu.memory_space<vmem>>) dst(%dma_wait3A_403 : memref<128xf32, #tpu.memory_space<vmem_shared>>)
    %dma_wait3A_407 = arith.constant 0 : i32
    %dma_wait3A_408 = arith.constant 0 : i32
    %dma_wait3A_409 = tpu.memref_slice %arg16[%dma_wait3A_407, %dma_wait3A_408] : memref<128x128xf32, #tpu.memory_space<vmem>> -> memref<1x128xf32, #tpu.memory_space<vmem>>
    %dma_wait3A_410 = tpu.memref_squeeze %dma_wait3A_409 : memref<1x128xf32, #tpu.memory_space<vmem>> -> memref<128xf32, #tpu.memory_space<vmem>>
    %dma_wait3A_411 = arith.constant 0 : i32
    %dma_wait3A_412 = tpu.memref_slice %arg21[%dma_wait3A_411] : memref<10240xf32, #tpu.memory_space<vmem_shared>> -> memref<128xf32, #tpu.memory_space<vmem_shared>>
    %dma_wait3A_413 = arith.constant 0 : i32
    %dma_wait3A_414 = tpu.memref_slice %arg21[%dma_wait3A_413] : memref<10240xf32, #tpu.memory_space<vmem_shared>> -> memref<128xf32, #tpu.memory_space<vmem_shared>>
    %dma_wait3A_415 = arith.constant 0 : i32
    %dma_wait3A_416 = tpu.memref_slice %arg16[%dma_wait3A_407, %dma_wait3A_415] : memref<128x128xf32, #tpu.memory_space<vmem>> -> memref<1x128xf32, #tpu.memory_space<vmem>>
    %dma_wait3A_417 = tpu.memref_squeeze %dma_wait3A_416 : memref<1x128xf32, #tpu.memory_space<vmem>> -> memref<128xf32, #tpu.memory_space<vmem>>
    tpu.wait_dma2 semaphore(%arg22 : memref<!tpu.dma_semaphore, #tpu.memory_space<semaphore_mem>>) src(%dma_wait3A_417 : memref<128xf32, #tpu.memory_space<vmem>>) dst(%dma_wait3A_414 : memref<128xf32, #tpu.memory_space<vmem_shared>>)
    %barrier3A = arith.constant 0 : index
    tpu.barrier barrier_id(%barrier3A)
    %dma_start3A_418 = arith.constant 0 : i32
    %dma_start3A_419 = arith.constant 0 : i32
    %dma_start3A_420 = arith.constant 0 : i32
    %dma_start3A_421 = tpu.memref_slice %arg10[%dma_start3A_418, %dma_start3A_419, %dma_start3A_420] : memref<20x1x128xi32, #tpu.memory_space<vmem>> -> memref<1x1x128xi32, #tpu.memory_space<vmem>>
    %dma_start3A_422 = tpu.memref_squeeze %dma_start3A_421 : memref<1x1x128xi32, #tpu.memory_space<vmem>> -> memref<128xi32, #tpu.memory_space<vmem>>
    %dma_start3A_423 = arith.constant 0 : i32
    %dma_start3A_424 = arith.constant 0 : i32
    %dma_start3A_425 = tpu.memref_slice %arg6[%dma_start3A_423, %dma_start3A_424] : memref<100000x128xf32, #tpu.memory_space<hbm>> -> memref<100000x128xf32, #tpu.memory_space<hbm>>
    tpu.enqueue_indirect_dma source(%dma_start3A_425 : memref<100000x128xf32, #tpu.memory_space<hbm>>) target(%arg16 : memref<128x128xf32, #tpu.memory_space<vmem>>) offsets(%dma_start3A_422 : memref<128xi32, #tpu.memory_space<vmem>>) semaphore(%arg22 : memref<!tpu.dma_semaphore, #tpu.memory_space<semaphore_mem>>)
    %scan3A_426 = arith.constant 0 : i32
    %scan3A_427 = arith.constant 0 : i32
    %scan3A_428 = arith.constant 10 : i32
    %scan3A_429 = arith.addi %scan3A_427, %scan3A_428 : i32
    %scan3A_430 = arith.constant 1 : i32
    scf.for %scan3A_447 = %scan3A_427 to %scan3A_429 step %scan3A_430  : i32 {
      %mul3A_448 = arith.constant 2 : i32
      %mul3A_449 = arith.muli %mul3A_448, %scan3A_447 : i32
      %add3A_450 = arith.constant 1 : i32
      %add3A_451 = arith.addi %mul3A_449, %add3A_450 : i32
      %dma_start3A_452 = arith.constant 0 : i32
      %dma_start3A_453 = arith.constant 0 : i32
      %dma_start3A_454 = tpu.memref_slice %arg10[%add3A_451, %dma_start3A_452, %dma_start3A_453] : memref<20x1x128xi32, #tpu.memory_space<vmem>> -> memref<1x1x128xi32, #tpu.memory_space<vmem>>
      %dma_start3A_455 = tpu.memref_squeeze %dma_start3A_454 : memref<1x1x128xi32, #tpu.memory_space<vmem>> -> memref<128xi32, #tpu.memory_space<vmem>>
      %dma_start3A_456 = arith.constant 0 : i32
      %dma_start3A_457 = arith.constant 0 : i32
      %dma_start3A_458 = tpu.memref_slice %arg6[%dma_start3A_456, %dma_start3A_457] : memref<100000x128xf32, #tpu.memory_space<hbm>> -> memref<100000x128xf32, #tpu.memory_space<hbm>>
      tpu.enqueue_indirect_dma source(%dma_start3A_458 : memref<100000x128xf32, #tpu.memory_space<hbm>>) target(%arg17 : memref<128x128xf32, #tpu.memory_space<vmem>>) offsets(%dma_start3A_455 : memref<128xi32, #tpu.memory_space<vmem>>) semaphore(%arg23 : memref<!tpu.dma_semaphore, #tpu.memory_space<semaphore_mem>>)
      %jit3A = arith.constant 2 : i32
      %eq3A = arith.constant 0 : i32
      %eq3A_459 = arith.cmpi eq, %jit3A, %eq3A : i32
      %jit3A_460 = arith.constant 1 : i32
      %select_n3A = arith.select %eq3A_459, %jit3A_460, %jit3A : i32
      %rem3A = arith.remsi %scan3A_447, %select_n3A : i32
      %ne3A = arith.constant 0 : i32
      %ne3A_461 = arith.cmpi ne, %rem3A, %ne3A : i32
      %lt3A = arith.constant 0 : i32
      %lt3A_462 = arith.cmpi slt, %rem3A, %lt3A : i32
      %lt3A_463 = arith.constant 0 : i32
      %lt3A_464 = arith.cmpi slt, %select_n3A, %lt3A_463 : i32
      %ne3A_465 = arith.xori %lt3A_462, %lt3A_464 : i1
      %and3A = arith.andi %ne3A_465, %ne3A_461 : i1
      %add3A_466 = arith.addi %rem3A, %select_n3A : i32
      %select_n3A_467 = arith.select %and3A, %add3A_466, %rem3A : i32
      %eq3A_468 = arith.constant 0 : i32
      %eq3A_469 = arith.cmpi eq, %select_n3A_467, %eq3A_468 : i32
      %convert_element_type3A = arith.extui %eq3A_469 : i1 to i32
      %cond3A = arith.constant 0 : i32
      %cond3A_470 = arith.cmpi ne, %convert_element_type3A, %cond3A : i32
      scf.if %cond3A_470 {
        %dma_wait3A_505 = arith.constant 0 : i32
        %dma_wait3A_506 = arith.constant 0 : i32
        %dma_wait3A_507 = arith.constant 0 : i32
        %dma_wait3A_508 = tpu.memref_slice %arg4[%dma_wait3A_505, %dma_wait3A_506, %dma_wait3A_507] : memref<2560x1x128xi32, #tpu.memory_space<hbm>> -> memref<8x1x128xi32, #tpu.memory_space<hbm>>
        %dma_wait3A_509 = arith.constant 0 : i32
        %dma_wait3A_510 = arith.constant 0 : i32
        %dma_wait3A_511 = arith.constant 0 : i32
        %dma_wait3A_512 = tpu.memref_slice %arg4[%dma_wait3A_509, %dma_wait3A_510, %dma_wait3A_511] : memref<2560x1x128xi32, #tpu.memory_space<hbm>> -> memref<8x1x128xi32, #tpu.memory_space<hbm>>
        tpu.wait_dma2 semaphore(%arg25 : memref<!tpu.dma_semaphore, #tpu.memory_space<semaphore_mem>>) src(%dma_wait3A_512 : memref<8x1x128xi32, #tpu.memory_space<hbm>>) dst(%arg12 : memref<8x1x128xi32, #tpu.memory_space<vmem>>)
        %dma_wait3A_513 = arith.constant 0 : i32
        %dma_wait3A_514 = arith.constant 0 : i32
        %dma_wait3A_515 = arith.constant 0 : i32
        %dma_wait3A_516 = tpu.memref_slice %arg4[%dma_wait3A_513, %dma_wait3A_514, %dma_wait3A_515] : memref<2560x1x128xi32, #tpu.memory_space<hbm>> -> memref<8x1x128xi32, #tpu.memory_space<hbm>>
        %dma_wait3A_517 = arith.constant 0 : i32
        %dma_wait3A_518 = arith.constant 0 : i32
        %dma_wait3A_519 = arith.constant 0 : i32
        %dma_wait3A_520 = tpu.memref_slice %arg4[%dma_wait3A_517, %dma_wait3A_518, %dma_wait3A_519] : memref<2560x1x128xi32, #tpu.memory_space<hbm>> -> memref<8x1x128xi32, #tpu.memory_space<hbm>>
        tpu.wait_dma2 semaphore(%arg25 : memref<!tpu.dma_semaphore, #tpu.memory_space<semaphore_mem>>) src(%dma_wait3A_520 : memref<8x1x128xi32, #tpu.memory_space<hbm>>) dst(%arg14 : memref<8x1x128xi32, #tpu.memory_space<vmem>>)
        %dma_start3A_521 = arith.constant 0 : i32
        %dma_start3A_522 = arith.constant 0 : i32
        %dma_start3A_523 = arith.constant 0 : i32
        %dma_start3A_524 = tpu.memref_slice %arg12[%dma_start3A_521, %dma_start3A_522, %dma_start3A_523] : memref<8x1x128xi32, #tpu.memory_space<vmem>> -> memref<1x1x128xi32, #tpu.memory_space<vmem>>
        %dma_start3A_525 = tpu.memref_squeeze %dma_start3A_524 : memref<1x1x128xi32, #tpu.memory_space<vmem>> -> memref<128xi32, #tpu.memory_space<vmem>>
        %dma_start3A_526 = arith.constant 0 : i32
        %dma_start3A_527 = tpu.memref_slice %arg20[%dma_start3A_526] : memref<10240xf32, #tpu.memory_space<vmem_shared>> -> memref<10240xf32, #tpu.memory_space<vmem_shared>>
        tpu.enqueue_indirect_dma source(%arg18 : memref<128xf32, #tpu.memory_space<vmem>>) target(%dma_start3A_527 : memref<10240xf32, #tpu.memory_space<vmem_shared>>) offsets(%dma_start3A_525 : memref<128xi32, #tpu.memory_space<vmem>>) semaphore(%arg24 : memref<!tpu.dma_semaphore, #tpu.memory_space<semaphore_mem>>) {add = true}
        %dma_start3A_528 = arith.constant 0 : i32
        %dma_start3A_529 = arith.constant 0 : i32
        %dma_start3A_530 = arith.constant 0 : i32
        %dma_start3A_531 = tpu.memref_slice %arg14[%dma_start3A_528, %dma_start3A_529, %dma_start3A_530] : memref<8x1x128xi32, #tpu.memory_space<vmem>> -> memref<1x1x128xi32, #tpu.memory_space<vmem>>
        %dma_start3A_532 = tpu.memref_squeeze %dma_start3A_531 : memref<1x1x128xi32, #tpu.memory_space<vmem>> -> memref<128xi32, #tpu.memory_space<vmem>>
        %dma_start3A_533 = arith.constant 0 : i32
        %dma_start3A_534 = tpu.memref_slice %arg21[%dma_start3A_533] : memref<10240xf32, #tpu.memory_space<vmem_shared>> -> memref<10240xf32, #tpu.memory_space<vmem_shared>>
        tpu.enqueue_indirect_dma source(%arg18 : memref<128xf32, #tpu.memory_space<vmem>>) target(%dma_start3A_534 : memref<10240xf32, #tpu.memory_space<vmem_shared>>) offsets(%dma_start3A_532 : memref<128xi32, #tpu.memory_space<vmem>>) semaphore(%arg24 : memref<!tpu.dma_semaphore, #tpu.memory_space<semaphore_mem>>) {add = true}
        %dma_start3A_535 = arith.constant 1 : i32
        %dma_start3A_536 = arith.constant 0 : i32
        %dma_start3A_537 = arith.constant 0 : i32
        %dma_start3A_538 = tpu.memref_slice %arg12[%dma_start3A_535, %dma_start3A_536, %dma_start3A_537] : memref<8x1x128xi32, #tpu.memory_space<vmem>> -> memref<1x1x128xi32, #tpu.memory_space<vmem>>
        %dma_start3A_539 = tpu.memref_squeeze %dma_start3A_538 : memref<1x1x128xi32, #tpu.memory_space<vmem>> -> memref<128xi32, #tpu.memory_space<vmem>>
        %dma_start3A_540 = arith.constant 0 : i32
        %dma_start3A_541 = tpu.memref_slice %arg20[%dma_start3A_540] : memref<10240xf32, #tpu.memory_space<vmem_shared>> -> memref<10240xf32, #tpu.memory_space<vmem_shared>>
        tpu.enqueue_indirect_dma source(%arg18 : memref<128xf32, #tpu.memory_space<vmem>>) target(%dma_start3A_541 : memref<10240xf32, #tpu.memory_space<vmem_shared>>) offsets(%dma_start3A_539 : memref<128xi32, #tpu.memory_space<vmem>>) semaphore(%arg24 : memref<!tpu.dma_semaphore, #tpu.memory_space<semaphore_mem>>) {add = true}
        %dma_start3A_542 = arith.constant 1 : i32
        %dma_start3A_543 = arith.constant 0 : i32
        %dma_start3A_544 = arith.constant 0 : i32
        %dma_start3A_545 = tpu.memref_slice %arg14[%dma_start3A_542, %dma_start3A_543, %dma_start3A_544] : memref<8x1x128xi32, #tpu.memory_space<vmem>> -> memref<1x1x128xi32, #tpu.memory_space<vmem>>
        %dma_start3A_546 = tpu.memref_squeeze %dma_start3A_545 : memref<1x1x128xi32, #tpu.memory_space<vmem>> -> memref<128xi32, #tpu.memory_space<vmem>>
        %dma_start3A_547 = arith.constant 0 : i32
        %dma_start3A_548 = tpu.memref_slice %arg21[%dma_start3A_547] : memref<10240xf32, #tpu.memory_space<vmem_shared>> -> memref<10240xf32, #tpu.memory_space<vmem_shared>>
        tpu.enqueue_indirect_dma source(%arg18 : memref<128xf32, #tpu.memory_space<vmem>>) target(%dma_start3A_548 : memref<10240xf32, #tpu.memory_space<vmem_shared>>) offsets(%dma_start3A_546 : memref<128xi32, #tpu.memory_space<vmem>>) semaphore(%arg24 : memref<!tpu.dma_semaphore, #tpu.memory_space<semaphore_mem>>) {add = true}
        %dma_start3A_549 = arith.constant 2 : i32
        %dma_start3A_550 = arith.constant 0 : i32
        %dma_start3A_551 = arith.constant 0 : i32
        %dma_start3A_552 = tpu.memref_slice %arg12[%dma_start3A_549, %dma_start3A_550, %dma_start3A_551] : memref<8x1x128xi32, #tpu.memory_space<vmem>> -> memref<1x1x128xi32, #tpu.memory_space<vmem>>
        %dma_start3A_553 = tpu.memref_squeeze %dma_start3A_552 : memref<1x1x128xi32, #tpu.memory_space<vmem>> -> memref<128xi32, #tpu.memory_space<vmem>>
        %dma_start3A_554 = arith.constant 0 : i32
        %dma_start3A_555 = tpu.memref_slice %arg20[%dma_start3A_554] : memref<10240xf32, #tpu.memory_space<vmem_shared>> -> memref<10240xf32, #tpu.memory_space<vmem_shared>>
        tpu.enqueue_indirect_dma source(%arg18 : memref<128xf32, #tpu.memory_space<vmem>>) target(%dma_start3A_555 : memref<10240xf32, #tpu.memory_space<vmem_shared>>) offsets(%dma_start3A_553 : memref<128xi32, #tpu.memory_space<vmem>>) semaphore(%arg24 : memref<!tpu.dma_semaphore, #tpu.memory_space<semaphore_mem>>) {add = true}
        %dma_start3A_556 = arith.constant 2 : i32
        %dma_start3A_557 = arith.constant 0 : i32
        %dma_start3A_558 = arith.constant 0 : i32
        %dma_start3A_559 = tpu.memref_slice %arg14[%dma_start3A_556, %dma_start3A_557, %dma_start3A_558] : memref<8x1x128xi32, #tpu.memory_space<vmem>> -> memref<1x1x128xi32, #tpu.memory_space<vmem>>
        %dma_start3A_560 = tpu.memref_squeeze %dma_start3A_559 : memref<1x1x128xi32, #tpu.memory_space<vmem>> -> memref<128xi32, #tpu.memory_space<vmem>>
        %dma_start3A_561 = arith.constant 0 : i32
        %dma_start3A_562 = tpu.memref_slice %arg21[%dma_start3A_561] : memref<10240xf32, #tpu.memory_space<vmem_shared>> -> memref<10240xf32, #tpu.memory_space<vmem_shared>>
        tpu.enqueue_indirect_dma source(%arg18 : memref<128xf32, #tpu.memory_space<vmem>>) target(%dma_start3A_562 : memref<10240xf32, #tpu.memory_space<vmem_shared>>) offsets(%dma_start3A_560 : memref<128xi32, #tpu.memory_space<vmem>>) semaphore(%arg24 : memref<!tpu.dma_semaphore, #tpu.memory_space<semaphore_mem>>) {add = true}
        %dma_start3A_563 = arith.constant 3 : i32
        %dma_start3A_564 = arith.constant 0 : i32
        %dma_start3A_565 = arith.constant 0 : i32
        %dma_start3A_566 = tpu.memref_slice %arg12[%dma_start3A_563, %dma_start3A_564, %dma_start3A_565] : memref<8x1x128xi32, #tpu.memory_space<vmem>> -> memref<1x1x128xi32, #tpu.memory_space<vmem>>
        %dma_start3A_567 = tpu.memref_squeeze %dma_start3A_566 : memref<1x1x128xi32, #tpu.memory_space<vmem>> -> memref<128xi32, #tpu.memory_space<vmem>>
        %dma_start3A_568 = arith.constant 0 : i32
        %dma_start3A_569 = tpu.memref_slice %arg20[%dma_start3A_568] : memref<10240xf32, #tpu.memory_space<vmem_shared>> -> memref<10240xf32, #tpu.memory_space<vmem_shared>>
        tpu.enqueue_indirect_dma source(%arg18 : memref<128xf32, #tpu.memory_space<vmem>>) target(%dma_start3A_569 : memref<10240xf32, #tpu.memory_space<vmem_shared>>) offsets(%dma_start3A_567 : memref<128xi32, #tpu.memory_space<vmem>>) semaphore(%arg24 : memref<!tpu.dma_semaphore, #tpu.memory_space<semaphore_mem>>) {add = true}
        %dma_start3A_570 = arith.constant 3 : i32
        %dma_start3A_571 = arith.constant 0 : i32
        %dma_start3A_572 = arith.constant 0 : i32
        %dma_start3A_573 = tpu.memref_slice %arg14[%dma_start3A_570, %dma_start3A_571, %dma_start3A_572] : memref<8x1x128xi32, #tpu.memory_space<vmem>> -> memref<1x1x128xi32, #tpu.memory_space<vmem>>
        %dma_start3A_574 = tpu.memref_squeeze %dma_start3A_573 : memref<1x1x128xi32, #tpu.memory_space<vmem>> -> memref<128xi32, #tpu.memory_space<vmem>>
        %dma_start3A_575 = arith.constant 0 : i32
        %dma_start3A_576 = tpu.memref_slice %arg21[%dma_start3A_575] : memref<10240xf32, #tpu.memory_space<vmem_shared>> -> memref<10240xf32, #tpu.memory_space<vmem_shared>>
        tpu.enqueue_indirect_dma source(%arg18 : memref<128xf32, #tpu.memory_space<vmem>>) target(%dma_start3A_576 : memref<10240xf32, #tpu.memory_space<vmem_shared>>) offsets(%dma_start3A_574 : memref<128xi32, #tpu.memory_space<vmem>>) semaphore(%arg24 : memref<!tpu.dma_semaphore, #tpu.memory_space<semaphore_mem>>) {add = true}
        %dma_start3A_577 = arith.constant 4 : i32
        %dma_start3A_578 = arith.constant 0 : i32
        %dma_start3A_579 = arith.constant 0 : i32
        %dma_start3A_580 = tpu.memref_slice %arg12[%dma_start3A_577, %dma_start3A_578, %dma_start3A_579] : memref<8x1x128xi32, #tpu.memory_space<vmem>> -> memref<1x1x128xi32, #tpu.memory_space<vmem>>
        %dma_start3A_581 = tpu.memref_squeeze %dma_start3A_580 : memref<1x1x128xi32, #tpu.memory_space<vmem>> -> memref<128xi32, #tpu.memory_space<vmem>>
        %dma_start3A_582 = arith.constant 0 : i32
        %dma_start3A_583 = tpu.memref_slice %arg20[%dma_start3A_582] : memref<10240xf32, #tpu.memory_space<vmem_shared>> -> memref<10240xf32, #tpu.memory_space<vmem_shared>>
        tpu.enqueue_indirect_dma source(%arg18 : memref<128xf32, #tpu.memory_space<vmem>>) target(%dma_start3A_583 : memref<10240xf32, #tpu.memory_space<vmem_shared>>) offsets(%dma_start3A_581 : memref<128xi32, #tpu.memory_space<vmem>>) semaphore(%arg24 : memref<!tpu.dma_semaphore, #tpu.memory_space<semaphore_mem>>) {add = true}
        %dma_start3A_584 = arith.constant 4 : i32
        %dma_start3A_585 = arith.constant 0 : i32
        %dma_start3A_586 = arith.constant 0 : i32
        %dma_start3A_587 = tpu.memref_slice %arg14[%dma_start3A_584, %dma_start3A_585, %dma_start3A_586] : memref<8x1x128xi32, #tpu.memory_space<vmem>> -> memref<1x1x128xi32, #tpu.memory_space<vmem>>
        %dma_start3A_588 = tpu.memref_squeeze %dma_start3A_587 : memref<1x1x128xi32, #tpu.memory_space<vmem>> -> memref<128xi32, #tpu.memory_space<vmem>>
        %dma_start3A_589 = arith.constant 0 : i32
        %dma_start3A_590 = tpu.memref_slice %arg21[%dma_start3A_589] : memref<10240xf32, #tpu.memory_space<vmem_shared>> -> memref<10240xf32, #tpu.memory_space<vmem_shared>>
        tpu.enqueue_indirect_dma source(%arg18 : memref<128xf32, #tpu.memory_space<vmem>>) target(%dma_start3A_590 : memref<10240xf32, #tpu.memory_space<vmem_shared>>) offsets(%dma_start3A_588 : memref<128xi32, #tpu.memory_space<vmem>>) semaphore(%arg24 : memref<!tpu.dma_semaphore, #tpu.memory_space<semaphore_mem>>) {add = true}
        %dma_start3A_591 = arith.constant 5 : i32
        %dma_start3A_592 = arith.constant 0 : i32
        %dma_start3A_593 = arith.constant 0 : i32
        %dma_start3A_594 = tpu.memref_slice %arg12[%dma_start3A_591, %dma_start3A_592, %dma_start3A_593] : memref<8x1x128xi32, #tpu.memory_space<vmem>> -> memref<1x1x128xi32, #tpu.memory_space<vmem>>
        %dma_start3A_595 = tpu.memref_squeeze %dma_start3A_594 : memref<1x1x128xi32, #tpu.memory_space<vmem>> -> memref<128xi32, #tpu.memory_space<vmem>>
        %dma_start3A_596 = arith.constant 0 : i32
        %dma_start3A_597 = tpu.memref_slice %arg20[%dma_start3A_596] : memref<10240xf32, #tpu.memory_space<vmem_shared>> -> memref<10240xf32, #tpu.memory_space<vmem_shared>>
        tpu.enqueue_indirect_dma source(%arg18 : memref<128xf32, #tpu.memory_space<vmem>>) target(%dma_start3A_597 : memref<10240xf32, #tpu.memory_space<vmem_shared>>) offsets(%dma_start3A_595 : memref<128xi32, #tpu.memory_space<vmem>>) semaphore(%arg24 : memref<!tpu.dma_semaphore, #tpu.memory_space<semaphore_mem>>) {add = true}
        %dma_start3A_598 = arith.constant 5 : i32
        %dma_start3A_599 = arith.constant 0 : i32
        %dma_start3A_600 = arith.constant 0 : i32
        %dma_start3A_601 = tpu.memref_slice %arg14[%dma_start3A_598, %dma_start3A_599, %dma_start3A_600] : memref<8x1x128xi32, #tpu.memory_space<vmem>> -> memref<1x1x128xi32, #tpu.memory_space<vmem>>
        %dma_start3A_602 = tpu.memref_squeeze %dma_start3A_601 : memref<1x1x128xi32, #tpu.memory_space<vmem>> -> memref<128xi32, #tpu.memory_space<vmem>>
        %dma_start3A_603 = arith.constant 0 : i32
        %dma_start3A_604 = tpu.memref_slice %arg21[%dma_start3A_603] : memref<10240xf32, #tpu.memory_space<vmem_shared>> -> memref<10240xf32, #tpu.memory_space<vmem_shared>>
        tpu.enqueue_indirect_dma source(%arg18 : memref<128xf32, #tpu.memory_space<vmem>>) target(%dma_start3A_604 : memref<10240xf32, #tpu.memory_space<vmem_shared>>) offsets(%dma_start3A_602 : memref<128xi32, #tpu.memory_space<vmem>>) semaphore(%arg24 : memref<!tpu.dma_semaphore, #tpu.memory_space<semaphore_mem>>) {add = true}
        %dma_start3A_605 = arith.constant 6 : i32
        %dma_start3A_606 = arith.constant 0 : i32
        %dma_start3A_607 = arith.constant 0 : i32
        %dma_start3A_608 = tpu.memref_slice %arg12[%dma_start3A_605, %dma_start3A_606, %dma_start3A_607] : memref<8x1x128xi32, #tpu.memory_space<vmem>> -> memref<1x1x128xi32, #tpu.memory_space<vmem>>
        %dma_start3A_609 = tpu.memref_squeeze %dma_start3A_608 : memref<1x1x128xi32, #tpu.memory_space<vmem>> -> memref<128xi32, #tpu.memory_space<vmem>>
        %dma_start3A_610 = arith.constant 0 : i32
        %dma_start3A_611 = tpu.memref_slice %arg20[%dma_start3A_610] : memref<10240xf32, #tpu.memory_space<vmem_shared>> -> memref<10240xf32, #tpu.memory_space<vmem_shared>>
        tpu.enqueue_indirect_dma source(%arg18 : memref<128xf32, #tpu.memory_space<vmem>>) target(%dma_start3A_611 : memref<10240xf32, #tpu.memory_space<vmem_shared>>) offsets(%dma_start3A_609 : memref<128xi32, #tpu.memory_space<vmem>>) semaphore(%arg24 : memref<!tpu.dma_semaphore, #tpu.memory_space<semaphore_mem>>) {add = true}
        %dma_start3A_612 = arith.constant 6 : i32
        %dma_start3A_613 = arith.constant 0 : i32
        %dma_start3A_614 = arith.constant 0 : i32
        %dma_start3A_615 = tpu.memref_slice %arg14[%dma_start3A_612, %dma_start3A_613, %dma_start3A_614] : memref<8x1x128xi32, #tpu.memory_space<vmem>> -> memref<1x1x128xi32, #tpu.memory_space<vmem>>
        %dma_start3A_616 = tpu.memref_squeeze %dma_start3A_615 : memref<1x1x128xi32, #tpu.memory_space<vmem>> -> memref<128xi32, #tpu.memory_space<vmem>>
        %dma_start3A_617 = arith.constant 0 : i32
        %dma_start3A_618 = tpu.memref_slice %arg21[%dma_start3A_617] : memref<10240xf32, #tpu.memory_space<vmem_shared>> -> memref<10240xf32, #tpu.memory_space<vmem_shared>>
        tpu.enqueue_indirect_dma source(%arg18 : memref<128xf32, #tpu.memory_space<vmem>>) target(%dma_start3A_618 : memref<10240xf32, #tpu.memory_space<vmem_shared>>) offsets(%dma_start3A_616 : memref<128xi32, #tpu.memory_space<vmem>>) semaphore(%arg24 : memref<!tpu.dma_semaphore, #tpu.memory_space<semaphore_mem>>) {add = true}
        %dma_start3A_619 = arith.constant 7 : i32
        %dma_start3A_620 = arith.constant 0 : i32
        %dma_start3A_621 = arith.constant 0 : i32
        %dma_start3A_622 = tpu.memref_slice %arg12[%dma_start3A_619, %dma_start3A_620, %dma_start3A_621] : memref<8x1x128xi32, #tpu.memory_space<vmem>> -> memref<1x1x128xi32, #tpu.memory_space<vmem>>
        %dma_start3A_623 = tpu.memref_squeeze %dma_start3A_622 : memref<1x1x128xi32, #tpu.memory_space<vmem>> -> memref<128xi32, #tpu.memory_space<vmem>>
        %dma_start3A_624 = arith.constant 0 : i32
        %dma_start3A_625 = tpu.memref_slice %arg20[%dma_start3A_624] : memref<10240xf32, #tpu.memory_space<vmem_shared>> -> memref<10240xf32, #tpu.memory_space<vmem_shared>>
        tpu.enqueue_indirect_dma source(%arg18 : memref<128xf32, #tpu.memory_space<vmem>>) target(%dma_start3A_625 : memref<10240xf32, #tpu.memory_space<vmem_shared>>) offsets(%dma_start3A_623 : memref<128xi32, #tpu.memory_space<vmem>>) semaphore(%arg24 : memref<!tpu.dma_semaphore, #tpu.memory_space<semaphore_mem>>) {add = true}
        %dma_start3A_626 = arith.constant 7 : i32
        %dma_start3A_627 = arith.constant 0 : i32
        %dma_start3A_628 = arith.constant 0 : i32
        %dma_start3A_629 = tpu.memref_slice %arg14[%dma_start3A_626, %dma_start3A_627, %dma_start3A_628] : memref<8x1x128xi32, #tpu.memory_space<vmem>> -> memref<1x1x128xi32, #tpu.memory_space<vmem>>
        %dma_start3A_630 = tpu.memref_squeeze %dma_start3A_629 : memref<1x1x128xi32, #tpu.memory_space<vmem>> -> memref<128xi32, #tpu.memory_space<vmem>>
        %dma_start3A_631 = arith.constant 0 : i32
        %dma_start3A_632 = tpu.memref_slice %arg21[%dma_start3A_631] : memref<10240xf32, #tpu.memory_space<vmem_shared>> -> memref<10240xf32, #tpu.memory_space<vmem_shared>>
        tpu.enqueue_indirect_dma source(%arg18 : memref<128xf32, #tpu.memory_space<vmem>>) target(%dma_start3A_632 : memref<10240xf32, #tpu.memory_space<vmem_shared>>) offsets(%dma_start3A_630 : memref<128xi32, #tpu.memory_space<vmem>>) semaphore(%arg24 : memref<!tpu.dma_semaphore, #tpu.memory_space<semaphore_mem>>) {add = true}
      } else {
      }
      %not3A = arith.constant true
      %not3A_471 = arith.xori %eq3A_469, %not3A : i1
      %convert_element_type3A_472 = arith.extui %not3A_471 : i1 to i32
      %cond3A_473 = arith.constant 0 : i32
      %cond3A_474 = arith.cmpi ne, %convert_element_type3A_472, %cond3A_473 : i32
      scf.if %cond3A_474 {
        %dma_wait3A_505 = arith.constant 0 : i32
        %dma_wait3A_506 = arith.constant 0 : i32
        %dma_wait3A_507 = arith.constant 0 : i32
        %dma_wait3A_508 = tpu.memref_slice %arg4[%dma_wait3A_505, %dma_wait3A_506, %dma_wait3A_507] : memref<2560x1x128xi32, #tpu.memory_space<hbm>> -> memref<8x1x128xi32, #tpu.memory_space<hbm>>
        %dma_wait3A_509 = arith.constant 0 : i32
        %dma_wait3A_510 = arith.constant 0 : i32
        %dma_wait3A_511 = arith.constant 0 : i32
        %dma_wait3A_512 = tpu.memref_slice %arg4[%dma_wait3A_509, %dma_wait3A_510, %dma_wait3A_511] : memref<2560x1x128xi32, #tpu.memory_space<hbm>> -> memref<8x1x128xi32, #tpu.memory_space<hbm>>
        tpu.wait_dma2 semaphore(%arg26 : memref<!tpu.dma_semaphore, #tpu.memory_space<semaphore_mem>>) src(%dma_wait3A_512 : memref<8x1x128xi32, #tpu.memory_space<hbm>>) dst(%arg13 : memref<8x1x128xi32, #tpu.memory_space<vmem>>)
        %dma_wait3A_513 = arith.constant 0 : i32
        %dma_wait3A_514 = arith.constant 0 : i32
        %dma_wait3A_515 = arith.constant 0 : i32
        %dma_wait3A_516 = tpu.memref_slice %arg4[%dma_wait3A_513, %dma_wait3A_514, %dma_wait3A_515] : memref<2560x1x128xi32, #tpu.memory_space<hbm>> -> memref<8x1x128xi32, #tpu.memory_space<hbm>>
        %dma_wait3A_517 = arith.constant 0 : i32
        %dma_wait3A_518 = arith.constant 0 : i32
        %dma_wait3A_519 = arith.constant 0 : i32
        %dma_wait3A_520 = tpu.memref_slice %arg4[%dma_wait3A_517, %dma_wait3A_518, %dma_wait3A_519] : memref<2560x1x128xi32, #tpu.memory_space<hbm>> -> memref<8x1x128xi32, #tpu.memory_space<hbm>>
        tpu.wait_dma2 semaphore(%arg26 : memref<!tpu.dma_semaphore, #tpu.memory_space<semaphore_mem>>) src(%dma_wait3A_520 : memref<8x1x128xi32, #tpu.memory_space<hbm>>) dst(%arg15 : memref<8x1x128xi32, #tpu.memory_space<vmem>>)
        %dma_start3A_521 = arith.constant 0 : i32
        %dma_start3A_522 = arith.constant 0 : i32
        %dma_start3A_523 = arith.constant 0 : i32
        %dma_start3A_524 = tpu.memref_slice %arg13[%dma_start3A_521, %dma_start3A_522, %dma_start3A_523] : memref<8x1x128xi32, #tpu.memory_space<vmem>> -> memref<1x1x128xi32, #tpu.memory_space<vmem>>
        %dma_start3A_525 = tpu.memref_squeeze %dma_start3A_524 : memref<1x1x128xi32, #tpu.memory_space<vmem>> -> memref<128xi32, #tpu.memory_space<vmem>>
        %dma_start3A_526 = arith.constant 0 : i32
        %dma_start3A_527 = tpu.memref_slice %arg20[%dma_start3A_526] : memref<10240xf32, #tpu.memory_space<vmem_shared>> -> memref<10240xf32, #tpu.memory_space<vmem_shared>>
        tpu.enqueue_indirect_dma source(%arg18 : memref<128xf32, #tpu.memory_space<vmem>>) target(%dma_start3A_527 : memref<10240xf32, #tpu.memory_space<vmem_shared>>) offsets(%dma_start3A_525 : memref<128xi32, #tpu.memory_space<vmem>>) semaphore(%arg24 : memref<!tpu.dma_semaphore, #tpu.memory_space<semaphore_mem>>) {add = true}
        %dma_start3A_528 = arith.constant 0 : i32
        %dma_start3A_529 = arith.constant 0 : i32
        %dma_start3A_530 = arith.constant 0 : i32
        %dma_start3A_531 = tpu.memref_slice %arg15[%dma_start3A_528, %dma_start3A_529, %dma_start3A_530] : memref<8x1x128xi32, #tpu.memory_space<vmem>> -> memref<1x1x128xi32, #tpu.memory_space<vmem>>
        %dma_start3A_532 = tpu.memref_squeeze %dma_start3A_531 : memref<1x1x128xi32, #tpu.memory_space<vmem>> -> memref<128xi32, #tpu.memory_space<vmem>>
        %dma_start3A_533 = arith.constant 0 : i32
        %dma_start3A_534 = tpu.memref_slice %arg21[%dma_start3A_533] : memref<10240xf32, #tpu.memory_space<vmem_shared>> -> memref<10240xf32, #tpu.memory_space<vmem_shared>>
        tpu.enqueue_indirect_dma source(%arg18 : memref<128xf32, #tpu.memory_space<vmem>>) target(%dma_start3A_534 : memref<10240xf32, #tpu.memory_space<vmem_shared>>) offsets(%dma_start3A_532 : memref<128xi32, #tpu.memory_space<vmem>>) semaphore(%arg24 : memref<!tpu.dma_semaphore, #tpu.memory_space<semaphore_mem>>) {add = true}
        %dma_start3A_535 = arith.constant 1 : i32
        %dma_start3A_536 = arith.constant 0 : i32
        %dma_start3A_537 = arith.constant 0 : i32
        %dma_start3A_538 = tpu.memref_slice %arg13[%dma_start3A_535, %dma_start3A_536, %dma_start3A_537] : memref<8x1x128xi32, #tpu.memory_space<vmem>> -> memref<1x1x128xi32, #tpu.memory_space<vmem>>
        %dma_start3A_539 = tpu.memref_squeeze %dma_start3A_538 : memref<1x1x128xi32, #tpu.memory_space<vmem>> -> memref<128xi32, #tpu.memory_space<vmem>>
        %dma_start3A_540 = arith.constant 0 : i32
        %dma_start3A_541 = tpu.memref_slice %arg20[%dma_start3A_540] : memref<10240xf32, #tpu.memory_space<vmem_shared>> -> memref<10240xf32, #tpu.memory_space<vmem_shared>>
        tpu.enqueue_indirect_dma source(%arg18 : memref<128xf32, #tpu.memory_space<vmem>>) target(%dma_start3A_541 : memref<10240xf32, #tpu.memory_space<vmem_shared>>) offsets(%dma_start3A_539 : memref<128xi32, #tpu.memory_space<vmem>>) semaphore(%arg24 : memref<!tpu.dma_semaphore, #tpu.memory_space<semaphore_mem>>) {add = true}
        %dma_start3A_542 = arith.constant 1 : i32
        %dma_start3A_543 = arith.constant 0 : i32
        %dma_start3A_544 = arith.constant 0 : i32
        %dma_start3A_545 = tpu.memref_slice %arg15[%dma_start3A_542, %dma_start3A_543, %dma_start3A_544] : memref<8x1x128xi32, #tpu.memory_space<vmem>> -> memref<1x1x128xi32, #tpu.memory_space<vmem>>
        %dma_start3A_546 = tpu.memref_squeeze %dma_start3A_545 : memref<1x1x128xi32, #tpu.memory_space<vmem>> -> memref<128xi32, #tpu.memory_space<vmem>>
        %dma_start3A_547 = arith.constant 0 : i32
        %dma_start3A_548 = tpu.memref_slice %arg21[%dma_start3A_547] : memref<10240xf32, #tpu.memory_space<vmem_shared>> -> memref<10240xf32, #tpu.memory_space<vmem_shared>>
        tpu.enqueue_indirect_dma source(%arg18 : memref<128xf32, #tpu.memory_space<vmem>>) target(%dma_start3A_548 : memref<10240xf32, #tpu.memory_space<vmem_shared>>) offsets(%dma_start3A_546 : memref<128xi32, #tpu.memory_space<vmem>>) semaphore(%arg24 : memref<!tpu.dma_semaphore, #tpu.memory_space<semaphore_mem>>) {add = true}
        %dma_start3A_549 = arith.constant 2 : i32
        %dma_start3A_550 = arith.constant 0 : i32
        %dma_start3A_551 = arith.constant 0 : i32
        %dma_start3A_552 = tpu.memref_slice %arg13[%dma_start3A_549, %dma_start3A_550, %dma_start3A_551] : memref<8x1x128xi32, #tpu.memory_space<vmem>> -> memref<1x1x128xi32, #tpu.memory_space<vmem>>
        %dma_start3A_553 = tpu.memref_squeeze %dma_start3A_552 : memref<1x1x128xi32, #tpu.memory_space<vmem>> -> memref<128xi32, #tpu.memory_space<vmem>>
        %dma_start3A_554 = arith.constant 0 : i32
        %dma_start3A_555 = tpu.memref_slice %arg20[%dma_start3A_554] : memref<10240xf32, #tpu.memory_space<vmem_shared>> -> memref<10240xf32, #tpu.memory_space<vmem_shared>>
        tpu.enqueue_indirect_dma source(%arg18 : memref<128xf32, #tpu.memory_space<vmem>>) target(%dma_start3A_555 : memref<10240xf32, #tpu.memory_space<vmem_shared>>) offsets(%dma_start3A_553 : memref<128xi32, #tpu.memory_space<vmem>>) semaphore(%arg24 : memref<!tpu.dma_semaphore, #tpu.memory_space<semaphore_mem>>) {add = true}
        %dma_start3A_556 = arith.constant 2 : i32
        %dma_start3A_557 = arith.constant 0 : i32
        %dma_start3A_558 = arith.constant 0 : i32
        %dma_start3A_559 = tpu.memref_slice %arg15[%dma_start3A_556, %dma_start3A_557, %dma_start3A_558] : memref<8x1x128xi32, #tpu.memory_space<vmem>> -> memref<1x1x128xi32, #tpu.memory_space<vmem>>
        %dma_start3A_560 = tpu.memref_squeeze %dma_start3A_559 : memref<1x1x128xi32, #tpu.memory_space<vmem>> -> memref<128xi32, #tpu.memory_space<vmem>>
        %dma_start3A_561 = arith.constant 0 : i32
        %dma_start3A_562 = tpu.memref_slice %arg21[%dma_start3A_561] : memref<10240xf32, #tpu.memory_space<vmem_shared>> -> memref<10240xf32, #tpu.memory_space<vmem_shared>>
        tpu.enqueue_indirect_dma source(%arg18 : memref<128xf32, #tpu.memory_space<vmem>>) target(%dma_start3A_562 : memref<10240xf32, #tpu.memory_space<vmem_shared>>) offsets(%dma_start3A_560 : memref<128xi32, #tpu.memory_space<vmem>>) semaphore(%arg24 : memref<!tpu.dma_semaphore, #tpu.memory_space<semaphore_mem>>) {add = true}
        %dma_start3A_563 = arith.constant 3 : i32
        %dma_start3A_564 = arith.constant 0 : i32
        %dma_start3A_565 = arith.constant 0 : i32
        %dma_start3A_566 = tpu.memref_slice %arg13[%dma_start3A_563, %dma_start3A_564, %dma_start3A_565] : memref<8x1x128xi32, #tpu.memory_space<vmem>> -> memref<1x1x128xi32, #tpu.memory_space<vmem>>
        %dma_start3A_567 = tpu.memref_squeeze %dma_start3A_566 : memref<1x1x128xi32, #tpu.memory_space<vmem>> -> memref<128xi32, #tpu.memory_space<vmem>>
        %dma_start3A_568 = arith.constant 0 : i32
        %dma_start3A_569 = tpu.memref_slice %arg20[%dma_start3A_568] : memref<10240xf32, #tpu.memory_space<vmem_shared>> -> memref<10240xf32, #tpu.memory_space<vmem_shared>>
        tpu.enqueue_indirect_dma source(%arg18 : memref<128xf32, #tpu.memory_space<vmem>>) target(%dma_start3A_569 : memref<10240xf32, #tpu.memory_space<vmem_shared>>) offsets(%dma_start3A_567 : memref<128xi32, #tpu.memory_space<vmem>>) semaphore(%arg24 : memref<!tpu.dma_semaphore, #tpu.memory_space<semaphore_mem>>) {add = true}
        %dma_start3A_570 = arith.constant 3 : i32
        %dma_start3A_571 = arith.constant 0 : i32
        %dma_start3A_572 = arith.constant 0 : i32
        %dma_start3A_573 = tpu.memref_slice %arg15[%dma_start3A_570, %dma_start3A_571, %dma_start3A_572] : memref<8x1x128xi32, #tpu.memory_space<vmem>> -> memref<1x1x128xi32, #tpu.memory_space<vmem>>
        %dma_start3A_574 = tpu.memref_squeeze %dma_start3A_573 : memref<1x1x128xi32, #tpu.memory_space<vmem>> -> memref<128xi32, #tpu.memory_space<vmem>>
        %dma_start3A_575 = arith.constant 0 : i32
        %dma_start3A_576 = tpu.memref_slice %arg21[%dma_start3A_575] : memref<10240xf32, #tpu.memory_space<vmem_shared>> -> memref<10240xf32, #tpu.memory_space<vmem_shared>>
        tpu.enqueue_indirect_dma source(%arg18 : memref<128xf32, #tpu.memory_space<vmem>>) target(%dma_start3A_576 : memref<10240xf32, #tpu.memory_space<vmem_shared>>) offsets(%dma_start3A_574 : memref<128xi32, #tpu.memory_space<vmem>>) semaphore(%arg24 : memref<!tpu.dma_semaphore, #tpu.memory_space<semaphore_mem>>) {add = true}
        %dma_start3A_577 = arith.constant 4 : i32
        %dma_start3A_578 = arith.constant 0 : i32
        %dma_start3A_579 = arith.constant 0 : i32
        %dma_start3A_580 = tpu.memref_slice %arg13[%dma_start3A_577, %dma_start3A_578, %dma_start3A_579] : memref<8x1x128xi32, #tpu.memory_space<vmem>> -> memref<1x1x128xi32, #tpu.memory_space<vmem>>
        %dma_start3A_581 = tpu.memref_squeeze %dma_start3A_580 : memref<1x1x128xi32, #tpu.memory_space<vmem>> -> memref<128xi32, #tpu.memory_space<vmem>>
        %dma_start3A_582 = arith.constant 0 : i32
        %dma_start3A_583 = tpu.memref_slice %arg20[%dma_start3A_582] : memref<10240xf32, #tpu.memory_space<vmem_shared>> -> memref<10240xf32, #tpu.memory_space<vmem_shared>>
        tpu.enqueue_indirect_dma source(%arg18 : memref<128xf32, #tpu.memory_space<vmem>>) target(%dma_start3A_583 : memref<10240xf32, #tpu.memory_space<vmem_shared>>) offsets(%dma_start3A_581 : memref<128xi32, #tpu.memory_space<vmem>>) semaphore(%arg24 : memref<!tpu.dma_semaphore, #tpu.memory_space<semaphore_mem>>) {add = true}
        %dma_start3A_584 = arith.constant 4 : i32
        %dma_start3A_585 = arith.constant 0 : i32
        %dma_start3A_586 = arith.constant 0 : i32
        %dma_start3A_587 = tpu.memref_slice %arg15[%dma_start3A_584, %dma_start3A_585, %dma_start3A_586] : memref<8x1x128xi32, #tpu.memory_space<vmem>> -> memref<1x1x128xi32, #tpu.memory_space<vmem>>
        %dma_start3A_588 = tpu.memref_squeeze %dma_start3A_587 : memref<1x1x128xi32, #tpu.memory_space<vmem>> -> memref<128xi32, #tpu.memory_space<vmem>>
        %dma_start3A_589 = arith.constant 0 : i32
        %dma_start3A_590 = tpu.memref_slice %arg21[%dma_start3A_589] : memref<10240xf32, #tpu.memory_space<vmem_shared>> -> memref<10240xf32, #tpu.memory_space<vmem_shared>>
        tpu.enqueue_indirect_dma source(%arg18 : memref<128xf32, #tpu.memory_space<vmem>>) target(%dma_start3A_590 : memref<10240xf32, #tpu.memory_space<vmem_shared>>) offsets(%dma_start3A_588 : memref<128xi32, #tpu.memory_space<vmem>>) semaphore(%arg24 : memref<!tpu.dma_semaphore, #tpu.memory_space<semaphore_mem>>) {add = true}
        %dma_start3A_591 = arith.constant 5 : i32
        %dma_start3A_592 = arith.constant 0 : i32
        %dma_start3A_593 = arith.constant 0 : i32
        %dma_start3A_594 = tpu.memref_slice %arg13[%dma_start3A_591, %dma_start3A_592, %dma_start3A_593] : memref<8x1x128xi32, #tpu.memory_space<vmem>> -> memref<1x1x128xi32, #tpu.memory_space<vmem>>
        %dma_start3A_595 = tpu.memref_squeeze %dma_start3A_594 : memref<1x1x128xi32, #tpu.memory_space<vmem>> -> memref<128xi32, #tpu.memory_space<vmem>>
        %dma_start3A_596 = arith.constant 0 : i32
        %dma_start3A_597 = tpu.memref_slice %arg20[%dma_start3A_596] : memref<10240xf32, #tpu.memory_space<vmem_shared>> -> memref<10240xf32, #tpu.memory_space<vmem_shared>>
        tpu.enqueue_indirect_dma source(%arg18 : memref<128xf32, #tpu.memory_space<vmem>>) target(%dma_start3A_597 : memref<10240xf32, #tpu.memory_space<vmem_shared>>) offsets(%dma_start3A_595 : memref<128xi32, #tpu.memory_space<vmem>>) semaphore(%arg24 : memref<!tpu.dma_semaphore, #tpu.memory_space<semaphore_mem>>) {add = true}
        %dma_start3A_598 = arith.constant 5 : i32
        %dma_start3A_599 = arith.constant 0 : i32
        %dma_start3A_600 = arith.constant 0 : i32
        %dma_start3A_601 = tpu.memref_slice %arg15[%dma_start3A_598, %dma_start3A_599, %dma_start3A_600] : memref<8x1x128xi32, #tpu.memory_space<vmem>> -> memref<1x1x128xi32, #tpu.memory_space<vmem>>
        %dma_start3A_602 = tpu.memref_squeeze %dma_start3A_601 : memref<1x1x128xi32, #tpu.memory_space<vmem>> -> memref<128xi32, #tpu.memory_space<vmem>>
        %dma_start3A_603 = arith.constant 0 : i32
        %dma_start3A_604 = tpu.memref_slice %arg21[%dma_start3A_603] : memref<10240xf32, #tpu.memory_space<vmem_shared>> -> memref<10240xf32, #tpu.memory_space<vmem_shared>>
        tpu.enqueue_indirect_dma source(%arg18 : memref<128xf32, #tpu.memory_space<vmem>>) target(%dma_start3A_604 : memref<10240xf32, #tpu.memory_space<vmem_shared>>) offsets(%dma_start3A_602 : memref<128xi32, #tpu.memory_space<vmem>>) semaphore(%arg24 : memref<!tpu.dma_semaphore, #tpu.memory_space<semaphore_mem>>) {add = true}
        %dma_start3A_605 = arith.constant 6 : i32
        %dma_start3A_606 = arith.constant 0 : i32
        %dma_start3A_607 = arith.constant 0 : i32
        %dma_start3A_608 = tpu.memref_slice %arg13[%dma_start3A_605, %dma_start3A_606, %dma_start3A_607] : memref<8x1x128xi32, #tpu.memory_space<vmem>> -> memref<1x1x128xi32, #tpu.memory_space<vmem>>
        %dma_start3A_609 = tpu.memref_squeeze %dma_start3A_608 : memref<1x1x128xi32, #tpu.memory_space<vmem>> -> memref<128xi32, #tpu.memory_space<vmem>>
        %dma_start3A_610 = arith.constant 0 : i32
        %dma_start3A_611 = tpu.memref_slice %arg20[%dma_start3A_610] : memref<10240xf32, #tpu.memory_space<vmem_shared>> -> memref<10240xf32, #tpu.memory_space<vmem_shared>>
        tpu.enqueue_indirect_dma source(%arg18 : memref<128xf32, #tpu.memory_space<vmem>>) target(%dma_start3A_611 : memref<10240xf32, #tpu.memory_space<vmem_shared>>) offsets(%dma_start3A_609 : memref<128xi32, #tpu.memory_space<vmem>>) semaphore(%arg24 : memref<!tpu.dma_semaphore, #tpu.memory_space<semaphore_mem>>) {add = true}
        %dma_start3A_612 = arith.constant 6 : i32
        %dma_start3A_613 = arith.constant 0 : i32
        %dma_start3A_614 = arith.constant 0 : i32
        %dma_start3A_615 = tpu.memref_slice %arg15[%dma_start3A_612, %dma_start3A_613, %dma_start3A_614] : memref<8x1x128xi32, #tpu.memory_space<vmem>> -> memref<1x1x128xi32, #tpu.memory_space<vmem>>
        %dma_start3A_616 = tpu.memref_squeeze %dma_start3A_615 : memref<1x1x128xi32, #tpu.memory_space<vmem>> -> memref<128xi32, #tpu.memory_space<vmem>>
        %dma_start3A_617 = arith.constant 0 : i32
        %dma_start3A_618 = tpu.memref_slice %arg21[%dma_start3A_617] : memref<10240xf32, #tpu.memory_space<vmem_shared>> -> memref<10240xf32, #tpu.memory_space<vmem_shared>>
        tpu.enqueue_indirect_dma source(%arg18 : memref<128xf32, #tpu.memory_space<vmem>>) target(%dma_start3A_618 : memref<10240xf32, #tpu.memory_space<vmem_shared>>) offsets(%dma_start3A_616 : memref<128xi32, #tpu.memory_space<vmem>>) semaphore(%arg24 : memref<!tpu.dma_semaphore, #tpu.memory_space<semaphore_mem>>) {add = true}
        %dma_start3A_619 = arith.constant 7 : i32
        %dma_start3A_620 = arith.constant 0 : i32
        %dma_start3A_621 = arith.constant 0 : i32
        %dma_start3A_622 = tpu.memref_slice %arg13[%dma_start3A_619, %dma_start3A_620, %dma_start3A_621] : memref<8x1x128xi32, #tpu.memory_space<vmem>> -> memref<1x1x128xi32, #tpu.memory_space<vmem>>
        %dma_start3A_623 = tpu.memref_squeeze %dma_start3A_622 : memref<1x1x128xi32, #tpu.memory_space<vmem>> -> memref<128xi32, #tpu.memory_space<vmem>>
        %dma_start3A_624 = arith.constant 0 : i32
        %dma_start3A_625 = tpu.memref_slice %arg20[%dma_start3A_624] : memref<10240xf32, #tpu.memory_space<vmem_shared>> -> memref<10240xf32, #tpu.memory_space<vmem_shared>>
        tpu.enqueue_indirect_dma source(%arg18 : memref<128xf32, #tpu.memory_space<vmem>>) target(%dma_start3A_625 : memref<10240xf32, #tpu.memory_space<vmem_shared>>) offsets(%dma_start3A_623 : memref<128xi32, #tpu.memory_space<vmem>>) semaphore(%arg24 : memref<!tpu.dma_semaphore, #tpu.memory_space<semaphore_mem>>) {add = true}
        %dma_start3A_626 = arith.constant 7 : i32
        %dma_start3A_627 = arith.constant 0 : i32
        %dma_start3A_628 = arith.constant 0 : i32
        %dma_start3A_629 = tpu.memref_slice %arg15[%dma_start3A_626, %dma_start3A_627, %dma_start3A_628] : memref<8x1x128xi32, #tpu.memory_space<vmem>> -> memref<1x1x128xi32, #tpu.memory_space<vmem>>
        %dma_start3A_630 = tpu.memref_squeeze %dma_start3A_629 : memref<1x1x128xi32, #tpu.memory_space<vmem>> -> memref<128xi32, #tpu.memory_space<vmem>>
        %dma_start3A_631 = arith.constant 0 : i32
        %dma_start3A_632 = tpu.memref_slice %arg21[%dma_start3A_631] : memref<10240xf32, #tpu.memory_space<vmem_shared>> -> memref<10240xf32, #tpu.memory_space<vmem_shared>>
        tpu.enqueue_indirect_dma source(%arg18 : memref<128xf32, #tpu.memory_space<vmem>>) target(%dma_start3A_632 : memref<10240xf32, #tpu.memory_space<vmem_shared>>) offsets(%dma_start3A_630 : memref<128xi32, #tpu.memory_space<vmem>>) semaphore(%arg24 : memref<!tpu.dma_semaphore, #tpu.memory_space<semaphore_mem>>) {add = true}
      } else {
      }
      %dma_wait3A_475 = arith.constant 0 : i32
      %dma_wait3A_476 = arith.constant 0 : i32
      %dma_wait3A_477 = tpu.memref_slice %arg6[%dma_wait3A_475, %dma_wait3A_476] : memref<100000x128xf32, #tpu.memory_space<hbm>> -> memref<128x128xf32, #tpu.memory_space<hbm>>
      %dma_wait3A_478 = arith.constant 0 : i32
      %dma_wait3A_479 = arith.constant 0 : i32
      %dma_wait3A_480 = tpu.memref_slice %arg6[%dma_wait3A_478, %dma_wait3A_479] : memref<100000x128xf32, #tpu.memory_space<hbm>> -> memref<128x128xf32, #tpu.memory_space<hbm>>
      tpu.wait_dma2 semaphore(%arg22 : memref<!tpu.dma_semaphore, #tpu.memory_space<semaphore_mem>>) src(%dma_wait3A_480 : memref<128x128xf32, #tpu.memory_space<hbm>>) dst(%arg16 : memref<128x128xf32, #tpu.memory_space<vmem>>)
      %run_scoped3A = arith.constant 0 : i32
      "tpu.region"() ({
        %run_scoped3A_505 = tpu.sem_alloc : memref<!tpu.dma_semaphore, #tpu.memory_space<semaphore_mem>>
        %dma_start3A_506 = arith.constant 0 : i32
        %dma_start3A_507 = tpu.memref_slice %arg11[%mul3A_449, %run_scoped3A, %dma_start3A_506] : memref<20x1x128xi32, #tpu.memory_space<vmem>> -> memref<1x1x128xi32, #tpu.memory_space<vmem>>
        %dma_start3A_508 = tpu.memref_squeeze %dma_start3A_507 : memref<1x1x128xi32, #tpu.memory_space<vmem>> -> memref<128xi32, #tpu.memory_space<vmem>>
        %dma_start3A_509 = arith.constant 0 : i32
        %dma_start3A_510 = arith.constant 0 : i32
        %dma_start3A_511 = tpu.memref_slice %arg19[%dma_start3A_509, %dma_start3A_510] : memref<10240x128xf32, #tpu.memory_space<vmem_shared>> -> memref<10240x128xf32, #tpu.memory_space<vmem_shared>>
        tpu.enqueue_indirect_dma source(%arg16 : memref<128x128xf32, #tpu.memory_space<vmem>>) target(%dma_start3A_511 : memref<10240x128xf32, #tpu.memory_space<vmem_shared>>) offsets(%dma_start3A_508 : memref<128xi32, #tpu.memory_space<vmem>>) semaphore(%run_scoped3A_505 : memref<!tpu.dma_semaphore, #tpu.memory_space<semaphore_mem>>) {add = true}
        %dma_wait3A_512 = arith.constant 0 : i32
        %dma_wait3A_513 = tpu.memref_slice %arg11[%mul3A_449, %run_scoped3A, %dma_wait3A_512] : memref<20x1x128xi32, #tpu.memory_space<vmem>> -> memref<1x1x128xi32, #tpu.memory_space<vmem>>
        %dma_wait3A_514 = tpu.memref_squeeze %dma_wait3A_513 : memref<1x1x128xi32, #tpu.memory_space<vmem>> -> memref<128xi32, #tpu.memory_space<vmem>>
        %dma_wait3A_515 = arith.constant 0 : i32
        %dma_wait3A_516 = arith.constant 0 : i32
        %dma_wait3A_517 = tpu.memref_slice %arg19[%dma_wait3A_515, %dma_wait3A_516] : memref<10240x128xf32, #tpu.memory_space<vmem_shared>> -> memref<10240x128xf32, #tpu.memory_space<vmem_shared>>
        tpu.wait_indirect_dma semaphore(%run_scoped3A_505 : memref<!tpu.dma_semaphore, #tpu.memory_space<semaphore_mem>>) src(%arg16 : memref<128x128xf32, #tpu.memory_space<vmem>>) dst(%dma_wait3A_517 : memref<10240x128xf32, #tpu.memory_space<vmem_shared>>)
        tpu.yield
      }) : () -> ()
      %add3A_481 = arith.constant 2 : i32
      %add3A_482 = arith.addi %mul3A_449, %add3A_481 : i32
      %lt3A_483 = arith.constant 20 : i32
      %lt3A_484 = arith.cmpi slt, %add3A_482, %lt3A_483 : i32
      %convert_element_type3A_485 = arith.extui %lt3A_484 : i1 to i32
      %cond3A_486 = arith.constant 0 : i32
      %cond3A_487 = arith.cmpi ne, %convert_element_type3A_485, %cond3A_486 : i32
      scf.if %cond3A_487 {
        %add3A_505 = arith.constant 2 : i32
        %add3A_506 = arith.addi %mul3A_449, %add3A_505 : i32
        %dma_start3A_507 = arith.constant 0 : i32
        %dma_start3A_508 = arith.constant 0 : i32
        %dma_start3A_509 = tpu.memref_slice %arg10[%add3A_506, %dma_start3A_507, %dma_start3A_508] : memref<20x1x128xi32, #tpu.memory_space<vmem>> -> memref<1x1x128xi32, #tpu.memory_space<vmem>>
        %dma_start3A_510 = tpu.memref_squeeze %dma_start3A_509 : memref<1x1x128xi32, #tpu.memory_space<vmem>> -> memref<128xi32, #tpu.memory_space<vmem>>
        %dma_start3A_511 = arith.constant 0 : i32
        %dma_start3A_512 = arith.constant 0 : i32
        %dma_start3A_513 = tpu.memref_slice %arg6[%dma_start3A_511, %dma_start3A_512] : memref<100000x128xf32, #tpu.memory_space<hbm>> -> memref<100000x128xf32, #tpu.memory_space<hbm>>
        tpu.enqueue_indirect_dma source(%dma_start3A_513 : memref<100000x128xf32, #tpu.memory_space<hbm>>) target(%arg16 : memref<128x128xf32, #tpu.memory_space<vmem>>) offsets(%dma_start3A_510 : memref<128xi32, #tpu.memory_space<vmem>>) semaphore(%arg22 : memref<!tpu.dma_semaphore, #tpu.memory_space<semaphore_mem>>)
      } else {
      }
      %convert_element_type3A_488 = arith.extui %eq3A_469 : i1 to i32
      %cond3A_489 = arith.constant 0 : i32
      %cond3A_490 = arith.cmpi ne, %convert_element_type3A_488, %cond3A_489 : i32
      scf.if %cond3A_490 {
        %scan3A_505 = arith.constant 0 : i32
        %scan3A_506 = arith.constant 0 : i32
        %scan3A_507 = arith.constant 8 : i32
        %scan3A_508 = arith.addi %scan3A_506, %scan3A_507 : i32
        %scan3A_509 = arith.constant 1 : i32
        scf.for %scan3A_518 = %scan3A_506 to %scan3A_508 step %scan3A_509  : i32 {
          %dma_wait3A_519 = arith.constant 0 : i32
          %dma_wait3A_520 = arith.constant 0 : i32
          %dma_wait3A_521 = arith.constant 0 : i32
          %dma_wait3A_522 = tpu.memref_slice %arg12[%dma_wait3A_519, %dma_wait3A_520, %dma_wait3A_521] : memref<8x1x128xi32, #tpu.memory_space<vmem>> -> memref<1x1x128xi32, #tpu.memory_space<vmem>>
          %dma_wait3A_523 = tpu.memref_squeeze %dma_wait3A_522 : memref<1x1x128xi32, #tpu.memory_space<vmem>> -> memref<128xi32, #tpu.memory_space<vmem>>
          %dma_wait3A_524 = arith.constant 0 : i32
          %dma_wait3A_525 = tpu.memref_slice %arg20[%dma_wait3A_524] : memref<10240xf32, #tpu.memory_space<vmem_shared>> -> memref<10240xf32, #tpu.memory_space<vmem_shared>>
          tpu.wait_indirect_dma semaphore(%arg24 : memref<!tpu.dma_semaphore, #tpu.memory_space<semaphore_mem>>) src(%arg18 : memref<128xf32, #tpu.memory_space<vmem>>) dst(%dma_wait3A_525 : memref<10240xf32, #tpu.memory_space<vmem_shared>>)
          %dma_wait3A_526 = arith.constant 0 : i32
          %dma_wait3A_527 = arith.constant 0 : i32
          %dma_wait3A_528 = arith.constant 0 : i32
          %dma_wait3A_529 = tpu.memref_slice %arg14[%dma_wait3A_526, %dma_wait3A_527, %dma_wait3A_528] : memref<8x1x128xi32, #tpu.memory_space<vmem>> -> memref<1x1x128xi32, #tpu.memory_space<vmem>>
          %dma_wait3A_530 = tpu.memref_squeeze %dma_wait3A_529 : memref<1x1x128xi32, #tpu.memory_space<vmem>> -> memref<128xi32, #tpu.memory_space<vmem>>
          %dma_wait3A_531 = arith.constant 0 : i32
          %dma_wait3A_532 = tpu.memref_slice %arg21[%dma_wait3A_531] : memref<10240xf32, #tpu.memory_space<vmem_shared>> -> memref<10240xf32, #tpu.memory_space<vmem_shared>>
          tpu.wait_indirect_dma semaphore(%arg24 : memref<!tpu.dma_semaphore, #tpu.memory_space<semaphore_mem>>) src(%arg18 : memref<128xf32, #tpu.memory_space<vmem>>) dst(%dma_wait3A_532 : memref<10240xf32, #tpu.memory_space<vmem_shared>>)
        }
        %scan3A_510 = arith.constant 8 : i32
        %add3A_511 = arith.constant 2 : i32
        %add3A_512 = arith.addi %scan3A_447, %add3A_511 : i32
        %lt3A_513 = arith.constant 10 : i32
        %lt3A_514 = arith.cmpi slt, %add3A_512, %lt3A_513 : i32
        %convert_element_type3A_515 = arith.extui %lt3A_514 : i1 to i32
        %cond3A_516 = arith.constant 0 : i32
        %cond3A_517 = arith.cmpi ne, %convert_element_type3A_515, %cond3A_516 : i32
        scf.if %cond3A_517 {
          %add3A_518 = arith.constant 2 : i32
          %add3A_519 = arith.addi %scan3A_447, %add3A_518 : i32
          %mul3A_520 = arith.constant 8 : i32
          %mul3A_521 = arith.muli %add3A_519, %mul3A_520 : i32
          %add3A_522 = arith.addi %mul3A_2, %mul3A_521 : i32
          %dma_start3A_523 = arith.constant 0 : i32
          %dma_start3A_524 = arith.constant 0 : i32
          %dma_start3A_525 = tpu.memref_slice %arg4[%add3A_522, %dma_start3A_523, %dma_start3A_524] : memref<2560x1x128xi32, #tpu.memory_space<hbm>> -> memref<8x1x128xi32, #tpu.memory_space<hbm>>
          %dma_start3A_526 = arith.constant 0 : i32
          %dma_start3A_527 = arith.constant 0 : i32
          %dma_start3A_528 = tpu.memref_slice %arg4[%add3A_522, %dma_start3A_526, %dma_start3A_527] : memref<2560x1x128xi32, #tpu.memory_space<hbm>> -> memref<8x1x128xi32, #tpu.memory_space<hbm>>
          tpu.enqueue_dma source(%dma_start3A_528 : memref<8x1x128xi32, #tpu.memory_space<hbm>>) target(%arg12 : memref<8x1x128xi32, #tpu.memory_space<vmem>>) target_semaphore(%arg25 : memref<!tpu.dma_semaphore, #tpu.memory_space<semaphore_mem>>)
          %dma_start3A_529 = arith.constant 0 : i32
          %dma_start3A_530 = arith.constant 0 : i32
          %dma_start3A_531 = tpu.memref_slice %arg5[%add3A_522, %dma_start3A_529, %dma_start3A_530] : memref<2560x1x128xi32, #tpu.memory_space<hbm>> -> memref<8x1x128xi32, #tpu.memory_space<hbm>>
          %dma_start3A_532 = arith.constant 0 : i32
          %dma_start3A_533 = arith.constant 0 : i32
          %dma_start3A_534 = tpu.memref_slice %arg5[%add3A_522, %dma_start3A_532, %dma_start3A_533] : memref<2560x1x128xi32, #tpu.memory_space<hbm>> -> memref<8x1x128xi32, #tpu.memory_space<hbm>>
          tpu.enqueue_dma source(%dma_start3A_534 : memref<8x1x128xi32, #tpu.memory_space<hbm>>) target(%arg14 : memref<8x1x128xi32, #tpu.memory_space<vmem>>) target_semaphore(%arg25 : memref<!tpu.dma_semaphore, #tpu.memory_space<semaphore_mem>>)
        } else {
        }
      } else {
      }
      %not3A_491 = arith.constant true
      %not3A_492 = arith.xori %eq3A_469, %not3A_491 : i1
      %convert_element_type3A_493 = arith.extui %not3A_492 : i1 to i32
      %cond3A_494 = arith.constant 0 : i32
      %cond3A_495 = arith.cmpi ne, %convert_element_type3A_493, %cond3A_494 : i32
      scf.if %cond3A_495 {
        %scan3A_505 = arith.constant 0 : i32
        %scan3A_506 = arith.constant 0 : i32
        %scan3A_507 = arith.constant 8 : i32
        %scan3A_508 = arith.addi %scan3A_506, %scan3A_507 : i32
        %scan3A_509 = arith.constant 1 : i32
        scf.for %scan3A_518 = %scan3A_506 to %scan3A_508 step %scan3A_509  : i32 {
          %dma_wait3A_519 = arith.constant 0 : i32
          %dma_wait3A_520 = arith.constant 0 : i32
          %dma_wait3A_521 = arith.constant 0 : i32
          %dma_wait3A_522 = tpu.memref_slice %arg13[%dma_wait3A_519, %dma_wait3A_520, %dma_wait3A_521] : memref<8x1x128xi32, #tpu.memory_space<vmem>> -> memref<1x1x128xi32, #tpu.memory_space<vmem>>
          %dma_wait3A_523 = tpu.memref_squeeze %dma_wait3A_522 : memref<1x1x128xi32, #tpu.memory_space<vmem>> -> memref<128xi32, #tpu.memory_space<vmem>>
          %dma_wait3A_524 = arith.constant 0 : i32
          %dma_wait3A_525 = tpu.memref_slice %arg20[%dma_wait3A_524] : memref<10240xf32, #tpu.memory_space<vmem_shared>> -> memref<10240xf32, #tpu.memory_space<vmem_shared>>
          tpu.wait_indirect_dma semaphore(%arg24 : memref<!tpu.dma_semaphore, #tpu.memory_space<semaphore_mem>>) src(%arg18 : memref<128xf32, #tpu.memory_space<vmem>>) dst(%dma_wait3A_525 : memref<10240xf32, #tpu.memory_space<vmem_shared>>)
          %dma_wait3A_526 = arith.constant 0 : i32
          %dma_wait3A_527 = arith.constant 0 : i32
          %dma_wait3A_528 = arith.constant 0 : i32
          %dma_wait3A_529 = tpu.memref_slice %arg15[%dma_wait3A_526, %dma_wait3A_527, %dma_wait3A_528] : memref<8x1x128xi32, #tpu.memory_space<vmem>> -> memref<1x1x128xi32, #tpu.memory_space<vmem>>
          %dma_wait3A_530 = tpu.memref_squeeze %dma_wait3A_529 : memref<1x1x128xi32, #tpu.memory_space<vmem>> -> memref<128xi32, #tpu.memory_space<vmem>>
          %dma_wait3A_531 = arith.constant 0 : i32
          %dma_wait3A_532 = tpu.memref_slice %arg21[%dma_wait3A_531] : memref<10240xf32, #tpu.memory_space<vmem_shared>> -> memref<10240xf32, #tpu.memory_space<vmem_shared>>
          tpu.wait_indirect_dma semaphore(%arg24 : memref<!tpu.dma_semaphore, #tpu.memory_space<semaphore_mem>>) src(%arg18 : memref<128xf32, #tpu.memory_space<vmem>>) dst(%dma_wait3A_532 : memref<10240xf32, #tpu.memory_space<vmem_shared>>)
        }
        %scan3A_510 = arith.constant 8 : i32
        %add3A_511 = arith.constant 2 : i32
        %add3A_512 = arith.addi %scan3A_447, %add3A_511 : i32
        %lt3A_513 = arith.constant 10 : i32
        %lt3A_514 = arith.cmpi slt, %add3A_512, %lt3A_513 : i32
        %convert_element_type3A_515 = arith.extui %lt3A_514 : i1 to i32
        %cond3A_516 = arith.constant 0 : i32
        %cond3A_517 = arith.cmpi ne, %convert_element_type3A_515, %cond3A_516 : i32
        scf.if %cond3A_517 {
          %add3A_518 = arith.constant 2 : i32
          %add3A_519 = arith.addi %scan3A_447, %add3A_518 : i32
          %mul3A_520 = arith.constant 8 : i32
          %mul3A_521 = arith.muli %add3A_519, %mul3A_520 : i32
          %add3A_522 = arith.addi %mul3A_2, %mul3A_521 : i32
          %dma_start3A_523 = arith.constant 0 : i32
          %dma_start3A_524 = arith.constant 0 : i32
          %dma_start3A_525 = tpu.memref_slice %arg4[%add3A_522, %dma_start3A_523, %dma_start3A_524] : memref<2560x1x128xi32, #tpu.memory_space<hbm>> -> memref<8x1x128xi32, #tpu.memory_space<hbm>>
          %dma_start3A_526 = arith.constant 0 : i32
          %dma_start3A_527 = arith.constant 0 : i32
          %dma_start3A_528 = tpu.memref_slice %arg4[%add3A_522, %dma_start3A_526, %dma_start3A_527] : memref<2560x1x128xi32, #tpu.memory_space<hbm>> -> memref<8x1x128xi32, #tpu.memory_space<hbm>>
          tpu.enqueue_dma source(%dma_start3A_528 : memref<8x1x128xi32, #tpu.memory_space<hbm>>) target(%arg13 : memref<8x1x128xi32, #tpu.memory_space<vmem>>) target_semaphore(%arg26 : memref<!tpu.dma_semaphore, #tpu.memory_space<semaphore_mem>>)
          %dma_start3A_529 = arith.constant 0 : i32
          %dma_start3A_530 = arith.constant 0 : i32
          %dma_start3A_531 = tpu.memref_slice %arg5[%add3A_522, %dma_start3A_529, %dma_start3A_530] : memref<2560x1x128xi32, #tpu.memory_space<hbm>> -> memref<8x1x128xi32, #tpu.memory_space<hbm>>
          %dma_start3A_532 = arith.constant 0 : i32
          %dma_start3A_533 = arith.constant 0 : i32
          %dma_start3A_534 = tpu.memref_slice %arg5[%add3A_522, %dma_start3A_532, %dma_start3A_533] : memref<2560x1x128xi32, #tpu.memory_space<hbm>> -> memref<8x1x128xi32, #tpu.memory_space<hbm>>
          tpu.enqueue_dma source(%dma_start3A_534 : memref<8x1x128xi32, #tpu.memory_space<hbm>>) target(%arg15 : memref<8x1x128xi32, #tpu.memory_space<vmem>>) target_semaphore(%arg26 : memref<!tpu.dma_semaphore, #tpu.memory_space<semaphore_mem>>)
        } else {
        }
      } else {
      }
      %dma_wait3A_496 = arith.constant 0 : i32
      %dma_wait3A_497 = arith.constant 0 : i32
      %dma_wait3A_498 = tpu.memref_slice %arg6[%dma_wait3A_496, %dma_wait3A_497] : memref<100000x128xf32, #tpu.memory_space<hbm>> -> memref<128x128xf32, #tpu.memory_space<hbm>>
      %dma_wait3A_499 = arith.constant 0 : i32
      %dma_wait3A_500 = arith.constant 0 : i32
      %dma_wait3A_501 = tpu.memref_slice %arg6[%dma_wait3A_499, %dma_wait3A_500] : memref<100000x128xf32, #tpu.memory_space<hbm>> -> memref<128x128xf32, #tpu.memory_space<hbm>>
      tpu.wait_dma2 semaphore(%arg23 : memref<!tpu.dma_semaphore, #tpu.memory_space<semaphore_mem>>) src(%dma_wait3A_501 : memref<128x128xf32, #tpu.memory_space<hbm>>) dst(%arg17 : memref<128x128xf32, #tpu.memory_space<vmem>>)
      %add3A_502 = arith.constant 1 : i32
      %add3A_503 = arith.addi %mul3A_449, %add3A_502 : i32
      %run_scoped3A_504 = arith.constant 0 : i32
      "tpu.region"() ({
        %run_scoped3A_505 = tpu.sem_alloc : memref<!tpu.dma_semaphore, #tpu.memory_space<semaphore_mem>>
        %dma_start3A_506 = arith.constant 0 : i32
        %dma_start3A_507 = tpu.memref_slice %arg11[%add3A_503, %run_scoped3A_504, %dma_start3A_506] : memref<20x1x128xi32, #tpu.memory_space<vmem>> -> memref<1x1x128xi32, #tpu.memory_space<vmem>>
        %dma_start3A_508 = tpu.memref_squeeze %dma_start3A_507 : memref<1x1x128xi32, #tpu.memory_space<vmem>> -> memref<128xi32, #tpu.memory_space<vmem>>
        %dma_start3A_509 = arith.constant 0 : i32
        %dma_start3A_510 = arith.constant 0 : i32
        %dma_start3A_511 = tpu.memref_slice %arg19[%dma_start3A_509, %dma_start3A_510] : memref<10240x128xf32, #tpu.memory_space<vmem_shared>> -> memref<10240x128xf32, #tpu.memory_space<vmem_shared>>
        tpu.enqueue_indirect_dma source(%arg17 : memref<128x128xf32, #tpu.memory_space<vmem>>) target(%dma_start3A_511 : memref<10240x128xf32, #tpu.memory_space<vmem_shared>>) offsets(%dma_start3A_508 : memref<128xi32, #tpu.memory_space<vmem>>) semaphore(%run_scoped3A_505 : memref<!tpu.dma_semaphore, #tpu.memory_space<semaphore_mem>>) {add = true}
        %dma_wait3A_512 = arith.constant 0 : i32
        %dma_wait3A_513 = tpu.memref_slice %arg11[%add3A_503, %run_scoped3A_504, %dma_wait3A_512] : memref<20x1x128xi32, #tpu.memory_space<vmem>> -> memref<1x1x128xi32, #tpu.memory_space<vmem>>
        %dma_wait3A_514 = tpu.memref_squeeze %dma_wait3A_513 : memref<1x1x128xi32, #tpu.memory_space<vmem>> -> memref<128xi32, #tpu.memory_space<vmem>>
        %dma_wait3A_515 = arith.constant 0 : i32
        %dma_wait3A_516 = arith.constant 0 : i32
        %dma_wait3A_517 = tpu.memref_slice %arg19[%dma_wait3A_515, %dma_wait3A_516] : memref<10240x128xf32, #tpu.memory_space<vmem_shared>> -> memref<10240x128xf32, #tpu.memory_space<vmem_shared>>
        tpu.wait_indirect_dma semaphore(%run_scoped3A_505 : memref<!tpu.dma_semaphore, #tpu.memory_space<semaphore_mem>>) src(%arg17 : memref<128x128xf32, #tpu.memory_space<vmem>>) dst(%dma_wait3A_517 : memref<10240x128xf32, #tpu.memory_space<vmem_shared>>)
        tpu.yield
      }) : () -> ()
    }
    %scan3A_431 = arith.constant 10 : i32
    %barrier3A_432 = arith.constant 0 : index
    tpu.barrier barrier_id(%barrier3A_432)
    %mul3A_433 = arith.constant 10240 : i32
    %mul3A_434 = arith.muli %arg0, %mul3A_433 : i32
    %mul3A_435 = arith.constant 640 : i32
    %mul3A_436 = arith.muli %arg1, %mul3A_435 : i32
    %add3A_437 = arith.addi %mul3A_434, %mul3A_436 : i32
    %mul3A_438 = arith.constant 5120 : i32
    %mul3A_439 = arith.muli %arg0, %mul3A_438 : i32
    %mul3A_440 = arith.constant 320 : i32
    %mul3A_441 = arith.muli %arg1, %mul3A_440 : i32
    %add3A_442 = arith.addi %mul3A_439, %mul3A_441 : i32
    "tpu.region"() ({
      %run_scoped3A = tpu.sem_alloc : memref<!tpu.dma_semaphore, #tpu.memory_space<semaphore_mem>>
      %dma_start3A_447 = arith.constant 0 : i32
      %dma_start3A_448 = tpu.memref_slice %arg7[%add3A_442, %dma_start3A_447] : memref<10240x128xf32, #tpu.memory_space<hbm>> -> memref<320x128xf32, #tpu.memory_space<hbm>>
      %dma_start3A_449 = arith.constant 0 : i32
      %dma_start3A_450 = tpu.memref_slice %arg19[%add3A_442, %dma_start3A_449] : memref<10240x128xf32, #tpu.memory_space<vmem_shared>> -> memref<320x128xf32, #tpu.memory_space<vmem_shared>>
      tpu.enqueue_dma source(%dma_start3A_450 : memref<320x128xf32, #tpu.memory_space<vmem_shared>>) target(%dma_start3A_448 : memref<320x128xf32, #tpu.memory_space<hbm>>) target_semaphore(%run_scoped3A : memref<!tpu.dma_semaphore, #tpu.memory_space<semaphore_mem>>)
      %dma_wait3A_451 = arith.constant 0 : i32
      %dma_wait3A_452 = tpu.memref_slice %arg7[%add3A_442, %dma_wait3A_451] : memref<10240x128xf32, #tpu.memory_space<hbm>> -> memref<320x128xf32, #tpu.memory_space<hbm>>
      %dma_wait3A_453 = arith.constant 0 : i32
      %dma_wait3A_454 = tpu.memref_slice %arg19[%add3A_442, %dma_wait3A_453] : memref<10240x128xf32, #tpu.memory_space<vmem_shared>> -> memref<320x128xf32, #tpu.memory_space<vmem_shared>>
      tpu.wait_dma2 semaphore(%run_scoped3A : memref<!tpu.dma_semaphore, #tpu.memory_space<semaphore_mem>>) src(%dma_wait3A_454 : memref<320x128xf32, #tpu.memory_space<vmem_shared>>) dst(%dma_wait3A_452 : memref<320x128xf32, #tpu.memory_space<hbm>>)
      tpu.yield
    }) : () -> ()
    %mul3A_443 = arith.constant 640 : i32
    %mul3A_444 = arith.muli %arg1, %mul3A_443 : i32
    "tpu.region"() ({
      %run_scoped3A = tpu.sem_alloc : memref<!tpu.dma_semaphore, #tpu.memory_space<semaphore_mem>>
      %dma_start3A_447 = tpu.memref_slice %arg8[%add3A_437] : memref<20480xf32, #tpu.memory_space<hbm>> -> memref<640xf32, #tpu.memory_space<hbm>>
      %dma_start3A_448 = tpu.memref_slice %arg20[%mul3A_444] : memref<10240xf32, #tpu.memory_space<vmem_shared>> -> memref<640xf32, #tpu.memory_space<vmem_shared>>
      tpu.enqueue_dma source(%dma_start3A_448 : memref<640xf32, #tpu.memory_space<vmem_shared>>) target(%dma_start3A_447 : memref<640xf32, #tpu.memory_space<hbm>>) target_semaphore(%run_scoped3A : memref<!tpu.dma_semaphore, #tpu.memory_space<semaphore_mem>>)
      %dma_wait3A_449 = tpu.memref_slice %arg8[%add3A_437] : memref<20480xf32, #tpu.memory_space<hbm>> -> memref<640xf32, #tpu.memory_space<hbm>>
      %dma_wait3A_450 = tpu.memref_slice %arg20[%mul3A_444] : memref<10240xf32, #tpu.memory_space<vmem_shared>> -> memref<640xf32, #tpu.memory_space<vmem_shared>>
      tpu.wait_dma2 semaphore(%run_scoped3A : memref<!tpu.dma_semaphore, #tpu.memory_space<semaphore_mem>>) src(%dma_wait3A_450 : memref<640xf32, #tpu.memory_space<vmem_shared>>) dst(%dma_wait3A_449 : memref<640xf32, #tpu.memory_space<hbm>>)
      tpu.yield
    }) : () -> ()
    %mul3A_445 = arith.constant 640 : i32
    %mul3A_446 = arith.muli %arg1, %mul3A_445 : i32
    "tpu.region"() ({
      %run_scoped3A = tpu.sem_alloc : memref<!tpu.dma_semaphore, #tpu.memory_space<semaphore_mem>>
      %dma_start3A_447 = tpu.memref_slice %arg9[%add3A_437] : memref<20480xf32, #tpu.memory_space<hbm>> -> memref<640xf32, #tpu.memory_space<hbm>>
      %dma_start3A_448 = tpu.memref_slice %arg21[%mul3A_446] : memref<10240xf32, #tpu.memory_space<vmem_shared>> -> memref<640xf32, #tpu.memory_space<vmem_shared>>
      tpu.enqueue_dma source(%dma_start3A_448 : memref<640xf32, #tpu.memory_space<vmem_shared>>) target(%dma_start3A_447 : memref<640xf32, #tpu.memory_space<hbm>>) target_semaphore(%run_scoped3A : memref<!tpu.dma_semaphore, #tpu.memory_space<semaphore_mem>>)
      %dma_wait3A_449 = tpu.memref_slice %arg9[%add3A_437] : memref<20480xf32, #tpu.memory_space<hbm>> -> memref<640xf32, #tpu.memory_space<hbm>>
      %dma_wait3A_450 = tpu.memref_slice %arg21[%mul3A_446] : memref<10240xf32, #tpu.memory_space<vmem_shared>> -> memref<640xf32, #tpu.memory_space<vmem_shared>>
      tpu.wait_dma2 semaphore(%run_scoped3A : memref<!tpu.dma_semaphore, #tpu.memory_space<semaphore_mem>>) src(%dma_wait3A_450 : memref<640xf32, #tpu.memory_space<vmem_shared>>) dst(%dma_wait3A_449 : memref<640xf32, #tpu.memory_space<hbm>>)
      tpu.yield
    }) : () -> ()
    return
  }
}

#map = affine_map<(d0, d1) -> (0, 0, 0)>
#map1 = affine_map<(d0, d1) -> (0, 0)>
module attributes {stable_mosaic.version = 14 : i64} {
  func.func @_pass3_body(%arg0: i32, %arg1: i32, %arg2: memref<2560x1x128xi32, #tpu.memory_space<hbm>>, %arg3: memref<2560x1x128xi32, #tpu.memory_space<hbm>>, %arg4: memref<10240x128xf32, #tpu.memory_space<hbm>>, %arg5: memref<20480x128xf32, #tpu.memory_space<hbm>>, %arg6: memref<8x1x128xi32, #tpu.memory_space<vmem>>, %arg7: memref<8x1x128xi32, #tpu.memory_space<vmem>>, %arg8: memref<8x1x128xi32, #tpu.memory_space<vmem>>, %arg9: memref<8x1x128xi32, #tpu.memory_space<vmem>>, %arg10: memref<128x128xf32, #tpu.memory_space<vmem>>, %arg11: memref<128x128xf32, #tpu.memory_space<vmem>>, %arg12: memref<10240x128xf32, #tpu.memory_space<vmem_shared>>, %arg13: memref<!tpu.dma_semaphore, #tpu.memory_space<semaphore_mem>>, %arg14: memref<!tpu.dma_semaphore, #tpu.memory_space<semaphore_mem>>, %arg15: memref<!tpu.dma_semaphore, #tpu.memory_space<semaphore_mem>>, %arg16: memref<!tpu.dma_semaphore, #tpu.memory_space<semaphore_mem>>) attributes {dimension_semantics = [#tpu.dimension_semantics<core_parallel>, #tpu.dimension_semantics<subcore_parallel>], iteration_bounds = array<i64: 2, 16>, scalar_prefetch = 0 : i64, scratch_operands = 11 : i64, tpu.core_type = #tpu.core_type<sc_vector_subcore>, window_params = [{transform_indices = #map}, {transform_indices = #map}, {transform_indices = #map1}, {transform_indices = #map1}]} {
    %mul3A = arith.constant 16 : i32
    %mul3A_0 = arith.muli %arg0, %mul3A : i32
    %add3A = arith.addi %mul3A_0, %arg1 : i32
    %mul3A_1 = arith.constant 80 : i32
    %mul3A_2 = arith.muli %add3A, %mul3A_1 : i32
    %add3A_3 = arith.constant 0 : i32
    %add3A_4 = arith.addi %mul3A_2, %add3A_3 : i32
    %dma_start3A = arith.constant 0 : i32
    %dma_start3A_5 = arith.constant 0 : i32
    %dma_start3A_6 = tpu.memref_slice %arg2[%add3A_4, %dma_start3A, %dma_start3A_5] : memref<2560x1x128xi32, #tpu.memory_space<hbm>> -> memref<8x1x128xi32, #tpu.memory_space<hbm>>
    %dma_start3A_7 = arith.constant 0 : i32
    %dma_start3A_8 = arith.constant 0 : i32
    %dma_start3A_9 = tpu.memref_slice %arg2[%add3A_4, %dma_start3A_7, %dma_start3A_8] : memref<2560x1x128xi32, #tpu.memory_space<hbm>> -> memref<8x1x128xi32, #tpu.memory_space<hbm>>
    tpu.enqueue_dma source(%dma_start3A_9 : memref<8x1x128xi32, #tpu.memory_space<hbm>>) target(%arg6 : memref<8x1x128xi32, #tpu.memory_space<vmem>>) target_semaphore(%arg15 : memref<!tpu.dma_semaphore, #tpu.memory_space<semaphore_mem>>)
    %dma_start3A_10 = arith.constant 0 : i32
    %dma_start3A_11 = arith.constant 0 : i32
    %dma_start3A_12 = tpu.memref_slice %arg3[%add3A_4, %dma_start3A_10, %dma_start3A_11] : memref<2560x1x128xi32, #tpu.memory_space<hbm>> -> memref<8x1x128xi32, #tpu.memory_space<hbm>>
    %dma_start3A_13 = arith.constant 0 : i32
    %dma_start3A_14 = arith.constant 0 : i32
    %dma_start3A_15 = tpu.memref_slice %arg3[%add3A_4, %dma_start3A_13, %dma_start3A_14] : memref<2560x1x128xi32, #tpu.memory_space<hbm>> -> memref<8x1x128xi32, #tpu.memory_space<hbm>>
    tpu.enqueue_dma source(%dma_start3A_15 : memref<8x1x128xi32, #tpu.memory_space<hbm>>) target(%arg8 : memref<8x1x128xi32, #tpu.memory_space<vmem>>) target_semaphore(%arg15 : memref<!tpu.dma_semaphore, #tpu.memory_space<semaphore_mem>>)
    %add3A_16 = arith.constant 8 : i32
    %add3A_17 = arith.addi %mul3A_2, %add3A_16 : i32
    %dma_start3A_18 = arith.constant 0 : i32
    %dma_start3A_19 = arith.constant 0 : i32
    %dma_start3A_20 = tpu.memref_slice %arg2[%add3A_17, %dma_start3A_18, %dma_start3A_19] : memref<2560x1x128xi32, #tpu.memory_space<hbm>> -> memref<8x1x128xi32, #tpu.memory_space<hbm>>
    %dma_start3A_21 = arith.constant 0 : i32
    %dma_start3A_22 = arith.constant 0 : i32
    %dma_start3A_23 = tpu.memref_slice %arg2[%add3A_17, %dma_start3A_21, %dma_start3A_22] : memref<2560x1x128xi32, #tpu.memory_space<hbm>> -> memref<8x1x128xi32, #tpu.memory_space<hbm>>
    tpu.enqueue_dma source(%dma_start3A_23 : memref<8x1x128xi32, #tpu.memory_space<hbm>>) target(%arg7 : memref<8x1x128xi32, #tpu.memory_space<vmem>>) target_semaphore(%arg16 : memref<!tpu.dma_semaphore, #tpu.memory_space<semaphore_mem>>)
    %dma_start3A_24 = arith.constant 0 : i32
    %dma_start3A_25 = arith.constant 0 : i32
    %dma_start3A_26 = tpu.memref_slice %arg3[%add3A_17, %dma_start3A_24, %dma_start3A_25] : memref<2560x1x128xi32, #tpu.memory_space<hbm>> -> memref<8x1x128xi32, #tpu.memory_space<hbm>>
    %dma_start3A_27 = arith.constant 0 : i32
    %dma_start3A_28 = arith.constant 0 : i32
    %dma_start3A_29 = tpu.memref_slice %arg3[%add3A_17, %dma_start3A_27, %dma_start3A_28] : memref<2560x1x128xi32, #tpu.memory_space<hbm>> -> memref<8x1x128xi32, #tpu.memory_space<hbm>>
    tpu.enqueue_dma source(%dma_start3A_29 : memref<8x1x128xi32, #tpu.memory_space<hbm>>) target(%arg9 : memref<8x1x128xi32, #tpu.memory_space<vmem>>) target_semaphore(%arg16 : memref<!tpu.dma_semaphore, #tpu.memory_space<semaphore_mem>>)
    %scan3A = arith.constant 0 : i32
    %scan3A_30 = arith.constant 0 : i32
    %scan3A_31 = arith.constant 128 : i32
    %scan3A_32 = arith.addi %scan3A_30, %scan3A_31 : i32
    %scan3A_33 = arith.constant 1 : i32
    scf.for %scan3A_142 = %scan3A_30 to %scan3A_32 step %scan3A_33  : i32 {
      %broadcast_in_dim3A = arith.constant 0.000000e+00 : f32
      %broadcast_in_dim3A_143 = vector.broadcast %broadcast_in_dim3A : f32 to vector<16xf32>
      %swap3A = arith.index_cast %scan3A_142 : i32 to index
      %swap3A_144 = arith.constant 0 : index
      %swap3A_145 = tpu.vector_load %arg10[%swap3A, %swap3A_144] {strides = array<i32>} : memref<128x128xf32, #tpu.memory_space<vmem>>, vector<1x16xf32>,
      %swap3A_146 = vector.shape_cast %swap3A_145 : vector<1x16xf32> to vector<16xf32>
      %swap3A_147 = vector.shape_cast %broadcast_in_dim3A_143 : vector<16xf32> to vector<1x16xf32>
      tpu.vector_store %arg10[%swap3A, %swap3A_144], %swap3A_147 {strides = array<i32>} : memref<128x128xf32, #tpu.memory_space<vmem>>, vector<1x16xf32>,
      %broadcast_in_dim3A_148 = arith.constant 0.000000e+00 : f32
      %broadcast_in_dim3A_149 = vector.broadcast %broadcast_in_dim3A_148 : f32 to vector<16xf32>
      %swap3A_150 = arith.index_cast %scan3A_142 : i32 to index
      %swap3A_151 = arith.constant 16 : index
      %swap3A_152 = tpu.vector_load %arg10[%swap3A_150, %swap3A_151] {strides = array<i32>} : memref<128x128xf32, #tpu.memory_space<vmem>>, vector<1x16xf32>,
      %swap3A_153 = vector.shape_cast %swap3A_152 : vector<1x16xf32> to vector<16xf32>
      %swap3A_154 = vector.shape_cast %broadcast_in_dim3A_149 : vector<16xf32> to vector<1x16xf32>
      tpu.vector_store %arg10[%swap3A_150, %swap3A_151], %swap3A_154 {strides = array<i32>} : memref<128x128xf32, #tpu.memory_space<vmem>>, vector<1x16xf32>,
      %broadcast_in_dim3A_155 = arith.constant 0.000000e+00 : f32
      %broadcast_in_dim3A_156 = vector.broadcast %broadcast_in_dim3A_155 : f32 to vector<16xf32>
      %swap3A_157 = arith.index_cast %scan3A_142 : i32 to index
      %swap3A_158 = arith.constant 32 : index
      %swap3A_159 = tpu.vector_load %arg10[%swap3A_157, %swap3A_158] {strides = array<i32>} : memref<128x128xf32, #tpu.memory_space<vmem>>, vector<1x16xf32>,
      %swap3A_160 = vector.shape_cast %swap3A_159 : vector<1x16xf32> to vector<16xf32>
      %swap3A_161 = vector.shape_cast %broadcast_in_dim3A_156 : vector<16xf32> to vector<1x16xf32>
      tpu.vector_store %arg10[%swap3A_157, %swap3A_158], %swap3A_161 {strides = array<i32>} : memref<128x128xf32, #tpu.memory_space<vmem>>, vector<1x16xf32>,
      %broadcast_in_dim3A_162 = arith.constant 0.000000e+00 : f32
      %broadcast_in_dim3A_163 = vector.broadcast %broadcast_in_dim3A_162 : f32 to vector<16xf32>
      %swap3A_164 = arith.index_cast %scan3A_142 : i32 to index
      %swap3A_165 = arith.constant 48 : index
      %swap3A_166 = tpu.vector_load %arg10[%swap3A_164, %swap3A_165] {strides = array<i32>} : memref<128x128xf32, #tpu.memory_space<vmem>>, vector<1x16xf32>,
      %swap3A_167 = vector.shape_cast %swap3A_166 : vector<1x16xf32> to vector<16xf32>
      %swap3A_168 = vector.shape_cast %broadcast_in_dim3A_163 : vector<16xf32> to vector<1x16xf32>
      tpu.vector_store %arg10[%swap3A_164, %swap3A_165], %swap3A_168 {strides = array<i32>} : memref<128x128xf32, #tpu.memory_space<vmem>>, vector<1x16xf32>,
      %broadcast_in_dim3A_169 = arith.constant 0.000000e+00 : f32
      %broadcast_in_dim3A_170 = vector.broadcast %broadcast_in_dim3A_169 : f32 to vector<16xf32>
      %swap3A_171 = arith.index_cast %scan3A_142 : i32 to index
      %swap3A_172 = arith.constant 64 : index
      %swap3A_173 = tpu.vector_load %arg10[%swap3A_171, %swap3A_172] {strides = array<i32>} : memref<128x128xf32, #tpu.memory_space<vmem>>, vector<1x16xf32>,
      %swap3A_174 = vector.shape_cast %swap3A_173 : vector<1x16xf32> to vector<16xf32>
      %swap3A_175 = vector.shape_cast %broadcast_in_dim3A_170 : vector<16xf32> to vector<1x16xf32>
      tpu.vector_store %arg10[%swap3A_171, %swap3A_172], %swap3A_175 {strides = array<i32>} : memref<128x128xf32, #tpu.memory_space<vmem>>, vector<1x16xf32>,
      %broadcast_in_dim3A_176 = arith.constant 0.000000e+00 : f32
      %broadcast_in_dim3A_177 = vector.broadcast %broadcast_in_dim3A_176 : f32 to vector<16xf32>
      %swap3A_178 = arith.index_cast %scan3A_142 : i32 to index
      %swap3A_179 = arith.constant 80 : index
      %swap3A_180 = tpu.vector_load %arg10[%swap3A_178, %swap3A_179] {strides = array<i32>} : memref<128x128xf32, #tpu.memory_space<vmem>>, vector<1x16xf32>,
      %swap3A_181 = vector.shape_cast %swap3A_180 : vector<1x16xf32> to vector<16xf32>
      %swap3A_182 = vector.shape_cast %broadcast_in_dim3A_177 : vector<16xf32> to vector<1x16xf32>
      tpu.vector_store %arg10[%swap3A_178, %swap3A_179], %swap3A_182 {strides = array<i32>} : memref<128x128xf32, #tpu.memory_space<vmem>>, vector<1x16xf32>,
      %broadcast_in_dim3A_183 = arith.constant 0.000000e+00 : f32
      %broadcast_in_dim3A_184 = vector.broadcast %broadcast_in_dim3A_183 : f32 to vector<16xf32>
      %swap3A_185 = arith.index_cast %scan3A_142 : i32 to index
      %swap3A_186 = arith.constant 96 : index
      %swap3A_187 = tpu.vector_load %arg10[%swap3A_185, %swap3A_186] {strides = array<i32>} : memref<128x128xf32, #tpu.memory_space<vmem>>, vector<1x16xf32>,
      %swap3A_188 = vector.shape_cast %swap3A_187 : vector<1x16xf32> to vector<16xf32>
      %swap3A_189 = vector.shape_cast %broadcast_in_dim3A_184 : vector<16xf32> to vector<1x16xf32>
      tpu.vector_store %arg10[%swap3A_185, %swap3A_186], %swap3A_189 {strides = array<i32>} : memref<128x128xf32, #tpu.memory_space<vmem>>, vector<1x16xf32>,
      %broadcast_in_dim3A_190 = arith.constant 0.000000e+00 : f32
      %broadcast_in_dim3A_191 = vector.broadcast %broadcast_in_dim3A_190 : f32 to vector<16xf32>
      %swap3A_192 = arith.index_cast %scan3A_142 : i32 to index
      %swap3A_193 = arith.constant 112 : index
      %swap3A_194 = tpu.vector_load %arg10[%swap3A_192, %swap3A_193] {strides = array<i32>} : memref<128x128xf32, #tpu.memory_space<vmem>>, vector<1x16xf32>,
      %swap3A_195 = vector.shape_cast %swap3A_194 : vector<1x16xf32> to vector<16xf32>
      %swap3A_196 = vector.shape_cast %broadcast_in_dim3A_191 : vector<16xf32> to vector<1x16xf32>
      tpu.vector_store %arg10[%swap3A_192, %swap3A_193], %swap3A_196 {strides = array<i32>} : memref<128x128xf32, #tpu.memory_space<vmem>>, vector<1x16xf32>,
    }
    %scan3A_34 = arith.constant 128 : i32
    %mul3A_35 = arith.constant 640 : i32
    %mul3A_36 = arith.muli %arg1, %mul3A_35 : i32
    %add3A_37 = arith.constant 0 : i32
    %add3A_38 = arith.addi %mul3A_36, %add3A_37 : i32
    %dma_start3A_39 = arith.constant 0 : i32
    %dma_start3A_40 = tpu.memref_slice %arg12[%add3A_38, %dma_start3A_39] : memref<10240x128xf32, #tpu.memory_space<vmem_shared>> -> memref<128x128xf32, #tpu.memory_space<vmem_shared>>
    %dma_start3A_41 = arith.constant 0 : i32
    %dma_start3A_42 = tpu.memref_slice %arg12[%add3A_38, %dma_start3A_41] : memref<10240x128xf32, #tpu.memory_space<vmem_shared>> -> memref<128x128xf32, #tpu.memory_space<vmem_shared>>
    tpu.enqueue_dma source(%arg10 : memref<128x128xf32, #tpu.memory_space<vmem>>) target(%dma_start3A_42 : memref<128x128xf32, #tpu.memory_space<vmem_shared>>) target_semaphore(%arg13 : memref<!tpu.dma_semaphore, #tpu.memory_space<semaphore_mem>>)
    %mul3A_43 = arith.constant 640 : i32
    %mul3A_44 = arith.muli %arg1, %mul3A_43 : i32
    %add3A_45 = arith.constant 128 : i32
    %add3A_46 = arith.addi %mul3A_44, %add3A_45 : i32
    %dma_start3A_47 = arith.constant 0 : i32
    %dma_start3A_48 = tpu.memref_slice %arg12[%add3A_46, %dma_start3A_47] : memref<10240x128xf32, #tpu.memory_space<vmem_shared>> -> memref<128x128xf32, #tpu.memory_space<vmem_shared>>
    %dma_start3A_49 = arith.constant 0 : i32
    %dma_start3A_50 = tpu.memref_slice %arg12[%add3A_46, %dma_start3A_49] : memref<10240x128xf32, #tpu.memory_space<vmem_shared>> -> memref<128x128xf32, #tpu.memory_space<vmem_shared>>
    tpu.enqueue_dma source(%arg10 : memref<128x128xf32, #tpu.memory_space<vmem>>) target(%dma_start3A_50 : memref<128x128xf32, #tpu.memory_space<vmem_shared>>) target_semaphore(%arg13 : memref<!tpu.dma_semaphore, #tpu.memory_space<semaphore_mem>>)
    %mul3A_51 = arith.constant 640 : i32
    %mul3A_52 = arith.muli %arg1, %mul3A_51 : i32
    %add3A_53 = arith.constant 256 : i32
    %add3A_54 = arith.addi %mul3A_52, %add3A_53 : i32
    %dma_start3A_55 = arith.constant 0 : i32
    %dma_start3A_56 = tpu.memref_slice %arg12[%add3A_54, %dma_start3A_55] : memref<10240x128xf32, #tpu.memory_space<vmem_shared>> -> memref<128x128xf32, #tpu.memory_space<vmem_shared>>
    %dma_start3A_57 = arith.constant 0 : i32
    %dma_start3A_58 = tpu.memref_slice %arg12[%add3A_54, %dma_start3A_57] : memref<10240x128xf32, #tpu.memory_space<vmem_shared>> -> memref<128x128xf32, #tpu.memory_space<vmem_shared>>
    tpu.enqueue_dma source(%arg10 : memref<128x128xf32, #tpu.memory_space<vmem>>) target(%dma_start3A_58 : memref<128x128xf32, #tpu.memory_space<vmem_shared>>) target_semaphore(%arg13 : memref<!tpu.dma_semaphore, #tpu.memory_space<semaphore_mem>>)
    %mul3A_59 = arith.constant 640 : i32
    %mul3A_60 = arith.muli %arg1, %mul3A_59 : i32
    %add3A_61 = arith.constant 384 : i32
    %add3A_62 = arith.addi %mul3A_60, %add3A_61 : i32
    %dma_start3A_63 = arith.constant 0 : i32
    %dma_start3A_64 = tpu.memref_slice %arg12[%add3A_62, %dma_start3A_63] : memref<10240x128xf32, #tpu.memory_space<vmem_shared>> -> memref<128x128xf32, #tpu.memory_space<vmem_shared>>
    %dma_start3A_65 = arith.constant 0 : i32
    %dma_start3A_66 = tpu.memref_slice %arg12[%add3A_62, %dma_start3A_65] : memref<10240x128xf32, #tpu.memory_space<vmem_shared>> -> memref<128x128xf32, #tpu.memory_space<vmem_shared>>
    tpu.enqueue_dma source(%arg10 : memref<128x128xf32, #tpu.memory_space<vmem>>) target(%dma_start3A_66 : memref<128x128xf32, #tpu.memory_space<vmem_shared>>) target_semaphore(%arg13 : memref<!tpu.dma_semaphore, #tpu.memory_space<semaphore_mem>>)
    %mul3A_67 = arith.constant 640 : i32
    %mul3A_68 = arith.muli %arg1, %mul3A_67 : i32
    %add3A_69 = arith.constant 512 : i32
    %add3A_70 = arith.addi %mul3A_68, %add3A_69 : i32
    %dma_start3A_71 = arith.constant 0 : i32
    %dma_start3A_72 = tpu.memref_slice %arg12[%add3A_70, %dma_start3A_71] : memref<10240x128xf32, #tpu.memory_space<vmem_shared>> -> memref<128x128xf32, #tpu.memory_space<vmem_shared>>
    %dma_start3A_73 = arith.constant 0 : i32
    %dma_start3A_74 = tpu.memref_slice %arg12[%add3A_70, %dma_start3A_73] : memref<10240x128xf32, #tpu.memory_space<vmem_shared>> -> memref<128x128xf32, #tpu.memory_space<vmem_shared>>
    tpu.enqueue_dma source(%arg10 : memref<128x128xf32, #tpu.memory_space<vmem>>) target(%dma_start3A_74 : memref<128x128xf32, #tpu.memory_space<vmem_shared>>) target_semaphore(%arg13 : memref<!tpu.dma_semaphore, #tpu.memory_space<semaphore_mem>>)
    %dma_wait3A = arith.constant 0 : i32
    %dma_wait3A_75 = arith.constant 0 : i32
    %dma_wait3A_76 = arith.constant 0 : i32
    %dma_wait3A_77 = tpu.memref_slice %arg2[%dma_wait3A, %dma_wait3A_75, %dma_wait3A_76] : memref<2560x1x128xi32, #tpu.memory_space<hbm>> -> memref<8x1x128xi32, #tpu.memory_space<hbm>>
    %dma_wait3A_78 = arith.constant 0 : i32
    %dma_wait3A_79 = arith.constant 0 : i32
    %dma_wait3A_80 = arith.constant 0 : i32
    %dma_wait3A_81 = tpu.memref_slice %arg2[%dma_wait3A_78, %dma_wait3A_79, %dma_wait3A_80] : memref<2560x1x128xi32, #tpu.memory_space<hbm>> -> memref<8x1x128xi32, #tpu.memory_space<hbm>>
    tpu.wait_dma2 semaphore(%arg15 : memref<!tpu.dma_semaphore, #tpu.memory_space<semaphore_mem>>) src(%dma_wait3A_81 : memref<8x1x128xi32, #tpu.memory_space<hbm>>) dst(%arg6 : memref<8x1x128xi32, #tpu.memory_space<vmem>>)
    %dma_wait3A_82 = arith.constant 0 : i32
    %dma_wait3A_83 = arith.constant 0 : i32
    %dma_wait3A_84 = arith.constant 0 : i32
    %dma_wait3A_85 = tpu.memref_slice %arg2[%dma_wait3A_82, %dma_wait3A_83, %dma_wait3A_84] : memref<2560x1x128xi32, #tpu.memory_space<hbm>> -> memref<8x1x128xi32, #tpu.memory_space<hbm>>
    %dma_wait3A_86 = arith.constant 0 : i32
    %dma_wait3A_87 = arith.constant 0 : i32
    %dma_wait3A_88 = arith.constant 0 : i32
    %dma_wait3A_89 = tpu.memref_slice %arg2[%dma_wait3A_86, %dma_wait3A_87, %dma_wait3A_88] : memref<2560x1x128xi32, #tpu.memory_space<hbm>> -> memref<8x1x128xi32, #tpu.memory_space<hbm>>
    tpu.wait_dma2 semaphore(%arg15 : memref<!tpu.dma_semaphore, #tpu.memory_space<semaphore_mem>>) src(%dma_wait3A_89 : memref<8x1x128xi32, #tpu.memory_space<hbm>>) dst(%arg8 : memref<8x1x128xi32, #tpu.memory_space<vmem>>)
    %dma_wait3A_90 = arith.constant 0 : i32
    %dma_wait3A_91 = arith.constant 0 : i32
    %dma_wait3A_92 = tpu.memref_slice %arg12[%dma_wait3A_90, %dma_wait3A_91] : memref<10240x128xf32, #tpu.memory_space<vmem_shared>> -> memref<128x128xf32, #tpu.memory_space<vmem_shared>>
    %dma_wait3A_93 = arith.constant 0 : i32
    %dma_wait3A_94 = arith.constant 0 : i32
    %dma_wait3A_95 = tpu.memref_slice %arg12[%dma_wait3A_93, %dma_wait3A_94] : memref<10240x128xf32, #tpu.memory_space<vmem_shared>> -> memref<128x128xf32, #tpu.memory_space<vmem_shared>>
    tpu.wait_dma2 semaphore(%arg13 : memref<!tpu.dma_semaphore, #tpu.memory_space<semaphore_mem>>) src(%arg10 : memref<128x128xf32, #tpu.memory_space<vmem>>) dst(%dma_wait3A_95 : memref<128x128xf32, #tpu.memory_space<vmem_shared>>)
    %dma_wait3A_96 = arith.constant 0 : i32
    %dma_wait3A_97 = arith.constant 0 : i32
    %dma_wait3A_98 = tpu.memref_slice %arg12[%dma_wait3A_96, %dma_wait3A_97] : memref<10240x128xf32, #tpu.memory_space<vmem_shared>> -> memref<128x128xf32, #tpu.memory_space<vmem_shared>>
    %dma_wait3A_99 = arith.constant 0 : i32
    %dma_wait3A_100 = arith.constant 0 : i32
    %dma_wait3A_101 = tpu.memref_slice %arg12[%dma_wait3A_99, %dma_wait3A_100] : memref<10240x128xf32, #tpu.memory_space<vmem_shared>> -> memref<128x128xf32, #tpu.memory_space<vmem_shared>>
    tpu.wait_dma2 semaphore(%arg13 : memref<!tpu.dma_semaphore, #tpu.memory_space<semaphore_mem>>) src(%arg10 : memref<128x128xf32, #tpu.memory_space<vmem>>) dst(%dma_wait3A_101 : memref<128x128xf32, #tpu.memory_space<vmem_shared>>)
    %dma_wait3A_102 = arith.constant 0 : i32
    %dma_wait3A_103 = arith.constant 0 : i32
    %dma_wait3A_104 = tpu.memref_slice %arg12[%dma_wait3A_102, %dma_wait3A_103] : memref<10240x128xf32, #tpu.memory_space<vmem_shared>> -> memref<128x128xf32, #tpu.memory_space<vmem_shared>>
    %dma_wait3A_105 = arith.constant 0 : i32
    %dma_wait3A_106 = arith.constant 0 : i32
    %dma_wait3A_107 = tpu.memref_slice %arg12[%dma_wait3A_105, %dma_wait3A_106] : memref<10240x128xf32, #tpu.memory_space<vmem_shared>> -> memref<128x128xf32, #tpu.memory_space<vmem_shared>>
    tpu.wait_dma2 semaphore(%arg13 : memref<!tpu.dma_semaphore, #tpu.memory_space<semaphore_mem>>) src(%arg10 : memref<128x128xf32, #tpu.memory_space<vmem>>) dst(%dma_wait3A_107 : memref<128x128xf32, #tpu.memory_space<vmem_shared>>)
    %dma_wait3A_108 = arith.constant 0 : i32
    %dma_wait3A_109 = arith.constant 0 : i32
    %dma_wait3A_110 = tpu.memref_slice %arg12[%dma_wait3A_108, %dma_wait3A_109] : memref<10240x128xf32, #tpu.memory_space<vmem_shared>> -> memref<128x128xf32, #tpu.memory_space<vmem_shared>>
    %dma_wait3A_111 = arith.constant 0 : i32
    %dma_wait3A_112 = arith.constant 0 : i32
    %dma_wait3A_113 = tpu.memref_slice %arg12[%dma_wait3A_111, %dma_wait3A_112] : memref<10240x128xf32, #tpu.memory_space<vmem_shared>> -> memref<128x128xf32, #tpu.memory_space<vmem_shared>>
    tpu.wait_dma2 semaphore(%arg13 : memref<!tpu.dma_semaphore, #tpu.memory_space<semaphore_mem>>) src(%arg10 : memref<128x128xf32, #tpu.memory_space<vmem>>) dst(%dma_wait3A_113 : memref<128x128xf32, #tpu.memory_space<vmem_shared>>)
    %dma_wait3A_114 = arith.constant 0 : i32
    %dma_wait3A_115 = arith.constant 0 : i32
    %dma_wait3A_116 = tpu.memref_slice %arg12[%dma_wait3A_114, %dma_wait3A_115] : memref<10240x128xf32, #tpu.memory_space<vmem_shared>> -> memref<128x128xf32, #tpu.memory_space<vmem_shared>>
    %dma_wait3A_117 = arith.constant 0 : i32
    %dma_wait3A_118 = arith.constant 0 : i32
    %dma_wait3A_119 = tpu.memref_slice %arg12[%dma_wait3A_117, %dma_wait3A_118] : memref<10240x128xf32, #tpu.memory_space<vmem_shared>> -> memref<128x128xf32, #tpu.memory_space<vmem_shared>>
    tpu.wait_dma2 semaphore(%arg13 : memref<!tpu.dma_semaphore, #tpu.memory_space<semaphore_mem>>) src(%arg10 : memref<128x128xf32, #tpu.memory_space<vmem>>) dst(%dma_wait3A_119 : memref<128x128xf32, #tpu.memory_space<vmem_shared>>)
    %dma_start3A_120 = arith.constant 0 : i32
    %dma_start3A_121 = arith.constant 0 : i32
    %dma_start3A_122 = arith.constant 0 : i32
    %dma_start3A_123 = tpu.memref_slice %arg6[%dma_start3A_120, %dma_start3A_121, %dma_start3A_122] : memref<8x1x128xi32, #tpu.memory_space<vmem>> -> memref<1x1x128xi32, #tpu.memory_space<vmem>>
    %dma_start3A_124 = tpu.memref_squeeze %dma_start3A_123 : memref<1x1x128xi32, #tpu.memory_space<vmem>> -> memref<128xi32, #tpu.memory_space<vmem>>
    %dma_start3A_125 = arith.constant 0 : i32
    %dma_start3A_126 = arith.constant 0 : i32
    %dma_start3A_127 = tpu.memref_slice %arg4[%dma_start3A_125, %dma_start3A_126] : memref<10240x128xf32, #tpu.memory_space<hbm>> -> memref<10240x128xf32, #tpu.memory_space<hbm>>
    tpu.enqueue_indirect_dma source(%dma_start3A_127 : memref<10240x128xf32, #tpu.memory_space<hbm>>) target(%arg10 : memref<128x128xf32, #tpu.memory_space<vmem>>) offsets(%dma_start3A_124 : memref<128xi32, #tpu.memory_space<vmem>>) semaphore(%arg13 : memref<!tpu.dma_semaphore, #tpu.memory_space<semaphore_mem>>)
    %barrier3A = arith.constant 0 : index
    tpu.barrier barrier_id(%barrier3A)
    %scan3A_128 = arith.constant 0 : i32
    %scan3A_129 = arith.constant 0 : i32
    %scan3A_130 = arith.constant 5 : i32
    %scan3A_131 = arith.addi %scan3A_129, %scan3A_130 : i32
    %scan3A_132 = arith.constant 1 : i32
    scf.for %scan3A_142 = %scan3A_129 to %scan3A_131 step %scan3A_132  : i32 {
      %mul3A_143 = arith.constant 2 : i32
      %mul3A_144 = arith.muli %mul3A_143, %scan3A_142 : i32
      %dma_start3A_145 = arith.constant 1 : i32
      %dma_start3A_146 = arith.constant 0 : i32
      %dma_start3A_147 = arith.constant 0 : i32
      %dma_start3A_148 = tpu.memref_slice %arg6[%dma_start3A_145, %dma_start3A_146, %dma_start3A_147] : memref<8x1x128xi32, #tpu.memory_space<vmem>> -> memref<1x1x128xi32, #tpu.memory_space<vmem>>
      %dma_start3A_149 = tpu.memref_squeeze %dma_start3A_148 : memref<1x1x128xi32, #tpu.memory_space<vmem>> -> memref<128xi32, #tpu.memory_space<vmem>>
      %dma_start3A_150 = arith.constant 0 : i32
      %dma_start3A_151 = arith.constant 0 : i32
      %dma_start3A_152 = tpu.memref_slice %arg4[%dma_start3A_150, %dma_start3A_151] : memref<10240x128xf32, #tpu.memory_space<hbm>> -> memref<10240x128xf32, #tpu.memory_space<hbm>>
      tpu.enqueue_indirect_dma source(%dma_start3A_152 : memref<10240x128xf32, #tpu.memory_space<hbm>>) target(%arg11 : memref<128x128xf32, #tpu.memory_space<vmem>>) offsets(%dma_start3A_149 : memref<128xi32, #tpu.memory_space<vmem>>) semaphore(%arg14 : memref<!tpu.dma_semaphore, #tpu.memory_space<semaphore_mem>>)
      %dma_wait3A_153 = arith.constant 0 : i32
      %dma_wait3A_154 = arith.constant 0 : i32
      %dma_wait3A_155 = tpu.memref_slice %arg4[%dma_wait3A_153, %dma_wait3A_154] : memref<10240x128xf32, #tpu.memory_space<hbm>> -> memref<128x128xf32, #tpu.memory_space<hbm>>
      %dma_wait3A_156 = arith.constant 0 : i32
      %dma_wait3A_157 = arith.constant 0 : i32
      %dma_wait3A_158 = tpu.memref_slice %arg4[%dma_wait3A_156, %dma_wait3A_157] : memref<10240x128xf32, #tpu.memory_space<hbm>> -> memref<128x128xf32, #tpu.memory_space<hbm>>
      tpu.wait_dma2 semaphore(%arg13 : memref<!tpu.dma_semaphore, #tpu.memory_space<semaphore_mem>>) src(%dma_wait3A_158 : memref<128x128xf32, #tpu.memory_space<hbm>>) dst(%arg10 : memref<128x128xf32, #tpu.memory_space<vmem>>)
      %run_scoped3A = arith.constant 0 : i32
      %run_scoped3A_159 = arith.constant 0 : i32
      "tpu.region"() ({
        %run_scoped3A_413 = tpu.sem_alloc : memref<!tpu.dma_semaphore, #tpu.memory_space<semaphore_mem>>
        %dma_start3A_414 = arith.constant 0 : i32
        %dma_start3A_415 = tpu.memref_slice %arg8[%run_scoped3A, %run_scoped3A_159, %dma_start3A_414] : memref<8x1x128xi32, #tpu.memory_space<vmem>> -> memref<1x1x128xi32, #tpu.memory_space<vmem>>
        %dma_start3A_416 = tpu.memref_squeeze %dma_start3A_415 : memref<1x1x128xi32, #tpu.memory_space<vmem>> -> memref<128xi32, #tpu.memory_space<vmem>>
        %dma_start3A_417 = arith.constant 0 : i32
        %dma_start3A_418 = arith.constant 0 : i32
        %dma_start3A_419 = tpu.memref_slice %arg12[%dma_start3A_417, %dma_start3A_418] : memref<10240x128xf32, #tpu.memory_space<vmem_shared>> -> memref<10240x128xf32, #tpu.memory_space<vmem_shared>>
        tpu.enqueue_indirect_dma source(%arg10 : memref<128x128xf32, #tpu.memory_space<vmem>>) target(%dma_start3A_419 : memref<10240x128xf32, #tpu.memory_space<vmem_shared>>) offsets(%dma_start3A_416 : memref<128xi32, #tpu.memory_space<vmem>>) semaphore(%run_scoped3A_413 : memref<!tpu.dma_semaphore, #tpu.memory_space<semaphore_mem>>) {add = true}
        %dma_wait3A_420 = arith.constant 0 : i32
        %dma_wait3A_421 = tpu.memref_slice %arg8[%run_scoped3A, %run_scoped3A_159, %dma_wait3A_420] : memref<8x1x128xi32, #tpu.memory_space<vmem>> -> memref<1x1x128xi32, #tpu.memory_space<vmem>>
        %dma_wait3A_422 = tpu.memref_squeeze %dma_wait3A_421 : memref<1x1x128xi32, #tpu.memory_space<vmem>> -> memref<128xi32, #tpu.memory_space<vmem>>
        %dma_wait3A_423 = arith.constant 0 : i32
        %dma_wait3A_424 = arith.constant 0 : i32
        %dma_wait3A_425 = tpu.memref_slice %arg12[%dma_wait3A_423, %dma_wait3A_424] : memref<10240x128xf32, #tpu.memory_space<vmem_shared>> -> memref<10240x128xf32, #tpu.memory_space<vmem_shared>>
        tpu.wait_indirect_dma semaphore(%run_scoped3A_413 : memref<!tpu.dma_semaphore, #tpu.memory_space<semaphore_mem>>) src(%arg10 : memref<128x128xf32, #tpu.memory_space<vmem>>) dst(%dma_wait3A_425 : memref<10240x128xf32, #tpu.memory_space<vmem_shared>>)
        tpu.yield
      }) : () -> ()
      %dma_start3A_160 = arith.constant 2 : i32
      %dma_start3A_161 = arith.constant 0 : i32
      %dma_start3A_162 = arith.constant 0 : i32
      %dma_start3A_163 = tpu.memref_slice %arg6[%dma_start3A_160, %dma_start3A_161, %dma_start3A_162] : memref<8x1x128xi32, #tpu.memory_space<vmem>> -> memref<1x1x128xi32, #tpu.memory_space<vmem>>
      %dma_start3A_164 = tpu.memref_squeeze %dma_start3A_163 : memref<1x1x128xi32, #tpu.memory_space<vmem>> -> memref<128xi32, #tpu.memory_space<vmem>>
      %dma_start3A_165 = arith.constant 0 : i32
      %dma_start3A_166 = arith.constant 0 : i32
      %dma_start3A_167 = tpu.memref_slice %arg4[%dma_start3A_165, %dma_start3A_166] : memref<10240x128xf32, #tpu.memory_space<hbm>> -> memref<10240x128xf32, #tpu.memory_space<hbm>>
      tpu.enqueue_indirect_dma source(%dma_start3A_167 : memref<10240x128xf32, #tpu.memory_space<hbm>>) target(%arg10 : memref<128x128xf32, #tpu.memory_space<vmem>>) offsets(%dma_start3A_164 : memref<128xi32, #tpu.memory_space<vmem>>) semaphore(%arg13 : memref<!tpu.dma_semaphore, #tpu.memory_space<semaphore_mem>>)
      %dma_wait3A_168 = arith.constant 0 : i32
      %dma_wait3A_169 = arith.constant 0 : i32
      %dma_wait3A_170 = tpu.memref_slice %arg4[%dma_wait3A_168, %dma_wait3A_169] : memref<10240x128xf32, #tpu.memory_space<hbm>> -> memref<128x128xf32, #tpu.memory_space<hbm>>
      %dma_wait3A_171 = arith.constant 0 : i32
      %dma_wait3A_172 = arith.constant 0 : i32
      %dma_wait3A_173 = tpu.memref_slice %arg4[%dma_wait3A_171, %dma_wait3A_172] : memref<10240x128xf32, #tpu.memory_space<hbm>> -> memref<128x128xf32, #tpu.memory_space<hbm>>
      tpu.wait_dma2 semaphore(%arg14 : memref<!tpu.dma_semaphore, #tpu.memory_space<semaphore_mem>>) src(%dma_wait3A_173 : memref<128x128xf32, #tpu.memory_space<hbm>>) dst(%arg11 : memref<128x128xf32, #tpu.memory_space<vmem>>)
      %run_scoped3A_174 = arith.constant 1 : i32
      %run_scoped3A_175 = arith.constant 0 : i32
      "tpu.region"() ({
        %run_scoped3A_413 = tpu.sem_alloc : memref<!tpu.dma_semaphore, #tpu.memory_space<semaphore_mem>>
        %dma_start3A_414 = arith.constant 0 : i32
        %dma_start3A_415 = tpu.memref_slice %arg8[%run_scoped3A_174, %run_scoped3A_175, %dma_start3A_414] : memref<8x1x128xi32, #tpu.memory_space<vmem>> -> memref<1x1x128xi32, #tpu.memory_space<vmem>>
        %dma_start3A_416 = tpu.memref_squeeze %dma_start3A_415 : memref<1x1x128xi32, #tpu.memory_space<vmem>> -> memref<128xi32, #tpu.memory_space<vmem>>
        %dma_start3A_417 = arith.constant 0 : i32
        %dma_start3A_418 = arith.constant 0 : i32
        %dma_start3A_419 = tpu.memref_slice %arg12[%dma_start3A_417, %dma_start3A_418] : memref<10240x128xf32, #tpu.memory_space<vmem_shared>> -> memref<10240x128xf32, #tpu.memory_space<vmem_shared>>
        tpu.enqueue_indirect_dma source(%arg11 : memref<128x128xf32, #tpu.memory_space<vmem>>) target(%dma_start3A_419 : memref<10240x128xf32, #tpu.memory_space<vmem_shared>>) offsets(%dma_start3A_416 : memref<128xi32, #tpu.memory_space<vmem>>) semaphore(%run_scoped3A_413 : memref<!tpu.dma_semaphore, #tpu.memory_space<semaphore_mem>>) {add = true}
        %dma_wait3A_420 = arith.constant 0 : i32
        %dma_wait3A_421 = tpu.memref_slice %arg8[%run_scoped3A_174, %run_scoped3A_175, %dma_wait3A_420] : memref<8x1x128xi32, #tpu.memory_space<vmem>> -> memref<1x1x128xi32, #tpu.memory_space<vmem>>
        %dma_wait3A_422 = tpu.memref_squeeze %dma_wait3A_421 : memref<1x1x128xi32, #tpu.memory_space<vmem>> -> memref<128xi32, #tpu.memory_space<vmem>>
        %dma_wait3A_423 = arith.constant 0 : i32
        %dma_wait3A_424 = arith.constant 0 : i32
        %dma_wait3A_425 = tpu.memref_slice %arg12[%dma_wait3A_423, %dma_wait3A_424] : memref<10240x128xf32, #tpu.memory_space<vmem_shared>> -> memref<10240x128xf32, #tpu.memory_space<vmem_shared>>
        tpu.wait_indirect_dma semaphore(%run_scoped3A_413 : memref<!tpu.dma_semaphore, #tpu.memory_space<semaphore_mem>>) src(%arg11 : memref<128x128xf32, #tpu.memory_space<vmem>>) dst(%dma_wait3A_425 : memref<10240x128xf32, #tpu.memory_space<vmem_shared>>)
        tpu.yield
      }) : () -> ()
      %dma_start3A_176 = arith.constant 3 : i32
      %dma_start3A_177 = arith.constant 0 : i32
      %dma_start3A_178 = arith.constant 0 : i32
      %dma_start3A_179 = tpu.memref_slice %arg6[%dma_start3A_176, %dma_start3A_177, %dma_start3A_178] : memref<8x1x128xi32, #tpu.memory_space<vmem>> -> memref<1x1x128xi32, #tpu.memory_space<vmem>>
      %dma_start3A_180 = tpu.memref_squeeze %dma_start3A_179 : memref<1x1x128xi32, #tpu.memory_space<vmem>> -> memref<128xi32, #tpu.memory_space<vmem>>
      %dma_start3A_181 = arith.constant 0 : i32
      %dma_start3A_182 = arith.constant 0 : i32
      %dma_start3A_183 = tpu.memref_slice %arg4[%dma_start3A_181, %dma_start3A_182] : memref<10240x128xf32, #tpu.memory_space<hbm>> -> memref<10240x128xf32, #tpu.memory_space<hbm>>
      tpu.enqueue_indirect_dma source(%dma_start3A_183 : memref<10240x128xf32, #tpu.memory_space<hbm>>) target(%arg11 : memref<128x128xf32, #tpu.memory_space<vmem>>) offsets(%dma_start3A_180 : memref<128xi32, #tpu.memory_space<vmem>>) semaphore(%arg14 : memref<!tpu.dma_semaphore, #tpu.memory_space<semaphore_mem>>)
      %dma_wait3A_184 = arith.constant 0 : i32
      %dma_wait3A_185 = arith.constant 0 : i32
      %dma_wait3A_186 = tpu.memref_slice %arg4[%dma_wait3A_184, %dma_wait3A_185] : memref<10240x128xf32, #tpu.memory_space<hbm>> -> memref<128x128xf32, #tpu.memory_space<hbm>>
      %dma_wait3A_187 = arith.constant 0 : i32
      %dma_wait3A_188 = arith.constant 0 : i32
      %dma_wait3A_189 = tpu.memref_slice %arg4[%dma_wait3A_187, %dma_wait3A_188] : memref<10240x128xf32, #tpu.memory_space<hbm>> -> memref<128x128xf32, #tpu.memory_space<hbm>>
      tpu.wait_dma2 semaphore(%arg13 : memref<!tpu.dma_semaphore, #tpu.memory_space<semaphore_mem>>) src(%dma_wait3A_189 : memref<128x128xf32, #tpu.memory_space<hbm>>) dst(%arg10 : memref<128x128xf32, #tpu.memory_space<vmem>>)
      %run_scoped3A_190 = arith.constant 2 : i32
      %run_scoped3A_191 = arith.constant 0 : i32
      "tpu.region"() ({
        %run_scoped3A_413 = tpu.sem_alloc : memref<!tpu.dma_semaphore, #tpu.memory_space<semaphore_mem>>
        %dma_start3A_414 = arith.constant 0 : i32
        %dma_start3A_415 = tpu.memref_slice %arg8[%run_scoped3A_190, %run_scoped3A_191, %dma_start3A_414] : memref<8x1x128xi32, #tpu.memory_space<vmem>> -> memref<1x1x128xi32, #tpu.memory_space<vmem>>
        %dma_start3A_416 = tpu.memref_squeeze %dma_start3A_415 : memref<1x1x128xi32, #tpu.memory_space<vmem>> -> memref<128xi32, #tpu.memory_space<vmem>>
        %dma_start3A_417 = arith.constant 0 : i32
        %dma_start3A_418 = arith.constant 0 : i32
        %dma_start3A_419 = tpu.memref_slice %arg12[%dma_start3A_417, %dma_start3A_418] : memref<10240x128xf32, #tpu.memory_space<vmem_shared>> -> memref<10240x128xf32, #tpu.memory_space<vmem_shared>>
        tpu.enqueue_indirect_dma source(%arg10 : memref<128x128xf32, #tpu.memory_space<vmem>>) target(%dma_start3A_419 : memref<10240x128xf32, #tpu.memory_space<vmem_shared>>) offsets(%dma_start3A_416 : memref<128xi32, #tpu.memory_space<vmem>>) semaphore(%run_scoped3A_413 : memref<!tpu.dma_semaphore, #tpu.memory_space<semaphore_mem>>) {add = true}
        %dma_wait3A_420 = arith.constant 0 : i32
        %dma_wait3A_421 = tpu.memref_slice %arg8[%run_scoped3A_190, %run_scoped3A_191, %dma_wait3A_420] : memref<8x1x128xi32, #tpu.memory_space<vmem>> -> memref<1x1x128xi32, #tpu.memory_space<vmem>>
        %dma_wait3A_422 = tpu.memref_squeeze %dma_wait3A_421 : memref<1x1x128xi32, #tpu.memory_space<vmem>> -> memref<128xi32, #tpu.memory_space<vmem>>
        %dma_wait3A_423 = arith.constant 0 : i32
        %dma_wait3A_424 = arith.constant 0 : i32
        %dma_wait3A_425 = tpu.memref_slice %arg12[%dma_wait3A_423, %dma_wait3A_424] : memref<10240x128xf32, #tpu.memory_space<vmem_shared>> -> memref<10240x128xf32, #tpu.memory_space<vmem_shared>>
        tpu.wait_indirect_dma semaphore(%run_scoped3A_413 : memref<!tpu.dma_semaphore, #tpu.memory_space<semaphore_mem>>) src(%arg10 : memref<128x128xf32, #tpu.memory_space<vmem>>) dst(%dma_wait3A_425 : memref<10240x128xf32, #tpu.memory_space<vmem_shared>>)
        tpu.yield
      }) : () -> ()
      %dma_start3A_192 = arith.constant 4 : i32
      %dma_start3A_193 = arith.constant 0 : i32
      %dma_start3A_194 = arith.constant 0 : i32
      %dma_start3A_195 = tpu.memref_slice %arg6[%dma_start3A_192, %dma_start3A_193, %dma_start3A_194] : memref<8x1x128xi32, #tpu.memory_space<vmem>> -> memref<1x1x128xi32, #tpu.memory_space<vmem>>
      %dma_start3A_196 = tpu.memref_squeeze %dma_start3A_195 : memref<1x1x128xi32, #tpu.memory_space<vmem>> -> memref<128xi32, #tpu.memory_space<vmem>>
      %dma_start3A_197 = arith.constant 0 : i32
      %dma_start3A_198 = arith.constant 0 : i32
      %dma_start3A_199 = tpu.memref_slice %arg4[%dma_start3A_197, %dma_start3A_198] : memref<10240x128xf32, #tpu.memory_space<hbm>> -> memref<10240x128xf32, #tpu.memory_space<hbm>>
      tpu.enqueue_indirect_dma source(%dma_start3A_199 : memref<10240x128xf32, #tpu.memory_space<hbm>>) target(%arg10 : memref<128x128xf32, #tpu.memory_space<vmem>>) offsets(%dma_start3A_196 : memref<128xi32, #tpu.memory_space<vmem>>) semaphore(%arg13 : memref<!tpu.dma_semaphore, #tpu.memory_space<semaphore_mem>>)
      %dma_wait3A_200 = arith.constant 0 : i32
      %dma_wait3A_201 = arith.constant 0 : i32
      %dma_wait3A_202 = tpu.memref_slice %arg4[%dma_wait3A_200, %dma_wait3A_201] : memref<10240x128xf32, #tpu.memory_space<hbm>> -> memref<128x128xf32, #tpu.memory_space<hbm>>
      %dma_wait3A_203 = arith.constant 0 : i32
      %dma_wait3A_204 = arith.constant 0 : i32
      %dma_wait3A_205 = tpu.memref_slice %arg4[%dma_wait3A_203, %dma_wait3A_204] : memref<10240x128xf32, #tpu.memory_space<hbm>> -> memref<128x128xf32, #tpu.memory_space<hbm>>
      tpu.wait_dma2 semaphore(%arg14 : memref<!tpu.dma_semaphore, #tpu.memory_space<semaphore_mem>>) src(%dma_wait3A_205 : memref<128x128xf32, #tpu.memory_space<hbm>>) dst(%arg11 : memref<128x128xf32, #tpu.memory_space<vmem>>)
      %run_scoped3A_206 = arith.constant 3 : i32
      %run_scoped3A_207 = arith.constant 0 : i32
      "tpu.region"() ({
        %run_scoped3A_413 = tpu.sem_alloc : memref<!tpu.dma_semaphore, #tpu.memory_space<semaphore_mem>>
        %dma_start3A_414 = arith.constant 0 : i32
        %dma_start3A_415 = tpu.memref_slice %arg8[%run_scoped3A_206, %run_scoped3A_207, %dma_start3A_414] : memref<8x1x128xi32, #tpu.memory_space<vmem>> -> memref<1x1x128xi32, #tpu.memory_space<vmem>>
        %dma_start3A_416 = tpu.memref_squeeze %dma_start3A_415 : memref<1x1x128xi32, #tpu.memory_space<vmem>> -> memref<128xi32, #tpu.memory_space<vmem>>
        %dma_start3A_417 = arith.constant 0 : i32
        %dma_start3A_418 = arith.constant 0 : i32
        %dma_start3A_419 = tpu.memref_slice %arg12[%dma_start3A_417, %dma_start3A_418] : memref<10240x128xf32, #tpu.memory_space<vmem_shared>> -> memref<10240x128xf32, #tpu.memory_space<vmem_shared>>
        tpu.enqueue_indirect_dma source(%arg11 : memref<128x128xf32, #tpu.memory_space<vmem>>) target(%dma_start3A_419 : memref<10240x128xf32, #tpu.memory_space<vmem_shared>>) offsets(%dma_start3A_416 : memref<128xi32, #tpu.memory_space<vmem>>) semaphore(%run_scoped3A_413 : memref<!tpu.dma_semaphore, #tpu.memory_space<semaphore_mem>>) {add = true}
        %dma_wait3A_420 = arith.constant 0 : i32
        %dma_wait3A_421 = tpu.memref_slice %arg8[%run_scoped3A_206, %run_scoped3A_207, %dma_wait3A_420] : memref<8x1x128xi32, #tpu.memory_space<vmem>> -> memref<1x1x128xi32, #tpu.memory_space<vmem>>
        %dma_wait3A_422 = tpu.memref_squeeze %dma_wait3A_421 : memref<1x1x128xi32, #tpu.memory_space<vmem>> -> memref<128xi32, #tpu.memory_space<vmem>>
        %dma_wait3A_423 = arith.constant 0 : i32
        %dma_wait3A_424 = arith.constant 0 : i32
        %dma_wait3A_425 = tpu.memref_slice %arg12[%dma_wait3A_423, %dma_wait3A_424] : memref<10240x128xf32, #tpu.memory_space<vmem_shared>> -> memref<10240x128xf32, #tpu.memory_space<vmem_shared>>
        tpu.wait_indirect_dma semaphore(%run_scoped3A_413 : memref<!tpu.dma_semaphore, #tpu.memory_space<semaphore_mem>>) src(%arg11 : memref<128x128xf32, #tpu.memory_space<vmem>>) dst(%dma_wait3A_425 : memref<10240x128xf32, #tpu.memory_space<vmem_shared>>)
        tpu.yield
      }) : () -> ()
      %dma_start3A_208 = arith.constant 5 : i32
      %dma_start3A_209 = arith.constant 0 : i32
      %dma_start3A_210 = arith.constant 0 : i32
      %dma_start3A_211 = tpu.memref_slice %arg6[%dma_start3A_208, %dma_start3A_209, %dma_start3A_210] : memref<8x1x128xi32, #tpu.memory_space<vmem>> -> memref<1x1x128xi32, #tpu.memory_space<vmem>>
      %dma_start3A_212 = tpu.memref_squeeze %dma_start3A_211 : memref<1x1x128xi32, #tpu.memory_space<vmem>> -> memref<128xi32, #tpu.memory_space<vmem>>
      %dma_start3A_213 = arith.constant 0 : i32
      %dma_start3A_214 = arith.constant 0 : i32
      %dma_start3A_215 = tpu.memref_slice %arg4[%dma_start3A_213, %dma_start3A_214] : memref<10240x128xf32, #tpu.memory_space<hbm>> -> memref<10240x128xf32, #tpu.memory_space<hbm>>
      tpu.enqueue_indirect_dma source(%dma_start3A_215 : memref<10240x128xf32, #tpu.memory_space<hbm>>) target(%arg11 : memref<128x128xf32, #tpu.memory_space<vmem>>) offsets(%dma_start3A_212 : memref<128xi32, #tpu.memory_space<vmem>>) semaphore(%arg14 : memref<!tpu.dma_semaphore, #tpu.memory_space<semaphore_mem>>)
      %dma_wait3A_216 = arith.constant 0 : i32
      %dma_wait3A_217 = arith.constant 0 : i32
      %dma_wait3A_218 = tpu.memref_slice %arg4[%dma_wait3A_216, %dma_wait3A_217] : memref<10240x128xf32, #tpu.memory_space<hbm>> -> memref<128x128xf32, #tpu.memory_space<hbm>>
      %dma_wait3A_219 = arith.constant 0 : i32
      %dma_wait3A_220 = arith.constant 0 : i32
      %dma_wait3A_221 = tpu.memref_slice %arg4[%dma_wait3A_219, %dma_wait3A_220] : memref<10240x128xf32, #tpu.memory_space<hbm>> -> memref<128x128xf32, #tpu.memory_space<hbm>>
      tpu.wait_dma2 semaphore(%arg13 : memref<!tpu.dma_semaphore, #tpu.memory_space<semaphore_mem>>) src(%dma_wait3A_221 : memref<128x128xf32, #tpu.memory_space<hbm>>) dst(%arg10 : memref<128x128xf32, #tpu.memory_space<vmem>>)
      %run_scoped3A_222 = arith.constant 4 : i32
      %run_scoped3A_223 = arith.constant 0 : i32
      "tpu.region"() ({
        %run_scoped3A_413 = tpu.sem_alloc : memref<!tpu.dma_semaphore, #tpu.memory_space<semaphore_mem>>
        %dma_start3A_414 = arith.constant 0 : i32
        %dma_start3A_415 = tpu.memref_slice %arg8[%run_scoped3A_222, %run_scoped3A_223, %dma_start3A_414] : memref<8x1x128xi32, #tpu.memory_space<vmem>> -> memref<1x1x128xi32, #tpu.memory_space<vmem>>
        %dma_start3A_416 = tpu.memref_squeeze %dma_start3A_415 : memref<1x1x128xi32, #tpu.memory_space<vmem>> -> memref<128xi32, #tpu.memory_space<vmem>>
        %dma_start3A_417 = arith.constant 0 : i32
        %dma_start3A_418 = arith.constant 0 : i32
        %dma_start3A_419 = tpu.memref_slice %arg12[%dma_start3A_417, %dma_start3A_418] : memref<10240x128xf32, #tpu.memory_space<vmem_shared>> -> memref<10240x128xf32, #tpu.memory_space<vmem_shared>>
        tpu.enqueue_indirect_dma source(%arg10 : memref<128x128xf32, #tpu.memory_space<vmem>>) target(%dma_start3A_419 : memref<10240x128xf32, #tpu.memory_space<vmem_shared>>) offsets(%dma_start3A_416 : memref<128xi32, #tpu.memory_space<vmem>>) semaphore(%run_scoped3A_413 : memref<!tpu.dma_semaphore, #tpu.memory_space<semaphore_mem>>) {add = true}
        %dma_wait3A_420 = arith.constant 0 : i32
        %dma_wait3A_421 = tpu.memref_slice %arg8[%run_scoped3A_222, %run_scoped3A_223, %dma_wait3A_420] : memref<8x1x128xi32, #tpu.memory_space<vmem>> -> memref<1x1x128xi32, #tpu.memory_space<vmem>>
        %dma_wait3A_422 = tpu.memref_squeeze %dma_wait3A_421 : memref<1x1x128xi32, #tpu.memory_space<vmem>> -> memref<128xi32, #tpu.memory_space<vmem>>
        %dma_wait3A_423 = arith.constant 0 : i32
        %dma_wait3A_424 = arith.constant 0 : i32
        %dma_wait3A_425 = tpu.memref_slice %arg12[%dma_wait3A_423, %dma_wait3A_424] : memref<10240x128xf32, #tpu.memory_space<vmem_shared>> -> memref<10240x128xf32, #tpu.memory_space<vmem_shared>>
        tpu.wait_indirect_dma semaphore(%run_scoped3A_413 : memref<!tpu.dma_semaphore, #tpu.memory_space<semaphore_mem>>) src(%arg10 : memref<128x128xf32, #tpu.memory_space<vmem>>) dst(%dma_wait3A_425 : memref<10240x128xf32, #tpu.memory_space<vmem_shared>>)
        tpu.yield
      }) : () -> ()
      %dma_start3A_224 = arith.constant 6 : i32
      %dma_start3A_225 = arith.constant 0 : i32
      %dma_start3A_226 = arith.constant 0 : i32
      %dma_start3A_227 = tpu.memref_slice %arg6[%dma_start3A_224, %dma_start3A_225, %dma_start3A_226] : memref<8x1x128xi32, #tpu.memory_space<vmem>> -> memref<1x1x128xi32, #tpu.memory_space<vmem>>
      %dma_start3A_228 = tpu.memref_squeeze %dma_start3A_227 : memref<1x1x128xi32, #tpu.memory_space<vmem>> -> memref<128xi32, #tpu.memory_space<vmem>>
      %dma_start3A_229 = arith.constant 0 : i32
      %dma_start3A_230 = arith.constant 0 : i32
      %dma_start3A_231 = tpu.memref_slice %arg4[%dma_start3A_229, %dma_start3A_230] : memref<10240x128xf32, #tpu.memory_space<hbm>> -> memref<10240x128xf32, #tpu.memory_space<hbm>>
      tpu.enqueue_indirect_dma source(%dma_start3A_231 : memref<10240x128xf32, #tpu.memory_space<hbm>>) target(%arg10 : memref<128x128xf32, #tpu.memory_space<vmem>>) offsets(%dma_start3A_228 : memref<128xi32, #tpu.memory_space<vmem>>) semaphore(%arg13 : memref<!tpu.dma_semaphore, #tpu.memory_space<semaphore_mem>>)
      %dma_wait3A_232 = arith.constant 0 : i32
      %dma_wait3A_233 = arith.constant 0 : i32
      %dma_wait3A_234 = tpu.memref_slice %arg4[%dma_wait3A_232, %dma_wait3A_233] : memref<10240x128xf32, #tpu.memory_space<hbm>> -> memref<128x128xf32, #tpu.memory_space<hbm>>
      %dma_wait3A_235 = arith.constant 0 : i32
      %dma_wait3A_236 = arith.constant 0 : i32
      %dma_wait3A_237 = tpu.memref_slice %arg4[%dma_wait3A_235, %dma_wait3A_236] : memref<10240x128xf32, #tpu.memory_space<hbm>> -> memref<128x128xf32, #tpu.memory_space<hbm>>
      tpu.wait_dma2 semaphore(%arg14 : memref<!tpu.dma_semaphore, #tpu.memory_space<semaphore_mem>>) src(%dma_wait3A_237 : memref<128x128xf32, #tpu.memory_space<hbm>>) dst(%arg11 : memref<128x128xf32, #tpu.memory_space<vmem>>)
      %run_scoped3A_238 = arith.constant 5 : i32
      %run_scoped3A_239 = arith.constant 0 : i32
      "tpu.region"() ({
        %run_scoped3A_413 = tpu.sem_alloc : memref<!tpu.dma_semaphore, #tpu.memory_space<semaphore_mem>>
        %dma_start3A_414 = arith.constant 0 : i32
        %dma_start3A_415 = tpu.memref_slice %arg8[%run_scoped3A_238, %run_scoped3A_239, %dma_start3A_414] : memref<8x1x128xi32, #tpu.memory_space<vmem>> -> memref<1x1x128xi32, #tpu.memory_space<vmem>>
        %dma_start3A_416 = tpu.memref_squeeze %dma_start3A_415 : memref<1x1x128xi32, #tpu.memory_space<vmem>> -> memref<128xi32, #tpu.memory_space<vmem>>
        %dma_start3A_417 = arith.constant 0 : i32
        %dma_start3A_418 = arith.constant 0 : i32
        %dma_start3A_419 = tpu.memref_slice %arg12[%dma_start3A_417, %dma_start3A_418] : memref<10240x128xf32, #tpu.memory_space<vmem_shared>> -> memref<10240x128xf32, #tpu.memory_space<vmem_shared>>
        tpu.enqueue_indirect_dma source(%arg11 : memref<128x128xf32, #tpu.memory_space<vmem>>) target(%dma_start3A_419 : memref<10240x128xf32, #tpu.memory_space<vmem_shared>>) offsets(%dma_start3A_416 : memref<128xi32, #tpu.memory_space<vmem>>) semaphore(%run_scoped3A_413 : memref<!tpu.dma_semaphore, #tpu.memory_space<semaphore_mem>>) {add = true}
        %dma_wait3A_420 = arith.constant 0 : i32
        %dma_wait3A_421 = tpu.memref_slice %arg8[%run_scoped3A_238, %run_scoped3A_239, %dma_wait3A_420] : memref<8x1x128xi32, #tpu.memory_space<vmem>> -> memref<1x1x128xi32, #tpu.memory_space<vmem>>
        %dma_wait3A_422 = tpu.memref_squeeze %dma_wait3A_421 : memref<1x1x128xi32, #tpu.memory_space<vmem>> -> memref<128xi32, #tpu.memory_space<vmem>>
        %dma_wait3A_423 = arith.constant 0 : i32
        %dma_wait3A_424 = arith.constant 0 : i32
        %dma_wait3A_425 = tpu.memref_slice %arg12[%dma_wait3A_423, %dma_wait3A_424] : memref<10240x128xf32, #tpu.memory_space<vmem_shared>> -> memref<10240x128xf32, #tpu.memory_space<vmem_shared>>
        tpu.wait_indirect_dma semaphore(%run_scoped3A_413 : memref<!tpu.dma_semaphore, #tpu.memory_space<semaphore_mem>>) src(%arg11 : memref<128x128xf32, #tpu.memory_space<vmem>>) dst(%dma_wait3A_425 : memref<10240x128xf32, #tpu.memory_space<vmem_shared>>)
        tpu.yield
      }) : () -> ()
      %dma_start3A_240 = arith.constant 7 : i32
      %dma_start3A_241 = arith.constant 0 : i32
      %dma_start3A_242 = arith.constant 0 : i32
      %dma_start3A_243 = tpu.memref_slice %arg6[%dma_start3A_240, %dma_start3A_241, %dma_start3A_242] : memref<8x1x128xi32, #tpu.memory_space<vmem>> -> memref<1x1x128xi32, #tpu.memory_space<vmem>>
      %dma_start3A_244 = tpu.memref_squeeze %dma_start3A_243 : memref<1x1x128xi32, #tpu.memory_space<vmem>> -> memref<128xi32, #tpu.memory_space<vmem>>
      %dma_start3A_245 = arith.constant 0 : i32
      %dma_start3A_246 = arith.constant 0 : i32
      %dma_start3A_247 = tpu.memref_slice %arg4[%dma_start3A_245, %dma_start3A_246] : memref<10240x128xf32, #tpu.memory_space<hbm>> -> memref<10240x128xf32, #tpu.memory_space<hbm>>
      tpu.enqueue_indirect_dma source(%dma_start3A_247 : memref<10240x128xf32, #tpu.memory_space<hbm>>) target(%arg11 : memref<128x128xf32, #tpu.memory_space<vmem>>) offsets(%dma_start3A_244 : memref<128xi32, #tpu.memory_space<vmem>>) semaphore(%arg14 : memref<!tpu.dma_semaphore, #tpu.memory_space<semaphore_mem>>)
      %dma_wait3A_248 = arith.constant 0 : i32
      %dma_wait3A_249 = arith.constant 0 : i32
      %dma_wait3A_250 = tpu.memref_slice %arg4[%dma_wait3A_248, %dma_wait3A_249] : memref<10240x128xf32, #tpu.memory_space<hbm>> -> memref<128x128xf32, #tpu.memory_space<hbm>>
      %dma_wait3A_251 = arith.constant 0 : i32
      %dma_wait3A_252 = arith.constant 0 : i32
      %dma_wait3A_253 = tpu.memref_slice %arg4[%dma_wait3A_251, %dma_wait3A_252] : memref<10240x128xf32, #tpu.memory_space<hbm>> -> memref<128x128xf32, #tpu.memory_space<hbm>>
      tpu.wait_dma2 semaphore(%arg13 : memref<!tpu.dma_semaphore, #tpu.memory_space<semaphore_mem>>) src(%dma_wait3A_253 : memref<128x128xf32, #tpu.memory_space<hbm>>) dst(%arg10 : memref<128x128xf32, #tpu.memory_space<vmem>>)
      %run_scoped3A_254 = arith.constant 6 : i32
      %run_scoped3A_255 = arith.constant 0 : i32
      "tpu.region"() ({
        %run_scoped3A_413 = tpu.sem_alloc : memref<!tpu.dma_semaphore, #tpu.memory_space<semaphore_mem>>
        %dma_start3A_414 = arith.constant 0 : i32
        %dma_start3A_415 = tpu.memref_slice %arg8[%run_scoped3A_254, %run_scoped3A_255, %dma_start3A_414] : memref<8x1x128xi32, #tpu.memory_space<vmem>> -> memref<1x1x128xi32, #tpu.memory_space<vmem>>
        %dma_start3A_416 = tpu.memref_squeeze %dma_start3A_415 : memref<1x1x128xi32, #tpu.memory_space<vmem>> -> memref<128xi32, #tpu.memory_space<vmem>>
        %dma_start3A_417 = arith.constant 0 : i32
        %dma_start3A_418 = arith.constant 0 : i32
        %dma_start3A_419 = tpu.memref_slice %arg12[%dma_start3A_417, %dma_start3A_418] : memref<10240x128xf32, #tpu.memory_space<vmem_shared>> -> memref<10240x128xf32, #tpu.memory_space<vmem_shared>>
        tpu.enqueue_indirect_dma source(%arg10 : memref<128x128xf32, #tpu.memory_space<vmem>>) target(%dma_start3A_419 : memref<10240x128xf32, #tpu.memory_space<vmem_shared>>) offsets(%dma_start3A_416 : memref<128xi32, #tpu.memory_space<vmem>>) semaphore(%run_scoped3A_413 : memref<!tpu.dma_semaphore, #tpu.memory_space<semaphore_mem>>) {add = true}
        %dma_wait3A_420 = arith.constant 0 : i32
        %dma_wait3A_421 = tpu.memref_slice %arg8[%run_scoped3A_254, %run_scoped3A_255, %dma_wait3A_420] : memref<8x1x128xi32, #tpu.memory_space<vmem>> -> memref<1x1x128xi32, #tpu.memory_space<vmem>>
        %dma_wait3A_422 = tpu.memref_squeeze %dma_wait3A_421 : memref<1x1x128xi32, #tpu.memory_space<vmem>> -> memref<128xi32, #tpu.memory_space<vmem>>
        %dma_wait3A_423 = arith.constant 0 : i32
        %dma_wait3A_424 = arith.constant 0 : i32
        %dma_wait3A_425 = tpu.memref_slice %arg12[%dma_wait3A_423, %dma_wait3A_424] : memref<10240x128xf32, #tpu.memory_space<vmem_shared>> -> memref<10240x128xf32, #tpu.memory_space<vmem_shared>>
        tpu.wait_indirect_dma semaphore(%run_scoped3A_413 : memref<!tpu.dma_semaphore, #tpu.memory_space<semaphore_mem>>) src(%arg10 : memref<128x128xf32, #tpu.memory_space<vmem>>) dst(%dma_wait3A_425 : memref<10240x128xf32, #tpu.memory_space<vmem_shared>>)
        tpu.yield
      }) : () -> ()
      %add3A_256 = arith.constant 1 : i32
      %add3A_257 = arith.addi %mul3A_144, %add3A_256 : i32
      %lt3A = arith.constant 10 : i32
      %lt3A_258 = arith.cmpi slt, %add3A_257, %lt3A : i32
      %convert_element_type3A = arith.extui %lt3A_258 : i1 to i32
      %cond3A = arith.constant 0 : i32
      %cond3A_259 = arith.cmpi ne, %convert_element_type3A, %cond3A : i32
      scf.if %cond3A_259 {
        %dma_wait3A_413 = arith.constant 0 : i32
        %dma_wait3A_414 = arith.constant 0 : i32
        %dma_wait3A_415 = arith.constant 0 : i32
        %dma_wait3A_416 = tpu.memref_slice %arg2[%dma_wait3A_413, %dma_wait3A_414, %dma_wait3A_415] : memref<2560x1x128xi32, #tpu.memory_space<hbm>> -> memref<8x1x128xi32, #tpu.memory_space<hbm>>
        %dma_wait3A_417 = arith.constant 0 : i32
        %dma_wait3A_418 = arith.constant 0 : i32
        %dma_wait3A_419 = arith.constant 0 : i32
        %dma_wait3A_420 = tpu.memref_slice %arg2[%dma_wait3A_417, %dma_wait3A_418, %dma_wait3A_419] : memref<2560x1x128xi32, #tpu.memory_space<hbm>> -> memref<8x1x128xi32, #tpu.memory_space<hbm>>
        tpu.wait_dma2 semaphore(%arg16 : memref<!tpu.dma_semaphore, #tpu.memory_space<semaphore_mem>>) src(%dma_wait3A_420 : memref<8x1x128xi32, #tpu.memory_space<hbm>>) dst(%arg6 : memref<8x1x128xi32, #tpu.memory_space<vmem>>)
        %dma_wait3A_421 = arith.constant 0 : i32
        %dma_wait3A_422 = arith.constant 0 : i32
        %dma_wait3A_423 = arith.constant 0 : i32
        %dma_wait3A_424 = tpu.memref_slice %arg2[%dma_wait3A_421, %dma_wait3A_422, %dma_wait3A_423] : memref<2560x1x128xi32, #tpu.memory_space<hbm>> -> memref<8x1x128xi32, #tpu.memory_space<hbm>>
        %dma_wait3A_425 = arith.constant 0 : i32
        %dma_wait3A_426 = arith.constant 0 : i32
        %dma_wait3A_427 = arith.constant 0 : i32
        %dma_wait3A_428 = tpu.memref_slice %arg2[%dma_wait3A_425, %dma_wait3A_426, %dma_wait3A_427] : memref<2560x1x128xi32, #tpu.memory_space<hbm>> -> memref<8x1x128xi32, #tpu.memory_space<hbm>>
        tpu.wait_dma2 semaphore(%arg16 : memref<!tpu.dma_semaphore, #tpu.memory_space<semaphore_mem>>) src(%dma_wait3A_428 : memref<8x1x128xi32, #tpu.memory_space<hbm>>) dst(%arg8 : memref<8x1x128xi32, #tpu.memory_space<vmem>>)
        %dma_start3A_429 = arith.constant 0 : i32
        %dma_start3A_430 = arith.constant 0 : i32
        %dma_start3A_431 = arith.constant 0 : i32
        %dma_start3A_432 = tpu.memref_slice %arg7[%dma_start3A_429, %dma_start3A_430, %dma_start3A_431] : memref<8x1x128xi32, #tpu.memory_space<vmem>> -> memref<1x1x128xi32, #tpu.memory_space<vmem>>
        %dma_start3A_433 = tpu.memref_squeeze %dma_start3A_432 : memref<1x1x128xi32, #tpu.memory_space<vmem>> -> memref<128xi32, #tpu.memory_space<vmem>>
        %dma_start3A_434 = arith.constant 0 : i32
        %dma_start3A_435 = arith.constant 0 : i32
        %dma_start3A_436 = tpu.memref_slice %arg4[%dma_start3A_434, %dma_start3A_435] : memref<10240x128xf32, #tpu.memory_space<hbm>> -> memref<10240x128xf32, #tpu.memory_space<hbm>>
        tpu.enqueue_indirect_dma source(%dma_start3A_436 : memref<10240x128xf32, #tpu.memory_space<hbm>>) target(%arg10 : memref<128x128xf32, #tpu.memory_space<vmem>>) offsets(%dma_start3A_433 : memref<128xi32, #tpu.memory_space<vmem>>) semaphore(%arg13 : memref<!tpu.dma_semaphore, #tpu.memory_space<semaphore_mem>>)
      } else {
      }
      %dma_wait3A_260 = arith.constant 0 : i32
      %dma_wait3A_261 = arith.constant 0 : i32
      %dma_wait3A_262 = tpu.memref_slice %arg4[%dma_wait3A_260, %dma_wait3A_261] : memref<10240x128xf32, #tpu.memory_space<hbm>> -> memref<128x128xf32, #tpu.memory_space<hbm>>
      %dma_wait3A_263 = arith.constant 0 : i32
      %dma_wait3A_264 = arith.constant 0 : i32
      %dma_wait3A_265 = tpu.memref_slice %arg4[%dma_wait3A_263, %dma_wait3A_264] : memref<10240x128xf32, #tpu.memory_space<hbm>> -> memref<128x128xf32, #tpu.memory_space<hbm>>
      tpu.wait_dma2 semaphore(%arg14 : memref<!tpu.dma_semaphore, #tpu.memory_space<semaphore_mem>>) src(%dma_wait3A_265 : memref<128x128xf32, #tpu.memory_space<hbm>>) dst(%arg11 : memref<128x128xf32, #tpu.memory_space<vmem>>)
      %run_scoped3A_266 = arith.constant 7 : i32
      %run_scoped3A_267 = arith.constant 0 : i32
      "tpu.region"() ({
        %run_scoped3A_413 = tpu.sem_alloc : memref<!tpu.dma_semaphore, #tpu.memory_space<semaphore_mem>>
        %dma_start3A_414 = arith.constant 0 : i32
        %dma_start3A_415 = tpu.memref_slice %arg8[%run_scoped3A_266, %run_scoped3A_267, %dma_start3A_414] : memref<8x1x128xi32, #tpu.memory_space<vmem>> -> memref<1x1x128xi32, #tpu.memory_space<vmem>>
        %dma_start3A_416 = tpu.memref_squeeze %dma_start3A_415 : memref<1x1x128xi32, #tpu.memory_space<vmem>> -> memref<128xi32, #tpu.memory_space<vmem>>
        %dma_start3A_417 = arith.constant 0 : i32
        %dma_start3A_418 = arith.constant 0 : i32
        %dma_start3A_419 = tpu.memref_slice %arg12[%dma_start3A_417, %dma_start3A_418] : memref<10240x128xf32, #tpu.memory_space<vmem_shared>> -> memref<10240x128xf32, #tpu.memory_space<vmem_shared>>
        tpu.enqueue_indirect_dma source(%arg11 : memref<128x128xf32, #tpu.memory_space<vmem>>) target(%dma_start3A_419 : memref<10240x128xf32, #tpu.memory_space<vmem_shared>>) offsets(%dma_start3A_416 : memref<128xi32, #tpu.memory_space<vmem>>) semaphore(%run_scoped3A_413 : memref<!tpu.dma_semaphore, #tpu.memory_space<semaphore_mem>>) {add = true}
        %dma_wait3A_420 = arith.constant 0 : i32
        %dma_wait3A_421 = tpu.memref_slice %arg8[%run_scoped3A_266, %run_scoped3A_267, %dma_wait3A_420] : memref<8x1x128xi32, #tpu.memory_space<vmem>> -> memref<1x1x128xi32, #tpu.memory_space<vmem>>
        %dma_wait3A_422 = tpu.memref_squeeze %dma_wait3A_421 : memref<1x1x128xi32, #tpu.memory_space<vmem>> -> memref<128xi32, #tpu.memory_space<vmem>>
        %dma_wait3A_423 = arith.constant 0 : i32
        %dma_wait3A_424 = arith.constant 0 : i32
        %dma_wait3A_425 = tpu.memref_slice %arg12[%dma_wait3A_423, %dma_wait3A_424] : memref<10240x128xf32, #tpu.memory_space<vmem_shared>> -> memref<10240x128xf32, #tpu.memory_space<vmem_shared>>
        tpu.wait_indirect_dma semaphore(%run_scoped3A_413 : memref<!tpu.dma_semaphore, #tpu.memory_space<semaphore_mem>>) src(%arg11 : memref<128x128xf32, #tpu.memory_space<vmem>>) dst(%dma_wait3A_425 : memref<10240x128xf32, #tpu.memory_space<vmem_shared>>)
        tpu.yield
      }) : () -> ()
      %add3A_268 = arith.constant 2 : i32
      %add3A_269 = arith.addi %mul3A_144, %add3A_268 : i32
      %lt3A_270 = arith.constant 10 : i32
      %lt3A_271 = arith.cmpi slt, %add3A_269, %lt3A_270 : i32
      %convert_element_type3A_272 = arith.extui %lt3A_271 : i1 to i32
      %cond3A_273 = arith.constant 0 : i32
      %cond3A_274 = arith.cmpi ne, %convert_element_type3A_272, %cond3A_273 : i32
      scf.if %cond3A_274 {
        %add3A_413 = arith.constant 2 : i32
        %add3A_414 = arith.addi %mul3A_144, %add3A_413 : i32
        %mul3A_415 = arith.constant 8 : i32
        %mul3A_416 = arith.muli %add3A_414, %mul3A_415 : i32
        %add3A_417 = arith.addi %mul3A_2, %mul3A_416 : i32
        %dma_start3A_418 = arith.constant 0 : i32
        %dma_start3A_419 = arith.constant 0 : i32
        %dma_start3A_420 = tpu.memref_slice %arg2[%add3A_417, %dma_start3A_418, %dma_start3A_419] : memref<2560x1x128xi32, #tpu.memory_space<hbm>> -> memref<8x1x128xi32, #tpu.memory_space<hbm>>
        %dma_start3A_421 = arith.constant 0 : i32
        %dma_start3A_422 = arith.constant 0 : i32
        %dma_start3A_423 = tpu.memref_slice %arg2[%add3A_417, %dma_start3A_421, %dma_start3A_422] : memref<2560x1x128xi32, #tpu.memory_space<hbm>> -> memref<8x1x128xi32, #tpu.memory_space<hbm>>
        tpu.enqueue_dma source(%dma_start3A_423 : memref<8x1x128xi32, #tpu.memory_space<hbm>>) target(%arg6 : memref<8x1x128xi32, #tpu.memory_space<vmem>>) target_semaphore(%arg15 : memref<!tpu.dma_semaphore, #tpu.memory_space<semaphore_mem>>)
        %dma_start3A_424 = arith.constant 0 : i32
        %dma_start3A_425 = arith.constant 0 : i32
        %dma_start3A_426 = tpu.memref_slice %arg3[%add3A_417, %dma_start3A_424, %dma_start3A_425] : memref<2560x1x128xi32, #tpu.memory_space<hbm>> -> memref<8x1x128xi32, #tpu.memory_space<hbm>>
        %dma_start3A_427 = arith.constant 0 : i32
        %dma_start3A_428 = arith.constant 0 : i32
        %dma_start3A_429 = tpu.memref_slice %arg3[%add3A_417, %dma_start3A_427, %dma_start3A_428] : memref<2560x1x128xi32, #tpu.memory_space<hbm>> -> memref<8x1x128xi32, #tpu.memory_space<hbm>>
        tpu.enqueue_dma source(%dma_start3A_429 : memref<8x1x128xi32, #tpu.memory_space<hbm>>) target(%arg8 : memref<8x1x128xi32, #tpu.memory_space<vmem>>) target_semaphore(%arg15 : memref<!tpu.dma_semaphore, #tpu.memory_space<semaphore_mem>>)
      } else {
      }
      %mul3A_275 = arith.constant 2 : i32
      %mul3A_276 = arith.muli %mul3A_275, %scan3A_142 : i32
      %add3A_277 = arith.constant 1 : i32
      %add3A_278 = arith.addi %mul3A_276, %add3A_277 : i32
      %dma_start3A_279 = arith.constant 1 : i32
      %dma_start3A_280 = arith.constant 0 : i32
      %dma_start3A_281 = arith.constant 0 : i32
      %dma_start3A_282 = tpu.memref_slice %arg7[%dma_start3A_279, %dma_start3A_280, %dma_start3A_281] : memref<8x1x128xi32, #tpu.memory_space<vmem>> -> memref<1x1x128xi32, #tpu.memory_space<vmem>>
      %dma_start3A_283 = tpu.memref_squeeze %dma_start3A_282 : memref<1x1x128xi32, #tpu.memory_space<vmem>> -> memref<128xi32, #tpu.memory_space<vmem>>
      %dma_start3A_284 = arith.constant 0 : i32
      %dma_start3A_285 = arith.constant 0 : i32
      %dma_start3A_286 = tpu.memref_slice %arg4[%dma_start3A_284, %dma_start3A_285] : memref<10240x128xf32, #tpu.memory_space<hbm>> -> memref<10240x128xf32, #tpu.memory_space<hbm>>
      tpu.enqueue_indirect_dma source(%dma_start3A_286 : memref<10240x128xf32, #tpu.memory_space<hbm>>) target(%arg11 : memref<128x128xf32, #tpu.memory_space<vmem>>) offsets(%dma_start3A_283 : memref<128xi32, #tpu.memory_space<vmem>>) semaphore(%arg14 : memref<!tpu.dma_semaphore, #tpu.memory_space<semaphore_mem>>)
      %dma_wait3A_287 = arith.constant 0 : i32
      %dma_wait3A_288 = arith.constant 0 : i32
      %dma_wait3A_289 = tpu.memref_slice %arg4[%dma_wait3A_287, %dma_wait3A_288] : memref<10240x128xf32, #tpu.memory_space<hbm>> -> memref<128x128xf32, #tpu.memory_space<hbm>>
      %dma_wait3A_290 = arith.constant 0 : i32
      %dma_wait3A_291 = arith.constant 0 : i32
      %dma_wait3A_292 = tpu.memref_slice %arg4[%dma_wait3A_290, %dma_wait3A_291] : memref<10240x128xf32, #tpu.memory_space<hbm>> -> memref<128x128xf32, #tpu.memory_space<hbm>>
      tpu.wait_dma2 semaphore(%arg13 : memref<!tpu.dma_semaphore, #tpu.memory_space<semaphore_mem>>) src(%dma_wait3A_292 : memref<128x128xf32, #tpu.memory_space<hbm>>) dst(%arg10 : memref<128x128xf32, #tpu.memory_space<vmem>>)
      %run_scoped3A_293 = arith.constant 0 : i32
      %run_scoped3A_294 = arith.constant 0 : i32
      "tpu.region"() ({
        %run_scoped3A_413 = tpu.sem_alloc : memref<!tpu.dma_semaphore, #tpu.memory_space<semaphore_mem>>
        %dma_start3A_414 = arith.constant 0 : i32
        %dma_start3A_415 = tpu.memref_slice %arg9[%run_scoped3A_293, %run_scoped3A_294, %dma_start3A_414] : memref<8x1x128xi32, #tpu.memory_space<vmem>> -> memref<1x1x128xi32, #tpu.memory_space<vmem>>
        %dma_start3A_416 = tpu.memref_squeeze %dma_start3A_415 : memref<1x1x128xi32, #tpu.memory_space<vmem>> -> memref<128xi32, #tpu.memory_space<vmem>>
        %dma_start3A_417 = arith.constant 0 : i32
        %dma_start3A_418 = arith.constant 0 : i32
        %dma_start3A_419 = tpu.memref_slice %arg12[%dma_start3A_417, %dma_start3A_418] : memref<10240x128xf32, #tpu.memory_space<vmem_shared>> -> memref<10240x128xf32, #tpu.memory_space<vmem_shared>>
        tpu.enqueue_indirect_dma source(%arg10 : memref<128x128xf32, #tpu.memory_space<vmem>>) target(%dma_start3A_419 : memref<10240x128xf32, #tpu.memory_space<vmem_shared>>) offsets(%dma_start3A_416 : memref<128xi32, #tpu.memory_space<vmem>>) semaphore(%run_scoped3A_413 : memref<!tpu.dma_semaphore, #tpu.memory_space<semaphore_mem>>) {add = true}
        %dma_wait3A_420 = arith.constant 0 : i32
        %dma_wait3A_421 = tpu.memref_slice %arg9[%run_scoped3A_293, %run_scoped3A_294, %dma_wait3A_420] : memref<8x1x128xi32, #tpu.memory_space<vmem>> -> memref<1x1x128xi32, #tpu.memory_space<vmem>>
        %dma_wait3A_422 = tpu.memref_squeeze %dma_wait3A_421 : memref<1x1x128xi32, #tpu.memory_space<vmem>> -> memref<128xi32, #tpu.memory_space<vmem>>
        %dma_wait3A_423 = arith.constant 0 : i32
        %dma_wait3A_424 = arith.constant 0 : i32
        %dma_wait3A_425 = tpu.memref_slice %arg12[%dma_wait3A_423, %dma_wait3A_424] : memref<10240x128xf32, #tpu.memory_space<vmem_shared>> -> memref<10240x128xf32, #tpu.memory_space<vmem_shared>>
        tpu.wait_indirect_dma semaphore(%run_scoped3A_413 : memref<!tpu.dma_semaphore, #tpu.memory_space<semaphore_mem>>) src(%arg10 : memref<128x128xf32, #tpu.memory_space<vmem>>) dst(%dma_wait3A_425 : memref<10240x128xf32, #tpu.memory_space<vmem_shared>>)
        tpu.yield
      }) : () -> ()
      %dma_start3A_295 = arith.constant 2 : i32
      %dma_start3A_296 = arith.constant 0 : i32
      %dma_start3A_297 = arith.constant 0 : i32
      %dma_start3A_298 = tpu.memref_slice %arg7[%dma_start3A_295, %dma_start3A_296, %dma_start3A_297] : memref<8x1x128xi32, #tpu.memory_space<vmem>> -> memref<1x1x128xi32, #tpu.memory_space<vmem>>
      %dma_start3A_299 = tpu.memref_squeeze %dma_start3A_298 : memref<1x1x128xi32, #tpu.memory_space<vmem>> -> memref<128xi32, #tpu.memory_space<vmem>>
      %dma_start3A_300 = arith.constant 0 : i32
      %dma_start3A_301 = arith.constant 0 : i32
      %dma_start3A_302 = tpu.memref_slice %arg4[%dma_start3A_300, %dma_start3A_301] : memref<10240x128xf32, #tpu.memory_space<hbm>> -> memref<10240x128xf32, #tpu.memory_space<hbm>>
      tpu.enqueue_indirect_dma source(%dma_start3A_302 : memref<10240x128xf32, #tpu.memory_space<hbm>>) target(%arg10 : memref<128x128xf32, #tpu.memory_space<vmem>>) offsets(%dma_start3A_299 : memref<128xi32, #tpu.memory_space<vmem>>) semaphore(%arg13 : memref<!tpu.dma_semaphore, #tpu.memory_space<semaphore_mem>>)
      %dma_wait3A_303 = arith.constant 0 : i32
      %dma_wait3A_304 = arith.constant 0 : i32
      %dma_wait3A_305 = tpu.memref_slice %arg4[%dma_wait3A_303, %dma_wait3A_304] : memref<10240x128xf32, #tpu.memory_space<hbm>> -> memref<128x128xf32, #tpu.memory_space<hbm>>
      %dma_wait3A_306 = arith.constant 0 : i32
      %dma_wait3A_307 = arith.constant 0 : i32
      %dma_wait3A_308 = tpu.memref_slice %arg4[%dma_wait3A_306, %dma_wait3A_307] : memref<10240x128xf32, #tpu.memory_space<hbm>> -> memref<128x128xf32, #tpu.memory_space<hbm>>
      tpu.wait_dma2 semaphore(%arg14 : memref<!tpu.dma_semaphore, #tpu.memory_space<semaphore_mem>>) src(%dma_wait3A_308 : memref<128x128xf32, #tpu.memory_space<hbm>>) dst(%arg11 : memref<128x128xf32, #tpu.memory_space<vmem>>)
      %run_scoped3A_309 = arith.constant 1 : i32
      %run_scoped3A_310 = arith.constant 0 : i32
      "tpu.region"() ({
        %run_scoped3A_413 = tpu.sem_alloc : memref<!tpu.dma_semaphore, #tpu.memory_space<semaphore_mem>>
        %dma_start3A_414 = arith.constant 0 : i32
        %dma_start3A_415 = tpu.memref_slice %arg9[%run_scoped3A_309, %run_scoped3A_310, %dma_start3A_414] : memref<8x1x128xi32, #tpu.memory_space<vmem>> -> memref<1x1x128xi32, #tpu.memory_space<vmem>>
        %dma_start3A_416 = tpu.memref_squeeze %dma_start3A_415 : memref<1x1x128xi32, #tpu.memory_space<vmem>> -> memref<128xi32, #tpu.memory_space<vmem>>
        %dma_start3A_417 = arith.constant 0 : i32
        %dma_start3A_418 = arith.constant 0 : i32
        %dma_start3A_419 = tpu.memref_slice %arg12[%dma_start3A_417, %dma_start3A_418] : memref<10240x128xf32, #tpu.memory_space<vmem_shared>> -> memref<10240x128xf32, #tpu.memory_space<vmem_shared>>
        tpu.enqueue_indirect_dma source(%arg11 : memref<128x128xf32, #tpu.memory_space<vmem>>) target(%dma_start3A_419 : memref<10240x128xf32, #tpu.memory_space<vmem_shared>>) offsets(%dma_start3A_416 : memref<128xi32, #tpu.memory_space<vmem>>) semaphore(%run_scoped3A_413 : memref<!tpu.dma_semaphore, #tpu.memory_space<semaphore_mem>>) {add = true}
        %dma_wait3A_420 = arith.constant 0 : i32
        %dma_wait3A_421 = tpu.memref_slice %arg9[%run_scoped3A_309, %run_scoped3A_310, %dma_wait3A_420] : memref<8x1x128xi32, #tpu.memory_space<vmem>> -> memref<1x1x128xi32, #tpu.memory_space<vmem>>
        %dma_wait3A_422 = tpu.memref_squeeze %dma_wait3A_421 : memref<1x1x128xi32, #tpu.memory_space<vmem>> -> memref<128xi32, #tpu.memory_space<vmem>>
        %dma_wait3A_423 = arith.constant 0 : i32
        %dma_wait3A_424 = arith.constant 0 : i32
        %dma_wait3A_425 = tpu.memref_slice %arg12[%dma_wait3A_423, %dma_wait3A_424] : memref<10240x128xf32, #tpu.memory_space<vmem_shared>> -> memref<10240x128xf32, #tpu.memory_space<vmem_shared>>
        tpu.wait_indirect_dma semaphore(%run_scoped3A_413 : memref<!tpu.dma_semaphore, #tpu.memory_space<semaphore_mem>>) src(%arg11 : memref<128x128xf32, #tpu.memory_space<vmem>>) dst(%dma_wait3A_425 : memref<10240x128xf32, #tpu.memory_space<vmem_shared>>)
        tpu.yield
      }) : () -> ()
      %dma_start3A_311 = arith.constant 3 : i32
      %dma_start3A_312 = arith.constant 0 : i32
      %dma_start3A_313 = arith.constant 0 : i32
      %dma_start3A_314 = tpu.memref_slice %arg7[%dma_start3A_311, %dma_start3A_312, %dma_start3A_313] : memref<8x1x128xi32, #tpu.memory_space<vmem>> -> memref<1x1x128xi32, #tpu.memory_space<vmem>>
      %dma_start3A_315 = tpu.memref_squeeze %dma_start3A_314 : memref<1x1x128xi32, #tpu.memory_space<vmem>> -> memref<128xi32, #tpu.memory_space<vmem>>
      %dma_start3A_316 = arith.constant 0 : i32
      %dma_start3A_317 = arith.constant 0 : i32
      %dma_start3A_318 = tpu.memref_slice %arg4[%dma_start3A_316, %dma_start3A_317] : memref<10240x128xf32, #tpu.memory_space<hbm>> -> memref<10240x128xf32, #tpu.memory_space<hbm>>
      tpu.enqueue_indirect_dma source(%dma_start3A_318 : memref<10240x128xf32, #tpu.memory_space<hbm>>) target(%arg11 : memref<128x128xf32, #tpu.memory_space<vmem>>) offsets(%dma_start3A_315 : memref<128xi32, #tpu.memory_space<vmem>>) semaphore(%arg14 : memref<!tpu.dma_semaphore, #tpu.memory_space<semaphore_mem>>)
      %dma_wait3A_319 = arith.constant 0 : i32
      %dma_wait3A_320 = arith.constant 0 : i32
      %dma_wait3A_321 = tpu.memref_slice %arg4[%dma_wait3A_319, %dma_wait3A_320] : memref<10240x128xf32, #tpu.memory_space<hbm>> -> memref<128x128xf32, #tpu.memory_space<hbm>>
      %dma_wait3A_322 = arith.constant 0 : i32
      %dma_wait3A_323 = arith.constant 0 : i32
      %dma_wait3A_324 = tpu.memref_slice %arg4[%dma_wait3A_322, %dma_wait3A_323] : memref<10240x128xf32, #tpu.memory_space<hbm>> -> memref<128x128xf32, #tpu.memory_space<hbm>>
      tpu.wait_dma2 semaphore(%arg13 : memref<!tpu.dma_semaphore, #tpu.memory_space<semaphore_mem>>) src(%dma_wait3A_324 : memref<128x128xf32, #tpu.memory_space<hbm>>) dst(%arg10 : memref<128x128xf32, #tpu.memory_space<vmem>>)
      %run_scoped3A_325 = arith.constant 2 : i32
      %run_scoped3A_326 = arith.constant 0 : i32
      "tpu.region"() ({
        %run_scoped3A_413 = tpu.sem_alloc : memref<!tpu.dma_semaphore, #tpu.memory_space<semaphore_mem>>
        %dma_start3A_414 = arith.constant 0 : i32
        %dma_start3A_415 = tpu.memref_slice %arg9[%run_scoped3A_325, %run_scoped3A_326, %dma_start3A_414] : memref<8x1x128xi32, #tpu.memory_space<vmem>> -> memref<1x1x128xi32, #tpu.memory_space<vmem>>
        %dma_start3A_416 = tpu.memref_squeeze %dma_start3A_415 : memref<1x1x128xi32, #tpu.memory_space<vmem>> -> memref<128xi32, #tpu.memory_space<vmem>>
        %dma_start3A_417 = arith.constant 0 : i32
        %dma_start3A_418 = arith.constant 0 : i32
        %dma_start3A_419 = tpu.memref_slice %arg12[%dma_start3A_417, %dma_start3A_418] : memref<10240x128xf32, #tpu.memory_space<vmem_shared>> -> memref<10240x128xf32, #tpu.memory_space<vmem_shared>>
        tpu.enqueue_indirect_dma source(%arg10 : memref<128x128xf32, #tpu.memory_space<vmem>>) target(%dma_start3A_419 : memref<10240x128xf32, #tpu.memory_space<vmem_shared>>) offsets(%dma_start3A_416 : memref<128xi32, #tpu.memory_space<vmem>>) semaphore(%run_scoped3A_413 : memref<!tpu.dma_semaphore, #tpu.memory_space<semaphore_mem>>) {add = true}
        %dma_wait3A_420 = arith.constant 0 : i32
        %dma_wait3A_421 = tpu.memref_slice %arg9[%run_scoped3A_325, %run_scoped3A_326, %dma_wait3A_420] : memref<8x1x128xi32, #tpu.memory_space<vmem>> -> memref<1x1x128xi32, #tpu.memory_space<vmem>>
        %dma_wait3A_422 = tpu.memref_squeeze %dma_wait3A_421 : memref<1x1x128xi32, #tpu.memory_space<vmem>> -> memref<128xi32, #tpu.memory_space<vmem>>
        %dma_wait3A_423 = arith.constant 0 : i32
        %dma_wait3A_424 = arith.constant 0 : i32
        %dma_wait3A_425 = tpu.memref_slice %arg12[%dma_wait3A_423, %dma_wait3A_424] : memref<10240x128xf32, #tpu.memory_space<vmem_shared>> -> memref<10240x128xf32, #tpu.memory_space<vmem_shared>>
        tpu.wait_indirect_dma semaphore(%run_scoped3A_413 : memref<!tpu.dma_semaphore, #tpu.memory_space<semaphore_mem>>) src(%arg10 : memref<128x128xf32, #tpu.memory_space<vmem>>) dst(%dma_wait3A_425 : memref<10240x128xf32, #tpu.memory_space<vmem_shared>>)
        tpu.yield
      }) : () -> ()
      %dma_start3A_327 = arith.constant 4 : i32
      %dma_start3A_328 = arith.constant 0 : i32
      %dma_start3A_329 = arith.constant 0 : i32
      %dma_start3A_330 = tpu.memref_slice %arg7[%dma_start3A_327, %dma_start3A_328, %dma_start3A_329] : memref<8x1x128xi32, #tpu.memory_space<vmem>> -> memref<1x1x128xi32, #tpu.memory_space<vmem>>
      %dma_start3A_331 = tpu.memref_squeeze %dma_start3A_330 : memref<1x1x128xi32, #tpu.memory_space<vmem>> -> memref<128xi32, #tpu.memory_space<vmem>>
      %dma_start3A_332 = arith.constant 0 : i32
      %dma_start3A_333 = arith.constant 0 : i32
      %dma_start3A_334 = tpu.memref_slice %arg4[%dma_start3A_332, %dma_start3A_333] : memref<10240x128xf32, #tpu.memory_space<hbm>> -> memref<10240x128xf32, #tpu.memory_space<hbm>>
      tpu.enqueue_indirect_dma source(%dma_start3A_334 : memref<10240x128xf32, #tpu.memory_space<hbm>>) target(%arg10 : memref<128x128xf32, #tpu.memory_space<vmem>>) offsets(%dma_start3A_331 : memref<128xi32, #tpu.memory_space<vmem>>) semaphore(%arg13 : memref<!tpu.dma_semaphore, #tpu.memory_space<semaphore_mem>>)
      %dma_wait3A_335 = arith.constant 0 : i32
      %dma_wait3A_336 = arith.constant 0 : i32
      %dma_wait3A_337 = tpu.memref_slice %arg4[%dma_wait3A_335, %dma_wait3A_336] : memref<10240x128xf32, #tpu.memory_space<hbm>> -> memref<128x128xf32, #tpu.memory_space<hbm>>
      %dma_wait3A_338 = arith.constant 0 : i32
      %dma_wait3A_339 = arith.constant 0 : i32
      %dma_wait3A_340 = tpu.memref_slice %arg4[%dma_wait3A_338, %dma_wait3A_339] : memref<10240x128xf32, #tpu.memory_space<hbm>> -> memref<128x128xf32, #tpu.memory_space<hbm>>
      tpu.wait_dma2 semaphore(%arg14 : memref<!tpu.dma_semaphore, #tpu.memory_space<semaphore_mem>>) src(%dma_wait3A_340 : memref<128x128xf32, #tpu.memory_space<hbm>>) dst(%arg11 : memref<128x128xf32, #tpu.memory_space<vmem>>)
      %run_scoped3A_341 = arith.constant 3 : i32
      %run_scoped3A_342 = arith.constant 0 : i32
      "tpu.region"() ({
        %run_scoped3A_413 = tpu.sem_alloc : memref<!tpu.dma_semaphore, #tpu.memory_space<semaphore_mem>>
        %dma_start3A_414 = arith.constant 0 : i32
        %dma_start3A_415 = tpu.memref_slice %arg9[%run_scoped3A_341, %run_scoped3A_342, %dma_start3A_414] : memref<8x1x128xi32, #tpu.memory_space<vmem>> -> memref<1x1x128xi32, #tpu.memory_space<vmem>>
        %dma_start3A_416 = tpu.memref_squeeze %dma_start3A_415 : memref<1x1x128xi32, #tpu.memory_space<vmem>> -> memref<128xi32, #tpu.memory_space<vmem>>
        %dma_start3A_417 = arith.constant 0 : i32
        %dma_start3A_418 = arith.constant 0 : i32
        %dma_start3A_419 = tpu.memref_slice %arg12[%dma_start3A_417, %dma_start3A_418] : memref<10240x128xf32, #tpu.memory_space<vmem_shared>> -> memref<10240x128xf32, #tpu.memory_space<vmem_shared>>
        tpu.enqueue_indirect_dma source(%arg11 : memref<128x128xf32, #tpu.memory_space<vmem>>) target(%dma_start3A_419 : memref<10240x128xf32, #tpu.memory_space<vmem_shared>>) offsets(%dma_start3A_416 : memref<128xi32, #tpu.memory_space<vmem>>) semaphore(%run_scoped3A_413 : memref<!tpu.dma_semaphore, #tpu.memory_space<semaphore_mem>>) {add = true}
        %dma_wait3A_420 = arith.constant 0 : i32
        %dma_wait3A_421 = tpu.memref_slice %arg9[%run_scoped3A_341, %run_scoped3A_342, %dma_wait3A_420] : memref<8x1x128xi32, #tpu.memory_space<vmem>> -> memref<1x1x128xi32, #tpu.memory_space<vmem>>
        %dma_wait3A_422 = tpu.memref_squeeze %dma_wait3A_421 : memref<1x1x128xi32, #tpu.memory_space<vmem>> -> memref<128xi32, #tpu.memory_space<vmem>>
        %dma_wait3A_423 = arith.constant 0 : i32
        %dma_wait3A_424 = arith.constant 0 : i32
        %dma_wait3A_425 = tpu.memref_slice %arg12[%dma_wait3A_423, %dma_wait3A_424] : memref<10240x128xf32, #tpu.memory_space<vmem_shared>> -> memref<10240x128xf32, #tpu.memory_space<vmem_shared>>
        tpu.wait_indirect_dma semaphore(%run_scoped3A_413 : memref<!tpu.dma_semaphore, #tpu.memory_space<semaphore_mem>>) src(%arg11 : memref<128x128xf32, #tpu.memory_space<vmem>>) dst(%dma_wait3A_425 : memref<10240x128xf32, #tpu.memory_space<vmem_shared>>)
        tpu.yield
      }) : () -> ()
      %dma_start3A_343 = arith.constant 5 : i32
      %dma_start3A_344 = arith.constant 0 : i32
      %dma_start3A_345 = arith.constant 0 : i32
      %dma_start3A_346 = tpu.memref_slice %arg7[%dma_start3A_343, %dma_start3A_344, %dma_start3A_345] : memref<8x1x128xi32, #tpu.memory_space<vmem>> -> memref<1x1x128xi32, #tpu.memory_space<vmem>>
      %dma_start3A_347 = tpu.memref_squeeze %dma_start3A_346 : memref<1x1x128xi32, #tpu.memory_space<vmem>> -> memref<128xi32, #tpu.memory_space<vmem>>
      %dma_start3A_348 = arith.constant 0 : i32
      %dma_start3A_349 = arith.constant 0 : i32
      %dma_start3A_350 = tpu.memref_slice %arg4[%dma_start3A_348, %dma_start3A_349] : memref<10240x128xf32, #tpu.memory_space<hbm>> -> memref<10240x128xf32, #tpu.memory_space<hbm>>
      tpu.enqueue_indirect_dma source(%dma_start3A_350 : memref<10240x128xf32, #tpu.memory_space<hbm>>) target(%arg11 : memref<128x128xf32, #tpu.memory_space<vmem>>) offsets(%dma_start3A_347 : memref<128xi32, #tpu.memory_space<vmem>>) semaphore(%arg14 : memref<!tpu.dma_semaphore, #tpu.memory_space<semaphore_mem>>)
      %dma_wait3A_351 = arith.constant 0 : i32
      %dma_wait3A_352 = arith.constant 0 : i32
      %dma_wait3A_353 = tpu.memref_slice %arg4[%dma_wait3A_351, %dma_wait3A_352] : memref<10240x128xf32, #tpu.memory_space<hbm>> -> memref<128x128xf32, #tpu.memory_space<hbm>>
      %dma_wait3A_354 = arith.constant 0 : i32
      %dma_wait3A_355 = arith.constant 0 : i32
      %dma_wait3A_356 = tpu.memref_slice %arg4[%dma_wait3A_354, %dma_wait3A_355] : memref<10240x128xf32, #tpu.memory_space<hbm>> -> memref<128x128xf32, #tpu.memory_space<hbm>>
      tpu.wait_dma2 semaphore(%arg13 : memref<!tpu.dma_semaphore, #tpu.memory_space<semaphore_mem>>) src(%dma_wait3A_356 : memref<128x128xf32, #tpu.memory_space<hbm>>) dst(%arg10 : memref<128x128xf32, #tpu.memory_space<vmem>>)
      %run_scoped3A_357 = arith.constant 4 : i32
      %run_scoped3A_358 = arith.constant 0 : i32
      "tpu.region"() ({
        %run_scoped3A_413 = tpu.sem_alloc : memref<!tpu.dma_semaphore, #tpu.memory_space<semaphore_mem>>
        %dma_start3A_414 = arith.constant 0 : i32
        %dma_start3A_415 = tpu.memref_slice %arg9[%run_scoped3A_357, %run_scoped3A_358, %dma_start3A_414] : memref<8x1x128xi32, #tpu.memory_space<vmem>> -> memref<1x1x128xi32, #tpu.memory_space<vmem>>
        %dma_start3A_416 = tpu.memref_squeeze %dma_start3A_415 : memref<1x1x128xi32, #tpu.memory_space<vmem>> -> memref<128xi32, #tpu.memory_space<vmem>>
        %dma_start3A_417 = arith.constant 0 : i32
        %dma_start3A_418 = arith.constant 0 : i32
        %dma_start3A_419 = tpu.memref_slice %arg12[%dma_start3A_417, %dma_start3A_418] : memref<10240x128xf32, #tpu.memory_space<vmem_shared>> -> memref<10240x128xf32, #tpu.memory_space<vmem_shared>>
        tpu.enqueue_indirect_dma source(%arg10 : memref<128x128xf32, #tpu.memory_space<vmem>>) target(%dma_start3A_419 : memref<10240x128xf32, #tpu.memory_space<vmem_shared>>) offsets(%dma_start3A_416 : memref<128xi32, #tpu.memory_space<vmem>>) semaphore(%run_scoped3A_413 : memref<!tpu.dma_semaphore, #tpu.memory_space<semaphore_mem>>) {add = true}
        %dma_wait3A_420 = arith.constant 0 : i32
        %dma_wait3A_421 = tpu.memref_slice %arg9[%run_scoped3A_357, %run_scoped3A_358, %dma_wait3A_420] : memref<8x1x128xi32, #tpu.memory_space<vmem>> -> memref<1x1x128xi32, #tpu.memory_space<vmem>>
        %dma_wait3A_422 = tpu.memref_squeeze %dma_wait3A_421 : memref<1x1x128xi32, #tpu.memory_space<vmem>> -> memref<128xi32, #tpu.memory_space<vmem>>
        %dma_wait3A_423 = arith.constant 0 : i32
        %dma_wait3A_424 = arith.constant 0 : i32
        %dma_wait3A_425 = tpu.memref_slice %arg12[%dma_wait3A_423, %dma_wait3A_424] : memref<10240x128xf32, #tpu.memory_space<vmem_shared>> -> memref<10240x128xf32, #tpu.memory_space<vmem_shared>>
        tpu.wait_indirect_dma semaphore(%run_scoped3A_413 : memref<!tpu.dma_semaphore, #tpu.memory_space<semaphore_mem>>) src(%arg10 : memref<128x128xf32, #tpu.memory_space<vmem>>) dst(%dma_wait3A_425 : memref<10240x128xf32, #tpu.memory_space<vmem_shared>>)
        tpu.yield
      }) : () -> ()
      %dma_start3A_359 = arith.constant 6 : i32
      %dma_start3A_360 = arith.constant 0 : i32
      %dma_start3A_361 = arith.constant 0 : i32
      %dma_start3A_362 = tpu.memref_slice %arg7[%dma_start3A_359, %dma_start3A_360, %dma_start3A_361] : memref<8x1x128xi32, #tpu.memory_space<vmem>> -> memref<1x1x128xi32, #tpu.memory_space<vmem>>
      %dma_start3A_363 = tpu.memref_squeeze %dma_start3A_362 : memref<1x1x128xi32, #tpu.memory_space<vmem>> -> memref<128xi32, #tpu.memory_space<vmem>>
      %dma_start3A_364 = arith.constant 0 : i32
      %dma_start3A_365 = arith.constant 0 : i32
      %dma_start3A_366 = tpu.memref_slice %arg4[%dma_start3A_364, %dma_start3A_365] : memref<10240x128xf32, #tpu.memory_space<hbm>> -> memref<10240x128xf32, #tpu.memory_space<hbm>>
      tpu.enqueue_indirect_dma source(%dma_start3A_366 : memref<10240x128xf32, #tpu.memory_space<hbm>>) target(%arg10 : memref<128x128xf32, #tpu.memory_space<vmem>>) offsets(%dma_start3A_363 : memref<128xi32, #tpu.memory_space<vmem>>) semaphore(%arg13 : memref<!tpu.dma_semaphore, #tpu.memory_space<semaphore_mem>>)
      %dma_wait3A_367 = arith.constant 0 : i32
      %dma_wait3A_368 = arith.constant 0 : i32
      %dma_wait3A_369 = tpu.memref_slice %arg4[%dma_wait3A_367, %dma_wait3A_368] : memref<10240x128xf32, #tpu.memory_space<hbm>> -> memref<128x128xf32, #tpu.memory_space<hbm>>
      %dma_wait3A_370 = arith.constant 0 : i32
      %dma_wait3A_371 = arith.constant 0 : i32
      %dma_wait3A_372 = tpu.memref_slice %arg4[%dma_wait3A_370, %dma_wait3A_371] : memref<10240x128xf32, #tpu.memory_space<hbm>> -> memref<128x128xf32, #tpu.memory_space<hbm>>
      tpu.wait_dma2 semaphore(%arg14 : memref<!tpu.dma_semaphore, #tpu.memory_space<semaphore_mem>>) src(%dma_wait3A_372 : memref<128x128xf32, #tpu.memory_space<hbm>>) dst(%arg11 : memref<128x128xf32, #tpu.memory_space<vmem>>)
      %run_scoped3A_373 = arith.constant 5 : i32
      %run_scoped3A_374 = arith.constant 0 : i32
      "tpu.region"() ({
        %run_scoped3A_413 = tpu.sem_alloc : memref<!tpu.dma_semaphore, #tpu.memory_space<semaphore_mem>>
        %dma_start3A_414 = arith.constant 0 : i32
        %dma_start3A_415 = tpu.memref_slice %arg9[%run_scoped3A_373, %run_scoped3A_374, %dma_start3A_414] : memref<8x1x128xi32, #tpu.memory_space<vmem>> -> memref<1x1x128xi32, #tpu.memory_space<vmem>>
        %dma_start3A_416 = tpu.memref_squeeze %dma_start3A_415 : memref<1x1x128xi32, #tpu.memory_space<vmem>> -> memref<128xi32, #tpu.memory_space<vmem>>
        %dma_start3A_417 = arith.constant 0 : i32
        %dma_start3A_418 = arith.constant 0 : i32
        %dma_start3A_419 = tpu.memref_slice %arg12[%dma_start3A_417, %dma_start3A_418] : memref<10240x128xf32, #tpu.memory_space<vmem_shared>> -> memref<10240x128xf32, #tpu.memory_space<vmem_shared>>
        tpu.enqueue_indirect_dma source(%arg11 : memref<128x128xf32, #tpu.memory_space<vmem>>) target(%dma_start3A_419 : memref<10240x128xf32, #tpu.memory_space<vmem_shared>>) offsets(%dma_start3A_416 : memref<128xi32, #tpu.memory_space<vmem>>) semaphore(%run_scoped3A_413 : memref<!tpu.dma_semaphore, #tpu.memory_space<semaphore_mem>>) {add = true}
        %dma_wait3A_420 = arith.constant 0 : i32
        %dma_wait3A_421 = tpu.memref_slice %arg9[%run_scoped3A_373, %run_scoped3A_374, %dma_wait3A_420] : memref<8x1x128xi32, #tpu.memory_space<vmem>> -> memref<1x1x128xi32, #tpu.memory_space<vmem>>
        %dma_wait3A_422 = tpu.memref_squeeze %dma_wait3A_421 : memref<1x1x128xi32, #tpu.memory_space<vmem>> -> memref<128xi32, #tpu.memory_space<vmem>>
        %dma_wait3A_423 = arith.constant 0 : i32
        %dma_wait3A_424 = arith.constant 0 : i32
        %dma_wait3A_425 = tpu.memref_slice %arg12[%dma_wait3A_423, %dma_wait3A_424] : memref<10240x128xf32, #tpu.memory_space<vmem_shared>> -> memref<10240x128xf32, #tpu.memory_space<vmem_shared>>
        tpu.wait_indirect_dma semaphore(%run_scoped3A_413 : memref<!tpu.dma_semaphore, #tpu.memory_space<semaphore_mem>>) src(%arg11 : memref<128x128xf32, #tpu.memory_space<vmem>>) dst(%dma_wait3A_425 : memref<10240x128xf32, #tpu.memory_space<vmem_shared>>)
        tpu.yield
      }) : () -> ()
      %dma_start3A_375 = arith.constant 7 : i32
      %dma_start3A_376 = arith.constant 0 : i32
      %dma_start3A_377 = arith.constant 0 : i32
      %dma_start3A_378 = tpu.memref_slice %arg7[%dma_start3A_375, %dma_start3A_376, %dma_start3A_377] : memref<8x1x128xi32, #tpu.memory_space<vmem>> -> memref<1x1x128xi32, #tpu.memory_space<vmem>>
      %dma_start3A_379 = tpu.memref_squeeze %dma_start3A_378 : memref<1x1x128xi32, #tpu.memory_space<vmem>> -> memref<128xi32, #tpu.memory_space<vmem>>
      %dma_start3A_380 = arith.constant 0 : i32
      %dma_start3A_381 = arith.constant 0 : i32
      %dma_start3A_382 = tpu.memref_slice %arg4[%dma_start3A_380, %dma_start3A_381] : memref<10240x128xf32, #tpu.memory_space<hbm>> -> memref<10240x128xf32, #tpu.memory_space<hbm>>
      tpu.enqueue_indirect_dma source(%dma_start3A_382 : memref<10240x128xf32, #tpu.memory_space<hbm>>) target(%arg11 : memref<128x128xf32, #tpu.memory_space<vmem>>) offsets(%dma_start3A_379 : memref<128xi32, #tpu.memory_space<vmem>>) semaphore(%arg14 : memref<!tpu.dma_semaphore, #tpu.memory_space<semaphore_mem>>)
      %dma_wait3A_383 = arith.constant 0 : i32
      %dma_wait3A_384 = arith.constant 0 : i32
      %dma_wait3A_385 = tpu.memref_slice %arg4[%dma_wait3A_383, %dma_wait3A_384] : memref<10240x128xf32, #tpu.memory_space<hbm>> -> memref<128x128xf32, #tpu.memory_space<hbm>>
      %dma_wait3A_386 = arith.constant 0 : i32
      %dma_wait3A_387 = arith.constant 0 : i32
      %dma_wait3A_388 = tpu.memref_slice %arg4[%dma_wait3A_386, %dma_wait3A_387] : memref<10240x128xf32, #tpu.memory_space<hbm>> -> memref<128x128xf32, #tpu.memory_space<hbm>>
      tpu.wait_dma2 semaphore(%arg13 : memref<!tpu.dma_semaphore, #tpu.memory_space<semaphore_mem>>) src(%dma_wait3A_388 : memref<128x128xf32, #tpu.memory_space<hbm>>) dst(%arg10 : memref<128x128xf32, #tpu.memory_space<vmem>>)
      %run_scoped3A_389 = arith.constant 6 : i32
      %run_scoped3A_390 = arith.constant 0 : i32
      "tpu.region"() ({
        %run_scoped3A_413 = tpu.sem_alloc : memref<!tpu.dma_semaphore, #tpu.memory_space<semaphore_mem>>
        %dma_start3A_414 = arith.constant 0 : i32
        %dma_start3A_415 = tpu.memref_slice %arg9[%run_scoped3A_389, %run_scoped3A_390, %dma_start3A_414] : memref<8x1x128xi32, #tpu.memory_space<vmem>> -> memref<1x1x128xi32, #tpu.memory_space<vmem>>
        %dma_start3A_416 = tpu.memref_squeeze %dma_start3A_415 : memref<1x1x128xi32, #tpu.memory_space<vmem>> -> memref<128xi32, #tpu.memory_space<vmem>>
        %dma_start3A_417 = arith.constant 0 : i32
        %dma_start3A_418 = arith.constant 0 : i32
        %dma_start3A_419 = tpu.memref_slice %arg12[%dma_start3A_417, %dma_start3A_418] : memref<10240x128xf32, #tpu.memory_space<vmem_shared>> -> memref<10240x128xf32, #tpu.memory_space<vmem_shared>>
        tpu.enqueue_indirect_dma source(%arg10 : memref<128x128xf32, #tpu.memory_space<vmem>>) target(%dma_start3A_419 : memref<10240x128xf32, #tpu.memory_space<vmem_shared>>) offsets(%dma_start3A_416 : memref<128xi32, #tpu.memory_space<vmem>>) semaphore(%run_scoped3A_413 : memref<!tpu.dma_semaphore, #tpu.memory_space<semaphore_mem>>) {add = true}
        %dma_wait3A_420 = arith.constant 0 : i32
        %dma_wait3A_421 = tpu.memref_slice %arg9[%run_scoped3A_389, %run_scoped3A_390, %dma_wait3A_420] : memref<8x1x128xi32, #tpu.memory_space<vmem>> -> memref<1x1x128xi32, #tpu.memory_space<vmem>>
        %dma_wait3A_422 = tpu.memref_squeeze %dma_wait3A_421 : memref<1x1x128xi32, #tpu.memory_space<vmem>> -> memref<128xi32, #tpu.memory_space<vmem>>
        %dma_wait3A_423 = arith.constant 0 : i32
        %dma_wait3A_424 = arith.constant 0 : i32
        %dma_wait3A_425 = tpu.memref_slice %arg12[%dma_wait3A_423, %dma_wait3A_424] : memref<10240x128xf32, #tpu.memory_space<vmem_shared>> -> memref<10240x128xf32, #tpu.memory_space<vmem_shared>>
        tpu.wait_indirect_dma semaphore(%run_scoped3A_413 : memref<!tpu.dma_semaphore, #tpu.memory_space<semaphore_mem>>) src(%arg10 : memref<128x128xf32, #tpu.memory_space<vmem>>) dst(%dma_wait3A_425 : memref<10240x128xf32, #tpu.memory_space<vmem_shared>>)
        tpu.yield
      }) : () -> ()
      %add3A_391 = arith.constant 1 : i32
      %add3A_392 = arith.addi %add3A_278, %add3A_391 : i32
      %lt3A_393 = arith.constant 10 : i32
      %lt3A_394 = arith.cmpi slt, %add3A_392, %lt3A_393 : i32
      %convert_element_type3A_395 = arith.extui %lt3A_394 : i1 to i32
      %cond3A_396 = arith.constant 0 : i32
      %cond3A_397 = arith.cmpi ne, %convert_element_type3A_395, %cond3A_396 : i32
      scf.if %cond3A_397 {
        %dma_wait3A_413 = arith.constant 0 : i32
        %dma_wait3A_414 = arith.constant 0 : i32
        %dma_wait3A_415 = arith.constant 0 : i32
        %dma_wait3A_416 = tpu.memref_slice %arg2[%dma_wait3A_413, %dma_wait3A_414, %dma_wait3A_415] : memref<2560x1x128xi32, #tpu.memory_space<hbm>> -> memref<8x1x128xi32, #tpu.memory_space<hbm>>
        %dma_wait3A_417 = arith.constant 0 : i32
        %dma_wait3A_418 = arith.constant 0 : i32
        %dma_wait3A_419 = arith.constant 0 : i32
        %dma_wait3A_420 = tpu.memref_slice %arg2[%dma_wait3A_417, %dma_wait3A_418, %dma_wait3A_419] : memref<2560x1x128xi32, #tpu.memory_space<hbm>> -> memref<8x1x128xi32, #tpu.memory_space<hbm>>
        tpu.wait_dma2 semaphore(%arg15 : memref<!tpu.dma_semaphore, #tpu.memory_space<semaphore_mem>>) src(%dma_wait3A_420 : memref<8x1x128xi32, #tpu.memory_space<hbm>>) dst(%arg6 : memref<8x1x128xi32, #tpu.memory_space<vmem>>)
        %dma_wait3A_421 = arith.constant 0 : i32
        %dma_wait3A_422 = arith.constant 0 : i32
        %dma_wait3A_423 = arith.constant 0 : i32
        %dma_wait3A_424 = tpu.memref_slice %arg2[%dma_wait3A_421, %dma_wait3A_422, %dma_wait3A_423] : memref<2560x1x128xi32, #tpu.memory_space<hbm>> -> memref<8x1x128xi32, #tpu.memory_space<hbm>>
        %dma_wait3A_425 = arith.constant 0 : i32
        %dma_wait3A_426 = arith.constant 0 : i32
        %dma_wait3A_427 = arith.constant 0 : i32
        %dma_wait3A_428 = tpu.memref_slice %arg2[%dma_wait3A_425, %dma_wait3A_426, %dma_wait3A_427] : memref<2560x1x128xi32, #tpu.memory_space<hbm>> -> memref<8x1x128xi32, #tpu.memory_space<hbm>>
        tpu.wait_dma2 semaphore(%arg15 : memref<!tpu.dma_semaphore, #tpu.memory_space<semaphore_mem>>) src(%dma_wait3A_428 : memref<8x1x128xi32, #tpu.memory_space<hbm>>) dst(%arg8 : memref<8x1x128xi32, #tpu.memory_space<vmem>>)
        %dma_start3A_429 = arith.constant 0 : i32
        %dma_start3A_430 = arith.constant 0 : i32
        %dma_start3A_431 = arith.constant 0 : i32
        %dma_start3A_432 = tpu.memref_slice %arg6[%dma_start3A_429, %dma_start3A_430, %dma_start3A_431] : memref<8x1x128xi32, #tpu.memory_space<vmem>> -> memref<1x1x128xi32, #tpu.memory_space<vmem>>
        %dma_start3A_433 = tpu.memref_squeeze %dma_start3A_432 : memref<1x1x128xi32, #tpu.memory_space<vmem>> -> memref<128xi32, #tpu.memory_space<vmem>>
        %dma_start3A_434 = arith.constant 0 : i32
        %dma_start3A_435 = arith.constant 0 : i32
        %dma_start3A_436 = tpu.memref_slice %arg4[%dma_start3A_434, %dma_start3A_435] : memref<10240x128xf32, #tpu.memory_space<hbm>> -> memref<10240x128xf32, #tpu.memory_space<hbm>>
        tpu.enqueue_indirect_dma source(%dma_start3A_436 : memref<10240x128xf32, #tpu.memory_space<hbm>>) target(%arg10 : memref<128x128xf32, #tpu.memory_space<vmem>>) offsets(%dma_start3A_433 : memref<128xi32, #tpu.memory_space<vmem>>) semaphore(%arg13 : memref<!tpu.dma_semaphore, #tpu.memory_space<semaphore_mem>>)
      } else {
      }
      %dma_wait3A_398 = arith.constant 0 : i32
      %dma_wait3A_399 = arith.constant 0 : i32
      %dma_wait3A_400 = tpu.memref_slice %arg4[%dma_wait3A_398, %dma_wait3A_399] : memref<10240x128xf32, #tpu.memory_space<hbm>> -> memref<128x128xf32, #tpu.memory_space<hbm>>
      %dma_wait3A_401 = arith.constant 0 : i32
      %dma_wait3A_402 = arith.constant 0 : i32
      %dma_wait3A_403 = tpu.memref_slice %arg4[%dma_wait3A_401, %dma_wait3A_402] : memref<10240x128xf32, #tpu.memory_space<hbm>> -> memref<128x128xf32, #tpu.memory_space<hbm>>
      tpu.wait_dma2 semaphore(%arg14 : memref<!tpu.dma_semaphore, #tpu.memory_space<semaphore_mem>>) src(%dma_wait3A_403 : memref<128x128xf32, #tpu.memory_space<hbm>>) dst(%arg11 : memref<128x128xf32, #tpu.memory_space<vmem>>)
      %run_scoped3A_404 = arith.constant 7 : i32
      %run_scoped3A_405 = arith.constant 0 : i32
      "tpu.region"() ({
        %run_scoped3A_413 = tpu.sem_alloc : memref<!tpu.dma_semaphore, #tpu.memory_space<semaphore_mem>>
        %dma_start3A_414 = arith.constant 0 : i32
        %dma_start3A_415 = tpu.memref_slice %arg9[%run_scoped3A_404, %run_scoped3A_405, %dma_start3A_414] : memref<8x1x128xi32, #tpu.memory_space<vmem>> -> memref<1x1x128xi32, #tpu.memory_space<vmem>>
        %dma_start3A_416 = tpu.memref_squeeze %dma_start3A_415 : memref<1x1x128xi32, #tpu.memory_space<vmem>> -> memref<128xi32, #tpu.memory_space<vmem>>
        %dma_start3A_417 = arith.constant 0 : i32
        %dma_start3A_418 = arith.constant 0 : i32
        %dma_start3A_419 = tpu.memref_slice %arg12[%dma_start3A_417, %dma_start3A_418] : memref<10240x128xf32, #tpu.memory_space<vmem_shared>> -> memref<10240x128xf32, #tpu.memory_space<vmem_shared>>
        tpu.enqueue_indirect_dma source(%arg11 : memref<128x128xf32, #tpu.memory_space<vmem>>) target(%dma_start3A_419 : memref<10240x128xf32, #tpu.memory_space<vmem_shared>>) offsets(%dma_start3A_416 : memref<128xi32, #tpu.memory_space<vmem>>) semaphore(%run_scoped3A_413 : memref<!tpu.dma_semaphore, #tpu.memory_space<semaphore_mem>>) {add = true}
        %dma_wait3A_420 = arith.constant 0 : i32
        %dma_wait3A_421 = tpu.memref_slice %arg9[%run_scoped3A_404, %run_scoped3A_405, %dma_wait3A_420] : memref<8x1x128xi32, #tpu.memory_space<vmem>> -> memref<1x1x128xi32, #tpu.memory_space<vmem>>
        %dma_wait3A_422 = tpu.memref_squeeze %dma_wait3A_421 : memref<1x1x128xi32, #tpu.memory_space<vmem>> -> memref<128xi32, #tpu.memory_space<vmem>>
        %dma_wait3A_423 = arith.constant 0 : i32
        %dma_wait3A_424 = arith.constant 0 : i32
        %dma_wait3A_425 = tpu.memref_slice %arg12[%dma_wait3A_423, %dma_wait3A_424] : memref<10240x128xf32, #tpu.memory_space<vmem_shared>> -> memref<10240x128xf32, #tpu.memory_space<vmem_shared>>
        tpu.wait_indirect_dma semaphore(%run_scoped3A_413 : memref<!tpu.dma_semaphore, #tpu.memory_space<semaphore_mem>>) src(%arg11 : memref<128x128xf32, #tpu.memory_space<vmem>>) dst(%dma_wait3A_425 : memref<10240x128xf32, #tpu.memory_space<vmem_shared>>)
        tpu.yield
      }) : () -> ()
      %add3A_406 = arith.constant 2 : i32
      %add3A_407 = arith.addi %add3A_278, %add3A_406 : i32
      %lt3A_408 = arith.constant 10 : i32
      %lt3A_409 = arith.cmpi slt, %add3A_407, %lt3A_408 : i32
      %convert_element_type3A_410 = arith.extui %lt3A_409 : i1 to i32
      %cond3A_411 = arith.constant 0 : i32
      %cond3A_412 = arith.cmpi ne, %convert_element_type3A_410, %cond3A_411 : i32
      scf.if %cond3A_412 {
        %add3A_413 = arith.constant 2 : i32
        %add3A_414 = arith.addi %add3A_278, %add3A_413 : i32
        %mul3A_415 = arith.constant 8 : i32
        %mul3A_416 = arith.muli %add3A_414, %mul3A_415 : i32
        %add3A_417 = arith.addi %mul3A_2, %mul3A_416 : i32
        %dma_start3A_418 = arith.constant 0 : i32
        %dma_start3A_419 = arith.constant 0 : i32
        %dma_start3A_420 = tpu.memref_slice %arg2[%add3A_417, %dma_start3A_418, %dma_start3A_419] : memref<2560x1x128xi32, #tpu.memory_space<hbm>> -> memref<8x1x128xi32, #tpu.memory_space<hbm>>
        %dma_start3A_421 = arith.constant 0 : i32
        %dma_start3A_422 = arith.constant 0 : i32
        %dma_start3A_423 = tpu.memref_slice %arg2[%add3A_417, %dma_start3A_421, %dma_start3A_422] : memref<2560x1x128xi32, #tpu.memory_space<hbm>> -> memref<8x1x128xi32, #tpu.memory_space<hbm>>
        tpu.enqueue_dma source(%dma_start3A_423 : memref<8x1x128xi32, #tpu.memory_space<hbm>>) target(%arg7 : memref<8x1x128xi32, #tpu.memory_space<vmem>>) target_semaphore(%arg16 : memref<!tpu.dma_semaphore, #tpu.memory_space<semaphore_mem>>)
        %dma_start3A_424 = arith.constant 0 : i32
        %dma_start3A_425 = arith.constant 0 : i32
        %dma_start3A_426 = tpu.memref_slice %arg3[%add3A_417, %dma_start3A_424, %dma_start3A_425] : memref<2560x1x128xi32, #tpu.memory_space<hbm>> -> memref<8x1x128xi32, #tpu.memory_space<hbm>>
        %dma_start3A_427 = arith.constant 0 : i32
        %dma_start3A_428 = arith.constant 0 : i32
        %dma_start3A_429 = tpu.memref_slice %arg3[%add3A_417, %dma_start3A_427, %dma_start3A_428] : memref<2560x1x128xi32, #tpu.memory_space<hbm>> -> memref<8x1x128xi32, #tpu.memory_space<hbm>>
        tpu.enqueue_dma source(%dma_start3A_429 : memref<8x1x128xi32, #tpu.memory_space<hbm>>) target(%arg9 : memref<8x1x128xi32, #tpu.memory_space<vmem>>) target_semaphore(%arg16 : memref<!tpu.dma_semaphore, #tpu.memory_space<semaphore_mem>>)
      } else {
      }
    }
    %scan3A_133 = arith.constant 5 : i32
    %barrier3A_134 = arith.constant 0 : index
    tpu.barrier barrier_id(%barrier3A_134)
    %mul3A_135 = arith.constant 10240 : i32
    %mul3A_136 = arith.muli %arg0, %mul3A_135 : i32
    %mul3A_137 = arith.constant 640 : i32
    %mul3A_138 = arith.muli %arg1, %mul3A_137 : i32
    %add3A_139 = arith.addi %mul3A_136, %mul3A_138 : i32
    %mul3A_140 = arith.constant 640 : i32
    %mul3A_141 = arith.muli %arg1, %mul3A_140 : i32
    "tpu.region"() ({
      %run_scoped3A = tpu.sem_alloc : memref<!tpu.dma_semaphore, #tpu.memory_space<semaphore_mem>>
      %dma_start3A_142 = arith.constant 0 : i32
      %dma_start3A_143 = tpu.memref_slice %arg5[%add3A_139, %dma_start3A_142] : memref<20480x128xf32, #tpu.memory_space<hbm>> -> memref<640x128xf32, #tpu.memory_space<hbm>>
      %dma_start3A_144 = arith.constant 0 : i32
      %dma_start3A_145 = tpu.memref_slice %arg12[%mul3A_141, %dma_start3A_144] : memref<10240x128xf32, #tpu.memory_space<vmem_shared>> -> memref<640x128xf32, #tpu.memory_space<vmem_shared>>
      tpu.enqueue_dma source(%dma_start3A_145 : memref<640x128xf32, #tpu.memory_space<vmem_shared>>) target(%dma_start3A_143 : memref<640x128xf32, #tpu.memory_space<hbm>>) target_semaphore(%run_scoped3A : memref<!tpu.dma_semaphore, #tpu.memory_space<semaphore_mem>>)
      %dma_wait3A_146 = arith.constant 0 : i32
      %dma_wait3A_147 = tpu.memref_slice %arg5[%add3A_139, %dma_wait3A_146] : memref<20480x128xf32, #tpu.memory_space<hbm>> -> memref<640x128xf32, #tpu.memory_space<hbm>>
      %dma_wait3A_148 = arith.constant 0 : i32
      %dma_wait3A_149 = tpu.memref_slice %arg12[%mul3A_141, %dma_wait3A_148] : memref<10240x128xf32, #tpu.memory_space<vmem_shared>> -> memref<640x128xf32, #tpu.memory_space<vmem_shared>>
      tpu.wait_dma2 semaphore(%run_scoped3A : memref<!tpu.dma_semaphore, #tpu.memory_space<semaphore_mem>>) src(%dma_wait3A_149 : memref<640x128xf32, #tpu.memory_space<vmem_shared>>) dst(%dma_wait3A_147 : memref<640x128xf32, #tpu.memory_space<hbm>>)
      tpu.yield
    }) : () -> ()
    return
  }
}

module attributes {stable_mosaic.version = 14 : i64} {
  func.func @_tc_a_body(%arg0: memref<10240x128xf32, #tpu.memory_space<vmem>>, %arg1: memref<20480xf32, #tpu.memory_space<vmem>>, %arg2: memref<20480xf32, #tpu.memory_space<vmem>>, %arg3: memref<10240x128xf32, #tpu.memory_space<vmem>>, %arg4: memref<10240xf32, #tpu.memory_space<vmem>>, %arg5: memref<10240xf32, #tpu.memory_space<vmem>>) attributes {dimension_semantics = [], scalar_prefetch = 0 : i64, scratch_operands = 0 : i64, tpu.core_type = #tpu.core_type<tc>} {
    %get3A = arith.constant 0 : index
    %get3A_0 = vector.load %arg1[%get3A] : memref<20480xf32, #tpu.memory_space<vmem>>, vector<20480xf32>
    %slice3A = vector.extract_strided_slice %get3A_0 {offsets = [0], sizes = [10240], strides = [1]} : vector<20480xf32> to vector<10240xf32>
    %get3A_1 = arith.constant 0 : index
    %get3A_2 = vector.load %arg1[%get3A_1] : memref<20480xf32, #tpu.memory_space<vmem>>, vector<20480xf32>
    %slice3A_3 = vector.extract_strided_slice %get3A_2 {offsets = [10240], sizes = [10240], strides = [1]} : vector<20480xf32> to vector<10240xf32>
    %add3A = arith.addf %slice3A, %slice3A_3 : vector<10240xf32>
    %get3A_4 = arith.constant 0 : index
    %get3A_5 = vector.load %arg2[%get3A_4] : memref<20480xf32, #tpu.memory_space<vmem>>, vector<20480xf32>
    %slice3A_6 = vector.extract_strided_slice %get3A_5 {offsets = [0], sizes = [10240], strides = [1]} : vector<20480xf32> to vector<10240xf32>
    %get3A_7 = arith.constant 0 : index
    %get3A_8 = vector.load %arg2[%get3A_7] : memref<20480xf32, #tpu.memory_space<vmem>>, vector<20480xf32>
    %slice3A_9 = vector.extract_strided_slice %get3A_8 {offsets = [10240], sizes = [10240], strides = [1]} : vector<20480xf32> to vector<10240xf32>
    %add3A_10 = arith.addf %slice3A_6, %slice3A_9 : vector<10240xf32>
    %max3A = arith.constant 1.000000e+00 : f32
    %max3A_11 = vector.broadcast %max3A : f32 to vector<10240xf32>
    %max3A_12 = arith.maximumf %add3A, %max3A_11 : vector<10240xf32>
    %rsqrt3A = math.rsqrt %max3A_12 : vector<10240xf32>
    %max3A_13 = arith.constant 1.000000e+00 : f32
    %max3A_14 = vector.broadcast %max3A_13 : f32 to vector<10240xf32>
    %max3A_15 = arith.maximumf %add3A_10, %max3A_14 : vector<10240xf32>
    %rsqrt3A_16 = math.rsqrt %max3A_15 : vector<10240xf32>
    %swap3A = arith.constant 0 : index
    %swap3A_17 = vector.load %arg4[%swap3A] : memref<10240xf32, #tpu.memory_space<vmem>>, vector<10240xf32>
    tpu.vector_store %arg4[%swap3A], %rsqrt3A_16 {strides = array<i32>} : memref<10240xf32, #tpu.memory_space<vmem>>, vector<10240xf32>,
    %swap3A_18 = arith.constant 0 : index
    %swap3A_19 = vector.load %arg5[%swap3A_18] : memref<10240xf32, #tpu.memory_space<vmem>>, vector<10240xf32>
    tpu.vector_store %arg5[%swap3A_18], %rsqrt3A {strides = array<i32>} : memref<10240xf32, #tpu.memory_space<vmem>>, vector<10240xf32>,
    %get3A_20 = arith.constant 0 : index
    %get3A_21 = arith.constant 0 : index
    %get3A_22 = vector.load %arg0[%get3A_20, %get3A_21] : memref<10240x128xf32, #tpu.memory_space<vmem>>, vector<10240x128xf32>
    %broadcast_in_dim3A = vector.shape_cast %rsqrt3A : vector<10240xf32> to vector<10240x1xf32>
    %mul3A = vector.broadcast %broadcast_in_dim3A : vector<10240x1xf32> to vector<10240x128xf32>
    %mul3A_23 = arith.mulf %get3A_22, %mul3A : vector<10240x128xf32>
    %swap3A_24 = arith.constant 0 : index
    %swap3A_25 = arith.constant 0 : index
    %swap3A_26 = vector.load %arg3[%swap3A_24, %swap3A_25] : memref<10240x128xf32, #tpu.memory_space<vmem>>, vector<10240x128xf32>
    tpu.vector_store %arg3[%swap3A_24, %swap3A_25], %mul3A_23 {strides = array<i32>} : memref<10240x128xf32, #tpu.memory_space<vmem>>, vector<10240x128xf32>,
    return
  }
}

module attributes {stable_mosaic.version = 14 : i64} {
  func.func @_tc_b_body(%arg0: memref<20480x128xf32, #tpu.memory_space<vmem>>, %arg1: memref<10240xf32, #tpu.memory_space<vmem>>, %arg2: memref<10240xf32, #tpu.memory_space<vmem>>, %arg3: memref<10240x128xf32, #tpu.memory_space<vmem>>) attributes {dimension_semantics = [], scalar_prefetch = 0 : i64, scratch_operands = 0 : i64, tpu.core_type = #tpu.core_type<tc>} {
    %get3A = arith.constant 0 : index
    %get3A_0 = arith.constant 0 : index
    %get3A_1 = vector.load %arg0[%get3A, %get3A_0] : memref<20480x128xf32, #tpu.memory_space<vmem>>, vector<20480x128xf32>
    %slice3A = vector.extract_strided_slice %get3A_1 {offsets = [0, 0], sizes = [10240, 128], strides = [1, 1]} : vector<20480x128xf32> to vector<10240x128xf32>
    %get3A_2 = arith.constant 0 : index
    %get3A_3 = arith.constant 0 : index
    %get3A_4 = vector.load %arg0[%get3A_2, %get3A_3] : memref<20480x128xf32, #tpu.memory_space<vmem>>, vector<20480x128xf32>
    %slice3A_5 = vector.extract_strided_slice %get3A_4 {offsets = [10240, 0], sizes = [10240, 128], strides = [1, 1]} : vector<20480x128xf32> to vector<10240x128xf32>
    %add3A = arith.addf %slice3A, %slice3A_5 : vector<10240x128xf32>
    %get3A_6 = arith.constant 0 : index
    %get3A_7 = vector.load %arg1[%get3A_6] : memref<10240xf32, #tpu.memory_space<vmem>>, vector<10240xf32>
    %broadcast_in_dim3A = vector.shape_cast %get3A_7 : vector<10240xf32> to vector<10240x1xf32>
    %mul3A = vector.broadcast %broadcast_in_dim3A : vector<10240x1xf32> to vector<10240x128xf32>
    %mul3A_8 = arith.mulf %add3A, %mul3A : vector<10240x128xf32>
    %max3A = arith.constant 0.000000e+00 : f32
    %max3A_9 = vector.broadcast %max3A : f32 to vector<10240x128xf32>
    %max3A_10 = arith.maximumf %mul3A_8, %max3A_9 : vector<10240x128xf32>
    %get3A_11 = arith.constant 0 : index
    %get3A_12 = vector.load %arg2[%get3A_11] : memref<10240xf32, #tpu.memory_space<vmem>>, vector<10240xf32>
    %broadcast_in_dim3A_13 = vector.shape_cast %get3A_12 : vector<10240xf32> to vector<10240x1xf32>
    %mul3A_14 = vector.broadcast %broadcast_in_dim3A_13 : vector<10240x1xf32> to vector<10240x128xf32>
    %mul3A_15 = arith.mulf %max3A_10, %mul3A_14 : vector<10240x128xf32>
    %swap3A = arith.constant 0 : index
    %swap3A_16 = arith.constant 0 : index
    %swap3A_17 = vector.load %arg3[%swap3A, %swap3A_16] : memref<10240x128xf32, #tpu.memory_space<vmem>>, vector<10240x128xf32>
    tpu.vector_store %arg3[%swap3A, %swap3A_16], %mul3A_15 {strides = array<i32>} : memref<10240x128xf32, #tpu.memory_space<vmem>>, vector<10240x128xf32>,
    return
  }
}

module attributes {stable_mosaic.version = 14 : i64} {
  func.func @_tc_c_body(%arg0: memref<20480x128xf32, #tpu.memory_space<vmem>>, %arg1: memref<10240xf32, #tpu.memory_space<vmem>>, %arg2: memref<10240xf32, #tpu.memory_space<vmem>>, %arg3: memref<20480xf32, #tpu.memory_space<vmem>>, %arg4: memref<128x128xf32, #tpu.memory_space<vmem>>, %arg5: memref<128x128xf32, #tpu.memory_space<vmem>>, %arg6: memref<1x128xf32, #tpu.memory_space<vmem>>) attributes {dimension_semantics = [], scalar_prefetch = 0 : i64, scratch_operands = 0 : i64, tpu.core_type = #tpu.core_type<tc>} {
    %get3A = arith.constant 0 : index
    %get3A_0 = arith.constant 0 : index
    %get3A_1 = vector.load %arg0[%get3A, %get3A_0] : memref<20480x128xf32, #tpu.memory_space<vmem>>, vector<20480x128xf32>
    %slice3A = vector.extract_strided_slice %get3A_1 {offsets = [0, 0], sizes = [10240, 128], strides = [1, 1]} : vector<20480x128xf32> to vector<10240x128xf32>
    %get3A_2 = arith.constant 0 : index
    %get3A_3 = arith.constant 0 : index
    %get3A_4 = vector.load %arg0[%get3A_2, %get3A_3] : memref<20480x128xf32, #tpu.memory_space<vmem>>, vector<20480x128xf32>
    %slice3A_5 = vector.extract_strided_slice %get3A_4 {offsets = [10240, 0], sizes = [10240, 128], strides = [1, 1]} : vector<20480x128xf32> to vector<10240x128xf32>
    %add3A = arith.addf %slice3A, %slice3A_5 : vector<10240x128xf32>
    %get3A_6 = arith.constant 0 : index
    %get3A_7 = vector.load %arg1[%get3A_6] : memref<10240xf32, #tpu.memory_space<vmem>>, vector<10240xf32>
    %broadcast_in_dim3A = vector.shape_cast %get3A_7 : vector<10240xf32> to vector<10240x1xf32>
    %mul3A = vector.broadcast %broadcast_in_dim3A : vector<10240x1xf32> to vector<10240x128xf32>
    %mul3A_8 = arith.mulf %add3A, %mul3A : vector<10240x128xf32>
    %get3A_9 = arith.constant 0 : index
    %get3A_10 = arith.constant 0 : index
    %get3A_11 = vector.load %arg4[%get3A_9, %get3A_10] : memref<128x128xf32, #tpu.memory_space<vmem>>, vector<128x128xf32>
    %dot_general3A = arith.constant dense<0.000000e+00> : vector<10240x128xf32>
    %dot_general3A_12 = tpu.matmul %mul3A_8, %get3A_11, %dot_general3A {dimension_numbers = #tpu.dot_dimension_numbers<[1], [0], [0], [1], [0, 0, 1, 1], [], []>, transpose_lhs_hint = false} : vector<10240x128xf32>, vector<128x128xf32>, vector<10240x128xf32> -> vector<10240x128xf32>
    %max3A = arith.constant 0.000000e+00 : f32
    %max3A_13 = vector.broadcast %max3A : f32 to vector<10240x128xf32>
    %max3A_14 = arith.maximumf %dot_general3A_12, %max3A_13 : vector<10240x128xf32>
    %get3A_15 = arith.constant 0 : index
    %get3A_16 = vector.load %arg3[%get3A_15] : memref<20480xf32, #tpu.memory_space<vmem>>, vector<20480xf32>
    %slice3A_17 = vector.extract_strided_slice %get3A_16 {offsets = [0], sizes = [10240], strides = [1]} : vector<20480xf32> to vector<10240xf32>
    %get3A_18 = arith.constant 0 : index
    %get3A_19 = vector.load %arg3[%get3A_18] : memref<20480xf32, #tpu.memory_space<vmem>>, vector<20480xf32>
    %slice3A_20 = vector.extract_strided_slice %get3A_19 {offsets = [10240], sizes = [10240], strides = [1]} : vector<20480xf32> to vector<10240xf32>
    %add3A_21 = arith.addf %slice3A_17, %slice3A_20 : vector<10240xf32>
    %get3A_22 = arith.constant 0 : index
    %get3A_23 = vector.load %arg2[%get3A_22] : memref<10240xf32, #tpu.memory_space<vmem>>, vector<10240xf32>
    %mul3A_24 = arith.mulf %add3A_21, %get3A_23 : vector<10240xf32>
    %iota3A = tpu.iota {dimensions = array<i32: 1>} : vector<1x10240xi32>
    %iota3A_25 = vector.shape_cast %iota3A : vector<1x10240xi32> to vector<10240xi32>
    %lt3A = arith.constant 10000 : i32
    %lt3A_26 = vector.broadcast %lt3A : i32 to vector<10240xi32>
    %lt3A_27 = arith.cmpi slt, %iota3A_25, %lt3A_26 : vector<10240xi32>
    %jit3A = arith.constant 0.000000e+00 : f32
    %broadcast_in_dim3A_28 = vector.broadcast %jit3A : f32 to vector<10240xf32>
    %select_n3A = arith.select %lt3A_27, %mul3A_24, %broadcast_in_dim3A_28 : vector<10240xi1>, vector<10240xf32>
    %broadcast_in_dim3A_29 = vector.shape_cast %select_n3A : vector<10240xf32> to vector<10240x1xf32>
    %mul3A_30 = vector.broadcast %broadcast_in_dim3A_29 : vector<10240x1xf32> to vector<10240x128xf32>
    %mul3A_31 = arith.mulf %max3A_14, %mul3A_30 : vector<10240x128xf32>
    %reduce_sum3A = arith.constant dense<0.000000e+00> : vector<128xf32>
    %reduce_sum3A_32 = vector.multi_reduction <add>, %mul3A_31, %reduce_sum3A [0] : vector<10240x128xf32> to vector<128xf32>
    %broadcast_in_dim3A_33 = vector.shape_cast %reduce_sum3A_32 : vector<128xf32> to vector<1x128xf32>
    %get3A_34 = arith.constant 0 : index
    %get3A_35 = arith.constant 0 : index
    %get3A_36 = vector.load %arg5[%get3A_34, %get3A_35] : memref<128x128xf32, #tpu.memory_space<vmem>>, vector<128x128xf32>
    %dot_general3A_37 = arith.constant dense<0.000000e+00> : vector<1x128xf32>
    %dot_general3A_38 = tpu.matmul %broadcast_in_dim3A_33, %get3A_36, %dot_general3A_37 {dimension_numbers = #tpu.dot_dimension_numbers<[1], [0], [0], [1], [0, 0, 1, 1], [], []>, transpose_lhs_hint = false} : vector<1x128xf32>, vector<128x128xf32>, vector<1x128xf32> -> vector<1x128xf32>
    %swap3A = arith.constant 0 : index
    %swap3A_39 = arith.constant 0 : index
    %swap3A_40 = vector.load %arg6[%swap3A, %swap3A_39] : memref<1x128xf32, #tpu.memory_space<vmem>>, vector<1x128xf32>
    tpu.vector_store %arg6[%swap3A, %swap3A_39], %dot_general3A_38 {strides = array<i32>} : memref<1x128xf32, #tpu.memory_space<vmem>>, vector<1x128xf32>,
    return
  }
}

</mosaic_0001>

<sc_bundles>
// kernel: kernel.11.cloned.1.call-start
scs
__scs_entry_jumppad:
0x0: {  	(pc) =	sbr.rel $0x88, $3  }
0x1: {  	(tag) =	ssettag $0x0;
	lr =	simm.s32 $0x1  }
0x2: {  	[smem:$0x3F9C] =	sst lr;
	_ =	strace $0xD0000000  }
0x3: {  	_ = 	snop  }
0x4: {  	_ = 	snop  }
0x5: {  	_ = 	snop  }
0x6: {  	_ = 	snop  }
0x7: {  	_ = 	snop  }
__scs_overlays_trampoline_lowered:
0x8: {  	[smem:$0x3FAB] =	sst s0  }
0x9: {  	[smem:$0x3FAC] =	sst s1  }
0xa: {  	[smem:$0x3FAD] =	sst s2  }
0xb: {  	[smem:$0x3FAE] =	sst s3  }
0xc: {  	[smem:$0x3FAF] =	sst s4  }
0xd: {  	[smem:$0x3FB0] =	sst s5  }
0xe: {  	[smem:$0x3FB1] =	sst s6  }
0xf: {  	[smem:$0x3FB2] =	sst s7  }
0x10: {  	[smem:$0x3FB3] =	sst s8  }
0x11: {  	[smem:$0x3FB4] =	sst s9;
	s0 =	simm.s32 @!p0 $0x0  }
0x12: {  	s1 =	sld [smem:$0x3F9A];
	s0 =	simm.s32 @p0 $0x1  }
0x13: {  	[smem:$0x3FB5] =	sst s0;
	s0 =	simm.s32 @!p1 $0x0  }
0x14: {  	s2 =	sld [smem:$0x3F99];
	s0 =	simm.s32 @p1 $0x1  }
0x15: {  	[smem:$0x3FB6] =	sst s0;
	s0 =	simm.s32 @!p2 $0x0  }
0x16: {  	s3 =	sld [smem:$0x3FDB];
	s0 =	simm.s32 @p2 $0x1  }
0x17: {  	s4 =	simm.s32 $0x1BF5;
	[smem:$0x3FB8] =	sst s0  }
0x18: {  	s0 =	sld [smem:$0x3F9B];
	_ =	swait.ge [sflag:s4], $0x0  }
0x19: {  	s7 =	sld [smem:$0x3F9C]  }
0x1a: {  	s8 =	sadd.s32 $0xFFFFE003, lr  }
0x1b: {  	s9 =	sadd.s32 $0xFFFFFEF7, lr;
	s5 =	simm.s32 $0xFFFFFFFF;
	p2 =	slt.u32 s8, $0xFFFFF086  }
0x1c: {  	p1 =	slt.u32 s9, $0xF7A;
	s5 =	simm.s32 @!p2 $0x0  }
0x1d: {  	s5 =	simm.s32 @p1 $0x1;
	p0 =	seq.s32 s7, s2  }
0x1e: {  	s7 =	smul.u32 @!p0 $0xF7A, s2;
	p2 =	seq.s32 @!p0 s5, $0x0  }
0x1f: {  	s9 =	smul.u32 $0xF7A, s1;
	s8 =	simm.s32 @!p0 $0x1BF5;
	p2 =	por !p2, p0  }
0x20: {  	[sflag:s8] =	ssyncset.s32 @!p0 $0xFFFFF086;
	s6 =	sadd.s32 @!p0 s3, s7;
	s7 =	simm.s32 @!p0 $0x108  }
0x21: {  	s3 =	sadd.s32 s3, s9;
	s6 =	sadd.s32 @!p0 $0x88, s6;
	s7 =	simm.s32 @p2 $0x1082  }
0x22: {  	[simem:s7], [sflag:s8] =	dma.local @!p0 [hbm:s6], $0xF7A  }
0x23: {  	s9 =	sor.u32 $0xD0000000, s2;
	s6 =	simm.s32 $0x108;
	_ =	swait.ge @!p0 [sflag:s8], $0x0  }
0x24: {  	s3 =	sadd.s32 $0x88, s3;
	s6 =	simm.s32 @!p1 $0x1082;
	[sflag:s4] =	ssyncset.s32 $0xFFFFF086  }
0x25: {  	[simem:s6], [sflag:s4] =	dma.local [hbm:s3], $0xF7A  }
0x26: {  	[smem:$0x3F9C] =	sst s1;
	(tag) =	ssettag s2;
	_ =	strace s9  }
0x27: {  	s1 =	sld [smem:$0x3FAC]  }
0x28: {  	s2 =	sld [smem:$0x3FAD]  }
0x29: {  	s4 =	sld [smem:$0x3FAF]  }
0x2a: {  	p0 =	seq.s32 s5, $0x0;
	s5 =	sld [smem:$0x3FB0]  }
0x2b: {  	s6 =	sld [smem:$0x3FB1]  }
0x2c: {  	s7 =	sld [smem:$0x3FB2]  }
0x2d: {  	s3 =	simm.s32 $0x108;
	s8 =	sld [smem:$0x3FB3]  }
0x2e: {  	s3 =	simm.s32 @!p0 $0x1082;
	s9 =	sld [smem:$0x3FB4]  }
0x2f: {  	lr =	sadd.s32 s0, s3;
	s0 =	sld [smem:$0x3FAB]  }
0x30: {  	s3 =	sld [smem:$0x3FAE]  }
0x31: {  	[smem:$0x3FB7] =	sst s10  }
0x32: {  	s10 =	sld [smem:$0x3FB5];
	_ =	sdelay $0x3  }
0x33: {  	p0 =	seq.s32 s10, $0x1;
	s10 =	sld [smem:$0x3FB7];
	_ =	sdelay $0x3  }
0x34: {  	[smem:$0x3FB7] =	sst s10  }
0x35: {  	s10 =	sld [smem:$0x3FB6];
	_ =	sdelay $0x3  }
0x36: {  	p1 =	seq.s32 s10, $0x1;
	s10 =	sld [smem:$0x3FB7];
	_ =	sdelay $0x3  }
0x37: {  	[smem:$0x3FB7] =	sst s10  }
0x38: {  	s10 =	sld [smem:$0x3FB8]  }
0x39: {  	_ = 	snop;
	(pc) =	sbr.ind lr, $3  }
0x3a: {  	_ = 	snop  }
0x3b: {  	_ = 	snop  }
0x3c: {  	p2 =	seq.s32 s10, $0x1;
	s10 =	sld [smem:$0x3FB7]  }
0x3d: {  	_ =	shalt  }
0x3e: {  	_ =	shalt  }
0x3f: {  	_ =	shalt  }
0x40: {  	_ =	shalt  }
0x41: {  	_ =	shalt  }
0x42: {  	_ =	shalt  }
0x43: {  	_ =	shalt  }
0x44: {  	_ =	shalt  }
0x45: {  	_ =	shalt  }
0x46: {  	_ =	shalt  }
0x47: {  	_ =	shalt  }
0x48: {  	_ =	shalt  }
0x49: {  	_ =	shalt  }
0x4a: {  	_ =	shalt  }
0x4b: {  	_ =	shalt  }
0x4c: {  	_ =	shalt  }
0x4d: {  	_ =	shalt  }
0x4e: {  	_ =	shalt  }
0x4f: {  	_ =	shalt  }
0x50: {  	_ =	shalt  }
0x51: {  	_ =	shalt  }
0x52: {  	_ =	shalt  }
0x53: {  	_ =	shalt  }
0x54: {  	_ =	shalt  }
0x55: {  	_ =	shalt  }
0x56: {  	_ =	shalt  }
0x57: {  	_ =	shalt  }
0x58: {  	_ =	shalt  }
0x59: {  	_ =	shalt  }
0x5a: {  	_ =	shalt  }
0x5b: {  	_ =	shalt  }
0x5c: {  	_ =	shalt  }
0x5d: {  	_ =	shalt  }
0x5e: {  	_ =	shalt  }
0x5f: {  	_ =	shalt  }
0x60: {  	_ =	shalt  }
0x61: {  	_ =	shalt  }
0x62: {  	_ =	shalt  }
0x63: {  	_ =	shalt  }
0x64: {  	_ =	shalt  }
0x65: {  	_ =	shalt  }
0x66: {  	_ =	shalt  }
0x67: {  	_ =	shalt  }
0x68: {  	_ =	shalt  }
0x69: {  	_ =	shalt  }
0x6a: {  	_ =	shalt  }
0x6b: {  	_ =	shalt  }
0x6c: {  	_ =	shalt  }
0x6d: {  	_ =	shalt  }
0x6e: {  	_ =	shalt  }
0x6f: {  	_ =	shalt  }
0x70: {  	_ =	shalt  }
0x71: {  	_ =	shalt  }
0x72: {  	_ =	shalt  }
0x73: {  	_ =	shalt  }
0x74: {  	_ =	shalt  }
0x75: {  	_ =	shalt  }
0x76: {  	_ =	shalt  }
0x77: {  	_ =	shalt  }
0x78: {  	_ =	shalt  }
0x79: {  	_ =	shalt  }
0x7a: {  	_ =	shalt  }
0x7b: {  	_ =	shalt  }
0x7c: {  	_ =	shalt  }
0x7d: {  	_ =	shalt  }
0x7e: {  	_ =	shalt  }
0x7f: {  	_ =	shalt  }
0x80: {  	_ =	shalt  }
0x81: {  	_ =	shalt  }
0x82: {  	_ =	shalt  }
0x83: {  	_ =	shalt  }
0x84: {  	_ =	shalt  }
0x85: {  	_ =	shalt  }
0x86: {  	_ =	shalt  }
0x87: {  	_ =	shalt  }
.Lfunc_end0:
.L_simem_size_0:
called_computation.1_lowered:
.L_overlay_start_0:
0x88: {  	s2 =	sld [smem:$0x3FD9]  }
0x89: {  	s3 =	sld [smem:$0x3FFE];
	_ =	sdelay $0x1  }
0x8a: {  	s1 =	srdreg.scid  }
0x8b: {  	s0 =	sand.u32 $0x1, s1  }
0x8c: {  	s16 =	sshll.u32 s0, $0xA;
	s2 =	sadd.s32 s3, s2  }
0x8d: {  	s2 =	sadd.s32 s2, s16  }
0x8e: {  	[smem:$0x3FC3] =	sst s2  }
0x8f: {  	_ = 	snop  }
0x90: {  	(tm) =	ssettm $0x1  }
0x91: {  	s17 =	sld [smem:$0x3FFB];
	_ =	sdelay $0x3  }
0x92: {  	_ =	strace s17  }
0x93: {  	s2 =	sld [smem:$0x3FFC];
	_ =	sdelay $0x3  }
0x94: {  	_ =	strace s2  }
0x95: {  	s2 =	sld [smem:$0x3FFD];
	_ =	sdelay $0x3  }
0x96: {  	_ =	strace s2  }
0x97: {  	_ =	strace $0x8FFFFFFF  }
0x98: {  	s18 =	sld [smem:$0x3FDB];
	_ =	sdelay $0x1  }
0x99: {  	s19 =	simm.s32 $_scs_section_size  }
0x9a: {  	s4 =	simm.s32 $_size__tile_overlayer_lowered;
	s5 =	simm.s32 $_tile_overlayer_lowered  }
0x9b: {  	s22 =	simm.s32 $0x1BFF;
	s21 =	sshll.u32 s5, $0x1;
	s2 =	sadd.s32 s19, s18  }
0x9c: {  	s6 =	simm.s32 $0x0;
	s20 =	sshll.u32 s4, $0x1;
	s4 =	sadd.s32 s21, s2  }
0x9d: {  	[timem:s6], [sflag:s22] =	dma.local [hbm:s4], s20  }
0x9e: {  	_ =	swait.ge [sflag:s22], s20  }
0x9f: {  	s3 =	ssub.s32 $0x0, s20;
	[sflag:s22] =	ssyncset.done $0x0  }
0xa0: {  	[sflag:s22] =	ssyncadd.s32 s3;
	_ =	sdelay $0x1  }
0xa1: {  	s23 =	simm.s32 $0x1B8B  }
0xa2: {  	_ =	swait.ge [sflag:s23], $0x1  }
0xa3: {  	[sflag:s23] =	ssyncset.done $0x0  }
0xa4: {  	s25 =	simm.s32 $0x1B8E;
	s24 =	sld [smem:$0x3FFE];
	[sflag:s23] =	ssyncadd.s32 $0xFFFFFFFF  }
0xa5: {  	s26 =	simm.s32 $execute0_lowered;
	[smem:$0x3FD2] =	sst s25  }
0xa6: {  	s4 =	sshll.u32 s26, $0x1;
	_ =	strace $0x80000049;
	[dreg:$0x1] =	wrdreg $0xFFFFFFFF  }
0xa7: {  	s28 =	simm.s32 $_size_execute0_lowered;
	s2 =	sadd.s32 s2, s4;
	[dreg:$0x0] =	wrdreg $0x0  }
0xa8: {  	s4 =	sshll.u32 s28, $0x1;
	[dreg:$0x2] =	wrdreg s2  }
0xa9: {  	[dreg:$0x3] =	wrdreg s4  }
0xaa: {  	[dreg:$0x4] =	wrdreg $0xC0  }
0xab: {  	_ =	task [dreg:s6], $0x5FFFF  }
0xac: {  	[dreg:$0x1] =	wrdreg $0xFFFFFFFF  }
0xad: {  	[dreg:$0x0] =	wrdreg $0x60  }
0xae: {  	[dreg:$0x2] =	wrdreg s24  }
0xaf: {  	[dreg:$0x3] =	wrdreg $0x91800  }
0xb0: {  	[dreg:$0x4] =	wrdreg $0x1D1800  }
0xb1: {  	[dreg:$0x5] =	wrdreg $0x1D4000  }
0xb2: {  	[dreg:$0x6] =	wrdreg $0x9  }
0xb3: {  	_ =	task.clear_ibuf [dreg:s6], $0x7FFFF;
	_ =	strace $0x90000049  }
0xb4: {  	s29 =	simm.s32 $0x9;
	_ =	strace $0x8000004B  }
0xb5: {  	_ =	swait.ge [sflag:s29], $0x1  }
0xb6: {  	[sflag:s29] =	ssyncadd.s32 $0xFFFFFFFF  }
0xb7: {  	_ =	strace $0x9000004B  }
0xb8: {  	_ =	sfence  }
0xb9: {  	s30 =	sld [smem:$0x0];
	_ =	sdelay $0x2  }
0xba: {  	s31 =	sshll.u32 s1, $0xD;
	s1 =	sshrl.u32 s1, $0x2  }
0xbb: {  	s3 =	sand.u32 $0x4000, s31;
	s1 =	sadd.s32 s1, s30  }
0xbc: {  	s0 =	sor.u32 s3, s0;
	s1 =	sshll.u32 s1, $0x11  }
0xbd: {  	s0 =	sor.u32 s1, s0  }
0xbe: {  	s0 =	sadd.s32 $0x8F2B, s0  }
0xbf: {  	[sflag:s0] =	ssyncadd.remote.s32 $0x1  }
0xc0: {  	_ =	sfence.sel $0xFFFF  }
0xc1: {  	[dreg:$0x0] =	wrdreg $0xFFFFFFFF;
	(pc) =	sbr.abs _section_cstart, $3  }
0xc2: {  	[dreg:$0x1] =	wrdreg $0xFFFFFFFF  }
0xc3: {  	_ =	task.clear_ibuf [dreg:s6], $0x2FFFF;
	_ =	strace $0x9FFFFFFF  }
0xc4: {  	(tm) =	ssettm $0x7FFFFFFF  }
0xc5: {  	_ =	shalt  }
tec
execute0_lowered:
.L_overlay_start_1:
0x0: {  	(tag) =	ssettag $0x1  }
0x1: {  	s0 =	rddreg [dreg:$0x0]  }
0x2: {  	s2 =	rddreg [dreg:$0x1]  }
0x3: {  	s3 =	rddreg [dreg:$0x2]  }
0x4: {  	s4 =	rddreg [dreg:$0x3]  }
0x5: {  	s17 =	stileid.u32;
	s1 =	srdreg.scid;
	s5 =	simm.s32 $0x0  }
0x6: {  	s29 =	simm.s32 $0x6;
	s28 =	simm.s32 $0x780;
	s6 =	smul.u32 $0x280, s17  }
0x7: {  	s1 =	sand.u32 $0x1, s1;
	[smem:$0x7FF] =	sst s5;
	s18 =	sadd.s32 $0x11A00, s0  }
0x8: {  	s19 =	sadd.s32 $0x7A00, s0;
	s8 =	sadd.s32 $0x1BA00, s0;
	s26 =	smul.u32 $0x50000, s17  }
0x9: {  	s7 =	smul.u32 $0x2800, s1;
	_ =	strace $0x8000004A;
	s11 =	sshll.u32 s1, $0x4  }
0xa: {  	s12 =	ssub.s32 $0x2, s1;
	s1 =	smul.u32 $0x28000, s1;
	[dreg:$0x6] =	wrdreg s19  }
0xb: {  	[dreg:$0x5] =	wrdreg s18;
	s9 =	sshrl.u32 s6, $0x3;
	s11 =	sor.u32 s17, s11  }
0xc: {  	s13 =	sshrl.u32 s12, $0x1;
	s16 =	sshrl.u32 s26, $0x2;
	s20 =	sadd.s32 $0x80, s6  }
0xd: {  	s23 =	sadd.s32 $0x100, s6;
	s30 =	sadd.s32 s6, s3;
	s7 =	sadd.s32 s6, s7  }
0xe: {  	s9 =	sadd.s32 s9, s0;
	s11 =	smul.u32 $0x500, s11;
	s22 =	sadd.s32 s16, s2  }
0xf: {  	s21 =	sshll.u32 s20, $0x7;
	s24 =	sshll.u32 s23, $0x7;
	s16 =	sadd.s32 $0x200, s6  }
0x10: {  	[dreg:$0x14] =	wrdreg s30;
	s10 =	sshll.u32 s7, $0x4;
	s7 =	sshrl.u32 s7, $0x3  }
0x11: {  	s9 =	sadd.s32 $0x2A00, s9;
	[dreg:$0xb] =	wrdreg s22;
	s10 =	sadd.s32 s10, s0  }
0x12: {  	s0 =	sadd.s32 s7, s0;
	s7 =	ssub.s32 s12, s13;
	s31 =	sadd.s32 s18, s11  }
0x13: {  	s14 =	sadd.s32 s19, s11;
	s11 =	sor.u32 $0x80, s11;
	[dreg:$0x15] =	wrdreg s9  }
0x14: {  	s12 =	sadd.s32 s21, s2;
	s9 =	simm.s32 $0xE80;
	[dreg:$0x7] =	wrdreg s31  }
0x15: {  	s13 =	simm.s32 $0x0;
	[dreg:$0x8] =	wrdreg s14;
	s15 =	sadd.s32 s18, s11  }
0x16: {  	s11 =	sadd.s32 s19, s11;
	s14 =	smul.u32 $0x2800, s17;
	[dreg:$0xc] =	wrdreg s12  }
0x17: {  	s12 =	sadd.s32 s24, s2;
	s31 =	sshll.u32 s16, $0x7;
	[dreg:$0x9] =	wrdreg s15  }
0x18: {  	s10 =	sadd.s32 $0x43A00, s10;
	s0 =	sadd.s32 $0x3000, s0;
	[dreg:$0xa] =	wrdreg s11  }
0x19: {  	s7 =	smax.u32 s7, $0x1;
	s15 =	sadd.s32 $0x180, s6;
	[dreg:$0xd] =	wrdreg s12  }
0x1a: {  	s12 =	sadd.s32 s31, s2;
	s11 =	sadd.s32 s20, s3;
	[dreg:$0x16] =	wrdreg s10  }
0x1b: {  	s20 =	sadd.s32 s16, s3;
	s6 =	sadd.s32 s6, s4;
	[dreg:$0x17] =	wrdreg s0  }
0x1c: {  	[dreg:$0x18] =	wrdreg s7;
	s31 =	sshll.u32 s17, $0x6;
	s10 =	simm.s32 $0x400  }
0x1d: {  	s16 =	simm.s32 $0x1;
	s17 =	simm.s32 $0x2;
	[dreg:$0xf] =	wrdreg s12  }
0x1e: {  	s7 =	simm.s32 $0xF00;
	s1 =	sadd.s32 s14, s1;
	[dreg:$0x10] =	wrdreg s11  }
0x1f: {  	s25 =	sshll.u32 s15, $0x7;
	s14 =	sadd.s32 s23, s3;
	[dreg:$0x13] =	wrdreg s20  }
0x20: {  	s15 =	sadd.s32 s15, s3;
	[dreg:$0x1d] =	wrdreg s31;
	s11 =	simm.s32 $0xC00  }
0x21: {  	s12 =	simm.s32 $0x1000;
	s20 =	simm.s32 $0x5000;
	[dreg:$0x11] =	wrdreg s14  }
0x22: {  	s26 =	sadd.s32 s25, s2;
	[dreg:$0x12] =	wrdreg s15;
	s21 =	sadd.s32 $0xC00, s1  }
0x23: {  	s25 =	sadd.s32 $0x800, s1;
	s1 =	simm.s32 $0x4;
	[dreg:$0xe] =	wrdreg s26  }
0x24: {  	s23 =	sshrl.u32 s21, $0x3;
	[dreg:$0x1b] =	wrdreg s25;
	s26 =	sshrl.u32 s6, $0x3  }
.Ltmp0:
0x25: {  	s25 =	simm.s32 $0x7;
	s6 =	simm.s32 $0x700;
	(pc) =	sbr.rel .LBB2_1-.Ltmp0, $4  }
0x26: {  	s21 =	simm.s32 $0xF80;
	s24 =	sadd.s32 s23, s19;
	[dreg:$0x1c] =	wrdreg s26  }
0x27: {  	s0 =	sadd.s32 s23, s18;
	s18 =	simm.s32 $0x80;
	[dreg:$0x19] =	wrdreg s24  }
0x28: {  	s19 =	simm.s32 $0x9000;
	[dreg:$0x1a] =	wrdreg s0;
	s0 =	sor.u32 $0x1C02, s31  }
0x29: {  	v0 =	vimm.f32 $0.0e+00;
	s23 =	simm.s32 $0x9080;
	s24 =	simm.s32 $0x3;
	[dreg:$0x1e] =	wrdreg s0  }
.LBB2_6:
0x2a: {  	[bflag:$0x0] =	sbarrier.arrive $0xFFFF  }
0x2b: {  	s0 =	rddreg [dreg:$0x1d]  }
0x2c: {  	s22 =	rddreg [dreg:$0xb]  }
0x2d: {  	s26 =	rddreg [dreg:$0x16];
	s0 =	sor.u32 $0x1C07, s0;
	s13 =	sshrl.u32 s22, $0x3  }
0x2e: {  	[hbm:s26], [sflag:s0] =	dma.local [spmem:s13], $0x2800  }
0x2f: {  	_ =	swait.ge [sflag:s25], $0x2800  }
0x30: {  	[sflag:s25] =	ssyncset.done $0x0;
	s30 =	rddreg [dreg:$0x14]  }
0x31: {  	s15 =	rddreg [dreg:$0x17];
	[sflag:s25] =	ssyncadd.s32 $0xFFFFD800;
	s14 =	sshrl.u32 s30, $0x3  }
0x32: {  	[hbm:s15], [sflag:s0] =	dma.local [spmem:s14], $0x50  }
0x33: {  	_ =	swait.ge [sflag:s25], $0x50  }
0x34: {  	s26 =	rddreg [dreg:$0x1f]  }
0x35: {  	s31 =	rddreg [dreg:$0x18];
	s13 =	sadd.s32 $0x1, s26  }
0x36: {  	p0 =	sne.s32 s13, s31  }
.Ltmp1:
0x37: {  	_ = 	snop;
	(pc) =	sbr.rel @!p0 .LBB2_7-.Ltmp1, $3  }
0x38: {  	_ =	sdelay $0x1  }
0x39: {  	[sflag:s25] =	ssyncset.done $0x0  }
0x3a: {  	[sflag:s25] =	ssyncadd.s32 $0xFFFFFFB0  }
.LBB2_1:
0x3b: {  	s0 =	rddreg [dreg:$0x7]  }
0x3c: {  	[tilespmem:s5], [sflag:$0x5] =	stream.linear.gather [hbm4b:s0+s5], $0x400, $0x38;
	[tilespmem:$0x1D680] =	vst v63  }
0x3d: {  	s14 =	rddreg [dreg:$0x8];
	s15 =	simm.s32 $0x800  }
0x3e: {  	[tilespmem:s15], [sflag:$0x5] =	stream.linear.gather [hbm4b:s14+s5], $0x400, $0x38;
	[tilespmem:$0x1D680] =	vst v63  }
0x3f: {  	s26 =	rddreg [dreg:$0x9]  }
0x40: {  	[tilespmem:s10], [sflag:$0x6] =	stream.linear.gather [hbm4b:s26+s5], $0x400, $0x38;
	[tilespmem:$0x1D680] =	vst v63  }
0x41: {  	s31 =	rddreg [dreg:$0xa]  }
0x42: {  	[tilespmem:s11], [sflag:$0x6] =	stream.linear.gather [hbm4b:s31+s5], $0x400, $0x38;
	[tilespmem:$0x1D680] =	vst v63  }
0x43: {  	[tilespmem:$0x9100] =	vst v0  }
0x44: {  	[tilespmem:$0x9110] =	vst v0  }
0x45: {  	[tilespmem:$0x9120] =	vst v0  }
0x46: {  	[tilespmem:$0x9130] =	vst v0  }
0x47: {  	[tilespmem:$0x9140] =	vst v0  }
0x48: {  	[tilespmem:$0x9150] =	vst v0  }
0x49: {  	[tilespmem:$0x9160] =	vst v0  }
0x4a: {  	[dreg:$0x1f] =	wrdreg s13;
	s0 =	simm.s32 $0x0;
	s26 =	simm.s32 $0x200;
	[tilespmem:$0x9170] =	vst v0  }
.LBB2_2:
0x4b: {  	p0 =	sne.s32 s26, $0xFE00;
	[tilespmem:s0+$0x1070] =	vst v0  }
0x4c: {  	[tilespmem:s0+$0x1000] =	vst v0  }
0x4d: {  	[tilespmem:s0+$0x1010] =	vst v0  }
.Ltmp2:
0x4e: {  	[tilespmem:s0+$0x1020] =	vst v0;
	(pc) =	sbr.rel @p0 .LBB2_2-.Ltmp2, $4  }
0x4f: {  	[tilespmem:s0+$0x1030] =	vst v0  }
0x50: {  	[tilespmem:s0+$0x1040] =	vst v0  }
0x51: {  	[tilespmem:s0+$0x1050] =	vst v0  }
0x52: {  	[tilespmem:s0+$0x1060] =	vst v0;
	s0 =	sshra.s32 s26, $0x2;
	s26 =	sadd.s32 $0x200, s26  }
0x53: {  	[tilespmem:s0+$0x1070] =	vst v0  }
0x54: {  	[tilespmem:s0+$0x1000] =	vst v0  }
0x55: {  	[tilespmem:s0+$0x1010] =	vst v0  }
0x56: {  	[tilespmem:s0+$0x1020] =	vst v0  }
0x57: {  	[tilespmem:s0+$0x1030] =	vst v0  }
0x58: {  	[tilespmem:s0+$0x1040] =	vst v0  }
0x59: {  	[tilespmem:s0+$0x1050] =	vst v0  }
0x5a: {  	[tilespmem:s0+$0x1060] =	vst v0;
	s26 =	rddreg [dreg:$0xd]  }
0x5b: {  	[spmem:s22] =	stream.linear.scatter [tilespmem:s12], [sflag:$0x1], $0x4000, $0x38;
	[tilespmem:$0x1D680] =	vst v63  }
0x5c: {  	s22 =	rddreg [dreg:$0xc]  }
0x5d: {  	[spmem:s22] =	stream.linear.scatter [tilespmem:s12], [sflag:$0x1], $0x4000, $0x38;
	[tilespmem:$0x1D680] =	vst v63  }
0x5e: {  	s13 =	rddreg [dreg:$0xe]  }
0x5f: {  	[spmem:s26] =	stream.linear.scatter [tilespmem:s12], [sflag:$0x1], $0x4000, $0x38;
	[tilespmem:$0x1D680] =	vst v63  }
0x60: {  	s14 =	rddreg [dreg:$0xf]  }
0x61: {  	[spmem:s13] =	stream.linear.scatter [tilespmem:s12], [sflag:$0x1], $0x4000, $0x38;
	[tilespmem:$0x1D680] =	vst v63  }
0x62: {  	s15 =	rddreg [dreg:$0x10]  }
0x63: {  	[spmem:s14] =	stream.linear.scatter [tilespmem:s12], [sflag:$0x1], $0x4000, $0x38;
	[tilespmem:$0x1D680] =	vst v63  }
0x64: {  	s22 =	rddreg [dreg:$0x11];
	s13 =	simm.s32 $0x9100  }
0x65: {  	[spmem:s30] =	stream.linear.scatter [tilespmem:s13], [sflag:$0x1], $0x80, $0x38;
	[tilespmem:$0x1D680] =	vst v63  }
0x66: {  	s26 =	rddreg [dreg:$0x12]  }
0x67: {  	[spmem:s15] =	stream.linear.scatter [tilespmem:s13], [sflag:$0x1], $0x80, $0x38;
	[tilespmem:$0x1D680] =	vst v63  }
0x68: {  	s14 =	rddreg [dreg:$0x1c]  }
0x69: {  	[spmem:s22] =	stream.linear.scatter [tilespmem:s13], [sflag:$0x1], $0x80, $0x38;
	[tilespmem:$0x1D680] =	vst v63  }
0x6a: {  	s30 =	rddreg [dreg:$0x13]  }
0x6b: {  	[spmem:s26] =	stream.linear.scatter [tilespmem:s13], [sflag:$0x1], $0x80, $0x38;
	[tilespmem:$0x1D680] =	vst v63  }
0x6c: {  	s15 =	rddreg [dreg:$0x1e]  }
0x6d: {  	[spmem:s30] =	stream.linear.scatter [tilespmem:s13], [sflag:$0x1], $0x80, $0x38;
	[tilespmem:$0x1D680] =	vst v63  }
0x6e: {  	s26 =	simm.s32 $0x5;
	s13 =	rddreg [dreg:$0x15]  }
0x6f: {  	[spmem:s14], [sflag:s15] =	dma.local [hbm:s13], $0x50  }
0x70: {  	_ =	swait.ge [sflag:s26], $0x400  }
0x71: {  	[sflag:s26] =	ssyncset.done $0x0  }
0x72: {  	[sflag:s26] =	ssyncadd.s32 $0xFFFFFC00  }
0x73: {  	_ =	swait.ge [sflag:s26], $0x400  }
0x74: {  	[sflag:s26] =	ssyncset.done $0x0  }
0x75: {  	[sflag:s26] =	ssyncadd.s32 $0xFFFFFC00  }
0x76: {  	_ =	swait.ge [sflag:s16], $0x4000  }
0x77: {  	[sflag:s16] =	ssyncset.done $0x0  }
0x78: {  	[sflag:s16] =	ssyncadd.s32 $0xFFFFC000  }
0x79: {  	_ =	swait.ge [sflag:s16], $0x4000  }
0x7a: {  	[sflag:s16] =	ssyncset.done $0x0  }
0x7b: {  	[sflag:s16] =	ssyncadd.s32 $0xFFFFC000  }
0x7c: {  	_ =	swait.ge [sflag:s16], $0x4000  }
0x7d: {  	[sflag:s16] =	ssyncset.done $0x0  }
0x7e: {  	[sflag:s16] =	ssyncadd.s32 $0xFFFFC000  }
0x7f: {  	_ =	swait.ge [sflag:s16], $0x4000  }
0x80: {  	[sflag:s16] =	ssyncset.done $0x0  }
0x81: {  	[sflag:s16] =	ssyncadd.s32 $0xFFFFC000  }
0x82: {  	_ =	swait.ge [sflag:s16], $0x4000  }
0x83: {  	[sflag:s16] =	ssyncset.done $0x0  }
0x84: {  	[sflag:s16] =	ssyncadd.s32 $0xFFFFC000  }
0x85: {  	_ =	swait.ge [sflag:s16], $0x80  }
0x86: {  	[sflag:s16] =	ssyncset.done $0x0  }
0x87: {  	[sflag:s16] =	ssyncadd.s32 $0xFFFFFF80  }
0x88: {  	_ =	swait.ge [sflag:s16], $0x80  }
0x89: {  	[sflag:s16] =	ssyncset.done $0x0  }
0x8a: {  	[sflag:s16] =	ssyncadd.s32 $0xFFFFFF80  }
0x8b: {  	_ =	swait.ge [sflag:s16], $0x80  }
0x8c: {  	[sflag:s16] =	ssyncset.done $0x0  }
0x8d: {  	[sflag:s16] =	ssyncadd.s32 $0xFFFFFF80  }
0x8e: {  	_ =	swait.ge [sflag:s16], $0x80  }
0x8f: {  	[sflag:s16] =	ssyncset.done $0x0  }
0x90: {  	[sflag:s16] =	ssyncadd.s32 $0xFFFFFF80  }
0x91: {  	_ =	swait.ge [sflag:s16], $0x80  }
0x92: {  	[sflag:s16] =	ssyncset.done $0x0  }
0x93: {  	[sflag:s16] =	ssyncadd.s32 $0xFFFFFF80  }
0x94: {  	_ =	swait.ge [sflag:s17], $0x50  }
0x95: {  	[sflag:s17] =	ssyncset.done $0x0  }
0x96: {  	s26 =	simm.s32 $0x0;
	[sflag:s17] =	ssyncadd.s32 $0xFFFFFFB0  }
0x97: {  	[tilespmem:s12], [sflag:$0x1] =	stream.indirect.gather [hbm4b:s8+s18], $0x80, s26, s18, $0xb8;
	[tilespmem:$0x1D680] =	vst v63  }
0x98: {  	s30 =	simm.s32 $0x800;
	[bflag:$0x0] =	sbarrier.arrive $0xFFFF  }
0x99: {  	[tilespmem:s19], [sflag:$0x3] =	stream.indirect.gather [spmem:s4], $0x1, s30, s18, $0xb8;
	[tilespmem:$0x1D680] =	vst v63  }
0x9a: {  	s31 =	rddreg [dreg:$0x1b]  }
.LBB2_4:
0x9b: {  	[tilespmem:s20], [sflag:$0x2] =	stream.indirect.gather [hbm4b:s8+s18], $0x80, s18, s18, $0xb8;
	[tilespmem:$0x1D680] =	vst v63  }
0x9c: {  	s13 =	simm.s32 $0x880  }
0x9d: {  	[tilespmem:s23], [sflag:$0x4] =	stream.indirect.gather [spmem:s4], $0x1, s13, s18, $0xb8;
	[tilespmem:$0x1D680] =	vst v63  }
0x9e: {  	_ =	swait.ge [sflag:s16], $0x4000  }
0x9f: {  	[sflag:s16] =	ssyncset.done $0x0  }
0xa0: {  	[sflag:s16] =	ssyncadd.s32 $0xFFFFC000  }
0xa1: {  	_ =	swait.ge [sflag:s24], $0x80  }
0xa2: {  	[sflag:s24] =	ssyncset.done $0x0  }
0xa3: {  	s0 =	simm.s32 $0x800;
	[sflag:s24] =	ssyncadd.s32 $0xFFFFFF80  }
0xa4: {  	[spmem:s2] =	stream.indirect.scatter.add.f32 [tilespmem:s12], [sflag:$0x7], $0x80, s0, s18, $0xb8;
	[tilespmem:$0x1D680] =	vst v63  }
0xa5: {  	_ =	swait.ge [sflag:s25], $0x4000  }
0xa6: {  	[sflag:s25] =	ssyncset.done $0x0  }
0xa7: {  	[sflag:s25] =	ssyncadd.s32 $0xFFFFC000  }
0xa8: {  	[spmem:s3] =	stream.indirect.scatter.add.f32 [tilespmem:s19], [sflag:$0x7], $0x1, s5, s18, $0xb8;
	[tilespmem:$0x1D680] =	vst v63  }
0xa9: {  	_ =	swait.ge [sflag:s25], $0x80  }
0xaa: {  	[sflag:s25] =	ssyncset.done $0x0  }
0xab: {  	s14 =	simm.s32 $0x100;
	[sflag:s25] =	ssyncadd.s32 $0xFFFFFF80  }
0xac: {  	[tilespmem:s12], [sflag:$0x1] =	stream.indirect.gather [hbm4b:s8+s18], $0x80, s14, s18, $0xb8;
	[tilespmem:$0x1D680] =	vst v63  }
0xad: {  	s22 =	simm.s32 $0x900  }
0xae: {  	[tilespmem:s19], [sflag:$0x3] =	stream.indirect.gather [spmem:s4], $0x1, s22, s18, $0xb8;
	[tilespmem:$0x1D680] =	vst v63  }
0xaf: {  	_ =	swait.ge [sflag:s17], $0x4000  }
0xb0: {  	[sflag:s17] =	ssyncset.done $0x0  }
0xb1: {  	[sflag:s17] =	ssyncadd.s32 $0xFFFFC000  }
0xb2: {  	_ =	swait.ge [sflag:s1], $0x80  }
0xb3: {  	[sflag:s1] =	ssyncset.done $0x0  }
0xb4: {  	[sflag:s1] =	ssyncadd.s32 $0xFFFFFF80  }
0xb5: {  	[spmem:s2] =	stream.indirect.scatter.add.f32 [tilespmem:s20], [sflag:$0x7], $0x80, s13, s18, $0xb8;
	[tilespmem:$0x1D680] =	vst v63  }
0xb6: {  	_ =	swait.ge [sflag:s25], $0x4000  }
0xb7: {  	[sflag:s25] =	ssyncset.done $0x0  }
0xb8: {  	[sflag:s25] =	ssyncadd.s32 $0xFFFFC000  }
0xb9: {  	[spmem:s3] =	stream.indirect.scatter.add.f32 [tilespmem:s23], [sflag:$0x7], $0x1, s18, s18, $0xb8;
	[tilespmem:$0x1D680] =	vst v63  }
0xba: {  	_ =	swait.ge [sflag:s25], $0x80  }
0xbb: {  	[sflag:s25] =	ssyncset.done $0x0  }
0xbc: {  	s15 =	simm.s32 $0x180;
	[sflag:s25] =	ssyncadd.s32 $0xFFFFFF80  }
0xbd: {  	[tilespmem:s20], [sflag:$0x2] =	stream.indirect.gather [hbm4b:s8+s18], $0x80, s15, s18, $0xb8;
	[tilespmem:$0x1D680] =	vst v63  }
0xbe: {  	s30 =	simm.s32 $0x980  }
0xbf: {  	[tilespmem:s23], [sflag:$0x4] =	stream.indirect.gather [spmem:s4], $0x1, s30, s18, $0xb8;
	[tilespmem:$0x1D680] =	vst v63  }
0xc0: {  	_ =	swait.ge [sflag:s16], $0x4000  }
0xc1: {  	[sflag:s16] =	ssyncset.done $0x0  }
0xc2: {  	[sflag:s16] =	ssyncadd.s32 $0xFFFFC000  }
0xc3: {  	_ =	swait.ge [sflag:s24], $0x80  }
0xc4: {  	[sflag:s24] =	ssyncset.done $0x0  }
0xc5: {  	[sflag:s24] =	ssyncadd.s32 $0xFFFFFF80  }
0xc6: {  	[spmem:s2] =	stream.indirect.scatter.add.f32 [tilespmem:s12], [sflag:$0x7], $0x80, s22, s18, $0xb8;
	[tilespmem:$0x1D680] =	vst v63  }
0xc7: {  	_ =	swait.ge [sflag:s25], $0x4000  }
0xc8: {  	[sflag:s25] =	ssyncset.done $0x0  }
0xc9: {  	[sflag:s25] =	ssyncadd.s32 $0xFFFFC000  }
0xca: {  	[spmem:s3] =	stream.indirect.scatter.add.f32 [tilespmem:s19], [sflag:$0x7], $0x1, s14, s18, $0xb8;
	[tilespmem:$0x1D680] =	vst v63  }
0xcb: {  	_ =	swait.ge [sflag:s25], $0x80  }
0xcc: {  	[sflag:s25] =	ssyncset.done $0x0  }
0xcd: {  	s0 =	simm.s32 $0x200;
	[sflag:s25] =	ssyncadd.s32 $0xFFFFFF80  }
0xce: {  	[tilespmem:s12], [sflag:$0x1] =	stream.indirect.gather [hbm4b:s8+s18], $0x80, s0, s18, $0xb8;
	[tilespmem:$0x1D680] =	vst v63  }
0xcf: {  	s22 =	simm.s32 $0xA00  }
0xd0: {  	[tilespmem:s19], [sflag:$0x3] =	stream.indirect.gather [spmem:s4], $0x1, s22, s18, $0xb8;
	[tilespmem:$0x1D680] =	vst v63  }
0xd1: {  	_ =	swait.ge [sflag:s17], $0x4000  }
0xd2: {  	[sflag:s17] =	ssyncset.done $0x0  }
0xd3: {  	[sflag:s17] =	ssyncadd.s32 $0xFFFFC000  }
0xd4: {  	_ =	swait.ge [sflag:s1], $0x80  }
0xd5: {  	[sflag:s1] =	ssyncset.done $0x0  }
0xd6: {  	[sflag:s1] =	ssyncadd.s32 $0xFFFFFF80  }
0xd7: {  	[spmem:s2] =	stream.indirect.scatter.add.f32 [tilespmem:s20], [sflag:$0x7], $0x80, s30, s18, $0xb8;
	[tilespmem:$0x1D680] =	vst v63  }
0xd8: {  	_ =	swait.ge [sflag:s25], $0x4000  }
0xd9: {  	[sflag:s25] =	ssyncset.done $0x0  }
0xda: {  	[sflag:s25] =	ssyncadd.s32 $0xFFFFC000  }
0xdb: {  	[spmem:s3] =	stream.indirect.scatter.add.f32 [tilespmem:s23], [sflag:$0x7], $0x1, s15, s18, $0xb8;
	[tilespmem:$0x1D680] =	vst v63  }
0xdc: {  	_ =	swait.ge [sflag:s25], $0x80  }
0xdd: {  	[sflag:s25] =	ssyncset.done $0x0  }
0xde: {  	s14 =	simm.s32 $0x280;
	[sflag:s25] =	ssyncadd.s32 $0xFFFFFF80  }
0xdf: {  	[tilespmem:s20], [sflag:$0x2] =	stream.indirect.gather [hbm4b:s8+s18], $0x80, s14, s18, $0xb8;
	[tilespmem:$0x1D680] =	vst v63  }
0xe0: {  	s15 =	simm.s32 $0xA80  }
0xe1: {  	[tilespmem:s23], [sflag:$0x4] =	stream.indirect.gather [spmem:s4], $0x1, s15, s18, $0xb8;
	[tilespmem:$0x1D680] =	vst v63  }
0xe2: {  	_ =	swait.ge [sflag:s16], $0x4000  }
0xe3: {  	[sflag:s16] =	ssyncset.done $0x0  }
0xe4: {  	[sflag:s16] =	ssyncadd.s32 $0xFFFFC000  }
0xe5: {  	_ =	swait.ge [sflag:s24], $0x80  }
0xe6: {  	[sflag:s24] =	ssyncset.done $0x0  }
0xe7: {  	[sflag:s24] =	ssyncadd.s32 $0xFFFFFF80  }
0xe8: {  	[spmem:s2] =	stream.indirect.scatter.add.f32 [tilespmem:s12], [sflag:$0x7], $0x80, s22, s18, $0xb8;
	[tilespmem:$0x1D680] =	vst v63  }
0xe9: {  	_ =	swait.ge [sflag:s25], $0x4000  }
0xea: {  	[sflag:s25] =	ssyncset.done $0x0  }
0xeb: {  	[sflag:s25] =	ssyncadd.s32 $0xFFFFC000  }
0xec: {  	[spmem:s3] =	stream.indirect.scatter.add.f32 [tilespmem:s19], [sflag:$0x7], $0x1, s0, s18, $0xb8;
	[tilespmem:$0x1D680] =	vst v63  }
0xed: {  	_ =	swait.ge [sflag:s25], $0x80  }
0xee: {  	[sflag:s25] =	ssyncset.done $0x0  }
0xef: {  	s0 =	simm.s32 $0x300;
	[sflag:s25] =	ssyncadd.s32 $0xFFFFFF80  }
0xf0: {  	[tilespmem:s12], [sflag:$0x1] =	stream.indirect.gather [hbm4b:s8+s18], $0x80, s0, s18, $0xb8;
	[tilespmem:$0x1D680] =	vst v63  }
0xf1: {  	s22 =	simm.s32 $0xB00  }
0xf2: {  	[tilespmem:s19], [sflag:$0x3] =	stream.indirect.gather [spmem:s4], $0x1, s22, s18, $0xb8;
	[tilespmem:$0x1D680] =	vst v63  }
0xf3: {  	_ =	swait.ge [sflag:s17], $0x4000  }
0xf4: {  	[sflag:s17] =	ssyncset.done $0x0  }
0xf5: {  	[sflag:s17] =	ssyncadd.s32 $0xFFFFC000  }
0xf6: {  	_ =	swait.ge [sflag:s1], $0x80  }
0xf7: {  	[sflag:s1] =	ssyncset.done $0x0  }
0xf8: {  	[sflag:s1] =	ssyncadd.s32 $0xFFFFFF80  }
0xf9: {  	[spmem:s2] =	stream.indirect.scatter.add.f32 [tilespmem:s20], [sflag:$0x7], $0x80, s15, s18, $0xb8;
	[tilespmem:$0x1D680] =	vst v63  }
0xfa: {  	_ =	swait.ge [sflag:s25], $0x4000  }
0xfb: {  	[sflag:s25] =	ssyncset.done $0x0  }
0xfc: {  	[sflag:s25] =	ssyncadd.s32 $0xFFFFC000  }
0xfd: {  	[spmem:s3] =	stream.indirect.scatter.add.f32 [tilespmem:s23], [sflag:$0x7], $0x1, s14, s18, $0xb8;
	[tilespmem:$0x1D680] =	vst v63  }
0xfe: {  	_ =	swait.ge [sflag:s25], $0x80  }
0xff: {  	[sflag:s25] =	ssyncset.done $0x0  }
0x100: {  	s14 =	simm.s32 $0x380;
	[sflag:s25] =	ssyncadd.s32 $0xFFFFFF80  }
0x101: {  	[tilespmem:s20], [sflag:$0x2] =	stream.indirect.gather [hbm4b:s8+s18], $0x80, s14, s18, $0xb8;
	[tilespmem:$0x1D680] =	vst v63  }
0x102: {  	s15 =	simm.s32 $0xB80  }
0x103: {  	[tilespmem:s23], [sflag:$0x4] =	stream.indirect.gather [spmem:s4], $0x1, s15, s18, $0xb8;
	[tilespmem:$0x1D680] =	vst v63  }
0x104: {  	_ =	swait.ge [sflag:s16], $0x4000  }
0x105: {  	[sflag:s16] =	ssyncset.done $0x0  }
0x106: {  	[sflag:s16] =	ssyncadd.s32 $0xFFFFC000  }
0x107: {  	_ =	swait.ge [sflag:s24], $0x80  }
0x108: {  	[sflag:s24] =	ssyncset.done $0x0  }
0x109: {  	[sflag:s24] =	ssyncadd.s32 $0xFFFFFF80  }
0x10a: {  	[spmem:s2] =	stream.indirect.scatter.add.f32 [tilespmem:s12], [sflag:$0x7], $0x80, s22, s18, $0xb8;
	[tilespmem:$0x1D680] =	vst v63  }
0x10b: {  	_ =	swait.ge [sflag:s25], $0x4000  }
0x10c: {  	[sflag:s25] =	ssyncset.done $0x0  }
0x10d: {  	[sflag:s25] =	ssyncadd.s32 $0xFFFFC000  }
0x10e: {  	[spmem:s3] =	stream.indirect.scatter.add.f32 [tilespmem:s19], [sflag:$0x7], $0x1, s0, s18, $0xb8;
	[tilespmem:$0x1D680] =	vst v63  }
0x10f: {  	_ =	swait.ge [sflag:s25], $0x80  }
0x110: {  	[sflag:s25] =	ssyncset.done $0x0  }
0x111: {  	[sflag:s25] =	ssyncadd.s32 $0xFFFFFF80  }
0x112: {  	_ =	swait.ge [sflag:s29], $0x400  }
0x113: {  	[sflag:s29] =	ssyncset.done $0x0  }
0x114: {  	[sflag:s29] =	ssyncadd.s32 $0xFFFFFC00  }
0x115: {  	_ =	swait.ge [sflag:s29], $0x400  }
0x116: {  	[sflag:s29] =	ssyncset.done $0x0  }
0x117: {  	[sflag:s29] =	ssyncadd.s32 $0xFFFFFC00  }
0x118: {  	[tilespmem:s12], [sflag:$0x1] =	stream.indirect.gather [hbm4b:s8+s18], $0x80, s10, s18, $0xb8;
	[tilespmem:$0x1D680] =	vst v63  }
0x119: {  	_ = 	snop  }
0x11a: {  	[tilespmem:s19], [sflag:$0x3] =	stream.indirect.gather [spmem:s4], $0x1, s11, s18, $0xb8;
	[tilespmem:$0x1D680] =	vst v63  }
0x11b: {  	_ =	swait.ge [sflag:s17], $0x4000  }
0x11c: {  	[sflag:s17] =	ssyncset.done $0x0  }
0x11d: {  	[sflag:s17] =	ssyncadd.s32 $0xFFFFC000  }
0x11e: {  	_ =	swait.ge [sflag:s1], $0x80  }
0x11f: {  	[sflag:s1] =	ssyncset.done $0x0  }
0x120: {  	[sflag:s1] =	ssyncadd.s32 $0xFFFFFF80  }
0x121: {  	[spmem:s2] =	stream.indirect.scatter.add.f32 [tilespmem:s20], [sflag:$0x7], $0x80, s15, s18, $0xb8;
	[tilespmem:$0x1D680] =	vst v63  }
0x122: {  	_ =	swait.ge [sflag:s25], $0x4000  }
0x123: {  	[sflag:s25] =	ssyncset.done $0x0  }
0x124: {  	[sflag:s25] =	ssyncadd.s32 $0xFFFFC000  }
0x125: {  	[spmem:s3] =	stream.indirect.scatter.add.f32 [tilespmem:s23], [sflag:$0x7], $0x1, s14, s18, $0xb8;
	[tilespmem:$0x1D680] =	vst v63  }
0x126: {  	p0 =	seq.s32 s26, $0x400;
	_ =	swait.ge [sflag:s25], $0x80  }
0x127: {  	s0 =	sshrl.u32 @!p0 s31, $0x3;
	[sflag:s25] =	ssyncset.done $0x0;
	s13 =	rddreg [dreg:$0x5]  }
0x128: {  	s30 =	simm.s32 @!p0 $0x0;
	[sflag:s25] =	ssyncadd.s32 $0xFFFFFF80;
	s13 =	sadd.s32 @!p0 s13, s0  }
0x129: {  	[tilespmem:s30], [sflag:$0x5] =	stream.linear.gather @!p0 [hbm4b:s13+s30], $0x400, $0x38;
	[tilespmem:$0x1D680] =	vst v63  }
0x12a: {  	s13 =	rddreg [dreg:$0x6]  }
0x12b: {  	s13 =	sadd.s32 @!p0 s13, s0;
	s0 =	simm.s32 @!p0 $0x800  }
0x12c: {  	[tilespmem:s0], [sflag:$0x5] =	stream.linear.gather @!p0 [hbm4b:s13+s30], $0x400, $0x38;
	[tilespmem:$0x1D680] =	vst v63  }
0x12d: {  	s13 =	simm.s32 $0x480  }
0x12e: {  	[tilespmem:s20], [sflag:$0x2] =	stream.indirect.gather [hbm4b:s8+s18], $0x80, s13, s18, $0xb8;
	[tilespmem:$0x1D680] =	vst v63  }
0x12f: {  	s22 =	simm.s32 $0xC80  }
0x130: {  	[tilespmem:s23], [sflag:$0x4] =	stream.indirect.gather [spmem:s4], $0x1, s22, s18, $0xb8;
	[tilespmem:$0x1D680] =	vst v63  }
0x131: {  	_ =	swait.ge [sflag:s16], $0x4000  }
0x132: {  	[sflag:s16] =	ssyncset.done $0x0  }
0x133: {  	[sflag:s16] =	ssyncadd.s32 $0xFFFFC000  }
0x134: {  	_ =	swait.ge [sflag:s24], $0x80  }
0x135: {  	[sflag:s24] =	ssyncset.done $0x0  }
0x136: {  	[sflag:s24] =	ssyncadd.s32 $0xFFFFFF80  }
0x137: {  	[spmem:s2] =	stream.indirect.scatter.add.f32 [tilespmem:s12], [sflag:$0x7], $0x80, s11, s18, $0xb8;
	[tilespmem:$0x1D680] =	vst v63  }
0x138: {  	_ =	swait.ge [sflag:s25], $0x4000  }
0x139: {  	[sflag:s25] =	ssyncset.done $0x0  }
0x13a: {  	[sflag:s25] =	ssyncadd.s32 $0xFFFFC000  }
0x13b: {  	[spmem:s3] =	stream.indirect.scatter.add.f32 [tilespmem:s19], [sflag:$0x7], $0x1, s10, s18, $0xb8;
	[tilespmem:$0x1D680] =	vst v63  }
0x13c: {  	_ =	swait.ge [sflag:s25], $0x80  }
0x13d: {  	[sflag:s25] =	ssyncset.done $0x0  }
0x13e: {  	s14 =	simm.s32 $0x500;
	[sflag:s25] =	ssyncadd.s32 $0xFFFFFF80  }
0x13f: {  	[tilespmem:s12], [sflag:$0x1] =	stream.indirect.gather [hbm4b:s8+s18], $0x80, s14, s18, $0xb8;
	[tilespmem:$0x1D680] =	vst v63  }
0x140: {  	s15 =	simm.s32 $0xD00  }
0x141: {  	[tilespmem:s19], [sflag:$0x3] =	stream.indirect.gather [spmem:s4], $0x1, s15, s18, $0xb8;
	[tilespmem:$0x1D680] =	vst v63  }
0x142: {  	_ =	swait.ge [sflag:s17], $0x4000  }
0x143: {  	[sflag:s17] =	ssyncset.done $0x0  }
0x144: {  	[sflag:s17] =	ssyncadd.s32 $0xFFFFC000  }
0x145: {  	_ =	swait.ge [sflag:s1], $0x80  }
0x146: {  	[sflag:s1] =	ssyncset.done $0x0  }
0x147: {  	[sflag:s1] =	ssyncadd.s32 $0xFFFFFF80  }
0x148: {  	[spmem:s2] =	stream.indirect.scatter.add.f32 [tilespmem:s20], [sflag:$0x7], $0x80, s22, s18, $0xb8;
	[tilespmem:$0x1D680] =	vst v63  }
0x149: {  	_ =	swait.ge [sflag:s25], $0x4000  }
0x14a: {  	[sflag:s25] =	ssyncset.done $0x0  }
0x14b: {  	[sflag:s25] =	ssyncadd.s32 $0xFFFFC000  }
0x14c: {  	[spmem:s3] =	stream.indirect.scatter.add.f32 [tilespmem:s23], [sflag:$0x7], $0x1, s13, s18, $0xb8;
	[tilespmem:$0x1D680] =	vst v63  }
0x14d: {  	_ =	swait.ge [sflag:s25], $0x80  }
0x14e: {  	[sflag:s25] =	ssyncset.done $0x0  }
0x14f: {  	s13 =	simm.s32 $0x580;
	[sflag:s25] =	ssyncadd.s32 $0xFFFFFF80  }
0x150: {  	[tilespmem:s20], [sflag:$0x2] =	stream.indirect.gather [hbm4b:s8+s18], $0x80, s13, s18, $0xb8;
	[tilespmem:$0x1D680] =	vst v63  }
0x151: {  	s22 =	simm.s32 $0xD80  }
0x152: {  	[tilespmem:s23], [sflag:$0x4] =	stream.indirect.gather [spmem:s4], $0x1, s22, s18, $0xb8;
	[tilespmem:$0x1D680] =	vst v63  }
0x153: {  	_ =	swait.ge [sflag:s16], $0x4000  }
0x154: {  	[sflag:s16] =	ssyncset.done $0x0  }
0x155: {  	[sflag:s16] =	ssyncadd.s32 $0xFFFFC000  }
0x156: {  	_ =	swait.ge [sflag:s24], $0x80  }
0x157: {  	[sflag:s24] =	ssyncset.done $0x0  }
0x158: {  	[sflag:s24] =	ssyncadd.s32 $0xFFFFFF80  }
0x159: {  	[spmem:s2] =	stream.indirect.scatter.add.f32 [tilespmem:s12], [sflag:$0x7], $0x80, s15, s18, $0xb8;
	[tilespmem:$0x1D680] =	vst v63  }
0x15a: {  	_ =	swait.ge [sflag:s25], $0x4000  }
0x15b: {  	[sflag:s25] =	ssyncset.done $0x0  }
0x15c: {  	[sflag:s25] =	ssyncadd.s32 $0xFFFFC000  }
0x15d: {  	[spmem:s3] =	stream.indirect.scatter.add.f32 [tilespmem:s19], [sflag:$0x7], $0x1, s14, s18, $0xb8;
	[tilespmem:$0x1D680] =	vst v63  }
0x15e: {  	_ =	swait.ge [sflag:s25], $0x80  }
0x15f: {  	[sflag:s25] =	ssyncset.done $0x0  }
0x160: {  	s14 =	simm.s32 $0x600;
	[sflag:s25] =	ssyncadd.s32 $0xFFFFFF80  }
0x161: {  	[tilespmem:s12], [sflag:$0x1] =	stream.indirect.gather [hbm4b:s8+s18], $0x80, s14, s18, $0xb8;
	[tilespmem:$0x1D680] =	vst v63  }
0x162: {  	s15 =	simm.s32 $0xE00  }
0x163: {  	[tilespmem:s19], [sflag:$0x3] =	stream.indirect.gather [spmem:s4], $0x1, s15, s18, $0xb8;
	[tilespmem:$0x1D680] =	vst v63  }
0x164: {  	_ =	swait.ge [sflag:s17], $0x4000  }
0x165: {  	[sflag:s17] =	ssyncset.done $0x0  }
0x166: {  	[sflag:s17] =	ssyncadd.s32 $0xFFFFC000  }
0x167: {  	_ =	swait.ge [sflag:s1], $0x80  }
0x168: {  	[sflag:s1] =	ssyncset.done $0x0  }
0x169: {  	[sflag:s1] =	ssyncadd.s32 $0xFFFFFF80  }
0x16a: {  	[spmem:s2] =	stream.indirect.scatter.add.f32 [tilespmem:s20], [sflag:$0x7], $0x80, s22, s18, $0xb8;
	[tilespmem:$0x1D680] =	vst v63  }
0x16b: {  	_ =	swait.ge [sflag:s25], $0x4000  }
0x16c: {  	[sflag:s25] =	ssyncset.done $0x0  }
0x16d: {  	[sflag:s25] =	ssyncadd.s32 $0xFFFFC000  }
0x16e: {  	[spmem:s3] =	stream.indirect.scatter.add.f32 [tilespmem:s23], [sflag:$0x7], $0x1, s13, s18, $0xb8;
	[tilespmem:$0x1D680] =	vst v63  }
0x16f: {  	_ =	swait.ge [sflag:s25], $0x80  }
0x170: {  	[sflag:s25] =	ssyncset.done $0x0  }
0x171: {  	s22 =	simm.s32 $0x680;
	[sflag:s25] =	ssyncadd.s32 $0xFFFFFF80  }
0x172: {  	[tilespmem:s20], [sflag:$0x2] =	stream.indirect.gather [hbm4b:s8+s18], $0x80, s22, s18, $0xb8;
	[tilespmem:$0x1D680] =	vst v63  }
0x173: {  	_ = 	snop  }
0x174: {  	[tilespmem:s23], [sflag:$0x4] =	stream.indirect.gather [spmem:s4], $0x1, s9, s18, $0xb8;
	[tilespmem:$0x1D680] =	vst v63  }
0x175: {  	_ =	swait.ge [sflag:s16], $0x4000  }
0x176: {  	[sflag:s16] =	ssyncset.done $0x0  }
0x177: {  	[sflag:s16] =	ssyncadd.s32 $0xFFFFC000  }
0x178: {  	_ =	swait.ge [sflag:s24], $0x80  }
0x179: {  	[sflag:s24] =	ssyncset.done $0x0  }
0x17a: {  	[sflag:s24] =	ssyncadd.s32 $0xFFFFFF80  }
0x17b: {  	[spmem:s2] =	stream.indirect.scatter.add.f32 [tilespmem:s12], [sflag:$0x7], $0x80, s15, s18, $0xb8;
	[tilespmem:$0x1D680] =	vst v63  }
0x17c: {  	_ =	swait.ge [sflag:s25], $0x4000  }
0x17d: {  	[sflag:s25] =	ssyncset.done $0x0  }
0x17e: {  	[sflag:s25] =	ssyncadd.s32 $0xFFFFC000  }
0x17f: {  	[spmem:s3] =	stream.indirect.scatter.add.f32 [tilespmem:s19], [sflag:$0x7], $0x1, s14, s18, $0xb8;
	[tilespmem:$0x1D680] =	vst v63  }
0x180: {  	_ =	swait.ge [sflag:s25], $0x80  }
0x181: {  	[sflag:s25] =	ssyncset.done $0x0  }
0x182: {  	[sflag:s25] =	ssyncadd.s32 $0xFFFFFF80  }
0x183: {  	[tilespmem:s12], [sflag:$0x1] =	stream.indirect.gather [hbm4b:s8+s18], $0x80, s6, s18, $0xb8;
	[tilespmem:$0x1D680] =	vst v63  }
0x184: {  	_ = 	snop  }
0x185: {  	[tilespmem:s19], [sflag:$0x3] =	stream.indirect.gather [spmem:s4], $0x1, s7, s18, $0xb8;
	[tilespmem:$0x1D680] =	vst v63  }
0x186: {  	_ =	swait.ge [sflag:s17], $0x4000  }
0x187: {  	[sflag:s17] =	ssyncset.done $0x0  }
0x188: {  	[sflag:s17] =	ssyncadd.s32 $0xFFFFC000  }
0x189: {  	_ =	swait.ge [sflag:s1], $0x80  }
0x18a: {  	[sflag:s1] =	ssyncset.done $0x0  }
0x18b: {  	[sflag:s1] =	ssyncadd.s32 $0xFFFFFF80  }
0x18c: {  	[spmem:s2] =	stream.indirect.scatter.add.f32 [tilespmem:s20], [sflag:$0x7], $0x80, s9, s18, $0xb8;
	[tilespmem:$0x1D680] =	vst v63  }
0x18d: {  	_ =	swait.ge [sflag:s25], $0x4000  }
0x18e: {  	[sflag:s25] =	ssyncset.done $0x0  }
0x18f: {  	[sflag:s25] =	ssyncadd.s32 $0xFFFFC000  }
0x190: {  	[spmem:s3] =	stream.indirect.scatter.add.f32 [tilespmem:s23], [sflag:$0x7], $0x1, s22, s18, $0xb8;
	[tilespmem:$0x1D680] =	vst v63  }
0x191: {  	_ =	swait.ge [sflag:s25], $0x80  }
0x192: {  	[sflag:s25] =	ssyncset.done $0x0  }
0x193: {  	[sflag:s25] =	ssyncadd.s32 $0xFFFFFF80  }
0x194: {  	[tilespmem:s20], [sflag:$0x2] =	stream.indirect.gather [hbm4b:s8+s18], $0x80, s28, s18, $0xb8;
	[tilespmem:$0x1D680] =	vst v63  }
0x195: {  	_ = 	snop  }
0x196: {  	[tilespmem:s23], [sflag:$0x4] =	stream.indirect.gather [spmem:s4], $0x1, s21, s18, $0xb8;
	[tilespmem:$0x1D680] =	vst v63  }
0x197: {  	_ =	swait.ge [sflag:s16], $0x4000  }
0x198: {  	[sflag:s16] =	ssyncset.done $0x0  }
0x199: {  	[sflag:s16] =	ssyncadd.s32 $0xFFFFC000  }
0x19a: {  	_ =	swait.ge [sflag:s24], $0x80  }
0x19b: {  	[sflag:s24] =	ssyncset.done $0x0  }
0x19c: {  	[sflag:s24] =	ssyncadd.s32 $0xFFFFFF80  }
0x19d: {  	[spmem:s2] =	stream.indirect.scatter.add.f32 [tilespmem:s12], [sflag:$0x7], $0x80, s7, s18, $0xb8;
	[tilespmem:$0x1D680] =	vst v63  }
0x19e: {  	_ =	swait.ge [sflag:s25], $0x4000  }
0x19f: {  	[sflag:s25] =	ssyncset.done $0x0  }
0x1a0: {  	[sflag:s25] =	ssyncadd.s32 $0xFFFFC000  }
0x1a1: {  	[spmem:s3] =	stream.indirect.scatter.add.f32 [tilespmem:s19], [sflag:$0x7], $0x1, s6, s18, $0xb8;
	[tilespmem:$0x1D680] =	vst v63  }
0x1a2: {  	_ =	swait.ge [sflag:s25], $0x80  }
0x1a3: {  	[sflag:s25] =	ssyncset.done $0x0  }
0x1a4: {  	s13 =	simm.s32 @!p0 $0x5;
	[sflag:s25] =	ssyncadd.s32 $0xFFFFFF80  }
0x1a5: {  	_ =	swait.ge @!p0 [sflag:s13], $0x400  }
0x1a6: {  	[sflag:s13] =	ssyncset.done @!p0 $0x0  }
0x1a7: {  	[sflag:s13] =	ssyncadd.s32 @!p0 $0xFFFFFC00  }
0x1a8: {  	_ =	swait.ge @!p0 [sflag:s13], $0x400  }
0x1a9: {  	[sflag:s13] =	ssyncset.done @!p0 $0x0  }
0x1aa: {  	s22 =	simm.s32 @!p0 $0x1000;
	[sflag:s13] =	ssyncadd.s32 @!p0 $0xFFFFFC00;
	s13 =	simm.s32 @!p0 $0x80  }
0x1ab: {  	[tilespmem:s22], [sflag:$0x1] =	stream.indirect.gather @!p0 [hbm4b:s8+s13], $0x80, s30, s13, $0xb8;
	[tilespmem:$0x1D680] =	vst v63  }
0x1ac: {  	s22 =	simm.s32 @!p0 $0x9000  }
0x1ad: {  	[tilespmem:s22], [sflag:$0x3] =	stream.indirect.gather @!p0 [spmem:s4], $0x1, s0, s13, $0xb8;
	[tilespmem:$0x1D680] =	vst v63  }
0x1ae: {  	_ =	swait.ge [sflag:s17], $0x4000  }
0x1af: {  	[sflag:s17] =	ssyncset.done $0x0  }
0x1b0: {  	[sflag:s17] =	ssyncadd.s32 $0xFFFFC000  }
0x1b1: {  	_ =	swait.ge [sflag:s1], $0x80  }
0x1b2: {  	[sflag:s1] =	ssyncset.done $0x0  }
0x1b3: {  	[sflag:s1] =	ssyncadd.s32 $0xFFFFFF80  }
0x1b4: {  	[spmem:s2] =	stream.indirect.scatter.add.f32 [tilespmem:s20], [sflag:$0x7], $0x80, s21, s18, $0xb8;
	[tilespmem:$0x1D680] =	vst v63  }
0x1b5: {  	_ =	swait.ge [sflag:s25], $0x4000  }
0x1b6: {  	[sflag:s25] =	ssyncset.done $0x0  }
.Ltmp3:
0x1b7: {  	[sflag:s25] =	ssyncadd.s32 $0xFFFFC000;
	(pc) =	sbr.rel @p0 .LBB2_6-.Ltmp3, $4  }
0x1b8: {  	[spmem:s3] =	stream.indirect.scatter.add.f32 [tilespmem:s23], [sflag:$0x7], $0x1, s28, s18, $0xb8;
	[tilespmem:$0x1D680] =	vst v63  }
0x1b9: {  	_ =	swait.ge [sflag:s25], $0x80  }
0x1ba: {  	[sflag:s25] =	ssyncset.done $0x0  }
0x1bb: {  	[sflag:s25] =	ssyncadd.s32 $0xFFFFFF80  }
.Ltmp4:
0x1bc: {  	s0 =	rddreg [dreg:$0x1a];
	(pc) =	sbr.rel .LBB2_4-.Ltmp4, $4  }
0x1bd: {  	s30 =	rddreg [dreg:$0x19];
	s0 =	sadd.s32 s26, s0  }
0x1be: {  	[tilespmem:s10], [sflag:$0x6] =	stream.linear.gather [hbm4b:s0+s5], $0x400, $0x38;
	[tilespmem:$0x1D680] =	vst v63  }
0x1bf: {  	s31 =	sadd.s32 $0x800, s31;
	s0 =	sadd.s32 s26, s30;
	s26 =	sadd.s32 $0x100, s26  }
0x1c0: {  	[tilespmem:s11], [sflag:$0x6] =	stream.linear.gather [hbm4b:s0+s5], $0x400, $0x38;
	[tilespmem:$0x1D680] =	vst v63  }
.LBB2_7:
0x1c1: {  	_ =	sfence.sel $0x180000  }
0x1c2: {  	[bflag:$0x0] =	sbarrier.arrive $0xFFFF  }
0x1c3: {  	_ =	strace $0x9000004A  }
0x1c4: {  	s0 =	stileid.u32;
	[bflag:$0x2] =	sbarrier.arrive $0xFFFF  }
0x1c5: {  	p0 =	sne.s32 s0, $0x0;
	s0 =	rddreg [dreg:$0x4]  }
0x1c6: {  	s0 =	sadd.s32 @!p0 $0x100000, s0  }
0x1c7: {  	[sflag:s0] =	ssyncadd.tile.s32 @!p0 $0x1;
	_ =	shalt  }
.Lfunc_end2:
_tile_overlayer_lowered:
.L_overlay_start_2:
0x1c8: {  	(tag) =	ssettag $0x2  }
0x1c9: {  	s0 =	rddreg [dreg:$0x0];
	s2 =	stileid.u32  }
0x1ca: {  	s1 =	rddreg [dreg:$0x1];
	p0 =	sne.s32 s2, $0x0  }
0x1cb: {  	s3 =	rddreg [dreg:$0x2];
	[bflag:$0x3] =	sbarrier.arrive $0xFFFF;
	s2 =	simm.s32 @!p0 $0x1C07  }
0x1cc: {  	[timem:s3], [sflag:s2] =	dma.local @!p0 [hbm:s0], s1  }
0x1cd: {  	s0 =	simm.s32 @!p0 $0x7  }
0x1ce: {  	_ =	swait.ge @!p0 [sflag:s0], s1  }
0x1cf: {  	s1 =	ssub.s32 @!p0 $0x0, s1;
	[sflag:s0] =	ssyncset.done @!p0 $0x0  }
0x1d0: {  	[sflag:s0] =	ssyncadd.s32 @!p0 s1  }
0x1d1: {  	[bflag:$0x3] =	sbarrier.arrive $0xFFFF  }
0x1d2: {  	_ =	shalt  }

// kernel: kernel.14.cloned.1.call-start
scs
__scs_entry_jumppad:
0x0: {  	(pc) =	sbr.rel $0x88, $3  }
0x1: {  	(tag) =	ssettag $0x0;
	lr =	simm.s32 $0x1  }
0x2: {  	[smem:$0x3F9C] =	sst lr;
	_ =	strace $0xD0000000  }
0x3: {  	_ = 	snop  }
0x4: {  	_ = 	snop  }
0x5: {  	_ = 	snop  }
0x6: {  	_ = 	snop  }
0x7: {  	_ = 	snop  }
__scs_overlays_trampoline_lowered:
0x8: {  	[smem:$0x3FAB] =	sst s0  }
0x9: {  	[smem:$0x3FAC] =	sst s1  }
0xa: {  	[smem:$0x3FAD] =	sst s2  }
0xb: {  	[smem:$0x3FAE] =	sst s3  }
0xc: {  	[smem:$0x3FAF] =	sst s4  }
0xd: {  	[smem:$0x3FB0] =	sst s5  }
0xe: {  	[smem:$0x3FB1] =	sst s6  }
0xf: {  	[smem:$0x3FB2] =	sst s7  }
0x10: {  	[smem:$0x3FB3] =	sst s8  }
0x11: {  	[smem:$0x3FB4] =	sst s9;
	s0 =	simm.s32 @!p0 $0x0  }
0x12: {  	s1 =	sld [smem:$0x3F9A];
	s0 =	simm.s32 @p0 $0x1  }
0x13: {  	[smem:$0x3FB5] =	sst s0;
	s0 =	simm.s32 @!p1 $0x0  }
0x14: {  	s2 =	sld [smem:$0x3F99];
	s0 =	simm.s32 @p1 $0x1  }
0x15: {  	[smem:$0x3FB6] =	sst s0;
	s0 =	simm.s32 @!p2 $0x0  }
0x16: {  	s3 =	sld [smem:$0x3FDB];
	s0 =	simm.s32 @p2 $0x1  }
0x17: {  	s4 =	simm.s32 $0x1BF5;
	[smem:$0x3FB8] =	sst s0  }
0x18: {  	s0 =	sld [smem:$0x3F9B];
	_ =	swait.ge [sflag:s4], $0x0  }
0x19: {  	s7 =	sld [smem:$0x3F9C]  }
0x1a: {  	s8 =	sadd.s32 $0xFFFFE003, lr  }
0x1b: {  	s9 =	sadd.s32 $0xFFFFFEF7, lr;
	s5 =	simm.s32 $0xFFFFFFFF;
	p2 =	slt.u32 s8, $0xFFFFF086  }
0x1c: {  	p1 =	slt.u32 s9, $0xF7A;
	s5 =	simm.s32 @!p2 $0x0  }
0x1d: {  	s5 =	simm.s32 @p1 $0x1;
	p0 =	seq.s32 s7, s2  }
0x1e: {  	s7 =	smul.u32 @!p0 $0xF7A, s2;
	p2 =	seq.s32 @!p0 s5, $0x0  }
0x1f: {  	s9 =	smul.u32 $0xF7A, s1;
	s8 =	simm.s32 @!p0 $0x1BF5;
	p2 =	por !p2, p0  }
0x20: {  	[sflag:s8] =	ssyncset.s32 @!p0 $0xFFFFF086;
	s6 =	sadd.s32 @!p0 s3, s7;
	s7 =	simm.s32 @!p0 $0x108  }
0x21: {  	s3 =	sadd.s32 s3, s9;
	s6 =	sadd.s32 @!p0 $0x88, s6;
	s7 =	simm.s32 @p2 $0x1082  }
0x22: {  	[simem:s7], [sflag:s8] =	dma.local @!p0 [hbm:s6], $0xF7A  }
0x23: {  	s9 =	sor.u32 $0xD0000000, s2;
	s6 =	simm.s32 $0x108;
	_ =	swait.ge @!p0 [sflag:s8], $0x0  }
0x24: {  	s3 =	sadd.s32 $0x88, s3;
	s6 =	simm.s32 @!p1 $0x1082;
	[sflag:s4] =	ssyncset.s32 $0xFFFFF086  }
0x25: {  	[simem:s6], [sflag:s4] =	dma.local [hbm:s3], $0xF7A  }
0x26: {  	[smem:$0x3F9C] =	sst s1;
	(tag) =	ssettag s2;
	_ =	strace s9  }
0x27: {  	s1 =	sld [smem:$0x3FAC]  }
0x28: {  	s2 =	sld [smem:$0x3FAD]  }
0x29: {  	s4 =	sld [smem:$0x3FAF]  }
0x2a: {  	p0 =	seq.s32 s5, $0x0;
	s5 =	sld [smem:$0x3FB0]  }
0x2b: {  	s6 =	sld [smem:$0x3FB1]  }
0x2c: {  	s7 =	sld [smem:$0x3FB2]  }
0x2d: {  	s3 =	simm.s32 $0x108;
	s8 =	sld [smem:$0x3FB3]  }
0x2e: {  	s3 =	simm.s32 @!p0 $0x1082;
	s9 =	sld [smem:$0x3FB4]  }
0x2f: {  	lr =	sadd.s32 s0, s3;
	s0 =	sld [smem:$0x3FAB]  }
0x30: {  	s3 =	sld [smem:$0x3FAE]  }
0x31: {  	[smem:$0x3FB7] =	sst s10  }
0x32: {  	s10 =	sld [smem:$0x3FB5];
	_ =	sdelay $0x3  }
0x33: {  	p0 =	seq.s32 s10, $0x1;
	s10 =	sld [smem:$0x3FB7];
	_ =	sdelay $0x3  }
0x34: {  	[smem:$0x3FB7] =	sst s10  }
0x35: {  	s10 =	sld [smem:$0x3FB6];
	_ =	sdelay $0x3  }
0x36: {  	p1 =	seq.s32 s10, $0x1;
	s10 =	sld [smem:$0x3FB7];
	_ =	sdelay $0x3  }
0x37: {  	[smem:$0x3FB7] =	sst s10  }
0x38: {  	s10 =	sld [smem:$0x3FB8]  }
0x39: {  	_ = 	snop;
	(pc) =	sbr.ind lr, $3  }
0x3a: {  	_ = 	snop  }
0x3b: {  	_ = 	snop  }
0x3c: {  	p2 =	seq.s32 s10, $0x1;
	s10 =	sld [smem:$0x3FB7]  }
0x3d: {  	_ =	shalt  }
0x3e: {  	_ =	shalt  }
0x3f: {  	_ =	shalt  }
0x40: {  	_ =	shalt  }
0x41: {  	_ =	shalt  }
0x42: {  	_ =	shalt  }
0x43: {  	_ =	shalt  }
0x44: {  	_ =	shalt  }
0x45: {  	_ =	shalt  }
0x46: {  	_ =	shalt  }
0x47: {  	_ =	shalt  }
0x48: {  	_ =	shalt  }
0x49: {  	_ =	shalt  }
0x4a: {  	_ =	shalt  }
0x4b: {  	_ =	shalt  }
0x4c: {  	_ =	shalt  }
0x4d: {  	_ =	shalt  }
0x4e: {  	_ =	shalt  }
0x4f: {  	_ =	shalt  }
0x50: {  	_ =	shalt  }
0x51: {  	_ =	shalt  }
0x52: {  	_ =	shalt  }
0x53: {  	_ =	shalt  }
0x54: {  	_ =	shalt  }
0x55: {  	_ =	shalt  }
0x56: {  	_ =	shalt  }
0x57: {  	_ =	shalt  }
0x58: {  	_ =	shalt  }
0x59: {  	_ =	shalt  }
0x5a: {  	_ =	shalt  }
0x5b: {  	_ =	shalt  }
0x5c: {  	_ =	shalt  }
0x5d: {  	_ =	shalt  }
0x5e: {  	_ =	shalt  }
0x5f: {  	_ =	shalt  }
0x60: {  	_ =	shalt  }
0x61: {  	_ =	shalt  }
0x62: {  	_ =	shalt  }
0x63: {  	_ =	shalt  }
0x64: {  	_ =	shalt  }
0x65: {  	_ =	shalt  }
0x66: {  	_ =	shalt  }
0x67: {  	_ =	shalt  }
0x68: {  	_ =	shalt  }
0x69: {  	_ =	shalt  }
0x6a: {  	_ =	shalt  }
0x6b: {  	_ =	shalt  }
0x6c: {  	_ =	shalt  }
0x6d: {  	_ =	shalt  }
0x6e: {  	_ =	shalt  }
0x6f: {  	_ =	shalt  }
0x70: {  	_ =	shalt  }
0x71: {  	_ =	shalt  }
0x72: {  	_ =	shalt  }
0x73: {  	_ =	shalt  }
0x74: {  	_ =	shalt  }
0x75: {  	_ =	shalt  }
0x76: {  	_ =	shalt  }
0x77: {  	_ =	shalt  }
0x78: {  	_ =	shalt  }
0x79: {  	_ =	shalt  }
0x7a: {  	_ =	shalt  }
0x7b: {  	_ =	shalt  }
0x7c: {  	_ =	shalt  }
0x7d: {  	_ =	shalt  }
0x7e: {  	_ =	shalt  }
0x7f: {  	_ =	shalt  }
0x80: {  	_ =	shalt  }
0x81: {  	_ =	shalt  }
0x82: {  	_ =	shalt  }
0x83: {  	_ =	shalt  }
0x84: {  	_ =	shalt  }
0x85: {  	_ =	shalt  }
0x86: {  	_ =	shalt  }
0x87: {  	_ =	shalt  }
.Lfunc_end0:
.L_simem_size_0:
called_computation.2_lowered:
.L_overlay_start_0:
0x88: {  	s2 =	sld [smem:$0x3FD9]  }
0x89: {  	s3 =	sld [smem:$0x3FFE];
	_ =	sdelay $0x1  }
0x8a: {  	s1 =	srdreg.scid  }
0x8b: {  	s0 =	sand.u32 $0x1, s1  }
0x8c: {  	s16 =	sshll.u32 s0, $0xA;
	s2 =	sadd.s32 s3, s2  }
0x8d: {  	s2 =	sadd.s32 s2, s16  }
0x8e: {  	[smem:$0x3FC3] =	sst s2  }
0x8f: {  	_ = 	snop  }
0x90: {  	(tm) =	ssettm $0x1  }
0x91: {  	s17 =	sld [smem:$0x3FFB];
	_ =	sdelay $0x3  }
0x92: {  	_ =	strace s17  }
0x93: {  	s2 =	sld [smem:$0x3FFC];
	_ =	sdelay $0x3  }
0x94: {  	_ =	strace s2  }
0x95: {  	s2 =	sld [smem:$0x3FFD];
	_ =	sdelay $0x3  }
0x96: {  	_ =	strace s2  }
0x97: {  	_ =	strace $0x8FFFFFFF  }
0x98: {  	s18 =	sld [smem:$0x3FDB];
	_ =	sdelay $0x1  }
0x99: {  	s19 =	simm.s32 $_scs_section_size  }
0x9a: {  	s4 =	simm.s32 $_size__tile_overlayer_lowered;
	s5 =	simm.s32 $_tile_overlayer_lowered  }
0x9b: {  	s22 =	simm.s32 $0x1BFF;
	s21 =	sshll.u32 s5, $0x1;
	s2 =	sadd.s32 s19, s18  }
0x9c: {  	s6 =	simm.s32 $0x0;
	s20 =	sshll.u32 s4, $0x1;
	s4 =	sadd.s32 s21, s2  }
0x9d: {  	[timem:s6], [sflag:s22] =	dma.local [hbm:s4], s20  }
0x9e: {  	_ =	swait.ge [sflag:s22], s20  }
0x9f: {  	s3 =	ssub.s32 $0x0, s20;
	[sflag:s22] =	ssyncset.done $0x0  }
0xa0: {  	[sflag:s22] =	ssyncadd.s32 s3;
	_ =	sdelay $0x1  }
0xa1: {  	s23 =	simm.s32 $0x1B8B  }
0xa2: {  	_ =	swait.ge [sflag:s23], $0x1  }
0xa3: {  	[sflag:s23] =	ssyncset.done $0x0  }
0xa4: {  	s25 =	simm.s32 $0x1B8E;
	s24 =	sld [smem:$0x3FFE];
	[sflag:s23] =	ssyncadd.s32 $0xFFFFFFFF  }
0xa5: {  	s26 =	simm.s32 $execute0_lowered;
	[smem:$0x3FD2] =	sst s25  }
0xa6: {  	s4 =	sshll.u32 s26, $0x1;
	_ =	strace $0x8000004C;
	[dreg:$0x1] =	wrdreg $0xFFFFFFFF  }
0xa7: {  	s28 =	simm.s32 $_size_execute0_lowered;
	s2 =	sadd.s32 s2, s4;
	[dreg:$0x0] =	wrdreg $0x0  }
0xa8: {  	s4 =	sshll.u32 s28, $0x1;
	[dreg:$0x2] =	wrdreg s2  }
0xa9: {  	[dreg:$0x3] =	wrdreg s4  }
0xaa: {  	[dreg:$0x4] =	wrdreg $0xC0  }
0xab: {  	_ =	task [dreg:s6], $0x5FFFF  }
0xac: {  	[dreg:$0x1] =	wrdreg $0xFFFFFFFF  }
0xad: {  	[dreg:$0x0] =	wrdreg $0x60  }
0xae: {  	[dreg:$0x2] =	wrdreg s24  }
0xaf: {  	[dreg:$0x3] =	wrdreg $0x90000  }
0xb0: {  	[dreg:$0x4] =	wrdreg $0x9  }
0xb1: {  	_ =	task.clear_ibuf [dreg:s6], $0x5FFFF;
	_ =	strace $0x9000004C  }
0xb2: {  	s29 =	simm.s32 $0x9;
	_ =	strace $0x8000004E  }
0xb3: {  	_ =	swait.ge [sflag:s29], $0x1  }
0xb4: {  	[sflag:s29] =	ssyncadd.s32 $0xFFFFFFFF  }
0xb5: {  	_ =	strace $0x9000004E  }
0xb6: {  	_ =	sfence  }
0xb7: {  	s30 =	sld [smem:$0x0];
	_ =	sdelay $0x2  }
0xb8: {  	s31 =	sshll.u32 s1, $0xD;
	s1 =	sshrl.u32 s1, $0x2  }
0xb9: {  	s3 =	sand.u32 $0x4000, s31;
	s1 =	sadd.s32 s1, s30  }
0xba: {  	s0 =	sor.u32 s3, s0;
	s1 =	sshll.u32 s1, $0x11  }
0xbb: {  	s0 =	sor.u32 s1, s0  }
0xbc: {  	s0 =	sadd.s32 $0x8F2B, s0  }
0xbd: {  	[sflag:s0] =	ssyncadd.remote.s32 $0x1  }
0xbe: {  	_ =	sfence.sel $0xFFFF  }
0xbf: {  	[dreg:$0x0] =	wrdreg $0xFFFFFFFF;
	(pc) =	sbr.abs _section_cstart, $3  }
0xc0: {  	[dreg:$0x1] =	wrdreg $0xFFFFFFFF  }
0xc1: {  	_ =	task.clear_ibuf [dreg:s6], $0x2FFFF;
	_ =	strace $0x9FFFFFFF  }
0xc2: {  	(tm) =	ssettm $0x7FFFFFFF  }
0xc3: {  	_ =	shalt  }
tec
execute0_lowered:
.L_overlay_start_1:
0x0: {  	(tag) =	ssettag $0x1  }
0x1: {  	s0 =	rddreg [dreg:$0x0]  }
0x2: {  	s1 =	rddreg [dreg:$0x1];
	s3 =	simm.s32 $0x0;
	s2 =	srdreg.scid  }
0x3: {  	s10 =	stileid.u32;
	s28 =	simm.s32 $0x80;
	s29 =	simm.s32 $0x5000  }
0x4: {  	s30 =	simm.s32 $0x5;
	s11 =	simm.s32 $0xD80;
	s12 =	simm.s32 $0x680  }
0x5: {  	s13 =	simm.s32 $0xE00;
	s14 =	simm.s32 $0x700;
	s15 =	simm.s32 $0xE80  }
0x6: {  	s16 =	simm.s32 $0x780;
	[smem:$0x7FF] =	sst s3;
	s2 =	sand.u32 $0x1, s2  }
0x7: {  	s6 =	smul.u32 $0x2800, s10;
	s4 =	sadd.s32 $0x11A00, s0;
	_ =	strace $0x8000004D  }
0x8: {  	s5 =	sshll.u32 s2, $0x4;
	s7 =	smul.u32 $0x28000, s2;
	s2 =	ssub.s32 $0x2, s2  }
0x9: {  	s8 =	sor.u32 s10, s5;
	s5 =	sadd.s32 $0x7A00, s0;
	s10 =	smul.u32 $0x50000, s10  }
0xa: {  	s9 =	sshrl.u32 s2, $0x1;
	s8 =	smul.u32 $0x500, s8;
	s7 =	sadd.s32 s6, s7  }
0xb: {  	s6 =	sadd.s32 $0x1BA00, s0;
	s2 =	ssub.s32 s2, s9;
	s0 =	sadd.s32 s7, s0  }
0xc: {  	s10 =	sshrl.u32 s10, $0x2;
	s24 =	sadd.s32 $0xC00, s7;
	s25 =	smax.u32 s2, $0x1  }
0xd: {  	s31 =	sadd.s32 $0x800, s7;
	s7 =	simm.s32 $0x0;
	[dreg:$0xd] =	wrdreg s25  }
0xe: {  	s17 =	sadd.s32 s4, s8;
	s18 =	sor.u32 $0x80, s8;
	[dreg:$0xe] =	wrdreg s31  }
0xf: {  	s8 =	sadd.s32 s5, s8;
	s20 =	sadd.s32 s10, s1;
	[dreg:$0x3] =	wrdreg s17  }
0x10: {  	s0 =	sadd.s32 $0x43A00, s0;
	s26 =	sshrl.u32 s24, $0x3;
	[dreg:$0x4] =	wrdreg s8  }
0x11: {  	s24 =	simm.s32 $0x1000;
	s25 =	simm.s32 $0x3;
	[dreg:$0x6] =	wrdreg s20  }
0x12: {  	s10 =	simm.s32 $0xF80;
	s19 =	sadd.s32 s4, s18;
	[dreg:$0xc] =	wrdreg s0  }
0x13: {  	s9 =	sadd.s32 s5, s18;
	s21 =	sadd.s32 $0x4000, s20;
	[dreg:$0x5] =	wrdreg s19  }
0x14: {  	s22 =	sadd.s32 $0x8000, s20;
	s23 =	sadd.s32 $0xC000, s20;
	[dreg:$0x7] =	wrdreg s9  }
.Ltmp0:
0x15: {  	s8 =	sadd.s32 $0x10000, s20;
	[dreg:$0x8] =	wrdreg s21;
	(pc) =	sbr.rel .LBB2_1-.Ltmp0, $4  }
0x16: {  	s18 =	sadd.s32 s26, s5;
	s0 =	simm.s32 $0x2;
	[dreg:$0x9] =	wrdreg s22  }
0x17: {  	s20 =	simm.s32 $0x4;
	s17 =	simm.s32 $0xF00;
	[dreg:$0xa] =	wrdreg s23  }
0x18: {  	[dreg:$0xb] =	wrdreg s8;
	s19 =	sadd.s32 s26, s4;
	s22 =	simm.s32 $0x400  }
0x19: {  	v0 =	vimm.f32 $0.0e+00;
	s23 =	simm.s32 $0xC00;
	s26 =	simm.s32 $0x1;
	s9 =	simm.s32 $0x600  }
.LBB2_6:
0x1a: {  	_ =	swait.ge [sflag:s0], $0x4000  }
0x1b: {  	[sflag:s0] =	ssyncset.done $0x0  }
0x1c: {  	[sflag:s0] =	ssyncadd.s32 $0xFFFFC000  }
0x1d: {  	[spmem:s1] =	stream.indirect.scatter.add.f32 [tilespmem:s29], [sflag:$0x5], $0x80, s10, s28, $0xb8;
	[tilespmem:$0x1D000] =	vst v63  }
0x1e: {  	_ =	swait.ge [sflag:s30], $0x4000  }
0x1f: {  	[sflag:s30] =	ssyncset.done $0x0  }
0x20: {  	[sflag:s30] =	ssyncadd.s32 $0xFFFFC000  }
0x21: {  	s2 =	stileid.u32;
	[bflag:$0x0] =	sbarrier.arrive $0xFFFF  }
0x22: {  	s2 =	sshll.u32 s2, $0x6;
	s7 =	rddreg [dreg:$0x6]  }
0x23: {  	s2 =	sor.u32 $0x1C05, s2;
	s8 =	rddreg [dreg:$0xc];
	s7 =	sshrl.u32 s7, $0x3  }
0x24: {  	[hbm:s8], [sflag:s2] =	dma.local [spmem:s7], $0x2800  }
0x25: {  	_ =	swait.ge [sflag:s30], $0x2800  }
0x26: {  	s21 =	rddreg [dreg:$0xf]  }
0x27: {  	s31 =	rddreg [dreg:$0xd];
	s7 =	sadd.s32 $0x1, s21  }
0x28: {  	p0 =	sne.s32 s7, s31  }
.Ltmp1:
0x29: {  	_ = 	snop;
	(pc) =	sbr.rel @!p0 .LBB2_7-.Ltmp1, $3  }
0x2a: {  	_ =	sdelay $0x1  }
0x2b: {  	[sflag:s30] =	ssyncset.done $0x0  }
0x2c: {  	[sflag:s30] =	ssyncadd.s32 $0xFFFFD800  }
.LBB2_1:
0x2d: {  	s2 =	rddreg [dreg:$0x3]  }
0x2e: {  	[tilespmem:s3], [sflag:$0x3] =	stream.linear.gather [hbm4b:s2+s3], $0x400, $0x38;
	[tilespmem:$0x1D000] =	vst v63  }
0x2f: {  	s8 =	rddreg [dreg:$0x4];
	s21 =	simm.s32 $0x800  }
0x30: {  	[tilespmem:s21], [sflag:$0x3] =	stream.linear.gather [hbm4b:s8+s3], $0x400, $0x38;
	[tilespmem:$0x1D000] =	vst v63  }
0x31: {  	s8 =	rddreg [dreg:$0x5]  }
0x32: {  	[tilespmem:s22], [sflag:$0x4] =	stream.linear.gather [hbm4b:s8+s3], $0x400, $0x38;
	[tilespmem:$0x1D000] =	vst v63  }
0x33: {  	s21 =	rddreg [dreg:$0x7]  }
0x34: {  	[tilespmem:s23], [sflag:$0x4] =	stream.linear.gather [hbm4b:s21+s3], $0x400, $0x38;
	[tilespmem:$0x1D000] =	vst v63  }
0x35: {  	[dreg:$0xf] =	wrdreg s7;
	s31 =	simm.s32 $0x200;
	s21 =	simm.s32 $0x0  }
.LBB2_2:
0x36: {  	p0 =	sne.s32 s31, $0xFE00;
	[tilespmem:s21+$0x1070] =	vst v0  }
0x37: {  	[tilespmem:s21+$0x1000] =	vst v0  }
0x38: {  	[tilespmem:s21+$0x1010] =	vst v0  }
.Ltmp2:
0x39: {  	[tilespmem:s21+$0x1020] =	vst v0;
	(pc) =	sbr.rel @p0 .LBB2_2-.Ltmp2, $4  }
0x3a: {  	[tilespmem:s21+$0x1030] =	vst v0  }
0x3b: {  	[tilespmem:s21+$0x1040] =	vst v0  }
0x3c: {  	[tilespmem:s21+$0x1050] =	vst v0  }
0x3d: {  	[tilespmem:s21+$0x1060] =	vst v0;
	s21 =	sshra.s32 s31, $0x2;
	s31 =	sadd.s32 $0x200, s31  }
0x3e: {  	[tilespmem:s21+$0x1070] =	vst v0  }
0x3f: {  	[tilespmem:s21+$0x1000] =	vst v0  }
0x40: {  	[tilespmem:s21+$0x1010] =	vst v0  }
0x41: {  	[tilespmem:s21+$0x1020] =	vst v0  }
0x42: {  	[tilespmem:s21+$0x1030] =	vst v0  }
0x43: {  	[tilespmem:s21+$0x1040] =	vst v0  }
0x44: {  	[tilespmem:s21+$0x1050] =	vst v0  }
0x45: {  	[tilespmem:s21+$0x1060] =	vst v0;
	s2 =	rddreg [dreg:$0x6]  }
0x46: {  	[spmem:s2] =	stream.linear.scatter [tilespmem:s24], [sflag:$0x1], $0x4000, $0x38;
	[tilespmem:$0x1D000] =	vst v63  }
0x47: {  	s21 =	rddreg [dreg:$0x8]  }
0x48: {  	[spmem:s21] =	stream.linear.scatter [tilespmem:s24], [sflag:$0x1], $0x4000, $0x38;
	[tilespmem:$0x1D000] =	vst v63  }
0x49: {  	s7 =	rddreg [dreg:$0x9]  }
0x4a: {  	[spmem:s7] =	stream.linear.scatter [tilespmem:s24], [sflag:$0x1], $0x4000, $0x38;
	[tilespmem:$0x1D000] =	vst v63  }
0x4b: {  	s8 =	rddreg [dreg:$0xa]  }
0x4c: {  	[spmem:s8] =	stream.linear.scatter [tilespmem:s24], [sflag:$0x1], $0x4000, $0x38;
	[tilespmem:$0x1D000] =	vst v63  }
0x4d: {  	s21 =	rddreg [dreg:$0xb]  }
0x4e: {  	[spmem:s21] =	stream.linear.scatter [tilespmem:s24], [sflag:$0x1], $0x4000, $0x38;
	[tilespmem:$0x1D000] =	vst v63  }
0x4f: {  	_ =	swait.ge [sflag:s25], $0x400  }
0x50: {  	[sflag:s25] =	ssyncset.done $0x0  }
0x51: {  	[sflag:s25] =	ssyncadd.s32 $0xFFFFFC00  }
0x52: {  	_ =	swait.ge [sflag:s25], $0x400  }
0x53: {  	[sflag:s25] =	ssyncset.done $0x0  }
0x54: {  	[sflag:s25] =	ssyncadd.s32 $0xFFFFFC00  }
0x55: {  	_ =	swait.ge [sflag:s26], $0x4000  }
0x56: {  	[sflag:s26] =	ssyncset.done $0x0  }
0x57: {  	[sflag:s26] =	ssyncadd.s32 $0xFFFFC000  }
0x58: {  	_ =	swait.ge [sflag:s26], $0x4000  }
0x59: {  	[sflag:s26] =	ssyncset.done $0x0  }
0x5a: {  	[sflag:s26] =	ssyncadd.s32 $0xFFFFC000  }
0x5b: {  	_ =	swait.ge [sflag:s26], $0x4000  }
0x5c: {  	[sflag:s26] =	ssyncset.done $0x0  }
0x5d: {  	[sflag:s26] =	ssyncadd.s32 $0xFFFFC000  }
0x5e: {  	_ =	swait.ge [sflag:s26], $0x4000  }
0x5f: {  	[sflag:s26] =	ssyncset.done $0x0  }
0x60: {  	[sflag:s26] =	ssyncadd.s32 $0xFFFFC000  }
0x61: {  	_ =	swait.ge [sflag:s26], $0x4000  }
0x62: {  	[sflag:s26] =	ssyncset.done $0x0  }
0x63: {  	s31 =	simm.s32 $0x0;
	[sflag:s26] =	ssyncadd.s32 $0xFFFFC000  }
0x64: {  	[tilespmem:s24], [sflag:$0x1] =	stream.indirect.gather [hbm4b:s6+s28], $0x80, s31, s28, $0xb8;
	[tilespmem:$0x1D000] =	vst v63  }
0x65: {  	[bflag:$0x0] =	sbarrier.arrive $0xFFFF  }
0x66: {  	s21 =	rddreg [dreg:$0xe]  }
.LBB2_4:
0x67: {  	[tilespmem:s29], [sflag:$0x2] =	stream.indirect.gather [hbm4b:s6+s28], $0x80, s28, s28, $0xb8;
	[tilespmem:$0x1D000] =	vst v63  }
0x68: {  	_ =	swait.ge [sflag:s26], $0x4000  }
0x69: {  	[sflag:s26] =	ssyncset.done $0x0  }
0x6a: {  	s2 =	simm.s32 $0x800;
	[sflag:s26] =	ssyncadd.s32 $0xFFFFC000  }
0x6b: {  	[spmem:s1] =	stream.indirect.scatter.add.f32 [tilespmem:s24], [sflag:$0x5], $0x80, s2, s28, $0xb8;
	[tilespmem:$0x1D000] =	vst v63  }
0x6c: {  	_ =	swait.ge [sflag:s30], $0x4000  }
0x6d: {  	[sflag:s30] =	ssyncset.done $0x0  }
0x6e: {  	s7 =	simm.s32 $0x100;
	[sflag:s30] =	ssyncadd.s32 $0xFFFFC000  }
0x6f: {  	[tilespmem:s24], [sflag:$0x1] =	stream.indirect.gather [hbm4b:s6+s28], $0x80, s7, s28, $0xb8;
	[tilespmem:$0x1D000] =	vst v63  }
0x70: {  	_ =	swait.ge [sflag:s0], $0x4000  }
0x71: {  	[sflag:s0] =	ssyncset.done $0x0  }
0x72: {  	s8 =	simm.s32 $0x880;
	[sflag:s0] =	ssyncadd.s32 $0xFFFFC000  }
0x73: {  	[spmem:s1] =	stream.indirect.scatter.add.f32 [tilespmem:s29], [sflag:$0x5], $0x80, s8, s28, $0xb8;
	[tilespmem:$0x1D000] =	vst v63  }
0x74: {  	_ =	swait.ge [sflag:s30], $0x4000  }
0x75: {  	[sflag:s30] =	ssyncset.done $0x0  }
0x76: {  	s7 =	simm.s32 $0x180;
	[sflag:s30] =	ssyncadd.s32 $0xFFFFC000  }
0x77: {  	[tilespmem:s29], [sflag:$0x2] =	stream.indirect.gather [hbm4b:s6+s28], $0x80, s7, s28, $0xb8;
	[tilespmem:$0x1D000] =	vst v63  }
0x78: {  	_ =	swait.ge [sflag:s26], $0x4000  }
0x79: {  	[sflag:s26] =	ssyncset.done $0x0  }
0x7a: {  	s8 =	simm.s32 $0x900;
	[sflag:s26] =	ssyncadd.s32 $0xFFFFC000  }
0x7b: {  	[spmem:s1] =	stream.indirect.scatter.add.f32 [tilespmem:s24], [sflag:$0x5], $0x80, s8, s28, $0xb8;
	[tilespmem:$0x1D000] =	vst v63  }
0x7c: {  	_ =	swait.ge [sflag:s30], $0x4000  }
0x7d: {  	[sflag:s30] =	ssyncset.done $0x0  }
0x7e: {  	s7 =	simm.s32 $0x200;
	[sflag:s30] =	ssyncadd.s32 $0xFFFFC000  }
0x7f: {  	[tilespmem:s24], [sflag:$0x1] =	stream.indirect.gather [hbm4b:s6+s28], $0x80, s7, s28, $0xb8;
	[tilespmem:$0x1D000] =	vst v63  }
0x80: {  	_ =	swait.ge [sflag:s0], $0x4000  }
0x81: {  	[sflag:s0] =	ssyncset.done $0x0  }
0x82: {  	s8 =	simm.s32 $0x980;
	[sflag:s0] =	ssyncadd.s32 $0xFFFFC000  }
0x83: {  	[spmem:s1] =	stream.indirect.scatter.add.f32 [tilespmem:s29], [sflag:$0x5], $0x80, s8, s28, $0xb8;
	[tilespmem:$0x1D000] =	vst v63  }
0x84: {  	_ =	swait.ge [sflag:s30], $0x4000  }
0x85: {  	[sflag:s30] =	ssyncset.done $0x0  }
0x86: {  	s7 =	simm.s32 $0x280;
	[sflag:s30] =	ssyncadd.s32 $0xFFFFC000  }
0x87: {  	[tilespmem:s29], [sflag:$0x2] =	stream.indirect.gather [hbm4b:s6+s28], $0x80, s7, s28, $0xb8;
	[tilespmem:$0x1D000] =	vst v63  }
0x88: {  	_ =	swait.ge [sflag:s26], $0x4000  }
0x89: {  	[sflag:s26] =	ssyncset.done $0x0  }
0x8a: {  	s8 =	simm.s32 $0xA00;
	[sflag:s26] =	ssyncadd.s32 $0xFFFFC000  }
0x8b: {  	[spmem:s1] =	stream.indirect.scatter.add.f32 [tilespmem:s24], [sflag:$0x5], $0x80, s8, s28, $0xb8;
	[tilespmem:$0x1D000] =	vst v63  }
0x8c: {  	_ =	swait.ge [sflag:s30], $0x4000  }
0x8d: {  	[sflag:s30] =	ssyncset.done $0x0  }
0x8e: {  	s7 =	simm.s32 $0x300;
	[sflag:s30] =	ssyncadd.s32 $0xFFFFC000  }
0x8f: {  	[tilespmem:s24], [sflag:$0x1] =	stream.indirect.gather [hbm4b:s6+s28], $0x80, s7, s28, $0xb8;
	[tilespmem:$0x1D000] =	vst v63  }
0x90: {  	_ =	swait.ge [sflag:s0], $0x4000  }
0x91: {  	[sflag:s0] =	ssyncset.done $0x0  }
0x92: {  	s8 =	simm.s32 $0xA80;
	[sflag:s0] =	ssyncadd.s32 $0xFFFFC000  }
0x93: {  	[spmem:s1] =	stream.indirect.scatter.add.f32 [tilespmem:s29], [sflag:$0x5], $0x80, s8, s28, $0xb8;
	[tilespmem:$0x1D000] =	vst v63  }
0x94: {  	_ =	swait.ge [sflag:s30], $0x4000  }
0x95: {  	[sflag:s30] =	ssyncset.done $0x0  }
0x96: {  	s7 =	simm.s32 $0x380;
	[sflag:s30] =	ssyncadd.s32 $0xFFFFC000  }
0x97: {  	[tilespmem:s29], [sflag:$0x2] =	stream.indirect.gather [hbm4b:s6+s28], $0x80, s7, s28, $0xb8;
	[tilespmem:$0x1D000] =	vst v63  }
0x98: {  	_ =	swait.ge [sflag:s26], $0x4000  }
0x99: {  	[sflag:s26] =	ssyncset.done $0x0  }
0x9a: {  	s8 =	simm.s32 $0xB00;
	[sflag:s26] =	ssyncadd.s32 $0xFFFFC000  }
0x9b: {  	[spmem:s1] =	stream.indirect.scatter.add.f32 [tilespmem:s24], [sflag:$0x5], $0x80, s8, s28, $0xb8;
	[tilespmem:$0x1D000] =	vst v63  }
0x9c: {  	_ =	swait.ge [sflag:s30], $0x4000  }
0x9d: {  	[sflag:s30] =	ssyncset.done $0x0  }
0x9e: {  	[sflag:s30] =	ssyncadd.s32 $0xFFFFC000  }
0x9f: {  	_ =	swait.ge [sflag:s20], $0x400  }
0xa0: {  	[sflag:s20] =	ssyncset.done $0x0  }
0xa1: {  	[sflag:s20] =	ssyncadd.s32 $0xFFFFFC00  }
0xa2: {  	_ =	swait.ge [sflag:s20], $0x400  }
0xa3: {  	[sflag:s20] =	ssyncset.done $0x0  }
0xa4: {  	[sflag:s20] =	ssyncadd.s32 $0xFFFFFC00  }
0xa5: {  	[tilespmem:s24], [sflag:$0x1] =	stream.indirect.gather [hbm4b:s6+s28], $0x80, s22, s28, $0xb8;
	[tilespmem:$0x1D000] =	vst v63  }
0xa6: {  	_ =	swait.ge [sflag:s0], $0x4000  }
0xa7: {  	[sflag:s0] =	ssyncset.done $0x0  }
0xa8: {  	s7 =	simm.s32 $0xB80;
	[sflag:s0] =	ssyncadd.s32 $0xFFFFC000  }
0xa9: {  	[spmem:s1] =	stream.indirect.scatter.add.f32 [tilespmem:s29], [sflag:$0x5], $0x80, s7, s28, $0xb8;
	[tilespmem:$0x1D000] =	vst v63  }
0xaa: {  	p0 =	seq.s32 s31, $0x400;
	_ =	swait.ge [sflag:s30], $0x4000  }
0xab: {  	s2 =	sshrl.u32 @!p0 s21, $0x3;
	[sflag:s30] =	ssyncset.done $0x0  }
0xac: {  	s8 =	simm.s32 @!p0 $0x0;
	s7 =	sadd.s32 @!p0 s4, s2;
	[sflag:s30] =	ssyncadd.s32 $0xFFFFC000  }
0xad: {  	[tilespmem:s8], [sflag:$0x3] =	stream.linear.gather @!p0 [hbm4b:s7+s8], $0x400, $0x38;
	[tilespmem:$0x1D000] =	vst v63  }
0xae: {  	s2 =	sadd.s32 @!p0 s5, s2;
	s7 =	simm.s32 @!p0 $0x800  }
0xaf: {  	[tilespmem:s7], [sflag:$0x3] =	stream.linear.gather @!p0 [hbm4b:s2+s8], $0x400, $0x38;
	[tilespmem:$0x1D000] =	vst v63  }
0xb0: {  	s8 =	simm.s32 $0x480  }
0xb1: {  	[tilespmem:s29], [sflag:$0x2] =	stream.indirect.gather [hbm4b:s6+s28], $0x80, s8, s28, $0xb8;
	[tilespmem:$0x1D000] =	vst v63  }
0xb2: {  	_ =	swait.ge [sflag:s26], $0x4000  }
0xb3: {  	[sflag:s26] =	ssyncset.done $0x0  }
0xb4: {  	[sflag:s26] =	ssyncadd.s32 $0xFFFFC000  }
0xb5: {  	[spmem:s1] =	stream.indirect.scatter.add.f32 [tilespmem:s24], [sflag:$0x5], $0x80, s23, s28, $0xb8;
	[tilespmem:$0x1D000] =	vst v63  }
0xb6: {  	_ =	swait.ge [sflag:s30], $0x4000  }
0xb7: {  	[sflag:s30] =	ssyncset.done $0x0  }
0xb8: {  	s7 =	simm.s32 $0x500;
	[sflag:s30] =	ssyncadd.s32 $0xFFFFC000  }
0xb9: {  	[tilespmem:s24], [sflag:$0x1] =	stream.indirect.gather [hbm4b:s6+s28], $0x80, s7, s28, $0xb8;
	[tilespmem:$0x1D000] =	vst v63  }
0xba: {  	_ =	swait.ge [sflag:s0], $0x4000  }
0xbb: {  	[sflag:s0] =	ssyncset.done $0x0  }
0xbc: {  	s8 =	simm.s32 $0xC80;
	[sflag:s0] =	ssyncadd.s32 $0xFFFFC000  }
0xbd: {  	[spmem:s1] =	stream.indirect.scatter.add.f32 [tilespmem:s29], [sflag:$0x5], $0x80, s8, s28, $0xb8;
	[tilespmem:$0x1D000] =	vst v63  }
0xbe: {  	_ =	swait.ge [sflag:s30], $0x4000  }
0xbf: {  	[sflag:s30] =	ssyncset.done $0x0  }
0xc0: {  	s7 =	simm.s32 $0x580;
	[sflag:s30] =	ssyncadd.s32 $0xFFFFC000  }
0xc1: {  	[tilespmem:s29], [sflag:$0x2] =	stream.indirect.gather [hbm4b:s6+s28], $0x80, s7, s28, $0xb8;
	[tilespmem:$0x1D000] =	vst v63  }
0xc2: {  	_ =	swait.ge [sflag:s26], $0x4000  }
0xc3: {  	[sflag:s26] =	ssyncset.done $0x0  }
0xc4: {  	s8 =	simm.s32 $0xD00;
	[sflag:s26] =	ssyncadd.s32 $0xFFFFC000  }
0xc5: {  	[spmem:s1] =	stream.indirect.scatter.add.f32 [tilespmem:s24], [sflag:$0x5], $0x80, s8, s28, $0xb8;
	[tilespmem:$0x1D000] =	vst v63  }
0xc6: {  	_ =	swait.ge [sflag:s30], $0x4000  }
0xc7: {  	[sflag:s30] =	ssyncset.done $0x0  }
0xc8: {  	[sflag:s30] =	ssyncadd.s32 $0xFFFFC000  }
0xc9: {  	[tilespmem:s24], [sflag:$0x1] =	stream.indirect.gather [hbm4b:s6+s28], $0x80, s9, s28, $0xb8;
	[tilespmem:$0x1D000] =	vst v63  }
0xca: {  	_ =	swait.ge [sflag:s0], $0x4000  }
0xcb: {  	[sflag:s0] =	ssyncset.done $0x0  }
0xcc: {  	[sflag:s0] =	ssyncadd.s32 $0xFFFFC000  }
0xcd: {  	[spmem:s1] =	stream.indirect.scatter.add.f32 [tilespmem:s29], [sflag:$0x5], $0x80, s11, s28, $0xb8;
	[tilespmem:$0x1D000] =	vst v63  }
0xce: {  	_ =	swait.ge [sflag:s30], $0x4000  }
0xcf: {  	[sflag:s30] =	ssyncset.done $0x0  }
0xd0: {  	[sflag:s30] =	ssyncadd.s32 $0xFFFFC000  }
0xd1: {  	[tilespmem:s29], [sflag:$0x2] =	stream.indirect.gather [hbm4b:s6+s28], $0x80, s12, s28, $0xb8;
	[tilespmem:$0x1D000] =	vst v63  }
0xd2: {  	_ =	swait.ge [sflag:s26], $0x4000  }
0xd3: {  	[sflag:s26] =	ssyncset.done $0x0  }
0xd4: {  	[sflag:s26] =	ssyncadd.s32 $0xFFFFC000  }
0xd5: {  	[spmem:s1] =	stream.indirect.scatter.add.f32 [tilespmem:s24], [sflag:$0x5], $0x80, s13, s28, $0xb8;
	[tilespmem:$0x1D000] =	vst v63  }
0xd6: {  	_ =	swait.ge [sflag:s30], $0x4000  }
0xd7: {  	[sflag:s30] =	ssyncset.done $0x0  }
0xd8: {  	[sflag:s30] =	ssyncadd.s32 $0xFFFFC000  }
0xd9: {  	[tilespmem:s24], [sflag:$0x1] =	stream.indirect.gather [hbm4b:s6+s28], $0x80, s14, s28, $0xb8;
	[tilespmem:$0x1D000] =	vst v63  }
0xda: {  	_ =	swait.ge [sflag:s0], $0x4000  }
0xdb: {  	[sflag:s0] =	ssyncset.done $0x0  }
0xdc: {  	[sflag:s0] =	ssyncadd.s32 $0xFFFFC000  }
0xdd: {  	[spmem:s1] =	stream.indirect.scatter.add.f32 [tilespmem:s29], [sflag:$0x5], $0x80, s15, s28, $0xb8;
	[tilespmem:$0x1D000] =	vst v63  }
0xde: {  	_ =	swait.ge [sflag:s30], $0x4000  }
0xdf: {  	[sflag:s30] =	ssyncset.done $0x0  }
0xe0: {  	[sflag:s30] =	ssyncadd.s32 $0xFFFFC000  }
0xe1: {  	[tilespmem:s29], [sflag:$0x2] =	stream.indirect.gather [hbm4b:s6+s28], $0x80, s16, s28, $0xb8;
	[tilespmem:$0x1D000] =	vst v63  }
0xe2: {  	_ =	swait.ge [sflag:s26], $0x4000  }
0xe3: {  	[sflag:s26] =	ssyncset.done $0x0  }
.Ltmp3:
0xe4: {  	[sflag:s26] =	ssyncadd.s32 $0xFFFFC000;
	(pc) =	sbr.rel @p0 .LBB2_6-.Ltmp3, $4  }
0xe5: {  	[spmem:s1] =	stream.indirect.scatter.add.f32 [tilespmem:s24], [sflag:$0x5], $0x80, s17, s28, $0xb8;
	[tilespmem:$0x1D000] =	vst v63  }
0xe6: {  	_ =	swait.ge [sflag:s30], $0x4000  }
0xe7: {  	[sflag:s30] =	ssyncset.done $0x0  }
0xe8: {  	[sflag:s30] =	ssyncadd.s32 $0xFFFFC000  }
0xe9: {  	_ =	swait.ge [sflag:s25], $0x400  }
0xea: {  	[sflag:s25] =	ssyncset.done $0x0  }
0xeb: {  	[sflag:s25] =	ssyncadd.s32 $0xFFFFFC00  }
0xec: {  	_ =	swait.ge [sflag:s25], $0x400  }
0xed: {  	[sflag:s25] =	ssyncset.done $0x0  }
0xee: {  	[sflag:s25] =	ssyncadd.s32 $0xFFFFFC00  }
0xef: {  	[tilespmem:s24], [sflag:$0x1] =	stream.indirect.gather [hbm4b:s6+s28], $0x80, s3, s28, $0xb8;
	[tilespmem:$0x1D000] =	vst v63  }
0xf0: {  	_ =	swait.ge [sflag:s0], $0x4000  }
0xf1: {  	[sflag:s0] =	ssyncset.done $0x0  }
0xf2: {  	[sflag:s0] =	ssyncadd.s32 $0xFFFFC000  }
0xf3: {  	[spmem:s1] =	stream.indirect.scatter.add.f32 [tilespmem:s29], [sflag:$0x5], $0x80, s10, s28, $0xb8;
	[tilespmem:$0x1D000] =	vst v63  }
0xf4: {  	_ =	swait.ge [sflag:s30], $0x4000  }
.Ltmp4:
0xf5: {  	[sflag:s30] =	ssyncset.done $0x0;
	(pc) =	sbr.rel .LBB2_4-.Ltmp4, $4  }
0xf6: {  	s2 =	sadd.s32 s31, s19;
	[sflag:s30] =	ssyncadd.s32 $0xFFFFC000  }
0xf7: {  	[tilespmem:s22], [sflag:$0x4] =	stream.linear.gather [hbm4b:s2+s3], $0x400, $0x38;
	[tilespmem:$0x1D000] =	vst v63  }
0xf8: {  	s8 =	sadd.s32 s31, s18;
	s31 =	sadd.s32 $0x100, s31;
	s21 =	sadd.s32 $0x800, s21  }
0xf9: {  	[tilespmem:s23], [sflag:$0x4] =	stream.linear.gather [hbm4b:s8+s3], $0x400, $0x38;
	[tilespmem:$0x1D000] =	vst v63  }
.LBB2_7:
0xfa: {  	_ =	sfence.sel $0x180000  }
0xfb: {  	[bflag:$0x0] =	sbarrier.arrive $0xFFFF  }
0xfc: {  	_ =	strace $0x9000004D  }
0xfd: {  	s0 =	stileid.u32;
	[bflag:$0x2] =	sbarrier.arrive $0xFFFF  }
0xfe: {  	p0 =	sne.s32 s0, $0x0;
	s0 =	rddreg [dreg:$0x2]  }
0xff: {  	s0 =	sadd.s32 @!p0 $0x100000, s0  }
0x100: {  	[sflag:s0] =	ssyncadd.tile.s32 @!p0 $0x1;
	_ =	shalt  }
.Lfunc_end2:
_tile_overlayer_lowered:
.L_overlay_start_2:
0x101: {  	(tag) =	ssettag $0x2  }
0x102: {  	s0 =	rddreg [dreg:$0x0];
	s2 =	stileid.u32  }
0x103: {  	s1 =	rddreg [dreg:$0x1];
	p0 =	sne.s32 s2, $0x0  }
0x104: {  	s3 =	rddreg [dreg:$0x2];
	[bflag:$0x3] =	sbarrier.arrive $0xFFFF;
	s2 =	simm.s32 @!p0 $0x1C05  }
0x105: {  	[timem:s3], [sflag:s2] =	dma.local @!p0 [hbm:s0], s1  }
0x106: {  	s0 =	simm.s32 @!p0 $0x5  }
0x107: {  	_ =	swait.ge @!p0 [sflag:s0], s1  }
0x108: {  	s1 =	ssub.s32 @!p0 $0x0, s1;
	[sflag:s0] =	ssyncset.done @!p0 $0x0  }
0x109: {  	[sflag:s0] =	ssyncadd.s32 @!p0 s1  }
0x10a: {  	[bflag:$0x3] =	sbarrier.arrive $0xFFFF  }
0x10b: {  	_ =	shalt  }

// kernel: kernel.8.cloned.1.call-start
scs
__scs_entry_jumppad:
0x0: {  	(pc) =	sbr.rel $0x88, $3  }
0x1: {  	(tag) =	ssettag $0x0;
	lr =	simm.s32 $0x1  }
0x2: {  	[smem:$0x3F9C] =	sst lr;
	_ =	strace $0xD0000000  }
0x3: {  	_ = 	snop  }
0x4: {  	_ = 	snop  }
0x5: {  	_ = 	snop  }
0x6: {  	_ = 	snop  }
0x7: {  	_ = 	snop  }
__scs_overlays_trampoline_lowered:
0x8: {  	[smem:$0x3FAB] =	sst s0  }
0x9: {  	[smem:$0x3FAC] =	sst s1  }
0xa: {  	[smem:$0x3FAD] =	sst s2  }
0xb: {  	[smem:$0x3FAE] =	sst s3  }
0xc: {  	[smem:$0x3FAF] =	sst s4  }
0xd: {  	[smem:$0x3FB0] =	sst s5  }
0xe: {  	[smem:$0x3FB1] =	sst s6  }
0xf: {  	[smem:$0x3FB2] =	sst s7  }
0x10: {  	[smem:$0x3FB3] =	sst s8  }
0x11: {  	[smem:$0x3FB4] =	sst s9;
	s0 =	simm.s32 @!p0 $0x0  }
0x12: {  	s1 =	sld [smem:$0x3F9A];
	s0 =	simm.s32 @p0 $0x1  }
0x13: {  	[smem:$0x3FB5] =	sst s0;
	s0 =	simm.s32 @!p1 $0x0  }
0x14: {  	s2 =	sld [smem:$0x3F99];
	s0 =	simm.s32 @p1 $0x1  }
0x15: {  	[smem:$0x3FB6] =	sst s0;
	s0 =	simm.s32 @!p2 $0x0  }
0x16: {  	s3 =	sld [smem:$0x3FDB];
	s0 =	simm.s32 @p2 $0x1  }
0x17: {  	s4 =	simm.s32 $0x1BF5;
	[smem:$0x3FB8] =	sst s0  }
0x18: {  	s0 =	sld [smem:$0x3F9B];
	_ =	swait.ge [sflag:s4], $0x0  }
0x19: {  	s7 =	sld [smem:$0x3F9C]  }
0x1a: {  	s8 =	sadd.s32 $0xFFFFE003, lr  }
0x1b: {  	s9 =	sadd.s32 $0xFFFFFEF7, lr;
	s5 =	simm.s32 $0xFFFFFFFF;
	p2 =	slt.u32 s8, $0xFFFFF086  }
0x1c: {  	p1 =	slt.u32 s9, $0xF7A;
	s5 =	simm.s32 @!p2 $0x0  }
0x1d: {  	s5 =	simm.s32 @p1 $0x1;
	p0 =	seq.s32 s7, s2  }
0x1e: {  	s7 =	smul.u32 @!p0 $0xF7A, s2;
	p2 =	seq.s32 @!p0 s5, $0x0  }
0x1f: {  	s9 =	smul.u32 $0xF7A, s1;
	s8 =	simm.s32 @!p0 $0x1BF5;
	p2 =	por !p2, p0  }
0x20: {  	[sflag:s8] =	ssyncset.s32 @!p0 $0xFFFFF086;
	s6 =	sadd.s32 @!p0 s3, s7;
	s7 =	simm.s32 @!p0 $0x108  }
0x21: {  	s3 =	sadd.s32 s3, s9;
	s6 =	sadd.s32 @!p0 $0x88, s6;
	s7 =	simm.s32 @p2 $0x1082  }
0x22: {  	[simem:s7], [sflag:s8] =	dma.local @!p0 [hbm:s6], $0xF7A  }
0x23: {  	s9 =	sor.u32 $0xD0000000, s2;
	s6 =	simm.s32 $0x108;
	_ =	swait.ge @!p0 [sflag:s8], $0x0  }
0x24: {  	s3 =	sadd.s32 $0x88, s3;
	s6 =	simm.s32 @!p1 $0x1082;
	[sflag:s4] =	ssyncset.s32 $0xFFFFF086  }
0x25: {  	[simem:s6], [sflag:s4] =	dma.local [hbm:s3], $0xF7A  }
0x26: {  	[smem:$0x3F9C] =	sst s1;
	(tag) =	ssettag s2;
	_ =	strace s9  }
0x27: {  	s1 =	sld [smem:$0x3FAC]  }
0x28: {  	s2 =	sld [smem:$0x3FAD]  }
0x29: {  	s4 =	sld [smem:$0x3FAF]  }
0x2a: {  	p0 =	seq.s32 s5, $0x0;
	s5 =	sld [smem:$0x3FB0]  }
0x2b: {  	s6 =	sld [smem:$0x3FB1]  }
0x2c: {  	s7 =	sld [smem:$0x3FB2]  }
0x2d: {  	s3 =	simm.s32 $0x108;
	s8 =	sld [smem:$0x3FB3]  }
0x2e: {  	s3 =	simm.s32 @!p0 $0x1082;
	s9 =	sld [smem:$0x3FB4]  }
0x2f: {  	lr =	sadd.s32 s0, s3;
	s0 =	sld [smem:$0x3FAB]  }
0x30: {  	s3 =	sld [smem:$0x3FAE]  }
0x31: {  	[smem:$0x3FB7] =	sst s10  }
0x32: {  	s10 =	sld [smem:$0x3FB5];
	_ =	sdelay $0x3  }
0x33: {  	p0 =	seq.s32 s10, $0x1;
	s10 =	sld [smem:$0x3FB7];
	_ =	sdelay $0x3  }
0x34: {  	[smem:$0x3FB7] =	sst s10  }
0x35: {  	s10 =	sld [smem:$0x3FB6];
	_ =	sdelay $0x3  }
0x36: {  	p1 =	seq.s32 s10, $0x1;
	s10 =	sld [smem:$0x3FB7];
	_ =	sdelay $0x3  }
0x37: {  	[smem:$0x3FB7] =	sst s10  }
0x38: {  	s10 =	sld [smem:$0x3FB8]  }
0x39: {  	_ = 	snop;
	(pc) =	sbr.ind lr, $3  }
0x3a: {  	_ = 	snop  }
0x3b: {  	_ = 	snop  }
0x3c: {  	p2 =	seq.s32 s10, $0x1;
	s10 =	sld [smem:$0x3FB7]  }
0x3d: {  	_ =	shalt  }
0x3e: {  	_ =	shalt  }
0x3f: {  	_ =	shalt  }
0x40: {  	_ =	shalt  }
0x41: {  	_ =	shalt  }
0x42: {  	_ =	shalt  }
0x43: {  	_ =	shalt  }
0x44: {  	_ =	shalt  }
0x45: {  	_ =	shalt  }
0x46: {  	_ =	shalt  }
0x47: {  	_ =	shalt  }
0x48: {  	_ =	shalt  }
0x49: {  	_ =	shalt  }
0x4a: {  	_ =	shalt  }
0x4b: {  	_ =	shalt  }
0x4c: {  	_ =	shalt  }
0x4d: {  	_ =	shalt  }
0x4e: {  	_ =	shalt  }
0x4f: {  	_ =	shalt  }
0x50: {  	_ =	shalt  }
0x51: {  	_ =	shalt  }
0x52: {  	_ =	shalt  }
0x53: {  	_ =	shalt  }
0x54: {  	_ =	shalt  }
0x55: {  	_ =	shalt  }
0x56: {  	_ =	shalt  }
0x57: {  	_ =	shalt  }
0x58: {  	_ =	shalt  }
0x59: {  	_ =	shalt  }
0x5a: {  	_ =	shalt  }
0x5b: {  	_ =	shalt  }
0x5c: {  	_ =	shalt  }
0x5d: {  	_ =	shalt  }
0x5e: {  	_ =	shalt  }
0x5f: {  	_ =	shalt  }
0x60: {  	_ =	shalt  }
0x61: {  	_ =	shalt  }
0x62: {  	_ =	shalt  }
0x63: {  	_ =	shalt  }
0x64: {  	_ =	shalt  }
0x65: {  	_ =	shalt  }
0x66: {  	_ =	shalt  }
0x67: {  	_ =	shalt  }
0x68: {  	_ =	shalt  }
0x69: {  	_ =	shalt  }
0x6a: {  	_ =	shalt  }
0x6b: {  	_ =	shalt  }
0x6c: {  	_ =	shalt  }
0x6d: {  	_ =	shalt  }
0x6e: {  	_ =	shalt  }
0x6f: {  	_ =	shalt  }
0x70: {  	_ =	shalt  }
0x71: {  	_ =	shalt  }
0x72: {  	_ =	shalt  }
0x73: {  	_ =	shalt  }
0x74: {  	_ =	shalt  }
0x75: {  	_ =	shalt  }
0x76: {  	_ =	shalt  }
0x77: {  	_ =	shalt  }
0x78: {  	_ =	shalt  }
0x79: {  	_ =	shalt  }
0x7a: {  	_ =	shalt  }
0x7b: {  	_ =	shalt  }
0x7c: {  	_ =	shalt  }
0x7d: {  	_ =	shalt  }
0x7e: {  	_ =	shalt  }
0x7f: {  	_ =	shalt  }
0x80: {  	_ =	shalt  }
0x81: {  	_ =	shalt  }
0x82: {  	_ =	shalt  }
0x83: {  	_ =	shalt  }
0x84: {  	_ =	shalt  }
0x85: {  	_ =	shalt  }
0x86: {  	_ =	shalt  }
0x87: {  	_ =	shalt  }
.Lfunc_end0:
.L_simem_size_0:
called_computation_lowered:
.L_overlay_start_0:
0x88: {  	s2 =	sld [smem:$0x3FD9]  }
0x89: {  	s3 =	sld [smem:$0x3FFE];
	_ =	sdelay $0x1  }
0x8a: {  	s1 =	srdreg.scid  }
0x8b: {  	s0 =	sand.u32 $0x1, s1  }
0x8c: {  	s17 =	sshll.u32 s0, $0xA;
	s2 =	sadd.s32 s3, s2  }
0x8d: {  	s2 =	sadd.s32 s2, s17  }
0x8e: {  	[smem:$0x3FC3] =	sst s2  }
0x8f: {  	_ = 	snop  }
0x90: {  	s2 =	sld [smem:$0x3FC7];
	(tm) =	ssettm $0x1  }
0x91: {  	s18 =	sld [smem:$0x3FFB];
	_ =	sdelay $0x3  }
0x92: {  	_ =	strace s18  }
0x93: {  	s3 =	sld [smem:$0x3FFC];
	_ =	sdelay $0x3  }
0x94: {  	_ =	strace s3  }
0x95: {  	s3 =	sld [smem:$0x3FFD];
	_ =	sdelay $0x3  }
0x96: {  	_ =	strace s3  }
0x97: {  	_ =	strace $0x8FFFFFFF  }
0x98: {  	s19 =	sld [smem:$0x3FDB];
	_ =	sdelay $0x1  }
0x99: {  	s4 =	simm.s32 $_scs_section_size  }
0x9a: {  	s5 =	simm.s32 $_size__tile_overlayer_lowered;
	s6 =	simm.s32 $_tile_overlayer_lowered  }
0x9b: {  	s22 =	simm.s32 $0x1BFF;
	s21 =	sshll.u32 s6, $0x1;
	s3 =	sadd.s32 s4, s19  }
0x9c: {  	s7 =	simm.s32 $0x0;
	s20 =	sshll.u32 s5, $0x1;
	s5 =	sadd.s32 s21, s3  }
0x9d: {  	[timem:s7], [sflag:s22] =	dma.local [hbm:s5], s20  }
0x9e: {  	_ =	swait.ge [sflag:s22], s20  }
0x9f: {  	s4 =	ssub.s32 $0x0, s20;
	[sflag:s22] =	ssyncset.done $0x0  }
0xa0: {  	[sflag:s22] =	ssyncadd.s32 s4;
	_ =	sdelay $0x1  }
0xa1: {  	s23 =	simm.s32 $0x1B8B  }
0xa2: {  	_ =	swait.ge [sflag:s23], $0x1  }
0xa3: {  	[sflag:s23] =	ssyncset.done $0x0  }
0xa4: {  	s25 =	simm.s32 $0x1B8E;
	s24 =	sld [smem:$0x3FFE];
	[sflag:s23] =	ssyncadd.s32 $0xFFFFFFFF  }
0xa5: {  	s26 =	simm.s32 $execute0_lowered;
	[smem:$0x3FD2] =	sst s25  }
0xa6: {  	s5 =	sshll.u32 s26, $0x1;
	_ =	strace $0x80000046;
	[dreg:$0x1] =	wrdreg $0xFFFFFFFF  }
0xa7: {  	s28 =	simm.s32 $_size_execute0_lowered;
	s3 =	sadd.s32 s3, s5;
	[dreg:$0x0] =	wrdreg $0x0  }
0xa8: {  	s5 =	sshll.u32 s28, $0x1;
	[dreg:$0x2] =	wrdreg s3  }
0xa9: {  	[dreg:$0x3] =	wrdreg s5  }
0xaa: {  	[dreg:$0x4] =	wrdreg $0xC0  }
0xab: {  	_ =	task [dreg:s7], $0x5FFFF  }
0xac: {  	[dreg:$0x1] =	wrdreg $0xFFFFFFFF  }
0xad: {  	[dreg:$0x0] =	wrdreg $0x60  }
0xae: {  	[dreg:$0x2] =	wrdreg s24  }
0xaf: {  	[dreg:$0x3] =	wrdreg s2  }
0xb0: {  	[dreg:$0x4] =	wrdreg $0xA4800  }
0xb1: {  	[dreg:$0x5] =	wrdreg $0x1E4800  }
0xb2: {  	[dreg:$0x6] =	wrdreg $0x1E7000  }
0xb3: {  	[dreg:$0x7] =	wrdreg $0x9  }
0xb4: {  	_ =	task.clear_ibuf [dreg:s7], $0x8FFFF;
	_ =	strace $0x90000046  }
0xb5: {  	s29 =	simm.s32 $0x9;
	_ =	strace $0x80000048  }
0xb6: {  	_ =	swait.ge [sflag:s29], $0x1  }
0xb7: {  	[sflag:s29] =	ssyncadd.s32 $0xFFFFFFFF  }
0xb8: {  	_ =	strace $0x90000048  }
0xb9: {  	_ =	sfence  }
0xba: {  	s30 =	sld [smem:$0x0];
	_ =	sdelay $0x2  }
0xbb: {  	s31 =	sshll.u32 s1, $0xD;
	s1 =	sshrl.u32 s1, $0x2  }
0xbc: {  	s3 =	sand.u32 $0x4000, s31;
	s1 =	sadd.s32 s1, s30  }
0xbd: {  	s0 =	sor.u32 s3, s0;
	s1 =	sshll.u32 s1, $0x11  }
0xbe: {  	s0 =	sor.u32 s1, s0  }
0xbf: {  	s0 =	sadd.s32 $0x8F2B, s0  }
0xc0: {  	[sflag:s0] =	ssyncadd.remote.s32 $0x1  }
0xc1: {  	_ =	sfence.sel $0xFFFF  }
0xc2: {  	[dreg:$0x0] =	wrdreg $0xFFFFFFFF;
	(pc) =	sbr.abs _section_cstart, $3  }
0xc3: {  	[dreg:$0x1] =	wrdreg $0xFFFFFFFF  }
0xc4: {  	_ =	task.clear_ibuf [dreg:s7], $0x2FFFF;
	_ =	strace $0x9FFFFFFF  }
0xc5: {  	(tm) =	ssettm $0x7FFFFFFF  }
tec
execute0_lowered:
.L_overlay_start_1:
0x0: {  	(tag) =	ssettag $0x1  }
0x1: {  	s0 =	rddreg [dreg:$0x0]  }
0x2: {  	s2 =	srdreg.scid;
	s17 =	stileid.u32  }
0x3: {  	s1 =	rddreg [dreg:$0x1];
	s10 =	smul.u32 $0x140, s17  }
0x4: {  	s4 =	rddreg [dreg:$0x3];
	s6 =	simm.s32 $0x0;
	s11 =	smul.u32 $0x280, s17  }
0x5: {  	s3 =	sand.u32 $0x1, s2;
	s2 =	rddreg [dreg:$0x2];
	s29 =	smul.u32 $0x50000, s17  }
0x6: {  	[smem:$0x7FF] =	sst s6;
	s19 =	smul.u32 $0x2800, s17  }
0x7: {  	s12 =	sadd.s32 $0x11A00, s0;
	s13 =	sadd.s32 $0x7A00, s0;
	s9 =	smul.u32 $0x1400, s3  }
0x8: {  	s5 =	sshll.u32 s3, $0x4;
	s28 =	smul.u32 $0x2800, s3;
	s15 =	ssub.s32 $0x2, s3  }
0x9: {  	s3 =	smul.u32 $0x28000, s3;
	s7 =	sor.u32 s17, s5;
	s5 =	rddreg [dreg:$0x4]  }
0xa: {  	_ =	strace $0x80000047;
	s16 =	sshrl.u32 s15, $0x1;
	s22 =	sshrl.u32 s29, $0x2  }
0xb: {  	s23 =	sadd.s32 $0x80, s11;
	s25 =	sadd.s32 $0x100, s11;
	s26 =	sadd.s32 $0x180, s11  }
0xc: {  	s8 =	smul.u32 $0x140, s7;
	s9 =	sadd.s32 s10, s9;
	s10 =	sadd.s32 s11, s28  }
0xd: {  	s7 =	smul.u32 $0x500, s7;
	s3 =	sadd.s32 s19, s3;
	s24 =	sshll.u32 s23, $0x7  }
0xe: {  	s28 =	sshll.u32 s25, $0x7;
	s29 =	sshll.u32 s26, $0x7;
	s19 =	sadd.s32 s23, s5  }
0xf: {  	s14 =	sshll.u32 s9, $0x4;
	s10 =	sshrl.u32 s10, $0x3;
	s3 =	sadd.s32 $0x800, s3  }
0x10: {  	[dreg:$0x14] =	wrdreg s19;
	s8 =	sadd.s32 s8, s0;
	s14 =	sadd.s32 s14, s0  }
0x11: {  	s0 =	sadd.s32 s10, s0;
	s10 =	ssub.s32 s15, s16;
	s16 =	sadd.s32 s12, s7  }
0x12: {  	s18 =	sor.u32 $0x80, s7;
	s7 =	sadd.s32 s13, s7;
	[dreg:$0x8] =	wrdreg s16  }
0x13: {  	s3 =	sshrl.u32 s3, $0x3;
	s30 =	sadd.s32 $0x2A00, s8;
	[dreg:$0x9] =	wrdreg s7  }
0x14: {  	s15 =	simm.s32 $0x7;
	s8 =	sadd.s32 $0x5200, s8;
	[dreg:$0x6] =	wrdreg s30  }
0x15: {  	s20 =	sadd.s32 s12, s18;
	s21 =	sadd.s32 s13, s18;
	[dreg:$0x7] =	wrdreg s8  }
0x16: {  	s7 =	sadd.s32 s22, s2;
	s13 =	sadd.s32 s3, s13;
	[dreg:$0xa] =	wrdreg s20  }
0x17: {  	s3 =	sadd.s32 s3, s12;
	s16 =	sadd.s32 s29, s2;
	[dreg:$0xb] =	wrdreg s21  }
0x18: {  	s18 =	sadd.s32 s23, s4;
	s22 =	sadd.s32 s25, s4;
	[dreg:$0xc] =	wrdreg s7  }
0x19: {  	s23 =	sadd.s32 s25, s5;
	s25 =	sadd.s32 s26, s5;
	[dreg:$0xe] =	wrdreg s13  }
0x1a: {  	s29 =	sshll.u32 s9, $0x7;
	s31 =	sadd.s32 $0x1BA00, s14;
	[dreg:$0xf] =	wrdreg s3  }
0x1b: {  	s9 =	simm.s32 $0x2400;
	s12 =	simm.s32 $0x80;
	[dreg:$0x11] =	wrdreg s16  }
0x1c: {  	s14 =	simm.s32 $0xA400;
	s7 =	sadd.s32 s24, s2;
	[dreg:$0x13] =	wrdreg s18  }
0x1d: {  	s30 =	sadd.s32 $0x200, s11;
	s3 =	sadd.s32 s28, s2;
	[dreg:$0x15] =	wrdreg s22  }
0x1e: {  	s20 =	sadd.s32 s11, s4;
	s21 =	sadd.s32 s11, s5;
	[dreg:$0x16] =	wrdreg s23  }
0x1f: {  	s24 =	sadd.s32 s26, s4;
	[dreg:$0x18] =	wrdreg s25;
	s11 =	simm.s32 $0x1  }
0x20: {  	s13 =	simm.s32 $0x6400;
	s16 =	simm.s32 $0x3;
	[dreg:$0xd] =	wrdreg s7  }
0x21: {  	s18 =	simm.s32 $0x0;
	[dreg:$0x10] =	wrdreg s3;
	s17 =	sshll.u32 s30, $0x7  }
.Ltmp0:
0x22: {  	[dreg:$0x17] =	wrdreg s24;
	s26 =	sadd.s32 s30, s4;
	(pc) =	sbr.rel .LBB2_1-.Ltmp0, $4  }
0x23: {  	s28 =	sadd.s32 s30, s5;
	s30 =	sadd.s32 s29, s2;
	s7 =	smax.u32 s10, $0x1  }
0x24: {  	s10 =	simm.s32 $0x6;
	s3 =	sadd.s32 s17, s2;
	[dreg:$0x19] =	wrdreg s26  }
0x25: {  	[dreg:$0x1a] =	wrdreg s28;
	s8 =	sshrl.u32 s30, $0x3;
	s17 =	simm.s32 $0x2  }
0x26: {  	v0 =	vimm.f32 $1.000000000e+00;
	v1 =	vimm.f32 $0.0e+00;
	[dreg:$0x12] =	wrdreg s3;
	s3 =	sadd.s32 $0x43A00, s0;
	s0 =	sadd.s32 $0x44400, s0  }
.LBB2_8:
0x27: {  	s19 =	stileid.u32  }
0x28: {  	s19 =	sshll.u32 s19, $0x6  }
0x29: {  	[bflag:$0x0] =	sbarrier.arrive $0xFFFF;
	s19 =	sor.u32 $0x1C07, s19  }
0x2a: {  	[hbm:s31], [sflag:s19] =	dma.local [spmem:s8], $0x1400  }
0x2b: {  	_ =	swait.ge [sflag:s15], $0x1400  }
0x2c: {  	[sflag:s15] =	ssyncset.done $0x0  }
0x2d: {  	s22 =	sshrl.u32 s20, $0x3;
	[sflag:s15] =	ssyncadd.s32 $0xFFFFEC00  }
0x2e: {  	[hbm:s3], [sflag:s19] =	dma.local [spmem:s22], $0x50  }
0x2f: {  	s18 =	sadd.s32 $0x1, s18;
	_ =	swait.ge [sflag:s15], $0x50  }
0x30: {  	p0 =	sne.s32 s18, s7;
	[sflag:s15] =	ssyncset.done $0x0  }
.Ltmp1:
0x31: {  	s30 =	sshrl.u32 s21, $0x3;
	[sflag:s15] =	ssyncadd.s32 $0xFFFFFFB0;
	(pc) =	sbr.rel @!p0 .LBB2_9-.Ltmp1, $4  }
0x32: {  	[hbm:s0], [sflag:s19] =	dma.local [spmem:s30], $0x50  }
0x33: {  	_ =	swait.ge [sflag:s15], $0x50  }
0x34: {  	[sflag:s15] =	ssyncset.done $0x0  }
0x35: {  	[sflag:s15] =	ssyncadd.s32 $0xFFFFFFB0  }
.LBB2_1:
0x36: {  	s19 =	rddreg [dreg:$0x6]  }
0x37: {  	[tilespmem:s6], [sflag:$0x6] =	stream.linear.gather [hbm4b:s19+s6], $0xA00, $0x38;
	[tilespmem:$0x1E980] =	vst v63  }
0x38: {  	s30 =	rddreg [dreg:$0x7];
	s22 =	simm.s32 $0xA00  }
0x39: {  	[tilespmem:s22], [sflag:$0x6] =	stream.linear.gather [hbm4b:s30+s6], $0xA00, $0x38;
	[tilespmem:$0x1E980] =	vst v63  }
0x3a: {  	s23 =	simm.s32 $0x1400;
	s22 =	rddreg [dreg:$0x8]  }
0x3b: {  	[tilespmem:s23], [sflag:$0x4] =	stream.linear.gather [hbm4b:s22+s6], $0x400, $0x38;
	[tilespmem:$0x1E980] =	vst v63  }
0x3c: {  	s24 =	rddreg [dreg:$0x9];
	s25 =	simm.s32 $0x1C00  }
0x3d: {  	[tilespmem:s25], [sflag:$0x4] =	stream.linear.gather [hbm4b:s24+s6], $0x400, $0x38;
	[tilespmem:$0x1E980] =	vst v63  }
0x3e: {  	s26 =	rddreg [dreg:$0xa];
	s28 =	simm.s32 $0x1800  }
0x3f: {  	[tilespmem:s28], [sflag:$0x5] =	stream.linear.gather [hbm4b:s26+s6], $0x400, $0x38;
	[tilespmem:$0x1E980] =	vst v63  }
0x40: {  	s29 =	rddreg [dreg:$0xb];
	s30 =	simm.s32 $0x2000  }
0x41: {  	[tilespmem:s30], [sflag:$0x5] =	stream.linear.gather [hbm4b:s29+s6], $0x400, $0x38;
	[tilespmem:$0x1E980] =	vst v63  }
0x42: {  	[tilespmem:$0xA400] =	vst v0  }
0x43: {  	[tilespmem:$0xA410] =	vst v0  }
0x44: {  	[tilespmem:$0xA420] =	vst v0  }
0x45: {  	[tilespmem:$0xA430] =	vst v0  }
0x46: {  	[tilespmem:$0xA440] =	vst v0  }
0x47: {  	[tilespmem:$0xA450] =	vst v0  }
0x48: {  	[tilespmem:$0xA460] =	vst v0  }
0x49: {  	s19 =	simm.s32 $0x0;
	s22 =	simm.s32 $0x200;
	[tilespmem:$0xA470] =	vst v0  }
.LBB2_2:
0x4a: {  	p0 =	sne.s32 s22, $0xFE00;
	[tilespmem:s19+$0x2470] =	vst v1  }
0x4b: {  	[tilespmem:s19+$0x2400] =	vst v1  }
0x4c: {  	[tilespmem:s19+$0x2410] =	vst v1  }
.Ltmp2:
0x4d: {  	[tilespmem:s19+$0x2420] =	vst v1;
	(pc) =	sbr.rel @p0 .LBB2_2-.Ltmp2, $4  }
0x4e: {  	[tilespmem:s19+$0x2430] =	vst v1  }
0x4f: {  	[tilespmem:s19+$0x2440] =	vst v1  }
0x50: {  	[tilespmem:s19+$0x2450] =	vst v1  }
0x51: {  	[tilespmem:s19+$0x2460] =	vst v1;
	s19 =	sshra.s32 s22, $0x2;
	s22 =	sadd.s32 $0x200, s22  }
0x52: {  	[tilespmem:s19+$0x2470] =	vst v1  }
0x53: {  	[tilespmem:s19+$0x2400] =	vst v1  }
0x54: {  	[tilespmem:s19+$0x2410] =	vst v1  }
0x55: {  	[tilespmem:s19+$0x2420] =	vst v1  }
0x56: {  	[tilespmem:s19+$0x2430] =	vst v1  }
0x57: {  	[tilespmem:s19+$0x2440] =	vst v1  }
0x58: {  	[tilespmem:s19+$0x2450] =	vst v1  }
0x59: {  	[tilespmem:s19+$0x2460] =	vst v1;
	s25 =	rddreg [dreg:$0xc]  }
0x5a: {  	[spmem:s25] =	stream.linear.scatter [tilespmem:s9], [sflag:$0x1], $0x4000, $0x38;
	[tilespmem:$0x1E980] =	vst v63  }
0x5b: {  	s26 =	rddreg [dreg:$0xd]  }
0x5c: {  	[spmem:s26] =	stream.linear.scatter [tilespmem:s9], [sflag:$0x1], $0x4000, $0x38;
	[tilespmem:$0x1E980] =	vst v63  }
0x5d: {  	s28 =	rddreg [dreg:$0x10]  }
0x5e: {  	[spmem:s28] =	stream.linear.scatter [tilespmem:s9], [sflag:$0x1], $0x4000, $0x38;
	[tilespmem:$0x1E980] =	vst v63  }
0x5f: {  	s29 =	rddreg [dreg:$0x11]  }
0x60: {  	[spmem:s29] =	stream.linear.scatter [tilespmem:s9], [sflag:$0x1], $0x4000, $0x38;
	[tilespmem:$0x1E980] =	vst v63  }
0x61: {  	s30 =	rddreg [dreg:$0x12]  }
0x62: {  	[spmem:s30] =	stream.linear.scatter [tilespmem:s9], [sflag:$0x1], $0x4000, $0x38;
	[tilespmem:$0x1E980] =	vst v63  }
0x63: {  	_ = 	snop  }
0x64: {  	[spmem:s20] =	stream.linear.scatter [tilespmem:s9], [sflag:$0x1], $0x80, $0x38;
	[tilespmem:$0x1E980] =	vst v63  }
0x65: {  	s22 =	rddreg [dreg:$0x13]  }
0x66: {  	[spmem:s22] =	stream.linear.scatter [tilespmem:s9], [sflag:$0x1], $0x80, $0x38;
	[tilespmem:$0x1E980] =	vst v63  }
0x67: {  	s23 =	rddreg [dreg:$0x15]  }
0x68: {  	[spmem:s23] =	stream.linear.scatter [tilespmem:s9], [sflag:$0x1], $0x80, $0x38;
	[tilespmem:$0x1E980] =	vst v63  }
0x69: {  	s24 =	rddreg [dreg:$0x17]  }
0x6a: {  	[spmem:s24] =	stream.linear.scatter [tilespmem:s9], [sflag:$0x1], $0x80, $0x38;
	[tilespmem:$0x1E980] =	vst v63  }
0x6b: {  	s25 =	rddreg [dreg:$0x19]  }
0x6c: {  	[spmem:s25] =	stream.linear.scatter [tilespmem:s9], [sflag:$0x1], $0x80, $0x38;
	[tilespmem:$0x1E980] =	vst v63  }
0x6d: {  	_ = 	snop  }
0x6e: {  	[spmem:s21] =	stream.linear.scatter [tilespmem:s9], [sflag:$0x1], $0x80, $0x38;
	[tilespmem:$0x1E980] =	vst v63  }
0x6f: {  	s26 =	rddreg [dreg:$0x14]  }
0x70: {  	[spmem:s26] =	stream.linear.scatter [tilespmem:s9], [sflag:$0x1], $0x80, $0x38;
	[tilespmem:$0x1E980] =	vst v63  }
0x71: {  	s28 =	rddreg [dreg:$0x16]  }
0x72: {  	[spmem:s28] =	stream.linear.scatter [tilespmem:s9], [sflag:$0x1], $0x80, $0x38;
	[tilespmem:$0x1E980] =	vst v63  }
0x73: {  	s29 =	rddreg [dreg:$0x18]  }
0x74: {  	[spmem:s29] =	stream.linear.scatter [tilespmem:s9], [sflag:$0x1], $0x80, $0x38;
	[tilespmem:$0x1E980] =	vst v63  }
0x75: {  	s30 =	rddreg [dreg:$0x1a]  }
0x76: {  	[spmem:s30] =	stream.linear.scatter [tilespmem:s9], [sflag:$0x1], $0x80, $0x38;
	[tilespmem:$0x1E980] =	vst v63  }
0x77: {  	_ =	swait.ge [sflag:s10], $0xA00  }
0x78: {  	[sflag:s10] =	ssyncset.done $0x0  }
0x79: {  	[sflag:s10] =	ssyncadd.s32 $0xFFFFF600  }
0x7a: {  	_ =	swait.ge [sflag:s10], $0xA00  }
0x7b: {  	[sflag:s10] =	ssyncset.done $0x0  }
0x7c: {  	[sflag:s10] =	ssyncadd.s32 $0xFFFFF600  }
0x7d: {  	_ =	swait.ge [sflag:s11], $0x4000  }
0x7e: {  	[sflag:s11] =	ssyncset.done $0x0  }
0x7f: {  	[sflag:s11] =	ssyncadd.s32 $0xFFFFC000  }
0x80: {  	_ =	swait.ge [sflag:s11], $0x4000  }
0x81: {  	[sflag:s11] =	ssyncset.done $0x0  }
0x82: {  	[sflag:s11] =	ssyncadd.s32 $0xFFFFC000  }
0x83: {  	_ =	swait.ge [sflag:s11], $0x4000  }
0x84: {  	[sflag:s11] =	ssyncset.done $0x0  }
0x85: {  	[sflag:s11] =	ssyncadd.s32 $0xFFFFC000  }
0x86: {  	_ =	swait.ge [sflag:s11], $0x4000  }
0x87: {  	[sflag:s11] =	ssyncset.done $0x0  }
0x88: {  	[sflag:s11] =	ssyncadd.s32 $0xFFFFC000  }
0x89: {  	_ =	swait.ge [sflag:s11], $0x4000  }
0x8a: {  	[sflag:s11] =	ssyncset.done $0x0  }
0x8b: {  	[sflag:s11] =	ssyncadd.s32 $0xFFFFC000  }
0x8c: {  	_ =	swait.ge [sflag:s11], $0x80  }
0x8d: {  	[sflag:s11] =	ssyncset.done $0x0  }
0x8e: {  	[sflag:s11] =	ssyncadd.s32 $0xFFFFFF80  }
0x8f: {  	_ =	swait.ge [sflag:s11], $0x80  }
0x90: {  	[sflag:s11] =	ssyncset.done $0x0  }
0x91: {  	[sflag:s11] =	ssyncadd.s32 $0xFFFFFF80  }
0x92: {  	_ =	swait.ge [sflag:s11], $0x80  }
0x93: {  	[sflag:s11] =	ssyncset.done $0x0  }
0x94: {  	[sflag:s11] =	ssyncadd.s32 $0xFFFFFF80  }
0x95: {  	_ =	swait.ge [sflag:s11], $0x80  }
0x96: {  	[sflag:s11] =	ssyncset.done $0x0  }
0x97: {  	[sflag:s11] =	ssyncadd.s32 $0xFFFFFF80  }
0x98: {  	_ =	swait.ge [sflag:s11], $0x80  }
0x99: {  	[sflag:s11] =	ssyncset.done $0x0  }
0x9a: {  	[sflag:s11] =	ssyncadd.s32 $0xFFFFFF80  }
0x9b: {  	_ =	swait.ge [sflag:s11], $0x80  }
0x9c: {  	[sflag:s11] =	ssyncset.done $0x0  }
0x9d: {  	[sflag:s11] =	ssyncadd.s32 $0xFFFFFF80  }
0x9e: {  	_ =	swait.ge [sflag:s11], $0x80  }
0x9f: {  	[sflag:s11] =	ssyncset.done $0x0  }
0xa0: {  	[sflag:s11] =	ssyncadd.s32 $0xFFFFFF80  }
0xa1: {  	_ =	swait.ge [sflag:s11], $0x80  }
0xa2: {  	[sflag:s11] =	ssyncset.done $0x0  }
0xa3: {  	[sflag:s11] =	ssyncadd.s32 $0xFFFFFF80  }
0xa4: {  	_ =	swait.ge [sflag:s11], $0x80  }
0xa5: {  	[sflag:s11] =	ssyncset.done $0x0  }
0xa6: {  	[sflag:s11] =	ssyncadd.s32 $0xFFFFFF80  }
0xa7: {  	_ =	swait.ge [sflag:s11], $0x80  }
0xa8: {  	[sflag:s11] =	ssyncset.done $0x0  }
.Ltmp3:
0xa9: {  	[sflag:s11] =	ssyncadd.s32 $0xFFFFFF80;
	(pc) =	sbr.rel .LBB2_4-.Ltmp3, $4  }
0xaa: {  	s19 =	simm.s32 $0x0;
	[bflag:$0x0] =	sbarrier.arrive $0xFFFF  }
0xab: {  	[tilespmem:s9], [sflag:$0x1] =	stream.indirect.gather [hbm4b:s1+s12], $0x80, s19, s12, $0xb8;
	[tilespmem:$0x1E980] =	vst v63  }
0xac: {  	s22 =	rddreg [dreg:$0xf]  }
0xad: {  	s24 =	simm.s32 $0x0;
	s23 =	rddreg [dreg:$0xe]  }
.LBB2_6:
0xae: {  	_ =	swait.ge [sflag:s16], $0x80  }
0xaf: {  	[sflag:s16] =	ssyncset.done $0x0  }
0xb0: {  	[sflag:s16] =	ssyncadd.s32 $0xFFFFFF80  }
0xb1: {  	_ =	swait.ge [sflag:s16], $0x80  }
0xb2: {  	[sflag:s16] =	ssyncset.done $0x0  }
0xb3: {  	[sflag:s16] =	ssyncadd.s32 $0xFFFFFF80  }
0xb4: {  	_ =	swait.ge [sflag:s16], $0x80  }
0xb5: {  	[sflag:s16] =	ssyncset.done $0x0  }
0xb6: {  	[sflag:s16] =	ssyncadd.s32 $0xFFFFFF80  }
0xb7: {  	_ =	swait.ge [sflag:s16], $0x80  }
0xb8: {  	[sflag:s16] =	ssyncset.done $0x0  }
0xb9: {  	[sflag:s16] =	ssyncadd.s32 $0xFFFFFF80  }
0xba: {  	_ =	swait.ge [sflag:s16], $0x80  }
0xbb: {  	[sflag:s16] =	ssyncset.done $0x0  }
0xbc: {  	[sflag:s16] =	ssyncadd.s32 $0xFFFFFF80  }
0xbd: {  	_ =	swait.ge [sflag:s16], $0x80  }
0xbe: {  	[sflag:s16] =	ssyncset.done $0x0  }
0xbf: {  	[sflag:s16] =	ssyncadd.s32 $0xFFFFFF80  }
0xc0: {  	_ =	swait.ge [sflag:s16], $0x80  }
0xc1: {  	[sflag:s16] =	ssyncset.done $0x0  }
0xc2: {  	[sflag:s16] =	ssyncadd.s32 $0xFFFFFF80  }
0xc3: {  	_ =	swait.ge [sflag:s16], $0x80  }
0xc4: {  	[sflag:s16] =	ssyncset.done $0x0  }
0xc5: {  	[sflag:s16] =	ssyncadd.s32 $0xFFFFFF80  }
0xc6: {  	_ =	swait.ge [sflag:s16], $0x80  }
0xc7: {  	[sflag:s16] =	ssyncset.done $0x0  }
0xc8: {  	[sflag:s16] =	ssyncadd.s32 $0xFFFFFF80  }
0xc9: {  	_ =	swait.ge [sflag:s16], $0x80  }
0xca: {  	[sflag:s16] =	ssyncset.done $0x0  }
0xcb: {  	[sflag:s16] =	ssyncadd.s32 $0xFFFFFF80  }
0xcc: {  	_ =	swait.ge [sflag:s16], $0x80  }
0xcd: {  	[sflag:s16] =	ssyncset.done $0x0  }
0xce: {  	[sflag:s16] =	ssyncadd.s32 $0xFFFFFF80  }
0xcf: {  	_ =	swait.ge [sflag:s16], $0x80  }
0xd0: {  	[sflag:s16] =	ssyncset.done $0x0  }
0xd1: {  	[sflag:s16] =	ssyncadd.s32 $0xFFFFFF80  }
0xd2: {  	_ =	swait.ge [sflag:s16], $0x80  }
0xd3: {  	[sflag:s16] =	ssyncset.done $0x0  }
0xd4: {  	[sflag:s16] =	ssyncadd.s32 $0xFFFFFF80  }
0xd5: {  	_ =	swait.ge [sflag:s16], $0x80  }
0xd6: {  	[sflag:s16] =	ssyncset.done $0x0  }
0xd7: {  	[sflag:s16] =	ssyncadd.s32 $0xFFFFFF80  }
0xd8: {  	_ =	swait.ge [sflag:s16], $0x80  }
0xd9: {  	[sflag:s16] =	ssyncset.done $0x0  }
0xda: {  	[sflag:s16] =	ssyncadd.s32 $0xFFFFFF80  }
0xdb: {  	_ =	swait.ge [sflag:s16], $0x80  }
0xdc: {  	p0 =	sgt.u32 s24, $0x7;
	[sflag:s16] =	ssyncset.done $0x0  }
0xdd: {  	s26 =	simm.s32 @!p0 $0x0;
	s28 =	simm.s32 @!p0 $0x1800;
	[sflag:s16] =	ssyncadd.s32 $0xFFFFFF80  }
0xde: {  	[tilespmem:s28], [sflag:$0x5] =	stream.linear.gather @!p0 [hbm4b:s22+s26], $0x400, $0x38;
	[tilespmem:$0x1E980] =	vst v63  }
0xdf: {  	s28 =	simm.s32 @!p0 $0x2000  }
0xe0: {  	[tilespmem:s28], [sflag:$0x5] =	stream.linear.gather @!p0 [hbm4b:s23+s26], $0x400, $0x38;
	[tilespmem:$0x1E980] =	vst v63  }
.LBB2_7:
0xe1: {  	_ =	swait.ge [sflag:s17], $0x4000;
	s19 =	sadd.s32 $0x400, s19  }
0xe2: {  	[sflag:s17] =	ssyncset.done $0x0;
	p0 =	sne.s32 s19, $0x2800  }
.Ltmp4:
0xe3: {  	s25 =	sadd.s32 $0xA80, s25;
	[sflag:s17] =	ssyncadd.s32 $0xFFFFC000;
	(pc) =	sbr.rel @!p0 .LBB2_8-.Ltmp4, $4  }
0xe4: {  	[spmem:s2] =	stream.indirect.scatter.add.f32 [tilespmem:s13], [sflag:$0x7], $0x80, s25, s12, $0xb8;
	[tilespmem:$0x1E980] =	vst v63  }
0xe5: {  	_ =	swait.ge [sflag:s15], $0x4000  }
0xe6: {  	s24 =	sadd.s32 $0x1, s24;
	[sflag:s15] =	ssyncset.done $0x0  }
0xe7: {  	s23 =	sadd.s32 $0x80, s23;
	s22 =	sadd.s32 $0x80, s22;
	[sflag:s15] =	ssyncadd.s32 $0xFFFFC000  }
.LBB2_4:
0xe8: {  	s25 =	sshra.s32 s19, $0x2  }
0xe9: {  	s26 =	sadd.s32 $0x80, s25  }
0xea: {  	[tilespmem:s13], [sflag:$0x2] =	stream.indirect.gather [hbm4b:s1+s12], $0x80, s26, s12, $0xb8;
	[tilespmem:$0x1E980] =	vst v63  }
0xeb: {  	s26 =	sand.u32 $0x1, s24  }
0xec: {  	s28 =	simm.s32 $0x4;
	p0 =	seq.s32 s26, $0x0  }
0xed: {  	s28 =	simm.s32 @!p0 $0x5  }
0xee: {  	_ =	swait.ge [sflag:s28], $0x400  }
0xef: {  	[sflag:s28] =	ssyncset.done $0x0  }
0xf0: {  	[sflag:s28] =	ssyncadd.s32 $0xFFFFFC00  }
0xf1: {  	_ =	swait.ge [sflag:s28], $0x400  }
0xf2: {  	s29 =	simm.s32 $0x1400;
	[sflag:s28] =	ssyncset.done $0x0  }
0xf3: {  	s30 =	simm.s32 $0x1C00;
	s29 =	simm.s32 @!p0 $0x1800;
	[sflag:s28] =	ssyncadd.s32 $0xFFFFFC00  }
0xf4: {  	[spmem:s4] =	stream.indirect.scatter.add.f32 [tilespmem:s14], [sflag:$0x3], $0x1, s29, s12, $0xb8;
	[tilespmem:$0x1E980] =	vst v63  }
0xf5: {  	s30 =	simm.s32 @!p0 $0x2000  }
0xf6: {  	[spmem:s5] =	stream.indirect.scatter.add.f32 [tilespmem:s14], [sflag:$0x3], $0x1, s30, s12, $0xb8;
	[tilespmem:$0x1E980] =	vst v63  }
0xf7: {  	s28 =	sor.u32 $0x80, s29  }
0xf8: {  	[spmem:s4] =	stream.indirect.scatter.add.f32 [tilespmem:s14], [sflag:$0x3], $0x1, s28, s12, $0xb8;
	[tilespmem:$0x1E980] =	vst v63  }
0xf9: {  	s28 =	sor.u32 $0x80, s30  }
0xfa: {  	[spmem:s5] =	stream.indirect.scatter.add.f32 [tilespmem:s14], [sflag:$0x3], $0x1, s28, s12, $0xb8;
	[tilespmem:$0x1E980] =	vst v63  }
0xfb: {  	s28 =	sor.u32 $0x100, s29  }
0xfc: {  	[spmem:s4] =	stream.indirect.scatter.add.f32 [tilespmem:s14], [sflag:$0x3], $0x1, s28, s12, $0xb8;
	[tilespmem:$0x1E980] =	vst v63  }
0xfd: {  	s28 =	sor.u32 $0x100, s30  }
0xfe: {  	[spmem:s5] =	stream.indirect.scatter.add.f32 [tilespmem:s14], [sflag:$0x3], $0x1, s28, s12, $0xb8;
	[tilespmem:$0x1E980] =	vst v63  }
0xff: {  	s28 =	sor.u32 $0x180, s29  }
0x100: {  	[spmem:s4] =	stream.indirect.scatter.add.f32 [tilespmem:s14], [sflag:$0x3], $0x1, s28, s12, $0xb8;
	[tilespmem:$0x1E980] =	vst v63  }
0x101: {  	s28 =	sor.u32 $0x180, s30  }
0x102: {  	[spmem:s5] =	stream.indirect.scatter.add.f32 [tilespmem:s14], [sflag:$0x3], $0x1, s28, s12, $0xb8;
	[tilespmem:$0x1E980] =	vst v63  }
0x103: {  	s28 =	sor.u32 $0x200, s29  }
0x104: {  	[spmem:s4] =	stream.indirect.scatter.add.f32 [tilespmem:s14], [sflag:$0x3], $0x1, s28, s12, $0xb8;
	[tilespmem:$0x1E980] =	vst v63  }
0x105: {  	s28 =	sor.u32 $0x200, s30  }
0x106: {  	[spmem:s5] =	stream.indirect.scatter.add.f32 [tilespmem:s14], [sflag:$0x3], $0x1, s28, s12, $0xb8;
	[tilespmem:$0x1E980] =	vst v63  }
0x107: {  	s28 =	sor.u32 $0x280, s29  }
0x108: {  	[spmem:s4] =	stream.indirect.scatter.add.f32 [tilespmem:s14], [sflag:$0x3], $0x1, s28, s12, $0xb8;
	[tilespmem:$0x1E980] =	vst v63  }
0x109: {  	s28 =	sor.u32 $0x280, s30  }
0x10a: {  	[spmem:s5] =	stream.indirect.scatter.add.f32 [tilespmem:s14], [sflag:$0x3], $0x1, s28, s12, $0xb8;
	[tilespmem:$0x1E980] =	vst v63  }
0x10b: {  	s28 =	sor.u32 $0x300, s29  }
0x10c: {  	[spmem:s4] =	stream.indirect.scatter.add.f32 [tilespmem:s14], [sflag:$0x3], $0x1, s28, s12, $0xb8;
	[tilespmem:$0x1E980] =	vst v63  }
0x10d: {  	s28 =	sor.u32 $0x300, s30  }
0x10e: {  	[spmem:s5] =	stream.indirect.scatter.add.f32 [tilespmem:s14], [sflag:$0x3], $0x1, s28, s12, $0xb8;
	[tilespmem:$0x1E980] =	vst v63  }
0x10f: {  	s29 =	sor.u32 $0x380, s29  }
0x110: {  	[spmem:s4] =	stream.indirect.scatter.add.f32 [tilespmem:s14], [sflag:$0x3], $0x1, s29, s12, $0xb8;
	[tilespmem:$0x1E980] =	vst v63  }
0x111: {  	s29 =	sor.u32 $0x380, s30  }
0x112: {  	[spmem:s5] =	stream.indirect.scatter.add.f32 [tilespmem:s14], [sflag:$0x3], $0x1, s29, s12, $0xb8;
	[tilespmem:$0x1E980] =	vst v63  }
0x113: {  	_ =	swait.ge [sflag:s11], $0x4000  }
0x114: {  	[sflag:s11] =	ssyncset.done $0x0  }
0x115: {  	p0 =	seq.s32 s19, $0x2400;
	s30 =	sadd.s32 $0xA00, s25;
	[sflag:s11] =	ssyncadd.s32 $0xFFFFC000  }
0x116: {  	[spmem:s2] =	stream.indirect.scatter.add.f32 [tilespmem:s9], [sflag:$0x7], $0x80, s30, s12, $0xb8;
	[tilespmem:$0x1E980] =	vst v63  }
0x117: {  	s28 =	sshra.s32 @!p0 s19, $0x2;
	_ =	swait.ge [sflag:s15], $0x4000  }
0x118: {  	p1 =	sne.s32 @!p0 s26, $0x0;
	s28 =	sadd.s32 @!p0 $0x100, s28;
	[sflag:s15] =	ssyncset.done $0x0  }
0x119: {  	s29 =	simm.s32 @!p0 $0x80;
	s30 =	simm.s32 @!p0 $0x2400;
	[sflag:s15] =	ssyncadd.s32 $0xFFFFC000  }
0x11a: {  	[tilespmem:s30], [sflag:$0x1] =	stream.indirect.gather @!p0 [hbm4b:s1+s29], $0x80, s28, s29, $0xb8;
	[tilespmem:$0x1E980] =	vst v63  }
0x11b: {  	p0 =	por p0, p1  }
.Ltmp5:
0x11c: {  	_ = 	snop;
	(pc) =	sbr.rel @p0 .LBB2_6-.Ltmp5, $1  }
0x11d: {  	_ =	sdelay $0x3  }
0x11e: {  	_ =	swait.ge [sflag:s16], $0x80  }
0x11f: {  	[sflag:s16] =	ssyncset.done $0x0  }
0x120: {  	[sflag:s16] =	ssyncadd.s32 $0xFFFFFF80  }
0x121: {  	_ =	swait.ge [sflag:s16], $0x80  }
0x122: {  	[sflag:s16] =	ssyncset.done $0x0  }
0x123: {  	[sflag:s16] =	ssyncadd.s32 $0xFFFFFF80  }
0x124: {  	_ =	swait.ge [sflag:s16], $0x80  }
0x125: {  	[sflag:s16] =	ssyncset.done $0x0  }
0x126: {  	[sflag:s16] =	ssyncadd.s32 $0xFFFFFF80  }
0x127: {  	_ =	swait.ge [sflag:s16], $0x80  }
0x128: {  	[sflag:s16] =	ssyncset.done $0x0  }
0x129: {  	[sflag:s16] =	ssyncadd.s32 $0xFFFFFF80  }
0x12a: {  	_ =	swait.ge [sflag:s16], $0x80  }
0x12b: {  	[sflag:s16] =	ssyncset.done $0x0  }
0x12c: {  	[sflag:s16] =	ssyncadd.s32 $0xFFFFFF80  }
0x12d: {  	_ =	swait.ge [sflag:s16], $0x80  }
0x12e: {  	[sflag:s16] =	ssyncset.done $0x0  }
0x12f: {  	[sflag:s16] =	ssyncadd.s32 $0xFFFFFF80  }
0x130: {  	_ =	swait.ge [sflag:s16], $0x80  }
0x131: {  	[sflag:s16] =	ssyncset.done $0x0  }
0x132: {  	[sflag:s16] =	ssyncadd.s32 $0xFFFFFF80  }
0x133: {  	_ =	swait.ge [sflag:s16], $0x80  }
0x134: {  	[sflag:s16] =	ssyncset.done $0x0  }
0x135: {  	[sflag:s16] =	ssyncadd.s32 $0xFFFFFF80  }
0x136: {  	_ =	swait.ge [sflag:s16], $0x80  }
0x137: {  	[sflag:s16] =	ssyncset.done $0x0  }
0x138: {  	[sflag:s16] =	ssyncadd.s32 $0xFFFFFF80  }
0x139: {  	_ =	swait.ge [sflag:s16], $0x80  }
0x13a: {  	[sflag:s16] =	ssyncset.done $0x0  }
0x13b: {  	[sflag:s16] =	ssyncadd.s32 $0xFFFFFF80  }
0x13c: {  	_ =	swait.ge [sflag:s16], $0x80  }
0x13d: {  	[sflag:s16] =	ssyncset.done $0x0  }
0x13e: {  	[sflag:s16] =	ssyncadd.s32 $0xFFFFFF80  }
0x13f: {  	_ =	swait.ge [sflag:s16], $0x80  }
0x140: {  	[sflag:s16] =	ssyncset.done $0x0  }
0x141: {  	[sflag:s16] =	ssyncadd.s32 $0xFFFFFF80  }
0x142: {  	_ =	swait.ge [sflag:s16], $0x80  }
0x143: {  	[sflag:s16] =	ssyncset.done $0x0  }
0x144: {  	[sflag:s16] =	ssyncadd.s32 $0xFFFFFF80  }
0x145: {  	_ =	swait.ge [sflag:s16], $0x80  }
0x146: {  	[sflag:s16] =	ssyncset.done $0x0  }
0x147: {  	[sflag:s16] =	ssyncadd.s32 $0xFFFFFF80  }
0x148: {  	_ =	swait.ge [sflag:s16], $0x80  }
0x149: {  	[sflag:s16] =	ssyncset.done $0x0  }
0x14a: {  	[sflag:s16] =	ssyncadd.s32 $0xFFFFFF80  }
0x14b: {  	_ =	swait.ge [sflag:s16], $0x80  }
.Ltmp6:
0x14c: {  	p0 =	sgt.u32 s24, $0x7;
	[sflag:s16] =	ssyncset.done $0x0;
	(pc) =	sbr.rel .LBB2_7-.Ltmp6, $4  }
0x14d: {  	s26 =	simm.s32 @!p0 $0x0;
	s28 =	simm.s32 @!p0 $0x1400;
	[sflag:s16] =	ssyncadd.s32 $0xFFFFFF80  }
0x14e: {  	[tilespmem:s28], [sflag:$0x4] =	stream.linear.gather @!p0 [hbm4b:s22+s26], $0x400, $0x38;
	[tilespmem:$0x1E980] =	vst v63  }
0x14f: {  	s28 =	simm.s32 @!p0 $0x1C00  }
0x150: {  	[tilespmem:s28], [sflag:$0x4] =	stream.linear.gather @!p0 [hbm4b:s23+s26], $0x400, $0x38;
	[tilespmem:$0x1E980] =	vst v63  }
.LBB2_9:
0x151: {  	_ =	sfence.sel $0x180000  }
0x152: {  	[bflag:$0x0] =	sbarrier.arrive $0xFFFF  }
0x153: {  	_ =	strace $0x90000047  }
0x154: {  	s0 =	stileid.u32;
	[bflag:$0x2] =	sbarrier.arrive $0xFFFF  }
0x155: {  	p0 =	sne.s32 s0, $0x0;
	s0 =	rddreg [dreg:$0x5]  }
0x156: {  	s0 =	sadd.s32 @!p0 $0x100000, s0  }
0x157: {  	[sflag:s0] =	ssyncadd.tile.s32 @!p0 $0x1;
	_ =	shalt  }
.Lfunc_end2:
_tile_overlayer_lowered:
.L_overlay_start_2:
0x158: {  	(tag) =	ssettag $0x2  }
0x159: {  	s0 =	rddreg [dreg:$0x0];
	s2 =	stileid.u32  }
0x15a: {  	s1 =	rddreg [dreg:$0x1];
	p0 =	sne.s32 s2, $0x0  }
0x15b: {  	s3 =	rddreg [dreg:$0x2];
	[bflag:$0x3] =	sbarrier.arrive $0xFFFF;
	s2 =	simm.s32 @!p0 $0x1C07  }
0x15c: {  	[timem:s3], [sflag:s2] =	dma.local @!p0 [hbm:s0], s1  }
0x15d: {  	s0 =	simm.s32 @!p0 $0x7  }
0x15e: {  	_ =	swait.ge @!p0 [sflag:s0], s1  }
0x15f: {  	s1 =	ssub.s32 @!p0 $0x0, s1;
	[sflag:s0] =	ssyncset.done @!p0 $0x0  }
0x160: {  	[sflag:s0] =	ssyncadd.s32 @!p0 s1  }
0x161: {  	[bflag:$0x3] =	sbarrier.arrive $0xFFFF  }
0x162: {  	_ =	shalt  }

</sc_bundles>
